<compile_context>
chip_gen: v7x
topology: tpu7x:2x2x1
jax: 0.10.2.dev20260603
libtpu: 0.0.44.dev20260713+nightly
codegen_flags: <defaults>
</compile_context>

<pallas_src>
import functools

import jax
import jax.numpy as jnp
from jax import lax
from jax.experimental import pallas as pl
from jax.experimental.pallas import tpu as pltpu
from jax.experimental.pallas import tpu_sc as plsc

N = 10000
E = 320000
D = 128

NC = 2
NS = 16
NW = NC * NS
EH1 = 163840
EH2 = E - EH1
CH = 80
SCH = 160
ACC_ROWS = 10240
ROWS_PER_TILE = ACC_ROWS // NS

BN_BLK = 400
BE_BLK = 1280

_f32 = jnp.float32
_bf16 = jnp.bfloat16


def _dotT(x, w):
    return lax.dot_general(x, w, (((1,), (1,)), ((), ())),
                           preferred_element_type=_f32)


_HI_MASK = -65536


def _pack2(lo_f32, hi_f32):
    lb = lax.bitcast_convert_type(lo_f32, jnp.int32) + 0x8000
    hb = lax.bitcast_convert_type(hi_f32, jnp.int32) + 0x8000
    return (hb & _HI_MASK) | ((lb >> 16) & 0xffff)


def _unpack_lo(w):
    return lax.bitcast_convert_type(w << 16, _f32)


def _unpack_hi(w):
    return lax.bitcast_convert_type(w & _HI_MASK, _f32)



def _tables_body(x_ref, wsg_ref, wdu_ref, wdg_ref, wsu_ref, p_ref,
                 gau_ref, adg_ref, asu_ref):
    x = x_ref[...]
    asg = _dotT(x, wsg_ref[...])
    adu = _dotT(x, wdu_ref[...]) + p_ref[0][None, :]
    gau_ref[...] = _pack2(asg, adu)
    adg_ref[...] = _dotT(x, wdg_ref[...])
    asu_ref[...] = _dotT(x, wsu_ref[...])


def _edge_pre_body(ea_ref, ga_ref, gb_ref, weg_ref, pre_ref, st_ref):
    i = pl.program_id(0)
    ga = _unpack_lo(ga_ref[...])
    pre = _dotT(ea_ref[...], weg_ref[...]) + ga + gb_ref[...]
    pre_ref[...] = pre
    s1 = jnp.sum(pre, axis=0)
    s2 = jnp.sum(pre * pre, axis=0)
    blk = jnp.concatenate([s1[None], s2[None], jnp.zeros((6, D), _f32)], 0)

    @pl.when(i == 0)
    def _():
        st_ref[...] = blk

    @pl.when(i > 0)
    def _():
        st_ref[...] += blk


def _edge_fin_body(pre_ref, ea_ref, au_ref, sta_ref, stb_ref, p_ref,
                   nea_ref, sig_ref, msg_ref):
    st = sta_ref[...] + stb_ref[...]
    mean = st[0] / E
    var = st[1] / E - mean * mean
    inv = lax.rsqrt(var + 1e-5)
    xh = (pre_ref[...] - mean[None, :]) * inv[None, :] * p_ref[0][None, :] \
        + p_ref[1][None, :]
    nea = ea_ref[...] + xh * jax.nn.sigmoid(xh)
    sig = jax.nn.sigmoid(nea)
    nea_ref[...] = nea
    sig_ref[...] = sig
    msg_ref[...] = sig * _unpack_hi(au_ref[...])


def _edge_fin_body_b(pre_ref, ea_ref, au_ref, sta_ref, stb_ref, p_ref,
                     nea_in_ref, nea_ref, sig_ref, msg_ref):
    del nea_in_ref
    _edge_fin_body(pre_ref, ea_ref, au_ref, sta_ref, stb_ref, p_ref,
                   nea_ref, sig_ref, msg_ref)


def _node_pre_body(asu_ref, na_ref, nb_ref, ea_ref, eb_ref, pre_ref, st_ref):
    i = pl.program_id(0)
    pre = asu_ref[...] + (na_ref[...] + nb_ref[...]) \
        / (ea_ref[...] + eb_ref[...] + 1e-6)
    pre_ref[...] = pre
    s1 = jnp.sum(pre, axis=0)
    s2 = jnp.sum(pre * pre, axis=0)
    blk = jnp.concatenate([s1[None], s2[None], jnp.zeros((6, D), _f32)], 0)

    @pl.when(i == 0)
    def _():
        st_ref[...] = blk

    @pl.when(i > 0)
    def _():
        st_ref[...] += blk


def _node_fin_body(x_ref, pre_ref, st_ref, p_ref, out_ref):
    st = st_ref[...]
    mean = st[0] / N
    var = st[1] / N - mean * mean
    inv = lax.rsqrt(var + 1e-5)
    xh = (pre_ref[...] - mean[None, :]) * inv[None, :] * p_ref[0][None, :] \
        + p_ref[1][None, :]
    out_ref[...] = x_ref[...] + xh * jax.nn.sigmoid(xh)



def _sc_mesh():
    return plsc.VectorSubcoreMesh(core_axis_name="c", subcore_axis_name="s",
                                  num_cores=NC, num_subcores=NS)


@functools.cache
def _build_sc_gather(ebase, ecount):
    return functools.partial(
        pl.kernel,
        out_type=(jax.ShapeDtypeStruct((ecount, D), jnp.int32),
                  jax.ShapeDtypeStruct((ecount, D), _f32)),
        mesh=_sc_mesh(),
        scratch_types=[
            pltpu.VMEM((2, CH), jnp.int32),
            pltpu.VMEM((2, CH), jnp.int32),
            pltpu.VMEM((2, CH, D), jnp.int32),
            pltpu.VMEM((2, CH, D), _f32),
            pltpu.SemaphoreType.DMA,
            pltpu.SemaphoreType.DMA,
            pltpu.SemaphoreType.DMA,
            pltpu.SemaphoreType.DMA,
        ],
    )(functools.partial(_sc_gather_body, ebase, ecount))


def _sc_gather(ebase, ecount, gtab, adg, row, col):
    return _build_sc_gather(ebase, ecount)(gtab, adg, row, col)


def _sc_gather_body(ebase, ecount, gtab_hbm, adg_hbm, row_hbm, col_hbm,
                    gau_hbm, gb_hbm, idr, idc, abuf, bbuf, *sems):
    wid = lax.axis_index("s") * NC + lax.axis_index("c")
    epw = ecount // NW
    nch = epw // CH

    def start(k, slot):
        base = wid * epw + k * CH
        pltpu.sync_copy(row_hbm.at[pl.ds(ebase + base, CH)], idr.at[slot])
        pltpu.sync_copy(col_hbm.at[pl.ds(ebase + base, CH)], idc.at[slot])
        cp1 = pltpu.async_copy(gtab_hbm.at[idr.at[slot]], abuf.at[slot],
                               sems[2 * slot + 0])
        cp2 = pltpu.async_copy(adg_hbm.at[idc.at[slot]], bbuf.at[slot],
                               sems[2 * slot + 1])
        return cp1, cp2

    def finish(k, slot, cps):
        base = wid * epw + k * CH
        cps[0].wait()
        pltpu.sync_copy(abuf.at[slot], gau_hbm.at[pl.ds(base, CH)])
        cps[1].wait()
        pltpu.sync_copy(bbuf.at[slot], gb_hbm.at[pl.ds(base, CH)])

    def body(j, carry):
        k = j * 2
        cps0 = start(k, 0)
        cps1 = start(k + 1, 1)
        finish(k, 0, cps0)
        finish(k + 1, 1, cps1)
        return carry

    lax.fori_loop(0, nch // 2, body, 0)
    if nch % 2:
        finish(nch - 1, 0, start(nch - 1, 0))


@functools.cache
def _build_sc_scatter(ebase, ecount):
    sch = next(c for c in (320, 160, 80) if (ecount // NS) % c == 0)
    return functools.partial(
        pl.kernel,
        out_type=(jax.ShapeDtypeStruct((N, D), _f32),
                  jax.ShapeDtypeStruct((N, D), _f32)),
        mesh=_sc_mesh(),
        scratch_types=[
            pltpu.VMEM_SHARED((ACC_ROWS, D), _f32),
            pltpu.VMEM((16, D), _f32),
            pltpu.VMEM((sch,), jnp.int32),
            pltpu.VMEM((sch, D), _f32),
        ],
    )(functools.partial(_sc_scatter_body, ebase, ecount, sch))


def _sc_scatter(ebase, ecount, sig, msg, col):
    return _build_sc_scatter(ebase, ecount)(sig, msg, col)


def _sc_scatter_body(ebase, ecount, sch, sig_hbm, msg_hbm, col_hbm,
                     nag_hbm, eag_hbm, acc, zb, lidx, dbuf):
    c = lax.axis_index("c")
    s = lax.axis_index("s")

    zv = jnp.zeros((16,), _f32)
    for i in range(16):
        for g in range(D // 16):
            zb[i, pl.ds(g * 16, 16)] = zv

    def zbody(k, carry):
        pltpu.sync_copy(zb, acc.at[pl.ds(s * ROWS_PER_TILE + k * 16, 16)])
        return carry

    lax.fori_loop(0, ROWS_PER_TILE // 16, zbody, 0)
    plsc.subcore_barrier()

    epw = ecount // NS

    def make_loop(data_hbm):
        def body(k, carry):
            eb = s * epw + k * sch
            pltpu.sync_copy(col_hbm.at[pl.ds(ebase + eb, sch)], lidx)
            pltpu.sync_copy(data_hbm.at[pl.ds(eb, sch)], dbuf)
            pltpu.sync_copy(dbuf, acc.at[lidx], add=True)
            return carry
        return body

    @pl.when(c == 0)
    def _():
        lax.fori_loop(0, epw // sch, make_loop(sig_hbm), 0)

    @pl.when(c == 1)
    def _():
        lax.fori_loop(0, epw // sch, make_loop(msg_hbm), 0)

    plsc.subcore_barrier()

    tail = N - (NS - 1) * ROWS_PER_TILE

    def dump(out_hbm):
        off = s * ROWS_PER_TILE

        @pl.when(s < NS - 1)
        def _():
            pltpu.sync_copy(acc.at[pl.ds(off, ROWS_PER_TILE)],
                            out_hbm.at[pl.ds(off, ROWS_PER_TILE)])

        @pl.when(s == NS - 1)
        def _():
            pltpu.sync_copy(acc.at[pl.ds(off, tail)],
                            out_hbm.at[pl.ds(off, tail)])

    @pl.when(c == 0)
    def _():
        dump(eag_hbm)

    @pl.when(c == 1)
    def _():
        dump(nag_hbm)



def kernel(node_feats, edge_attr, edge_index, Wsg, bsg, Wdg, bdg, Weg, beg,
           g1, b1, Wsu, bsu, Wdu, bdu, g2, b2):
    del bsg, bdg, beg, bsu
    row = edge_index[0]
    col = edge_index[1]
    p_tab = jnp.concatenate([bdu[None], jnp.zeros((7, D), _f32)], 0)
    p_e = jnp.concatenate([g1[None], b1[None], jnp.zeros((6, D), _f32)], 0)
    p_n = jnp.concatenate([g2[None], b2[None], jnp.zeros((6, D), _f32)], 0)

    nb = N // BN_BLK
    eb = E // BE_BLK

    gtab, adg, asu = pl.pallas_call(
        _tables_body,
        grid=(nb,),
        in_specs=[
            pl.BlockSpec((BN_BLK, D), lambda i: (i, 0)),
            pl.BlockSpec((D, D), lambda i: (0, 0)),
            pl.BlockSpec((D, D), lambda i: (0, 0)),
            pl.BlockSpec((D, D), lambda i: (0, 0)),
            pl.BlockSpec((D, D), lambda i: (0, 0)),
            pl.BlockSpec((8, D), lambda i: (0, 0)),
        ],
        out_specs=[
            pl.BlockSpec((BN_BLK, D), lambda i: (i, 0)),
            pl.BlockSpec((BN_BLK, D), lambda i: (i, 0)),
            pl.BlockSpec((BN_BLK, D), lambda i: (i, 0)),
        ],
        out_shape=[
            jax.ShapeDtypeStruct((N, D), jnp.int32),
            jax.ShapeDtypeStruct((N, D), _f32),
            jax.ShapeDtypeStruct((N, D), _f32),
        ],
    )(node_feats, Wsg, Wdu, Wdg, Wsu, p_tab)

    gau1, gb1 = _sc_gather(0, EH1, gtab, adg, row, col)
    gau2, gb2 = _sc_gather(EH1, EH2, gtab, adg, row, col)

    eb1 = EH1 // BE_BLK
    eb2 = EH2 // BE_BLK

    def _tc2(gau, gb, base_blk, nblk, ecount):
        return pl.pallas_call(
            _edge_pre_body,
            grid=(nblk,),
            in_specs=[
                pl.BlockSpec((BE_BLK, D), lambda i, b=base_blk: (i + b, 0)),
                pl.BlockSpec((BE_BLK, D), lambda i: (i, 0)),
                pl.BlockSpec((BE_BLK, D), lambda i: (i, 0)),
                pl.BlockSpec((D, D), lambda i: (0, 0)),
            ],
            out_specs=[
                pl.BlockSpec((BE_BLK, D), lambda i: (i, 0)),
                pl.BlockSpec((8, D), lambda i: (0, 0)),
            ],
            out_shape=[
                jax.ShapeDtypeStruct((ecount, D), _f32),
                jax.ShapeDtypeStruct((8, D), _f32),
            ],
        )(edge_attr, gau, gb, Weg)

    pre1, st1a = _tc2(gau1, gb1, 0, eb1, EH1)
    pre2, st1b = _tc2(gau2, gb2, eb1, eb2, EH2)

    _sml = pl.BlockSpec((8, D), lambda i: (0, 0))

    nea1, sig1, msg1 = pl.pallas_call(
        _edge_fin_body,
        grid=(eb1,),
        in_specs=[
            pl.BlockSpec((BE_BLK, D), lambda i: (i, 0)),
            pl.BlockSpec((BE_BLK, D), lambda i: (i, 0)),
            pl.BlockSpec((BE_BLK, D), lambda i: (i, 0)),
            _sml, _sml, _sml,
        ],
        out_specs=[
            pl.BlockSpec((BE_BLK, D), lambda i: (i, 0)),
            pl.BlockSpec((BE_BLK, D), lambda i: (i, 0)),
            pl.BlockSpec((BE_BLK, D), lambda i: (i, 0)),
        ],
        out_shape=[
            jax.ShapeDtypeStruct((E, D), _f32),
            jax.ShapeDtypeStruct((EH1, D), _f32),
            jax.ShapeDtypeStruct((EH1, D), _f32),
        ],
    )(pre1, edge_attr, gau1, st1a, st1b, p_e)

    nag1, eag1 = _sc_scatter(0, EH1, sig1, msg1, col)

    nea, sig2, msg2 = pl.pallas_call(
        _edge_fin_body_b,
        grid=(eb2,),
        in_specs=[
            pl.BlockSpec((BE_BLK, D), lambda i: (i, 0)),
            pl.BlockSpec((BE_BLK, D), lambda i, b=eb1: (i + b, 0)),
            pl.BlockSpec((BE_BLK, D), lambda i: (i, 0)),
            _sml, _sml, _sml,
            pl.BlockSpec(memory_space=pl.ANY),
        ],
        out_specs=[
            pl.BlockSpec((BE_BLK, D), lambda i, b=eb1: (i + b, 0)),
            pl.BlockSpec((BE_BLK, D), lambda i: (i, 0)),
            pl.BlockSpec((BE_BLK, D), lambda i: (i, 0)),
        ],
        out_shape=[
            jax.ShapeDtypeStruct((E, D), _f32),
            jax.ShapeDtypeStruct((EH2, D), _f32),
            jax.ShapeDtypeStruct((EH2, D), _f32),
        ],
        input_output_aliases={6: 0},
    )(pre2, edge_attr, gau2, st1a, st1b, p_e, nea1)

    nag2, eag2 = _sc_scatter(EH1, EH2, sig2, msg2, col)

    pre_n, st2 = pl.pallas_call(
        _node_pre_body,
        grid=(nb,),
        in_specs=[
            pl.BlockSpec((BN_BLK, D), lambda i: (i, 0)),
            pl.BlockSpec((BN_BLK, D), lambda i: (i, 0)),
            pl.BlockSpec((BN_BLK, D), lambda i: (i, 0)),
            pl.BlockSpec((BN_BLK, D), lambda i: (i, 0)),
            pl.BlockSpec((BN_BLK, D), lambda i: (i, 0)),
        ],
        out_specs=[
            pl.BlockSpec((BN_BLK, D), lambda i: (i, 0)),
            pl.BlockSpec((8, D), lambda i: (0, 0)),
        ],
        out_shape=[
            jax.ShapeDtypeStruct((N, D), _f32),
            jax.ShapeDtypeStruct((8, D), _f32),
        ],
    )(asu, nag1, nag2, eag1, eag2)

    new_node_feats = pl.pallas_call(
        _node_fin_body,
        grid=(nb,),
        in_specs=[
            pl.BlockSpec((BN_BLK, D), lambda i: (i, 0)),
            pl.BlockSpec((BN_BLK, D), lambda i: (i, 0)),
            pl.BlockSpec((8, D), lambda i: (0, 0)),
            pl.BlockSpec((8, D), lambda i: (0, 0)),
        ],
        out_specs=pl.BlockSpec((BN_BLK, D), lambda i: (i, 0)),
        out_shape=jax.ShapeDtypeStruct((N, D), _f32),
    )(node_feats, pre_n, st2, p_n)

    return (new_node_feats, nea)

# --- scband reference (transcript-rebuilt; emitter-appended) ---
"""Pipeline reference for scband-edge-gated-graph-conv-no-mp-89094801588607 (READ-ONLY COPY).

The authoritative reference and input builder live on the scoring server;
editing this copy changes nothing except your own understanding.
"""

import jax, jax.numpy as jnp
import numpy as np


def batch_norm(x, gamma, beta, eps=1e-5):
    mean = jnp.mean(x, axis=0)
    var = jnp.var(x, axis=0)
    return (x - mean) / jnp.sqrt(var + eps) * gamma + beta


def setup_inputs(seed: int = 0) -> dict:
    key = jax.random.key(seed)
    N, E, D = 10000, 320000, 128
    ks = jax.random.split(key, 20)
    s = 1.0 / np.sqrt(D)
    inp = {}
    inp['node_feats'] = jax.random.normal(ks[0], (N, D), dtype=jnp.float32)
    inp['edge_attr'] = jax.random.normal(ks[1], (E, D), dtype=jnp.float32)
    inp['edge_index'] = jax.random.randint(ks[2], (2, E), 0, N, dtype=jnp.int32)
    # EdgeModel params
    inp['Wsg'] = jax.random.uniform(ks[3], (D, D), jnp.float32, -s, s)
    inp['bsg'] = jax.random.uniform(ks[4], (D,), jnp.float32, -s, s)
    inp['Wdg'] = jax.random.uniform(ks[5], (D, D), jnp.float32, -s, s)
    inp['bdg'] = jax.random.uniform(ks[6], (D,), jnp.float32, -s, s)
    inp['Weg'] = jax.random.uniform(ks[7], (D, D), jnp.float32, -s, s)
    inp['beg'] = jax.random.uniform(ks[8], (D,), jnp.float32, -s, s)
    inp['g1'] = jnp.ones((D,), jnp.float32)
    inp['b1'] = jnp.zeros((D,), jnp.float32)
    # NodeModel params
    inp['Wsu'] = jax.random.uniform(ks[9], (D, D), jnp.float32, -s, s)
    inp['bsu'] = jax.random.uniform(ks[10], (D,), jnp.float32, -s, s)
    inp['Wdu'] = jax.random.uniform(ks[11], (D, D), jnp.float32, -s, s)
    inp['bdu'] = jax.random.uniform(ks[12], (D,), jnp.float32, -s, s)
    inp['g2'] = jnp.ones((D,), jnp.float32)
    inp['b2'] = jnp.zeros((D,), jnp.float32)
    return inp


def reference(node_feats, edge_attr, edge_index, Wsg, bsg, Wdg, bdg, Weg, beg, g1, b1, Wsu, bsu, Wdu, bdu, g2, b2):
    row, col = edge_index[0], edge_index[1]
    N = node_feats.shape[0]
    src = jnp.take(node_feats, row, axis=0)
    dest = jnp.take(node_feats, col, axis=0)
    # EdgeModel: e' = e + silu(BN(src_gate(h_i) + dest_gate(h_j) + edge_gate(e)))
    pre_e = src @ Wsg.T + bsg + dest @ Wdg.T + bdg + edge_attr @ Weg.T + beg
    new_edge_attr = edge_attr + jax.nn.silu(batch_norm(pre_e, g1, b1))
    # NodeModel
    sig_e = jax.nn.sigmoid(new_edge_attr)
    msg = sig_e * (src @ Wdu.T + bdu)  # x_j = x[row] (source), aggregated at col (dst)
    node_aggregate = jax.ops.segment_sum(msg, col, num_segments=N)
    edge_aggregate = jax.ops.segment_sum(sig_e, col, num_segments=N)
    dest_aggr = node_aggregate / (edge_aggregate + 1e-6)
    pre_n = node_feats @ Wsu.T + bsu + dest_aggr
    new_node_feats = node_feats + jax.nn.silu(batch_norm(pre_n, g2, b2))
    return (new_node_feats, new_edge_attr)

if __name__ == "__main__":
    import jax
    _d = setup_inputs()
    print(jax.jit(kernel)(*tuple(_d.values())))

</pallas_src>

<mosaic_0001>
#map = affine_map<(d0, d1) -> (0, 0)>
#map1 = affine_map<(d0, d1) -> (0)>
module attributes {stable_mosaic.version = 14 : i64} {
  func.func @_sc_gather_body(%arg0: i32, %arg1: i32, %arg2: memref<10000x128xi32, #tpu.memory_space<hbm>>, %arg3: memref<10000x128xf32, #tpu.memory_space<hbm>>, %arg4: memref<320000xi32, #tpu.memory_space<hbm>>, %arg5: memref<320000xi32, #tpu.memory_space<hbm>>, %arg6: memref<163840x128xi32, #tpu.memory_space<hbm>>, %arg7: memref<163840x128xf32, #tpu.memory_space<hbm>>, %arg8: memref<2x80xi32, #tpu.memory_space<vmem>>, %arg9: memref<2x80xi32, #tpu.memory_space<vmem>>, %arg10: memref<2x80x128xi32, #tpu.memory_space<vmem>>, %arg11: memref<2x80x128xf32, #tpu.memory_space<vmem>>, %arg12: memref<!tpu.dma_semaphore, #tpu.memory_space<semaphore_mem>>, %arg13: memref<!tpu.dma_semaphore, #tpu.memory_space<semaphore_mem>>, %arg14: memref<!tpu.dma_semaphore, #tpu.memory_space<semaphore_mem>>, %arg15: memref<!tpu.dma_semaphore, #tpu.memory_space<semaphore_mem>>) attributes {dimension_semantics = [#tpu.dimension_semantics<core_parallel>, #tpu.dimension_semantics<subcore_parallel>], iteration_bounds = array<i64: 2, 16>, scalar_prefetch = 0 : i64, scratch_operands = 8 : i64, tpu.core_type = #tpu.core_type<sc_vector_subcore>, window_params = [{transform_indices = #map}, {transform_indices = #map}, {transform_indices = #map1}, {transform_indices = #map1}, {transform_indices = #map}, {transform_indices = #map}]} {
    %mul3A = arith.constant 2 : i32
    %mul3A_0 = arith.muli %arg1, %mul3A : i32
    %add3A = arith.addi %mul3A_0, %arg0 : i32
    %scan3A = arith.constant 0 : i32
    %scan3A_1 = arith.constant 0 : i32
    %scan3A_2 = arith.constant 32 : i32
    %scan3A_3 = arith.addi %scan3A_1, %scan3A_2 : i32
    %scan3A_4 = arith.constant 1 : i32
    scf.for %scan3A_6 = %scan3A_1 to %scan3A_3 step %scan3A_4  : i32 {
      %mul3A_7 = arith.constant 2 : i32
      %mul3A_8 = arith.muli %scan3A_6, %mul3A_7 : i32
      %mul3A_9 = arith.constant 5120 : i32
      %mul3A_10 = arith.muli %add3A, %mul3A_9 : i32
      %mul3A_11 = arith.constant 80 : i32
      %mul3A_12 = arith.muli %mul3A_8, %mul3A_11 : i32
      %add3A_13 = arith.addi %mul3A_10, %mul3A_12 : i32
      %add3A_14 = arith.constant 0 : i32
      %add3A_15 = arith.addi %add3A_14, %add3A_13 : i32
      %run_scoped3A = arith.constant 0 : i32
      "tpu.region"() ({
        %run_scoped3A_142 = tpu.sem_alloc : memref<!tpu.dma_semaphore, #tpu.memory_space<semaphore_mem>>
        %dma_start3A_143 = arith.constant 0 : i32
        %dma_start3A_144 = tpu.memref_slice %arg8[%run_scoped3A, %dma_start3A_143] : memref<2x80xi32, #tpu.memory_space<vmem>> -> memref<1x80xi32, #tpu.memory_space<vmem>>
        %dma_start3A_145 = tpu.memref_squeeze %dma_start3A_144 : memref<1x80xi32, #tpu.memory_space<vmem>> -> memref<80xi32, #tpu.memory_space<vmem>>
        %dma_start3A_146 = tpu.memref_slice %arg4[%add3A_15] : memref<320000xi32, #tpu.memory_space<hbm>> -> memref<80xi32, #tpu.memory_space<hbm>>
        %dma_start3A_147 = arith.constant 0 : i32
        %dma_start3A_148 = tpu.memref_slice %arg8[%run_scoped3A, %dma_start3A_147] : memref<2x80xi32, #tpu.memory_space<vmem>> -> memref<1x80xi32, #tpu.memory_space<vmem>>
        %dma_start3A_149 = tpu.memref_squeeze %dma_start3A_148 : memref<1x80xi32, #tpu.memory_space<vmem>> -> memref<80xi32, #tpu.memory_space<vmem>>
        %dma_start3A_150 = tpu.memref_slice %arg4[%add3A_15] : memref<320000xi32, #tpu.memory_space<hbm>> -> memref<80xi32, #tpu.memory_space<hbm>>
        tpu.enqueue_dma source(%dma_start3A_150 : memref<80xi32, #tpu.memory_space<hbm>>) target(%dma_start3A_149 : memref<80xi32, #tpu.memory_space<vmem>>) target_semaphore(%run_scoped3A_142 : memref<!tpu.dma_semaphore, #tpu.memory_space<semaphore_mem>>)
        %dma_wait3A_151 = arith.constant 0 : i32
        %dma_wait3A_152 = tpu.memref_slice %arg8[%run_scoped3A, %dma_wait3A_151] : memref<2x80xi32, #tpu.memory_space<vmem>> -> memref<1x80xi32, #tpu.memory_space<vmem>>
        %dma_wait3A_153 = tpu.memref_squeeze %dma_wait3A_152 : memref<1x80xi32, #tpu.memory_space<vmem>> -> memref<80xi32, #tpu.memory_space<vmem>>
        %dma_wait3A_154 = tpu.memref_slice %arg4[%add3A_15] : memref<320000xi32, #tpu.memory_space<hbm>> -> memref<80xi32, #tpu.memory_space<hbm>>
        %dma_wait3A_155 = arith.constant 0 : i32
        %dma_wait3A_156 = tpu.memref_slice %arg8[%run_scoped3A, %dma_wait3A_155] : memref<2x80xi32, #tpu.memory_space<vmem>> -> memref<1x80xi32, #tpu.memory_space<vmem>>
        %dma_wait3A_157 = tpu.memref_squeeze %dma_wait3A_156 : memref<1x80xi32, #tpu.memory_space<vmem>> -> memref<80xi32, #tpu.memory_space<vmem>>
        %dma_wait3A_158 = tpu.memref_slice %arg4[%add3A_15] : memref<320000xi32, #tpu.memory_space<hbm>> -> memref<80xi32, #tpu.memory_space<hbm>>
        tpu.wait_dma2 semaphore(%run_scoped3A_142 : memref<!tpu.dma_semaphore, #tpu.memory_space<semaphore_mem>>) src(%dma_wait3A_158 : memref<80xi32, #tpu.memory_space<hbm>>) dst(%dma_wait3A_157 : memref<80xi32, #tpu.memory_space<vmem>>)
        tpu.yield
      }) : () -> ()
      %add3A_16 = arith.constant 0 : i32
      %add3A_17 = arith.addi %add3A_16, %add3A_13 : i32
      %run_scoped3A_18 = arith.constant 0 : i32
      "tpu.region"() ({
        %run_scoped3A_142 = tpu.sem_alloc : memref<!tpu.dma_semaphore, #tpu.memory_space<semaphore_mem>>
        %dma_start3A_143 = arith.constant 0 : i32
        %dma_start3A_144 = tpu.memref_slice %arg9[%run_scoped3A_18, %dma_start3A_143] : memref<2x80xi32, #tpu.memory_space<vmem>> -> memref<1x80xi32, #tpu.memory_space<vmem>>
        %dma_start3A_145 = tpu.memref_squeeze %dma_start3A_144 : memref<1x80xi32, #tpu.memory_space<vmem>> -> memref<80xi32, #tpu.memory_space<vmem>>
        %dma_start3A_146 = tpu.memref_slice %arg5[%add3A_17] : memref<320000xi32, #tpu.memory_space<hbm>> -> memref<80xi32, #tpu.memory_space<hbm>>
        %dma_start3A_147 = arith.constant 0 : i32
        %dma_start3A_148 = tpu.memref_slice %arg9[%run_scoped3A_18, %dma_start3A_147] : memref<2x80xi32, #tpu.memory_space<vmem>> -> memref<1x80xi32, #tpu.memory_space<vmem>>
        %dma_start3A_149 = tpu.memref_squeeze %dma_start3A_148 : memref<1x80xi32, #tpu.memory_space<vmem>> -> memref<80xi32, #tpu.memory_space<vmem>>
        %dma_start3A_150 = tpu.memref_slice %arg5[%add3A_17] : memref<320000xi32, #tpu.memory_space<hbm>> -> memref<80xi32, #tpu.memory_space<hbm>>
        tpu.enqueue_dma source(%dma_start3A_150 : memref<80xi32, #tpu.memory_space<hbm>>) target(%dma_start3A_149 : memref<80xi32, #tpu.memory_space<vmem>>) target_semaphore(%run_scoped3A_142 : memref<!tpu.dma_semaphore, #tpu.memory_space<semaphore_mem>>)
        %dma_wait3A_151 = arith.constant 0 : i32
        %dma_wait3A_152 = tpu.memref_slice %arg9[%run_scoped3A_18, %dma_wait3A_151] : memref<2x80xi32, #tpu.memory_space<vmem>> -> memref<1x80xi32, #tpu.memory_space<vmem>>
        %dma_wait3A_153 = tpu.memref_squeeze %dma_wait3A_152 : memref<1x80xi32, #tpu.memory_space<vmem>> -> memref<80xi32, #tpu.memory_space<vmem>>
        %dma_wait3A_154 = tpu.memref_slice %arg5[%add3A_17] : memref<320000xi32, #tpu.memory_space<hbm>> -> memref<80xi32, #tpu.memory_space<hbm>>
        %dma_wait3A_155 = arith.constant 0 : i32
        %dma_wait3A_156 = tpu.memref_slice %arg9[%run_scoped3A_18, %dma_wait3A_155] : memref<2x80xi32, #tpu.memory_space<vmem>> -> memref<1x80xi32, #tpu.memory_space<vmem>>
        %dma_wait3A_157 = tpu.memref_squeeze %dma_wait3A_156 : memref<1x80xi32, #tpu.memory_space<vmem>> -> memref<80xi32, #tpu.memory_space<vmem>>
        %dma_wait3A_158 = tpu.memref_slice %arg5[%add3A_17] : memref<320000xi32, #tpu.memory_space<hbm>> -> memref<80xi32, #tpu.memory_space<hbm>>
        tpu.wait_dma2 semaphore(%run_scoped3A_142 : memref<!tpu.dma_semaphore, #tpu.memory_space<semaphore_mem>>) src(%dma_wait3A_158 : memref<80xi32, #tpu.memory_space<hbm>>) dst(%dma_wait3A_157 : memref<80xi32, #tpu.memory_space<vmem>>)
        tpu.yield
      }) : () -> ()
      %dma_start3A = arith.constant 0 : i32
      %dma_start3A_19 = arith.constant 0 : i32
      %dma_start3A_20 = arith.constant 0 : i32
      %dma_start3A_21 = arith.constant 0 : i32
      %dma_start3A_22 = tpu.memref_slice %arg10[%dma_start3A_19, %dma_start3A_20, %dma_start3A_21] : memref<2x80x128xi32, #tpu.memory_space<vmem>> -> memref<1x80x128xi32, #tpu.memory_space<vmem>>
      %dma_start3A_23 = tpu.memref_squeeze %dma_start3A_22 : memref<1x80x128xi32, #tpu.memory_space<vmem>> -> memref<80x128xi32, #tpu.memory_space<vmem>>
      %dma_start3A_24 = arith.constant 0 : i32
      %dma_start3A_25 = tpu.memref_slice %arg8[%dma_start3A, %dma_start3A_24] : memref<2x80xi32, #tpu.memory_space<vmem>> -> memref<1x80xi32, #tpu.memory_space<vmem>>
      %dma_start3A_26 = tpu.memref_squeeze %dma_start3A_25 : memref<1x80xi32, #tpu.memory_space<vmem>> -> memref<80xi32, #tpu.memory_space<vmem>>
      %dma_start3A_27 = arith.constant 0 : i32
      %dma_start3A_28 = arith.constant 0 : i32
      %dma_start3A_29 = tpu.memref_slice %arg2[%dma_start3A_27, %dma_start3A_28] : memref<10000x128xi32, #tpu.memory_space<hbm>> -> memref<10000x128xi32, #tpu.memory_space<hbm>>
      tpu.enqueue_indirect_dma source(%dma_start3A_29 : memref<10000x128xi32, #tpu.memory_space<hbm>>) target(%dma_start3A_23 : memref<80x128xi32, #tpu.memory_space<vmem>>) offsets(%dma_start3A_26 : memref<80xi32, #tpu.memory_space<vmem>>) semaphore(%arg12 : memref<!tpu.dma_semaphore, #tpu.memory_space<semaphore_mem>>)
      %dma_start3A_30 = arith.constant 0 : i32
      %dma_start3A_31 = arith.constant 0 : i32
      %dma_start3A_32 = arith.constant 0 : i32
      %dma_start3A_33 = arith.constant 0 : i32
      %dma_start3A_34 = tpu.memref_slice %arg11[%dma_start3A_31, %dma_start3A_32, %dma_start3A_33] : memref<2x80x128xf32, #tpu.memory_space<vmem>> -> memref<1x80x128xf32, #tpu.memory_space<vmem>>
      %dma_start3A_35 = tpu.memref_squeeze %dma_start3A_34 : memref<1x80x128xf32, #tpu.memory_space<vmem>> -> memref<80x128xf32, #tpu.memory_space<vmem>>
      %dma_start3A_36 = arith.constant 0 : i32
      %dma_start3A_37 = tpu.memref_slice %arg9[%dma_start3A_30, %dma_start3A_36] : memref<2x80xi32, #tpu.memory_space<vmem>> -> memref<1x80xi32, #tpu.memory_space<vmem>>
      %dma_start3A_38 = tpu.memref_squeeze %dma_start3A_37 : memref<1x80xi32, #tpu.memory_space<vmem>> -> memref<80xi32, #tpu.memory_space<vmem>>
      %dma_start3A_39 = arith.constant 0 : i32
      %dma_start3A_40 = arith.constant 0 : i32
      %dma_start3A_41 = tpu.memref_slice %arg3[%dma_start3A_39, %dma_start3A_40] : memref<10000x128xf32, #tpu.memory_space<hbm>> -> memref<10000x128xf32, #tpu.memory_space<hbm>>
      tpu.enqueue_indirect_dma source(%dma_start3A_41 : memref<10000x128xf32, #tpu.memory_space<hbm>>) target(%dma_start3A_35 : memref<80x128xf32, #tpu.memory_space<vmem>>) offsets(%dma_start3A_38 : memref<80xi32, #tpu.memory_space<vmem>>) semaphore(%arg13 : memref<!tpu.dma_semaphore, #tpu.memory_space<semaphore_mem>>)
      %add3A_42 = arith.constant 1 : i32
      %add3A_43 = arith.addi %mul3A_8, %add3A_42 : i32
      %mul3A_44 = arith.constant 5120 : i32
      %mul3A_45 = arith.muli %add3A, %mul3A_44 : i32
      %mul3A_46 = arith.constant 80 : i32
      %mul3A_47 = arith.muli %add3A_43, %mul3A_46 : i32
      %add3A_48 = arith.addi %mul3A_45, %mul3A_47 : i32
      %add3A_49 = arith.constant 0 : i32
      %add3A_50 = arith.addi %add3A_49, %add3A_48 : i32
      %run_scoped3A_51 = arith.constant 1 : i32
      "tpu.region"() ({
        %run_scoped3A_142 = tpu.sem_alloc : memref<!tpu.dma_semaphore, #tpu.memory_space<semaphore_mem>>
        %dma_start3A_143 = arith.constant 0 : i32
        %dma_start3A_144 = tpu.memref_slice %arg8[%run_scoped3A_51, %dma_start3A_143] : memref<2x80xi32, #tpu.memory_space<vmem>> -> memref<1x80xi32, #tpu.memory_space<vmem>>
        %dma_start3A_145 = tpu.memref_squeeze %dma_start3A_144 : memref<1x80xi32, #tpu.memory_space<vmem>> -> memref<80xi32, #tpu.memory_space<vmem>>
        %dma_start3A_146 = tpu.memref_slice %arg4[%add3A_50] : memref<320000xi32, #tpu.memory_space<hbm>> -> memref<80xi32, #tpu.memory_space<hbm>>
        %dma_start3A_147 = arith.constant 0 : i32
        %dma_start3A_148 = tpu.memref_slice %arg8[%run_scoped3A_51, %dma_start3A_147] : memref<2x80xi32, #tpu.memory_space<vmem>> -> memref<1x80xi32, #tpu.memory_space<vmem>>
        %dma_start3A_149 = tpu.memref_squeeze %dma_start3A_148 : memref<1x80xi32, #tpu.memory_space<vmem>> -> memref<80xi32, #tpu.memory_space<vmem>>
        %dma_start3A_150 = tpu.memref_slice %arg4[%add3A_50] : memref<320000xi32, #tpu.memory_space<hbm>> -> memref<80xi32, #tpu.memory_space<hbm>>
        tpu.enqueue_dma source(%dma_start3A_150 : memref<80xi32, #tpu.memory_space<hbm>>) target(%dma_start3A_149 : memref<80xi32, #tpu.memory_space<vmem>>) target_semaphore(%run_scoped3A_142 : memref<!tpu.dma_semaphore, #tpu.memory_space<semaphore_mem>>)
        %dma_wait3A_151 = arith.constant 0 : i32
        %dma_wait3A_152 = tpu.memref_slice %arg8[%run_scoped3A_51, %dma_wait3A_151] : memref<2x80xi32, #tpu.memory_space<vmem>> -> memref<1x80xi32, #tpu.memory_space<vmem>>
        %dma_wait3A_153 = tpu.memref_squeeze %dma_wait3A_152 : memref<1x80xi32, #tpu.memory_space<vmem>> -> memref<80xi32, #tpu.memory_space<vmem>>
        %dma_wait3A_154 = tpu.memref_slice %arg4[%add3A_50] : memref<320000xi32, #tpu.memory_space<hbm>> -> memref<80xi32, #tpu.memory_space<hbm>>
        %dma_wait3A_155 = arith.constant 0 : i32
        %dma_wait3A_156 = tpu.memref_slice %arg8[%run_scoped3A_51, %dma_wait3A_155] : memref<2x80xi32, #tpu.memory_space<vmem>> -> memref<1x80xi32, #tpu.memory_space<vmem>>
        %dma_wait3A_157 = tpu.memref_squeeze %dma_wait3A_156 : memref<1x80xi32, #tpu.memory_space<vmem>> -> memref<80xi32, #tpu.memory_space<vmem>>
        %dma_wait3A_158 = tpu.memref_slice %arg4[%add3A_50] : memref<320000xi32, #tpu.memory_space<hbm>> -> memref<80xi32, #tpu.memory_space<hbm>>
        tpu.wait_dma2 semaphore(%run_scoped3A_142 : memref<!tpu.dma_semaphore, #tpu.memory_space<semaphore_mem>>) src(%dma_wait3A_158 : memref<80xi32, #tpu.memory_space<hbm>>) dst(%dma_wait3A_157 : memref<80xi32, #tpu.memory_space<vmem>>)
        tpu.yield
      }) : () -> ()
      %add3A_52 = arith.constant 0 : i32
      %add3A_53 = arith.addi %add3A_52, %add3A_48 : i32
      %run_scoped3A_54 = arith.constant 1 : i32
      "tpu.region"() ({
        %run_scoped3A_142 = tpu.sem_alloc : memref<!tpu.dma_semaphore, #tpu.memory_space<semaphore_mem>>
        %dma_start3A_143 = arith.constant 0 : i32
        %dma_start3A_144 = tpu.memref_slice %arg9[%run_scoped3A_54, %dma_start3A_143] : memref<2x80xi32, #tpu.memory_space<vmem>> -> memref<1x80xi32, #tpu.memory_space<vmem>>
        %dma_start3A_145 = tpu.memref_squeeze %dma_start3A_144 : memref<1x80xi32, #tpu.memory_space<vmem>> -> memref<80xi32, #tpu.memory_space<vmem>>
        %dma_start3A_146 = tpu.memref_slice %arg5[%add3A_53] : memref<320000xi32, #tpu.memory_space<hbm>> -> memref<80xi32, #tpu.memory_space<hbm>>
        %dma_start3A_147 = arith.constant 0 : i32
        %dma_start3A_148 = tpu.memref_slice %arg9[%run_scoped3A_54, %dma_start3A_147] : memref<2x80xi32, #tpu.memory_space<vmem>> -> memref<1x80xi32, #tpu.memory_space<vmem>>
        %dma_start3A_149 = tpu.memref_squeeze %dma_start3A_148 : memref<1x80xi32, #tpu.memory_space<vmem>> -> memref<80xi32, #tpu.memory_space<vmem>>
        %dma_start3A_150 = tpu.memref_slice %arg5[%add3A_53] : memref<320000xi32, #tpu.memory_space<hbm>> -> memref<80xi32, #tpu.memory_space<hbm>>
        tpu.enqueue_dma source(%dma_start3A_150 : memref<80xi32, #tpu.memory_space<hbm>>) target(%dma_start3A_149 : memref<80xi32, #tpu.memory_space<vmem>>) target_semaphore(%run_scoped3A_142 : memref<!tpu.dma_semaphore, #tpu.memory_space<semaphore_mem>>)
        %dma_wait3A_151 = arith.constant 0 : i32
        %dma_wait3A_152 = tpu.memref_slice %arg9[%run_scoped3A_54, %dma_wait3A_151] : memref<2x80xi32, #tpu.memory_space<vmem>> -> memref<1x80xi32, #tpu.memory_space<vmem>>
        %dma_wait3A_153 = tpu.memref_squeeze %dma_wait3A_152 : memref<1x80xi32, #tpu.memory_space<vmem>> -> memref<80xi32, #tpu.memory_space<vmem>>
        %dma_wait3A_154 = tpu.memref_slice %arg5[%add3A_53] : memref<320000xi32, #tpu.memory_space<hbm>> -> memref<80xi32, #tpu.memory_space<hbm>>
        %dma_wait3A_155 = arith.constant 0 : i32
        %dma_wait3A_156 = tpu.memref_slice %arg9[%run_scoped3A_54, %dma_wait3A_155] : memref<2x80xi32, #tpu.memory_space<vmem>> -> memref<1x80xi32, #tpu.memory_space<vmem>>
        %dma_wait3A_157 = tpu.memref_squeeze %dma_wait3A_156 : memref<1x80xi32, #tpu.memory_space<vmem>> -> memref<80xi32, #tpu.memory_space<vmem>>
        %dma_wait3A_158 = tpu.memref_slice %arg5[%add3A_53] : memref<320000xi32, #tpu.memory_space<hbm>> -> memref<80xi32, #tpu.memory_space<hbm>>
        tpu.wait_dma2 semaphore(%run_scoped3A_142 : memref<!tpu.dma_semaphore, #tpu.memory_space<semaphore_mem>>) src(%dma_wait3A_158 : memref<80xi32, #tpu.memory_space<hbm>>) dst(%dma_wait3A_157 : memref<80xi32, #tpu.memory_space<vmem>>)
        tpu.yield
      }) : () -> ()
      %dma_start3A_55 = arith.constant 1 : i32
      %dma_start3A_56 = arith.constant 1 : i32
      %dma_start3A_57 = arith.constant 0 : i32
      %dma_start3A_58 = arith.constant 0 : i32
      %dma_start3A_59 = tpu.memref_slice %arg10[%dma_start3A_56, %dma_start3A_57, %dma_start3A_58] : memref<2x80x128xi32, #tpu.memory_space<vmem>> -> memref<1x80x128xi32, #tpu.memory_space<vmem>>
      %dma_start3A_60 = tpu.memref_squeeze %dma_start3A_59 : memref<1x80x128xi32, #tpu.memory_space<vmem>> -> memref<80x128xi32, #tpu.memory_space<vmem>>
      %dma_start3A_61 = arith.constant 0 : i32
      %dma_start3A_62 = tpu.memref_slice %arg8[%dma_start3A_55, %dma_start3A_61] : memref<2x80xi32, #tpu.memory_space<vmem>> -> memref<1x80xi32, #tpu.memory_space<vmem>>
      %dma_start3A_63 = tpu.memref_squeeze %dma_start3A_62 : memref<1x80xi32, #tpu.memory_space<vmem>> -> memref<80xi32, #tpu.memory_space<vmem>>
      %dma_start3A_64 = arith.constant 0 : i32
      %dma_start3A_65 = arith.constant 0 : i32
      %dma_start3A_66 = tpu.memref_slice %arg2[%dma_start3A_64, %dma_start3A_65] : memref<10000x128xi32, #tpu.memory_space<hbm>> -> memref<10000x128xi32, #tpu.memory_space<hbm>>
      tpu.enqueue_indirect_dma source(%dma_start3A_66 : memref<10000x128xi32, #tpu.memory_space<hbm>>) target(%dma_start3A_60 : memref<80x128xi32, #tpu.memory_space<vmem>>) offsets(%dma_start3A_63 : memref<80xi32, #tpu.memory_space<vmem>>) semaphore(%arg14 : memref<!tpu.dma_semaphore, #tpu.memory_space<semaphore_mem>>)
      %dma_start3A_67 = arith.constant 1 : i32
      %dma_start3A_68 = arith.constant 1 : i32
      %dma_start3A_69 = arith.constant 0 : i32
      %dma_start3A_70 = arith.constant 0 : i32
      %dma_start3A_71 = tpu.memref_slice %arg11[%dma_start3A_68, %dma_start3A_69, %dma_start3A_70] : memref<2x80x128xf32, #tpu.memory_space<vmem>> -> memref<1x80x128xf32, #tpu.memory_space<vmem>>
      %dma_start3A_72 = tpu.memref_squeeze %dma_start3A_71 : memref<1x80x128xf32, #tpu.memory_space<vmem>> -> memref<80x128xf32, #tpu.memory_space<vmem>>
      %dma_start3A_73 = arith.constant 0 : i32
      %dma_start3A_74 = tpu.memref_slice %arg9[%dma_start3A_67, %dma_start3A_73] : memref<2x80xi32, #tpu.memory_space<vmem>> -> memref<1x80xi32, #tpu.memory_space<vmem>>
      %dma_start3A_75 = tpu.memref_squeeze %dma_start3A_74 : memref<1x80xi32, #tpu.memory_space<vmem>> -> memref<80xi32, #tpu.memory_space<vmem>>
      %dma_start3A_76 = arith.constant 0 : i32
      %dma_start3A_77 = arith.constant 0 : i32
      %dma_start3A_78 = tpu.memref_slice %arg3[%dma_start3A_76, %dma_start3A_77] : memref<10000x128xf32, #tpu.memory_space<hbm>> -> memref<10000x128xf32, #tpu.memory_space<hbm>>
      tpu.enqueue_indirect_dma source(%dma_start3A_78 : memref<10000x128xf32, #tpu.memory_space<hbm>>) target(%dma_start3A_72 : memref<80x128xf32, #tpu.memory_space<vmem>>) offsets(%dma_start3A_75 : memref<80xi32, #tpu.memory_space<vmem>>) semaphore(%arg15 : memref<!tpu.dma_semaphore, #tpu.memory_space<semaphore_mem>>)
      %mul3A_79 = arith.constant 5120 : i32
      %mul3A_80 = arith.muli %add3A, %mul3A_79 : i32
      %mul3A_81 = arith.constant 80 : i32
      %mul3A_82 = arith.muli %mul3A_8, %mul3A_81 : i32
      %add3A_83 = arith.addi %mul3A_80, %mul3A_82 : i32
      %dma_wait3A = arith.constant 0 : i32
      %dma_wait3A_84 = arith.constant 0 : i32
      %dma_wait3A_85 = arith.constant 0 : i32
      %dma_wait3A_86 = arith.constant 0 : i32
      %dma_wait3A_87 = tpu.memref_slice %arg10[%dma_wait3A_84, %dma_wait3A_85, %dma_wait3A_86] : memref<2x80x128xi32, #tpu.memory_space<vmem>> -> memref<1x80x128xi32, #tpu.memory_space<vmem>>
      %dma_wait3A_88 = tpu.memref_squeeze %dma_wait3A_87 : memref<1x80x128xi32, #tpu.memory_space<vmem>> -> memref<80x128xi32, #tpu.memory_space<vmem>>
      %dma_wait3A_89 = arith.constant 0 : i32
      %dma_wait3A_90 = tpu.memref_slice %arg8[%dma_wait3A, %dma_wait3A_89] : memref<2x80xi32, #tpu.memory_space<vmem>> -> memref<1x80xi32, #tpu.memory_space<vmem>>
      %dma_wait3A_91 = tpu.memref_squeeze %dma_wait3A_90 : memref<1x80xi32, #tpu.memory_space<vmem>> -> memref<80xi32, #tpu.memory_space<vmem>>
      %dma_wait3A_92 = arith.constant 0 : i32
      %dma_wait3A_93 = arith.constant 0 : i32
      %dma_wait3A_94 = tpu.memref_slice %arg2[%dma_wait3A_92, %dma_wait3A_93] : memref<10000x128xi32, #tpu.memory_space<hbm>> -> memref<10000x128xi32, #tpu.memory_space<hbm>>
      tpu.wait_indirect_dma semaphore(%arg12 : memref<!tpu.dma_semaphore, #tpu.memory_space<semaphore_mem>>) src(%dma_wait3A_94 : memref<10000x128xi32, #tpu.memory_space<hbm>>) dst(%dma_wait3A_88 : memref<80x128xi32, #tpu.memory_space<vmem>>)
      %run_scoped3A_95 = arith.constant 0 : i32
      "tpu.region"() ({
        %run_scoped3A_142 = tpu.sem_alloc : memref<!tpu.dma_semaphore, #tpu.memory_space<semaphore_mem>>
        %dma_start3A_143 = arith.constant 0 : i32
        %dma_start3A_144 = arith.constant 0 : i32
        %dma_start3A_145 = tpu.memref_slice %arg10[%run_scoped3A_95, %dma_start3A_143, %dma_start3A_144] : memref<2x80x128xi32, #tpu.memory_space<vmem>> -> memref<1x80x128xi32, #tpu.memory_space<vmem>>
        %dma_start3A_146 = tpu.memref_squeeze %dma_start3A_145 : memref<1x80x128xi32, #tpu.memory_space<vmem>> -> memref<80x128xi32, #tpu.memory_space<vmem>>
        %dma_start3A_147 = arith.constant 0 : i32
        %dma_start3A_148 = tpu.memref_slice %arg6[%add3A_83, %dma_start3A_147] : memref<163840x128xi32, #tpu.memory_space<hbm>> -> memref<80x128xi32, #tpu.memory_space<hbm>>
        %dma_start3A_149 = arith.constant 0 : i32
        %dma_start3A_150 = tpu.memref_slice %arg6[%add3A_83, %dma_start3A_149] : memref<163840x128xi32, #tpu.memory_space<hbm>> -> memref<80x128xi32, #tpu.memory_space<hbm>>
        %dma_start3A_151 = arith.constant 0 : i32
        %dma_start3A_152 = arith.constant 0 : i32
        %dma_start3A_153 = tpu.memref_slice %arg10[%run_scoped3A_95, %dma_start3A_151, %dma_start3A_152] : memref<2x80x128xi32, #tpu.memory_space<vmem>> -> memref<1x80x128xi32, #tpu.memory_space<vmem>>
        %dma_start3A_154 = tpu.memref_squeeze %dma_start3A_153 : memref<1x80x128xi32, #tpu.memory_space<vmem>> -> memref<80x128xi32, #tpu.memory_space<vmem>>
        tpu.enqueue_dma source(%dma_start3A_154 : memref<80x128xi32, #tpu.memory_space<vmem>>) target(%dma_start3A_150 : memref<80x128xi32, #tpu.memory_space<hbm>>) target_semaphore(%run_scoped3A_142 : memref<!tpu.dma_semaphore, #tpu.memory_space<semaphore_mem>>)
        %dma_wait3A_155 = arith.constant 0 : i32
        %dma_wait3A_156 = arith.constant 0 : i32
        %dma_wait3A_157 = tpu.memref_slice %arg10[%run_scoped3A_95, %dma_wait3A_155, %dma_wait3A_156] : memref<2x80x128xi32, #tpu.memory_space<vmem>> -> memref<1x80x128xi32, #tpu.memory_space<vmem>>
        %dma_wait3A_158 = tpu.memref_squeeze %dma_wait3A_157 : memref<1x80x128xi32, #tpu.memory_space<vmem>> -> memref<80x128xi32, #tpu.memory_space<vmem>>
        %dma_wait3A_159 = arith.constant 0 : i32
        %dma_wait3A_160 = tpu.memref_slice %arg6[%add3A_83, %dma_wait3A_159] : memref<163840x128xi32, #tpu.memory_space<hbm>> -> memref<80x128xi32, #tpu.memory_space<hbm>>
        %dma_wait3A_161 = arith.constant 0 : i32
        %dma_wait3A_162 = tpu.memref_slice %arg6[%add3A_83, %dma_wait3A_161] : memref<163840x128xi32, #tpu.memory_space<hbm>> -> memref<80x128xi32, #tpu.memory_space<hbm>>
        %dma_wait3A_163 = arith.constant 0 : i32
        %dma_wait3A_164 = arith.constant 0 : i32
        %dma_wait3A_165 = tpu.memref_slice %arg10[%run_scoped3A_95, %dma_wait3A_163, %dma_wait3A_164] : memref<2x80x128xi32, #tpu.memory_space<vmem>> -> memref<1x80x128xi32, #tpu.memory_space<vmem>>
        %dma_wait3A_166 = tpu.memref_squeeze %dma_wait3A_165 : memref<1x80x128xi32, #tpu.memory_space<vmem>> -> memref<80x128xi32, #tpu.memory_space<vmem>>
        tpu.wait_dma2 semaphore(%run_scoped3A_142 : memref<!tpu.dma_semaphore, #tpu.memory_space<semaphore_mem>>) src(%dma_wait3A_166 : memref<80x128xi32, #tpu.memory_space<vmem>>) dst(%dma_wait3A_162 : memref<80x128xi32, #tpu.memory_space<hbm>>)
        tpu.yield
      }) : () -> ()
      %dma_wait3A_96 = arith.constant 0 : i32
      %dma_wait3A_97 = arith.constant 0 : i32
      %dma_wait3A_98 = arith.constant 0 : i32
      %dma_wait3A_99 = arith.constant 0 : i32
      %dma_wait3A_100 = tpu.memref_slice %arg11[%dma_wait3A_97, %dma_wait3A_98, %dma_wait3A_99] : memref<2x80x128xf32, #tpu.memory_space<vmem>> -> memref<1x80x128xf32, #tpu.memory_space<vmem>>
      %dma_wait3A_101 = tpu.memref_squeeze %dma_wait3A_100 : memref<1x80x128xf32, #tpu.memory_space<vmem>> -> memref<80x128xf32, #tpu.memory_space<vmem>>
      %dma_wait3A_102 = arith.constant 0 : i32
      %dma_wait3A_103 = tpu.memref_slice %arg9[%dma_wait3A_96, %dma_wait3A_102] : memref<2x80xi32, #tpu.memory_space<vmem>> -> memref<1x80xi32, #tpu.memory_space<vmem>>
      %dma_wait3A_104 = tpu.memref_squeeze %dma_wait3A_103 : memref<1x80xi32, #tpu.memory_space<vmem>> -> memref<80xi32, #tpu.memory_space<vmem>>
      %dma_wait3A_105 = arith.constant 0 : i32
      %dma_wait3A_106 = arith.constant 0 : i32
      %dma_wait3A_107 = tpu.memref_slice %arg3[%dma_wait3A_105, %dma_wait3A_106] : memref<10000x128xf32, #tpu.memory_space<hbm>> -> memref<10000x128xf32, #tpu.memory_space<hbm>>
      tpu.wait_indirect_dma semaphore(%arg13 : memref<!tpu.dma_semaphore, #tpu.memory_space<semaphore_mem>>) src(%dma_wait3A_107 : memref<10000x128xf32, #tpu.memory_space<hbm>>) dst(%dma_wait3A_101 : memref<80x128xf32, #tpu.memory_space<vmem>>)
      %run_scoped3A_108 = arith.constant 0 : i32
      "tpu.region"() ({
        %run_scoped3A_142 = tpu.sem_alloc : memref<!tpu.dma_semaphore, #tpu.memory_space<semaphore_mem>>
        %dma_start3A_143 = arith.constant 0 : i32
        %dma_start3A_144 = arith.constant 0 : i32
        %dma_start3A_145 = tpu.memref_slice %arg11[%run_scoped3A_108, %dma_start3A_143, %dma_start3A_144] : memref<2x80x128xf32, #tpu.memory_space<vmem>> -> memref<1x80x128xf32, #tpu.memory_space<vmem>>
        %dma_start3A_146 = tpu.memref_squeeze %dma_start3A_145 : memref<1x80x128xf32, #tpu.memory_space<vmem>> -> memref<80x128xf32, #tpu.memory_space<vmem>>
        %dma_start3A_147 = arith.constant 0 : i32
        %dma_start3A_148 = tpu.memref_slice %arg7[%add3A_83, %dma_start3A_147] : memref<163840x128xf32, #tpu.memory_space<hbm>> -> memref<80x128xf32, #tpu.memory_space<hbm>>
        %dma_start3A_149 = arith.constant 0 : i32
        %dma_start3A_150 = tpu.memref_slice %arg7[%add3A_83, %dma_start3A_149] : memref<163840x128xf32, #tpu.memory_space<hbm>> -> memref<80x128xf32, #tpu.memory_space<hbm>>
        %dma_start3A_151 = arith.constant 0 : i32
        %dma_start3A_152 = arith.constant 0 : i32
        %dma_start3A_153 = tpu.memref_slice %arg11[%run_scoped3A_108, %dma_start3A_151, %dma_start3A_152] : memref<2x80x128xf32, #tpu.memory_space<vmem>> -> memref<1x80x128xf32, #tpu.memory_space<vmem>>
        %dma_start3A_154 = tpu.memref_squeeze %dma_start3A_153 : memref<1x80x128xf32, #tpu.memory_space<vmem>> -> memref<80x128xf32, #tpu.memory_space<vmem>>
        tpu.enqueue_dma source(%dma_start3A_154 : memref<80x128xf32, #tpu.memory_space<vmem>>) target(%dma_start3A_150 : memref<80x128xf32, #tpu.memory_space<hbm>>) target_semaphore(%run_scoped3A_142 : memref<!tpu.dma_semaphore, #tpu.memory_space<semaphore_mem>>)
        %dma_wait3A_155 = arith.constant 0 : i32
        %dma_wait3A_156 = arith.constant 0 : i32
        %dma_wait3A_157 = tpu.memref_slice %arg11[%run_scoped3A_108, %dma_wait3A_155, %dma_wait3A_156] : memref<2x80x128xf32, #tpu.memory_space<vmem>> -> memref<1x80x128xf32, #tpu.memory_space<vmem>>
        %dma_wait3A_158 = tpu.memref_squeeze %dma_wait3A_157 : memref<1x80x128xf32, #tpu.memory_space<vmem>> -> memref<80x128xf32, #tpu.memory_space<vmem>>
        %dma_wait3A_159 = arith.constant 0 : i32
        %dma_wait3A_160 = tpu.memref_slice %arg7[%add3A_83, %dma_wait3A_159] : memref<163840x128xf32, #tpu.memory_space<hbm>> -> memref<80x128xf32, #tpu.memory_space<hbm>>
        %dma_wait3A_161 = arith.constant 0 : i32
        %dma_wait3A_162 = tpu.memref_slice %arg7[%add3A_83, %dma_wait3A_161] : memref<163840x128xf32, #tpu.memory_space<hbm>> -> memref<80x128xf32, #tpu.memory_space<hbm>>
        %dma_wait3A_163 = arith.constant 0 : i32
        %dma_wait3A_164 = arith.constant 0 : i32
        %dma_wait3A_165 = tpu.memref_slice %arg11[%run_scoped3A_108, %dma_wait3A_163, %dma_wait3A_164] : memref<2x80x128xf32, #tpu.memory_space<vmem>> -> memref<1x80x128xf32, #tpu.memory_space<vmem>>
        %dma_wait3A_166 = tpu.memref_squeeze %dma_wait3A_165 : memref<1x80x128xf32, #tpu.memory_space<vmem>> -> memref<80x128xf32, #tpu.memory_space<vmem>>
        tpu.wait_dma2 semaphore(%run_scoped3A_142 : memref<!tpu.dma_semaphore, #tpu.memory_space<semaphore_mem>>) src(%dma_wait3A_166 : memref<80x128xf32, #tpu.memory_space<vmem>>) dst(%dma_wait3A_162 : memref<80x128xf32, #tpu.memory_space<hbm>>)
        tpu.yield
      }) : () -> ()
      %add3A_109 = arith.constant 1 : i32
      %add3A_110 = arith.addi %mul3A_8, %add3A_109 : i32
      %mul3A_111 = arith.constant 5120 : i32
      %mul3A_112 = arith.muli %add3A, %mul3A_111 : i32
      %mul3A_113 = arith.constant 80 : i32
      %mul3A_114 = arith.muli %add3A_110, %mul3A_113 : i32
      %add3A_115 = arith.addi %mul3A_112, %mul3A_114 : i32
      %dma_wait3A_116 = arith.constant 1 : i32
      %dma_wait3A_117 = arith.constant 1 : i32
      %dma_wait3A_118 = arith.constant 0 : i32
      %dma_wait3A_119 = arith.constant 0 : i32
      %dma_wait3A_120 = tpu.memref_slice %arg10[%dma_wait3A_117, %dma_wait3A_118, %dma_wait3A_119] : memref<2x80x128xi32, #tpu.memory_space<vmem>> -> memref<1x80x128xi32, #tpu.memory_space<vmem>>
      %dma_wait3A_121 = tpu.memref_squeeze %dma_wait3A_120 : memref<1x80x128xi32, #tpu.memory_space<vmem>> -> memref<80x128xi32, #tpu.memory_space<vmem>>
      %dma_wait3A_122 = arith.constant 0 : i32
      %dma_wait3A_123 = tpu.memref_slice %arg8[%dma_wait3A_116, %dma_wait3A_122] : memref<2x80xi32, #tpu.memory_space<vmem>> -> memref<1x80xi32, #tpu.memory_space<vmem>>
      %dma_wait3A_124 = tpu.memref_squeeze %dma_wait3A_123 : memref<1x80xi32, #tpu.memory_space<vmem>> -> memref<80xi32, #tpu.memory_space<vmem>>
      %dma_wait3A_125 = arith.constant 0 : i32
      %dma_wait3A_126 = arith.constant 0 : i32
      %dma_wait3A_127 = tpu.memref_slice %arg2[%dma_wait3A_125, %dma_wait3A_126] : memref<10000x128xi32, #tpu.memory_space<hbm>> -> memref<10000x128xi32, #tpu.memory_space<hbm>>
      tpu.wait_indirect_dma semaphore(%arg14 : memref<!tpu.dma_semaphore, #tpu.memory_space<semaphore_mem>>) src(%dma_wait3A_127 : memref<10000x128xi32, #tpu.memory_space<hbm>>) dst(%dma_wait3A_121 : memref<80x128xi32, #tpu.memory_space<vmem>>)
      %run_scoped3A_128 = arith.constant 1 : i32
      "tpu.region"() ({
        %run_scoped3A_142 = tpu.sem_alloc : memref<!tpu.dma_semaphore, #tpu.memory_space<semaphore_mem>>
        %dma_start3A_143 = arith.constant 0 : i32
        %dma_start3A_144 = arith.constant 0 : i32
        %dma_start3A_145 = tpu.memref_slice %arg10[%run_scoped3A_128, %dma_start3A_143, %dma_start3A_144] : memref<2x80x128xi32, #tpu.memory_space<vmem>> -> memref<1x80x128xi32, #tpu.memory_space<vmem>>
        %dma_start3A_146 = tpu.memref_squeeze %dma_start3A_145 : memref<1x80x128xi32, #tpu.memory_space<vmem>> -> memref<80x128xi32, #tpu.memory_space<vmem>>
        %dma_start3A_147 = arith.constant 0 : i32
        %dma_start3A_148 = tpu.memref_slice %arg6[%add3A_115, %dma_start3A_147] : memref<163840x128xi32, #tpu.memory_space<hbm>> -> memref<80x128xi32, #tpu.memory_space<hbm>>
        %dma_start3A_149 = arith.constant 0 : i32
        %dma_start3A_150 = tpu.memref_slice %arg6[%add3A_115, %dma_start3A_149] : memref<163840x128xi32, #tpu.memory_space<hbm>> -> memref<80x128xi32, #tpu.memory_space<hbm>>
        %dma_start3A_151 = arith.constant 0 : i32
        %dma_start3A_152 = arith.constant 0 : i32
        %dma_start3A_153 = tpu.memref_slice %arg10[%run_scoped3A_128, %dma_start3A_151, %dma_start3A_152] : memref<2x80x128xi32, #tpu.memory_space<vmem>> -> memref<1x80x128xi32, #tpu.memory_space<vmem>>
        %dma_start3A_154 = tpu.memref_squeeze %dma_start3A_153 : memref<1x80x128xi32, #tpu.memory_space<vmem>> -> memref<80x128xi32, #tpu.memory_space<vmem>>
        tpu.enqueue_dma source(%dma_start3A_154 : memref<80x128xi32, #tpu.memory_space<vmem>>) target(%dma_start3A_150 : memref<80x128xi32, #tpu.memory_space<hbm>>) target_semaphore(%run_scoped3A_142 : memref<!tpu.dma_semaphore, #tpu.memory_space<semaphore_mem>>)
        %dma_wait3A_155 = arith.constant 0 : i32
        %dma_wait3A_156 = arith.constant 0 : i32
        %dma_wait3A_157 = tpu.memref_slice %arg10[%run_scoped3A_128, %dma_wait3A_155, %dma_wait3A_156] : memref<2x80x128xi32, #tpu.memory_space<vmem>> -> memref<1x80x128xi32, #tpu.memory_space<vmem>>
        %dma_wait3A_158 = tpu.memref_squeeze %dma_wait3A_157 : memref<1x80x128xi32, #tpu.memory_space<vmem>> -> memref<80x128xi32, #tpu.memory_space<vmem>>
        %dma_wait3A_159 = arith.constant 0 : i32
        %dma_wait3A_160 = tpu.memref_slice %arg6[%add3A_115, %dma_wait3A_159] : memref<163840x128xi32, #tpu.memory_space<hbm>> -> memref<80x128xi32, #tpu.memory_space<hbm>>
        %dma_wait3A_161 = arith.constant 0 : i32
        %dma_wait3A_162 = tpu.memref_slice %arg6[%add3A_115, %dma_wait3A_161] : memref<163840x128xi32, #tpu.memory_space<hbm>> -> memref<80x128xi32, #tpu.memory_space<hbm>>
        %dma_wait3A_163 = arith.constant 0 : i32
        %dma_wait3A_164 = arith.constant 0 : i32
        %dma_wait3A_165 = tpu.memref_slice %arg10[%run_scoped3A_128, %dma_wait3A_163, %dma_wait3A_164] : memref<2x80x128xi32, #tpu.memory_space<vmem>> -> memref<1x80x128xi32, #tpu.memory_space<vmem>>
        %dma_wait3A_166 = tpu.memref_squeeze %dma_wait3A_165 : memref<1x80x128xi32, #tpu.memory_space<vmem>> -> memref<80x128xi32, #tpu.memory_space<vmem>>
        tpu.wait_dma2 semaphore(%run_scoped3A_142 : memref<!tpu.dma_semaphore, #tpu.memory_space<semaphore_mem>>) src(%dma_wait3A_166 : memref<80x128xi32, #tpu.memory_space<vmem>>) dst(%dma_wait3A_162 : memref<80x128xi32, #tpu.memory_space<hbm>>)
        tpu.yield
      }) : () -> ()
      %dma_wait3A_129 = arith.constant 1 : i32
      %dma_wait3A_130 = arith.constant 1 : i32
      %dma_wait3A_131 = arith.constant 0 : i32
      %dma_wait3A_132 = arith.constant 0 : i32
      %dma_wait3A_133 = tpu.memref_slice %arg11[%dma_wait3A_130, %dma_wait3A_131, %dma_wait3A_132] : memref<2x80x128xf32, #tpu.memory_space<vmem>> -> memref<1x80x128xf32, #tpu.memory_space<vmem>>
      %dma_wait3A_134 = tpu.memref_squeeze %dma_wait3A_133 : memref<1x80x128xf32, #tpu.memory_space<vmem>> -> memref<80x128xf32, #tpu.memory_space<vmem>>
      %dma_wait3A_135 = arith.constant 0 : i32
      %dma_wait3A_136 = tpu.memref_slice %arg9[%dma_wait3A_129, %dma_wait3A_135] : memref<2x80xi32, #tpu.memory_space<vmem>> -> memref<1x80xi32, #tpu.memory_space<vmem>>
      %dma_wait3A_137 = tpu.memref_squeeze %dma_wait3A_136 : memref<1x80xi32, #tpu.memory_space<vmem>> -> memref<80xi32, #tpu.memory_space<vmem>>
      %dma_wait3A_138 = arith.constant 0 : i32
      %dma_wait3A_139 = arith.constant 0 : i32
      %dma_wait3A_140 = tpu.memref_slice %arg3[%dma_wait3A_138, %dma_wait3A_139] : memref<10000x128xf32, #tpu.memory_space<hbm>> -> memref<10000x128xf32, #tpu.memory_space<hbm>>
      tpu.wait_indirect_dma semaphore(%arg15 : memref<!tpu.dma_semaphore, #tpu.memory_space<semaphore_mem>>) src(%dma_wait3A_140 : memref<10000x128xf32, #tpu.memory_space<hbm>>) dst(%dma_wait3A_134 : memref<80x128xf32, #tpu.memory_space<vmem>>)
      %run_scoped3A_141 = arith.constant 1 : i32
      "tpu.region"() ({
        %run_scoped3A_142 = tpu.sem_alloc : memref<!tpu.dma_semaphore, #tpu.memory_space<semaphore_mem>>
        %dma_start3A_143 = arith.constant 0 : i32
        %dma_start3A_144 = arith.constant 0 : i32
        %dma_start3A_145 = tpu.memref_slice %arg11[%run_scoped3A_141, %dma_start3A_143, %dma_start3A_144] : memref<2x80x128xf32, #tpu.memory_space<vmem>> -> memref<1x80x128xf32, #tpu.memory_space<vmem>>
        %dma_start3A_146 = tpu.memref_squeeze %dma_start3A_145 : memref<1x80x128xf32, #tpu.memory_space<vmem>> -> memref<80x128xf32, #tpu.memory_space<vmem>>
        %dma_start3A_147 = arith.constant 0 : i32
        %dma_start3A_148 = tpu.memref_slice %arg7[%add3A_115, %dma_start3A_147] : memref<163840x128xf32, #tpu.memory_space<hbm>> -> memref<80x128xf32, #tpu.memory_space<hbm>>
        %dma_start3A_149 = arith.constant 0 : i32
        %dma_start3A_150 = tpu.memref_slice %arg7[%add3A_115, %dma_start3A_149] : memref<163840x128xf32, #tpu.memory_space<hbm>> -> memref<80x128xf32, #tpu.memory_space<hbm>>
        %dma_start3A_151 = arith.constant 0 : i32
        %dma_start3A_152 = arith.constant 0 : i32
        %dma_start3A_153 = tpu.memref_slice %arg11[%run_scoped3A_141, %dma_start3A_151, %dma_start3A_152] : memref<2x80x128xf32, #tpu.memory_space<vmem>> -> memref<1x80x128xf32, #tpu.memory_space<vmem>>
        %dma_start3A_154 = tpu.memref_squeeze %dma_start3A_153 : memref<1x80x128xf32, #tpu.memory_space<vmem>> -> memref<80x128xf32, #tpu.memory_space<vmem>>
        tpu.enqueue_dma source(%dma_start3A_154 : memref<80x128xf32, #tpu.memory_space<vmem>>) target(%dma_start3A_150 : memref<80x128xf32, #tpu.memory_space<hbm>>) target_semaphore(%run_scoped3A_142 : memref<!tpu.dma_semaphore, #tpu.memory_space<semaphore_mem>>)
        %dma_wait3A_155 = arith.constant 0 : i32
        %dma_wait3A_156 = arith.constant 0 : i32
        %dma_wait3A_157 = tpu.memref_slice %arg11[%run_scoped3A_141, %dma_wait3A_155, %dma_wait3A_156] : memref<2x80x128xf32, #tpu.memory_space<vmem>> -> memref<1x80x128xf32, #tpu.memory_space<vmem>>
        %dma_wait3A_158 = tpu.memref_squeeze %dma_wait3A_157 : memref<1x80x128xf32, #tpu.memory_space<vmem>> -> memref<80x128xf32, #tpu.memory_space<vmem>>
        %dma_wait3A_159 = arith.constant 0 : i32
        %dma_wait3A_160 = tpu.memref_slice %arg7[%add3A_115, %dma_wait3A_159] : memref<163840x128xf32, #tpu.memory_space<hbm>> -> memref<80x128xf32, #tpu.memory_space<hbm>>
        %dma_wait3A_161 = arith.constant 0 : i32
        %dma_wait3A_162 = tpu.memref_slice %arg7[%add3A_115, %dma_wait3A_161] : memref<163840x128xf32, #tpu.memory_space<hbm>> -> memref<80x128xf32, #tpu.memory_space<hbm>>
        %dma_wait3A_163 = arith.constant 0 : i32
        %dma_wait3A_164 = arith.constant 0 : i32
        %dma_wait3A_165 = tpu.memref_slice %arg11[%run_scoped3A_141, %dma_wait3A_163, %dma_wait3A_164] : memref<2x80x128xf32, #tpu.memory_space<vmem>> -> memref<1x80x128xf32, #tpu.memory_space<vmem>>
        %dma_wait3A_166 = tpu.memref_squeeze %dma_wait3A_165 : memref<1x80x128xf32, #tpu.memory_space<vmem>> -> memref<80x128xf32, #tpu.memory_space<vmem>>
        tpu.wait_dma2 semaphore(%run_scoped3A_142 : memref<!tpu.dma_semaphore, #tpu.memory_space<semaphore_mem>>) src(%dma_wait3A_166 : memref<80x128xf32, #tpu.memory_space<vmem>>) dst(%dma_wait3A_162 : memref<80x128xf32, #tpu.memory_space<hbm>>)
        tpu.yield
      }) : () -> ()
    }
    %scan3A_5 = arith.constant 32 : i32
    return
  }
}

#map = affine_map<(d0, d1) -> (0, 0)>
#map1 = affine_map<(d0, d1) -> (0)>
module attributes {stable_mosaic.version = 14 : i64} {
  func.func @_sc_scatter_body(%arg0: i32, %arg1: i32, %arg2: memref<156160x128xf32, #tpu.memory_space<hbm>>, %arg3: memref<156160x128xf32, #tpu.memory_space<hbm>>, %arg4: memref<320000xi32, #tpu.memory_space<hbm>>, %arg5: memref<10000x128xf32, #tpu.memory_space<hbm>>, %arg6: memref<10000x128xf32, #tpu.memory_space<hbm>>, %arg7: memref<10240x128xf32, #tpu.memory_space<vmem_shared>>, %arg8: memref<16x128xf32, #tpu.memory_space<vmem>>, %arg9: memref<160xi32, #tpu.memory_space<vmem>>, %arg10: memref<160x128xf32, #tpu.memory_space<vmem>>) attributes {dimension_semantics = [#tpu.dimension_semantics<core_parallel>, #tpu.dimension_semantics<subcore_parallel>], iteration_bounds = array<i64: 2, 16>, scalar_prefetch = 0 : i64, scratch_operands = 4 : i64, tpu.core_type = #tpu.core_type<sc_vector_subcore>, window_params = [{transform_indices = #map}, {transform_indices = #map}, {transform_indices = #map1}, {transform_indices = #map}, {transform_indices = #map}]} {
    %broadcast_in_dim3A = arith.constant 0.000000e+00 : f32
    %broadcast_in_dim3A_0 = vector.broadcast %broadcast_in_dim3A : f32 to vector<16xf32>
    %swap3A = arith.constant 0 : i32
    %swap3A_1 = arith.index_cast %swap3A : i32 to index
    %swap3A_2 = arith.constant 0 : index
    %swap3A_3 = tpu.vector_load %arg8[%swap3A_1, %swap3A_2] {strides = array<i32>} : memref<16x128xf32, #tpu.memory_space<vmem>>, vector<1x16xf32>,
    %swap3A_4 = vector.shape_cast %swap3A_3 : vector<1x16xf32> to vector<16xf32>
    %swap3A_5 = vector.shape_cast %broadcast_in_dim3A_0 : vector<16xf32> to vector<1x16xf32>
    tpu.vector_store %arg8[%swap3A_1, %swap3A_2], %swap3A_5 {strides = array<i32>} : memref<16x128xf32, #tpu.memory_space<vmem>>, vector<1x16xf32>,
    %swap3A_6 = arith.constant 0 : i32
    %swap3A_7 = arith.index_cast %swap3A_6 : i32 to index
    %swap3A_8 = arith.constant 16 : index
    %swap3A_9 = tpu.vector_load %arg8[%swap3A_7, %swap3A_8] {strides = array<i32>} : memref<16x128xf32, #tpu.memory_space<vmem>>, vector<1x16xf32>,
    %swap3A_10 = vector.shape_cast %swap3A_9 : vector<1x16xf32> to vector<16xf32>
    %swap3A_11 = vector.shape_cast %broadcast_in_dim3A_0 : vector<16xf32> to vector<1x16xf32>
    tpu.vector_store %arg8[%swap3A_7, %swap3A_8], %swap3A_11 {strides = array<i32>} : memref<16x128xf32, #tpu.memory_space<vmem>>, vector<1x16xf32>,
    %swap3A_12 = arith.constant 0 : i32
    %swap3A_13 = arith.index_cast %swap3A_12 : i32 to index
    %swap3A_14 = arith.constant 32 : index
    %swap3A_15 = tpu.vector_load %arg8[%swap3A_13, %swap3A_14] {strides = array<i32>} : memref<16x128xf32, #tpu.memory_space<vmem>>, vector<1x16xf32>,
    %swap3A_16 = vector.shape_cast %swap3A_15 : vector<1x16xf32> to vector<16xf32>
    %swap3A_17 = vector.shape_cast %broadcast_in_dim3A_0 : vector<16xf32> to vector<1x16xf32>
    tpu.vector_store %arg8[%swap3A_13, %swap3A_14], %swap3A_17 {strides = array<i32>} : memref<16x128xf32, #tpu.memory_space<vmem>>, vector<1x16xf32>,
    %swap3A_18 = arith.constant 0 : i32
    %swap3A_19 = arith.index_cast %swap3A_18 : i32 to index
    %swap3A_20 = arith.constant 48 : index
    %swap3A_21 = tpu.vector_load %arg8[%swap3A_19, %swap3A_20] {strides = array<i32>} : memref<16x128xf32, #tpu.memory_space<vmem>>, vector<1x16xf32>,
    %swap3A_22 = vector.shape_cast %swap3A_21 : vector<1x16xf32> to vector<16xf32>
    %swap3A_23 = vector.shape_cast %broadcast_in_dim3A_0 : vector<16xf32> to vector<1x16xf32>
    tpu.vector_store %arg8[%swap3A_19, %swap3A_20], %swap3A_23 {strides = array<i32>} : memref<16x128xf32, #tpu.memory_space<vmem>>, vector<1x16xf32>,
    %swap3A_24 = arith.constant 0 : i32
    %swap3A_25 = arith.index_cast %swap3A_24 : i32 to index
    %swap3A_26 = arith.constant 64 : index
    %swap3A_27 = tpu.vector_load %arg8[%swap3A_25, %swap3A_26] {strides = array<i32>} : memref<16x128xf32, #tpu.memory_space<vmem>>, vector<1x16xf32>,
    %swap3A_28 = vector.shape_cast %swap3A_27 : vector<1x16xf32> to vector<16xf32>
    %swap3A_29 = vector.shape_cast %broadcast_in_dim3A_0 : vector<16xf32> to vector<1x16xf32>
    tpu.vector_store %arg8[%swap3A_25, %swap3A_26], %swap3A_29 {strides = array<i32>} : memref<16x128xf32, #tpu.memory_space<vmem>>, vector<1x16xf32>,
    %swap3A_30 = arith.constant 0 : i32
    %swap3A_31 = arith.index_cast %swap3A_30 : i32 to index
    %swap3A_32 = arith.constant 80 : index
    %swap3A_33 = tpu.vector_load %arg8[%swap3A_31, %swap3A_32] {strides = array<i32>} : memref<16x128xf32, #tpu.memory_space<vmem>>, vector<1x16xf32>,
    %swap3A_34 = vector.shape_cast %swap3A_33 : vector<1x16xf32> to vector<16xf32>
    %swap3A_35 = vector.shape_cast %broadcast_in_dim3A_0 : vector<16xf32> to vector<1x16xf32>
    tpu.vector_store %arg8[%swap3A_31, %swap3A_32], %swap3A_35 {strides = array<i32>} : memref<16x128xf32, #tpu.memory_space<vmem>>, vector<1x16xf32>,
    %swap3A_36 = arith.constant 0 : i32
    %swap3A_37 = arith.index_cast %swap3A_36 : i32 to index
    %swap3A_38 = arith.constant 96 : index
    %swap3A_39 = tpu.vector_load %arg8[%swap3A_37, %swap3A_38] {strides = array<i32>} : memref<16x128xf32, #tpu.memory_space<vmem>>, vector<1x16xf32>,
    %swap3A_40 = vector.shape_cast %swap3A_39 : vector<1x16xf32> to vector<16xf32>
    %swap3A_41 = vector.shape_cast %broadcast_in_dim3A_0 : vector<16xf32> to vector<1x16xf32>
    tpu.vector_store %arg8[%swap3A_37, %swap3A_38], %swap3A_41 {strides = array<i32>} : memref<16x128xf32, #tpu.memory_space<vmem>>, vector<1x16xf32>,
    %swap3A_42 = arith.constant 0 : i32
    %swap3A_43 = arith.index_cast %swap3A_42 : i32 to index
    %swap3A_44 = arith.constant 112 : index
    %swap3A_45 = tpu.vector_load %arg8[%swap3A_43, %swap3A_44] {strides = array<i32>} : memref<16x128xf32, #tpu.memory_space<vmem>>, vector<1x16xf32>,
    %swap3A_46 = vector.shape_cast %swap3A_45 : vector<1x16xf32> to vector<16xf32>
    %swap3A_47 = vector.shape_cast %broadcast_in_dim3A_0 : vector<16xf32> to vector<1x16xf32>
    tpu.vector_store %arg8[%swap3A_43, %swap3A_44], %swap3A_47 {strides = array<i32>} : memref<16x128xf32, #tpu.memory_space<vmem>>, vector<1x16xf32>,
    %swap3A_48 = arith.constant 1 : i32
    %swap3A_49 = arith.index_cast %swap3A_48 : i32 to index
    %swap3A_50 = arith.constant 0 : index
    %swap3A_51 = tpu.vector_load %arg8[%swap3A_49, %swap3A_50] {strides = array<i32>} : memref<16x128xf32, #tpu.memory_space<vmem>>, vector<1x16xf32>,
    %swap3A_52 = vector.shape_cast %swap3A_51 : vector<1x16xf32> to vector<16xf32>
    %swap3A_53 = vector.shape_cast %broadcast_in_dim3A_0 : vector<16xf32> to vector<1x16xf32>
    tpu.vector_store %arg8[%swap3A_49, %swap3A_50], %swap3A_53 {strides = array<i32>} : memref<16x128xf32, #tpu.memory_space<vmem>>, vector<1x16xf32>,
    %swap3A_54 = arith.constant 1 : i32
    %swap3A_55 = arith.index_cast %swap3A_54 : i32 to index
    %swap3A_56 = arith.constant 16 : index
    %swap3A_57 = tpu.vector_load %arg8[%swap3A_55, %swap3A_56] {strides = array<i32>} : memref<16x128xf32, #tpu.memory_space<vmem>>, vector<1x16xf32>,
    %swap3A_58 = vector.shape_cast %swap3A_57 : vector<1x16xf32> to vector<16xf32>
    %swap3A_59 = vector.shape_cast %broadcast_in_dim3A_0 : vector<16xf32> to vector<1x16xf32>
    tpu.vector_store %arg8[%swap3A_55, %swap3A_56], %swap3A_59 {strides = array<i32>} : memref<16x128xf32, #tpu.memory_space<vmem>>, vector<1x16xf32>,
    %swap3A_60 = arith.constant 1 : i32
    %swap3A_61 = arith.index_cast %swap3A_60 : i32 to index
    %swap3A_62 = arith.constant 32 : index
    %swap3A_63 = tpu.vector_load %arg8[%swap3A_61, %swap3A_62] {strides = array<i32>} : memref<16x128xf32, #tpu.memory_space<vmem>>, vector<1x16xf32>,
    %swap3A_64 = vector.shape_cast %swap3A_63 : vector<1x16xf32> to vector<16xf32>
    %swap3A_65 = vector.shape_cast %broadcast_in_dim3A_0 : vector<16xf32> to vector<1x16xf32>
    tpu.vector_store %arg8[%swap3A_61, %swap3A_62], %swap3A_65 {strides = array<i32>} : memref<16x128xf32, #tpu.memory_space<vmem>>, vector<1x16xf32>,
    %swap3A_66 = arith.constant 1 : i32
    %swap3A_67 = arith.index_cast %swap3A_66 : i32 to index
    %swap3A_68 = arith.constant 48 : index
    %swap3A_69 = tpu.vector_load %arg8[%swap3A_67, %swap3A_68] {strides = array<i32>} : memref<16x128xf32, #tpu.memory_space<vmem>>, vector<1x16xf32>,
    %swap3A_70 = vector.shape_cast %swap3A_69 : vector<1x16xf32> to vector<16xf32>
    %swap3A_71 = vector.shape_cast %broadcast_in_dim3A_0 : vector<16xf32> to vector<1x16xf32>
    tpu.vector_store %arg8[%swap3A_67, %swap3A_68], %swap3A_71 {strides = array<i32>} : memref<16x128xf32, #tpu.memory_space<vmem>>, vector<1x16xf32>,
    %swap3A_72 = arith.constant 1 : i32
    %swap3A_73 = arith.index_cast %swap3A_72 : i32 to index
    %swap3A_74 = arith.constant 64 : index
    %swap3A_75 = tpu.vector_load %arg8[%swap3A_73, %swap3A_74] {strides = array<i32>} : memref<16x128xf32, #tpu.memory_space<vmem>>, vector<1x16xf32>,
    %swap3A_76 = vector.shape_cast %swap3A_75 : vector<1x16xf32> to vector<16xf32>
    %swap3A_77 = vector.shape_cast %broadcast_in_dim3A_0 : vector<16xf32> to vector<1x16xf32>
    tpu.vector_store %arg8[%swap3A_73, %swap3A_74], %swap3A_77 {strides = array<i32>} : memref<16x128xf32, #tpu.memory_space<vmem>>, vector<1x16xf32>,
    %swap3A_78 = arith.constant 1 : i32
    %swap3A_79 = arith.index_cast %swap3A_78 : i32 to index
    %swap3A_80 = arith.constant 80 : index
    %swap3A_81 = tpu.vector_load %arg8[%swap3A_79, %swap3A_80] {strides = array<i32>} : memref<16x128xf32, #tpu.memory_space<vmem>>, vector<1x16xf32>,
    %swap3A_82 = vector.shape_cast %swap3A_81 : vector<1x16xf32> to vector<16xf32>
    %swap3A_83 = vector.shape_cast %broadcast_in_dim3A_0 : vector<16xf32> to vector<1x16xf32>
    tpu.vector_store %arg8[%swap3A_79, %swap3A_80], %swap3A_83 {strides = array<i32>} : memref<16x128xf32, #tpu.memory_space<vmem>>, vector<1x16xf32>,
    %swap3A_84 = arith.constant 1 : i32
    %swap3A_85 = arith.index_cast %swap3A_84 : i32 to index
    %swap3A_86 = arith.constant 96 : index
    %swap3A_87 = tpu.vector_load %arg8[%swap3A_85, %swap3A_86] {strides = array<i32>} : memref<16x128xf32, #tpu.memory_space<vmem>>, vector<1x16xf32>,
    %swap3A_88 = vector.shape_cast %swap3A_87 : vector<1x16xf32> to vector<16xf32>
    %swap3A_89 = vector.shape_cast %broadcast_in_dim3A_0 : vector<16xf32> to vector<1x16xf32>
    tpu.vector_store %arg8[%swap3A_85, %swap3A_86], %swap3A_89 {strides = array<i32>} : memref<16x128xf32, #tpu.memory_space<vmem>>, vector<1x16xf32>,
    %swap3A_90 = arith.constant 1 : i32
    %swap3A_91 = arith.index_cast %swap3A_90 : i32 to index
    %swap3A_92 = arith.constant 112 : index
    %swap3A_93 = tpu.vector_load %arg8[%swap3A_91, %swap3A_92] {strides = array<i32>} : memref<16x128xf32, #tpu.memory_space<vmem>>, vector<1x16xf32>,
    %swap3A_94 = vector.shape_cast %swap3A_93 : vector<1x16xf32> to vector<16xf32>
    %swap3A_95 = vector.shape_cast %broadcast_in_dim3A_0 : vector<16xf32> to vector<1x16xf32>
    tpu.vector_store %arg8[%swap3A_91, %swap3A_92], %swap3A_95 {strides = array<i32>} : memref<16x128xf32, #tpu.memory_space<vmem>>, vector<1x16xf32>,
    %swap3A_96 = arith.constant 2 : i32
    %swap3A_97 = arith.index_cast %swap3A_96 : i32 to index
    %swap3A_98 = arith.constant 0 : index
    %swap3A_99 = tpu.vector_load %arg8[%swap3A_97, %swap3A_98] {strides = array<i32>} : memref<16x128xf32, #tpu.memory_space<vmem>>, vector<1x16xf32>,
    %swap3A_100 = vector.shape_cast %swap3A_99 : vector<1x16xf32> to vector<16xf32>
    %swap3A_101 = vector.shape_cast %broadcast_in_dim3A_0 : vector<16xf32> to vector<1x16xf32>
    tpu.vector_store %arg8[%swap3A_97, %swap3A_98], %swap3A_101 {strides = array<i32>} : memref<16x128xf32, #tpu.memory_space<vmem>>, vector<1x16xf32>,
    %swap3A_102 = arith.constant 2 : i32
    %swap3A_103 = arith.index_cast %swap3A_102 : i32 to index
    %swap3A_104 = arith.constant 16 : index
    %swap3A_105 = tpu.vector_load %arg8[%swap3A_103, %swap3A_104] {strides = array<i32>} : memref<16x128xf32, #tpu.memory_space<vmem>>, vector<1x16xf32>,
    %swap3A_106 = vector.shape_cast %swap3A_105 : vector<1x16xf32> to vector<16xf32>
    %swap3A_107 = vector.shape_cast %broadcast_in_dim3A_0 : vector<16xf32> to vector<1x16xf32>
    tpu.vector_store %arg8[%swap3A_103, %swap3A_104], %swap3A_107 {strides = array<i32>} : memref<16x128xf32, #tpu.memory_space<vmem>>, vector<1x16xf32>,
    %swap3A_108 = arith.constant 2 : i32
    %swap3A_109 = arith.index_cast %swap3A_108 : i32 to index
    %swap3A_110 = arith.constant 32 : index
    %swap3A_111 = tpu.vector_load %arg8[%swap3A_109, %swap3A_110] {strides = array<i32>} : memref<16x128xf32, #tpu.memory_space<vmem>>, vector<1x16xf32>,
    %swap3A_112 = vector.shape_cast %swap3A_111 : vector<1x16xf32> to vector<16xf32>
    %swap3A_113 = vector.shape_cast %broadcast_in_dim3A_0 : vector<16xf32> to vector<1x16xf32>
    tpu.vector_store %arg8[%swap3A_109, %swap3A_110], %swap3A_113 {strides = array<i32>} : memref<16x128xf32, #tpu.memory_space<vmem>>, vector<1x16xf32>,
    %swap3A_114 = arith.constant 2 : i32
    %swap3A_115 = arith.index_cast %swap3A_114 : i32 to index
    %swap3A_116 = arith.constant 48 : index
    %swap3A_117 = tpu.vector_load %arg8[%swap3A_115, %swap3A_116] {strides = array<i32>} : memref<16x128xf32, #tpu.memory_space<vmem>>, vector<1x16xf32>,
    %swap3A_118 = vector.shape_cast %swap3A_117 : vector<1x16xf32> to vector<16xf32>
    %swap3A_119 = vector.shape_cast %broadcast_in_dim3A_0 : vector<16xf32> to vector<1x16xf32>
    tpu.vector_store %arg8[%swap3A_115, %swap3A_116], %swap3A_119 {strides = array<i32>} : memref<16x128xf32, #tpu.memory_space<vmem>>, vector<1x16xf32>,
    %swap3A_120 = arith.constant 2 : i32
    %swap3A_121 = arith.index_cast %swap3A_120 : i32 to index
    %swap3A_122 = arith.constant 64 : index
    %swap3A_123 = tpu.vector_load %arg8[%swap3A_121, %swap3A_122] {strides = array<i32>} : memref<16x128xf32, #tpu.memory_space<vmem>>, vector<1x16xf32>,
    %swap3A_124 = vector.shape_cast %swap3A_123 : vector<1x16xf32> to vector<16xf32>
    %swap3A_125 = vector.shape_cast %broadcast_in_dim3A_0 : vector<16xf32> to vector<1x16xf32>
    tpu.vector_store %arg8[%swap3A_121, %swap3A_122], %swap3A_125 {strides = array<i32>} : memref<16x128xf32, #tpu.memory_space<vmem>>, vector<1x16xf32>,
    %swap3A_126 = arith.constant 2 : i32
    %swap3A_127 = arith.index_cast %swap3A_126 : i32 to index
    %swap3A_128 = arith.constant 80 : index
    %swap3A_129 = tpu.vector_load %arg8[%swap3A_127, %swap3A_128] {strides = array<i32>} : memref<16x128xf32, #tpu.memory_space<vmem>>, vector<1x16xf32>,
    %swap3A_130 = vector.shape_cast %swap3A_129 : vector<1x16xf32> to vector<16xf32>
    %swap3A_131 = vector.shape_cast %broadcast_in_dim3A_0 : vector<16xf32> to vector<1x16xf32>
    tpu.vector_store %arg8[%swap3A_127, %swap3A_128], %swap3A_131 {strides = array<i32>} : memref<16x128xf32, #tpu.memory_space<vmem>>, vector<1x16xf32>,
    %swap3A_132 = arith.constant 2 : i32
    %swap3A_133 = arith.index_cast %swap3A_132 : i32 to index
    %swap3A_134 = arith.constant 96 : index
    %swap3A_135 = tpu.vector_load %arg8[%swap3A_133, %swap3A_134] {strides = array<i32>} : memref<16x128xf32, #tpu.memory_space<vmem>>, vector<1x16xf32>,
    %swap3A_136 = vector.shape_cast %swap3A_135 : vector<1x16xf32> to vector<16xf32>
    %swap3A_137 = vector.shape_cast %broadcast_in_dim3A_0 : vector<16xf32> to vector<1x16xf32>
    tpu.vector_store %arg8[%swap3A_133, %swap3A_134], %swap3A_137 {strides = array<i32>} : memref<16x128xf32, #tpu.memory_space<vmem>>, vector<1x16xf32>,
    %swap3A_138 = arith.constant 2 : i32
    %swap3A_139 = arith.index_cast %swap3A_138 : i32 to index
    %swap3A_140 = arith.constant 112 : index
    %swap3A_141 = tpu.vector_load %arg8[%swap3A_139, %swap3A_140] {strides = array<i32>} : memref<16x128xf32, #tpu.memory_space<vmem>>, vector<1x16xf32>,
    %swap3A_142 = vector.shape_cast %swap3A_141 : vector<1x16xf32> to vector<16xf32>
    %swap3A_143 = vector.shape_cast %broadcast_in_dim3A_0 : vector<16xf32> to vector<1x16xf32>
    tpu.vector_store %arg8[%swap3A_139, %swap3A_140], %swap3A_143 {strides = array<i32>} : memref<16x128xf32, #tpu.memory_space<vmem>>, vector<1x16xf32>,
    %swap3A_144 = arith.constant 3 : i32
    %swap3A_145 = arith.index_cast %swap3A_144 : i32 to index
    %swap3A_146 = arith.constant 0 : index
    %swap3A_147 = tpu.vector_load %arg8[%swap3A_145, %swap3A_146] {strides = array<i32>} : memref<16x128xf32, #tpu.memory_space<vmem>>, vector<1x16xf32>,
    %swap3A_148 = vector.shape_cast %swap3A_147 : vector<1x16xf32> to vector<16xf32>
    %swap3A_149 = vector.shape_cast %broadcast_in_dim3A_0 : vector<16xf32> to vector<1x16xf32>
    tpu.vector_store %arg8[%swap3A_145, %swap3A_146], %swap3A_149 {strides = array<i32>} : memref<16x128xf32, #tpu.memory_space<vmem>>, vector<1x16xf32>,
    %swap3A_150 = arith.constant 3 : i32
    %swap3A_151 = arith.index_cast %swap3A_150 : i32 to index
    %swap3A_152 = arith.constant 16 : index
    %swap3A_153 = tpu.vector_load %arg8[%swap3A_151, %swap3A_152] {strides = array<i32>} : memref<16x128xf32, #tpu.memory_space<vmem>>, vector<1x16xf32>,
    %swap3A_154 = vector.shape_cast %swap3A_153 : vector<1x16xf32> to vector<16xf32>
    %swap3A_155 = vector.shape_cast %broadcast_in_dim3A_0 : vector<16xf32> to vector<1x16xf32>
    tpu.vector_store %arg8[%swap3A_151, %swap3A_152], %swap3A_155 {strides = array<i32>} : memref<16x128xf32, #tpu.memory_space<vmem>>, vector<1x16xf32>,
    %swap3A_156 = arith.constant 3 : i32
    %swap3A_157 = arith.index_cast %swap3A_156 : i32 to index
    %swap3A_158 = arith.constant 32 : index
    %swap3A_159 = tpu.vector_load %arg8[%swap3A_157, %swap3A_158] {strides = array<i32>} : memref<16x128xf32, #tpu.memory_space<vmem>>, vector<1x16xf32>,
    %swap3A_160 = vector.shape_cast %swap3A_159 : vector<1x16xf32> to vector<16xf32>
    %swap3A_161 = vector.shape_cast %broadcast_in_dim3A_0 : vector<16xf32> to vector<1x16xf32>
    tpu.vector_store %arg8[%swap3A_157, %swap3A_158], %swap3A_161 {strides = array<i32>} : memref<16x128xf32, #tpu.memory_space<vmem>>, vector<1x16xf32>,
    %swap3A_162 = arith.constant 3 : i32
    %swap3A_163 = arith.index_cast %swap3A_162 : i32 to index
    %swap3A_164 = arith.constant 48 : index
    %swap3A_165 = tpu.vector_load %arg8[%swap3A_163, %swap3A_164] {strides = array<i32>} : memref<16x128xf32, #tpu.memory_space<vmem>>, vector<1x16xf32>,
    %swap3A_166 = vector.shape_cast %swap3A_165 : vector<1x16xf32> to vector<16xf32>
    %swap3A_167 = vector.shape_cast %broadcast_in_dim3A_0 : vector<16xf32> to vector<1x16xf32>
    tpu.vector_store %arg8[%swap3A_163, %swap3A_164], %swap3A_167 {strides = array<i32>} : memref<16x128xf32, #tpu.memory_space<vmem>>, vector<1x16xf32>,
    %swap3A_168 = arith.constant 3 : i32
    %swap3A_169 = arith.index_cast %swap3A_168 : i32 to index
    %swap3A_170 = arith.constant 64 : index
    %swap3A_171 = tpu.vector_load %arg8[%swap3A_169, %swap3A_170] {strides = array<i32>} : memref<16x128xf32, #tpu.memory_space<vmem>>, vector<1x16xf32>,
    %swap3A_172 = vector.shape_cast %swap3A_171 : vector<1x16xf32> to vector<16xf32>
    %swap3A_173 = vector.shape_cast %broadcast_in_dim3A_0 : vector<16xf32> to vector<1x16xf32>
    tpu.vector_store %arg8[%swap3A_169, %swap3A_170], %swap3A_173 {strides = array<i32>} : memref<16x128xf32, #tpu.memory_space<vmem>>, vector<1x16xf32>,
    %swap3A_174 = arith.constant 3 : i32
    %swap3A_175 = arith.index_cast %swap3A_174 : i32 to index
    %swap3A_176 = arith.constant 80 : index
    %swap3A_177 = tpu.vector_load %arg8[%swap3A_175, %swap3A_176] {strides = array<i32>} : memref<16x128xf32, #tpu.memory_space<vmem>>, vector<1x16xf32>,
    %swap3A_178 = vector.shape_cast %swap3A_177 : vector<1x16xf32> to vector<16xf32>
    %swap3A_179 = vector.shape_cast %broadcast_in_dim3A_0 : vector<16xf32> to vector<1x16xf32>
    tpu.vector_store %arg8[%swap3A_175, %swap3A_176], %swap3A_179 {strides = array<i32>} : memref<16x128xf32, #tpu.memory_space<vmem>>, vector<1x16xf32>,
    %swap3A_180 = arith.constant 3 : i32
    %swap3A_181 = arith.index_cast %swap3A_180 : i32 to index
    %swap3A_182 = arith.constant 96 : index
    %swap3A_183 = tpu.vector_load %arg8[%swap3A_181, %swap3A_182] {strides = array<i32>} : memref<16x128xf32, #tpu.memory_space<vmem>>, vector<1x16xf32>,
    %swap3A_184 = vector.shape_cast %swap3A_183 : vector<1x16xf32> to vector<16xf32>
    %swap3A_185 = vector.shape_cast %broadcast_in_dim3A_0 : vector<16xf32> to vector<1x16xf32>
    tpu.vector_store %arg8[%swap3A_181, %swap3A_182], %swap3A_185 {strides = array<i32>} : memref<16x128xf32, #tpu.memory_space<vmem>>, vector<1x16xf32>,
    %swap3A_186 = arith.constant 3 : i32
    %swap3A_187 = arith.index_cast %swap3A_186 : i32 to index
    %swap3A_188 = arith.constant 112 : index
    %swap3A_189 = tpu.vector_load %arg8[%swap3A_187, %swap3A_188] {strides = array<i32>} : memref<16x128xf32, #tpu.memory_space<vmem>>, vector<1x16xf32>,
    %swap3A_190 = vector.shape_cast %swap3A_189 : vector<1x16xf32> to vector<16xf32>
    %swap3A_191 = vector.shape_cast %broadcast_in_dim3A_0 : vector<16xf32> to vector<1x16xf32>
    tpu.vector_store %arg8[%swap3A_187, %swap3A_188], %swap3A_191 {strides = array<i32>} : memref<16x128xf32, #tpu.memory_space<vmem>>, vector<1x16xf32>,
    %swap3A_192 = arith.constant 4 : i32
    %swap3A_193 = arith.index_cast %swap3A_192 : i32 to index
    %swap3A_194 = arith.constant 0 : index
    %swap3A_195 = tpu.vector_load %arg8[%swap3A_193, %swap3A_194] {strides = array<i32>} : memref<16x128xf32, #tpu.memory_space<vmem>>, vector<1x16xf32>,
    %swap3A_196 = vector.shape_cast %swap3A_195 : vector<1x16xf32> to vector<16xf32>
    %swap3A_197 = vector.shape_cast %broadcast_in_dim3A_0 : vector<16xf32> to vector<1x16xf32>
    tpu.vector_store %arg8[%swap3A_193, %swap3A_194], %swap3A_197 {strides = array<i32>} : memref<16x128xf32, #tpu.memory_space<vmem>>, vector<1x16xf32>,
    %swap3A_198 = arith.constant 4 : i32
    %swap3A_199 = arith.index_cast %swap3A_198 : i32 to index
    %swap3A_200 = arith.constant 16 : index
    %swap3A_201 = tpu.vector_load %arg8[%swap3A_199, %swap3A_200] {strides = array<i32>} : memref<16x128xf32, #tpu.memory_space<vmem>>, vector<1x16xf32>,
    %swap3A_202 = vector.shape_cast %swap3A_201 : vector<1x16xf32> to vector<16xf32>
    %swap3A_203 = vector.shape_cast %broadcast_in_dim3A_0 : vector<16xf32> to vector<1x16xf32>
    tpu.vector_store %arg8[%swap3A_199, %swap3A_200], %swap3A_203 {strides = array<i32>} : memref<16x128xf32, #tpu.memory_space<vmem>>, vector<1x16xf32>,
    %swap3A_204 = arith.constant 4 : i32
    %swap3A_205 = arith.index_cast %swap3A_204 : i32 to index
    %swap3A_206 = arith.constant 32 : index
    %swap3A_207 = tpu.vector_load %arg8[%swap3A_205, %swap3A_206] {strides = array<i32>} : memref<16x128xf32, #tpu.memory_space<vmem>>, vector<1x16xf32>,
    %swap3A_208 = vector.shape_cast %swap3A_207 : vector<1x16xf32> to vector<16xf32>
    %swap3A_209 = vector.shape_cast %broadcast_in_dim3A_0 : vector<16xf32> to vector<1x16xf32>
    tpu.vector_store %arg8[%swap3A_205, %swap3A_206], %swap3A_209 {strides = array<i32>} : memref<16x128xf32, #tpu.memory_space<vmem>>, vector<1x16xf32>,
    %swap3A_210 = arith.constant 4 : i32
    %swap3A_211 = arith.index_cast %swap3A_210 : i32 to index
    %swap3A_212 = arith.constant 48 : index
    %swap3A_213 = tpu.vector_load %arg8[%swap3A_211, %swap3A_212] {strides = array<i32>} : memref<16x128xf32, #tpu.memory_space<vmem>>, vector<1x16xf32>,
    %swap3A_214 = vector.shape_cast %swap3A_213 : vector<1x16xf32> to vector<16xf32>
    %swap3A_215 = vector.shape_cast %broadcast_in_dim3A_0 : vector<16xf32> to vector<1x16xf32>
    tpu.vector_store %arg8[%swap3A_211, %swap3A_212], %swap3A_215 {strides = array<i32>} : memref<16x128xf32, #tpu.memory_space<vmem>>, vector<1x16xf32>,
    %swap3A_216 = arith.constant 4 : i32
    %swap3A_217 = arith.index_cast %swap3A_216 : i32 to index
    %swap3A_218 = arith.constant 64 : index
    %swap3A_219 = tpu.vector_load %arg8[%swap3A_217, %swap3A_218] {strides = array<i32>} : memref<16x128xf32, #tpu.memory_space<vmem>>, vector<1x16xf32>,
    %swap3A_220 = vector.shape_cast %swap3A_219 : vector<1x16xf32> to vector<16xf32>
    %swap3A_221 = vector.shape_cast %broadcast_in_dim3A_0 : vector<16xf32> to vector<1x16xf32>
    tpu.vector_store %arg8[%swap3A_217, %swap3A_218], %swap3A_221 {strides = array<i32>} : memref<16x128xf32, #tpu.memory_space<vmem>>, vector<1x16xf32>,
    %swap3A_222 = arith.constant 4 : i32
    %swap3A_223 = arith.index_cast %swap3A_222 : i32 to index
    %swap3A_224 = arith.constant 80 : index
    %swap3A_225 = tpu.vector_load %arg8[%swap3A_223, %swap3A_224] {strides = array<i32>} : memref<16x128xf32, #tpu.memory_space<vmem>>, vector<1x16xf32>,
    %swap3A_226 = vector.shape_cast %swap3A_225 : vector<1x16xf32> to vector<16xf32>
    %swap3A_227 = vector.shape_cast %broadcast_in_dim3A_0 : vector<16xf32> to vector<1x16xf32>
    tpu.vector_store %arg8[%swap3A_223, %swap3A_224], %swap3A_227 {strides = array<i32>} : memref<16x128xf32, #tpu.memory_space<vmem>>, vector<1x16xf32>,
    %swap3A_228 = arith.constant 4 : i32
    %swap3A_229 = arith.index_cast %swap3A_228 : i32 to index
    %swap3A_230 = arith.constant 96 : index
    %swap3A_231 = tpu.vector_load %arg8[%swap3A_229, %swap3A_230] {strides = array<i32>} : memref<16x128xf32, #tpu.memory_space<vmem>>, vector<1x16xf32>,
    %swap3A_232 = vector.shape_cast %swap3A_231 : vector<1x16xf32> to vector<16xf32>
    %swap3A_233 = vector.shape_cast %broadcast_in_dim3A_0 : vector<16xf32> to vector<1x16xf32>
    tpu.vector_store %arg8[%swap3A_229, %swap3A_230], %swap3A_233 {strides = array<i32>} : memref<16x128xf32, #tpu.memory_space<vmem>>, vector<1x16xf32>,
    %swap3A_234 = arith.constant 4 : i32
    %swap3A_235 = arith.index_cast %swap3A_234 : i32 to index
    %swap3A_236 = arith.constant 112 : index
    %swap3A_237 = tpu.vector_load %arg8[%swap3A_235, %swap3A_236] {strides = array<i32>} : memref<16x128xf32, #tpu.memory_space<vmem>>, vector<1x16xf32>,
    %swap3A_238 = vector.shape_cast %swap3A_237 : vector<1x16xf32> to vector<16xf32>
    %swap3A_239 = vector.shape_cast %broadcast_in_dim3A_0 : vector<16xf32> to vector<1x16xf32>
    tpu.vector_store %arg8[%swap3A_235, %swap3A_236], %swap3A_239 {strides = array<i32>} : memref<16x128xf32, #tpu.memory_space<vmem>>, vector<1x16xf32>,
    %swap3A_240 = arith.constant 5 : i32
    %swap3A_241 = arith.index_cast %swap3A_240 : i32 to index
    %swap3A_242 = arith.constant 0 : index
    %swap3A_243 = tpu.vector_load %arg8[%swap3A_241, %swap3A_242] {strides = array<i32>} : memref<16x128xf32, #tpu.memory_space<vmem>>, vector<1x16xf32>,
    %swap3A_244 = vector.shape_cast %swap3A_243 : vector<1x16xf32> to vector<16xf32>
    %swap3A_245 = vector.shape_cast %broadcast_in_dim3A_0 : vector<16xf32> to vector<1x16xf32>
    tpu.vector_store %arg8[%swap3A_241, %swap3A_242], %swap3A_245 {strides = array<i32>} : memref<16x128xf32, #tpu.memory_space<vmem>>, vector<1x16xf32>,
    %swap3A_246 = arith.constant 5 : i32
    %swap3A_247 = arith.index_cast %swap3A_246 : i32 to index
    %swap3A_248 = arith.constant 16 : index
    %swap3A_249 = tpu.vector_load %arg8[%swap3A_247, %swap3A_248] {strides = array<i32>} : memref<16x128xf32, #tpu.memory_space<vmem>>, vector<1x16xf32>,
    %swap3A_250 = vector.shape_cast %swap3A_249 : vector<1x16xf32> to vector<16xf32>
    %swap3A_251 = vector.shape_cast %broadcast_in_dim3A_0 : vector<16xf32> to vector<1x16xf32>
    tpu.vector_store %arg8[%swap3A_247, %swap3A_248], %swap3A_251 {strides = array<i32>} : memref<16x128xf32, #tpu.memory_space<vmem>>, vector<1x16xf32>,
    %swap3A_252 = arith.constant 5 : i32
    %swap3A_253 = arith.index_cast %swap3A_252 : i32 to index
    %swap3A_254 = arith.constant 32 : index
    %swap3A_255 = tpu.vector_load %arg8[%swap3A_253, %swap3A_254] {strides = array<i32>} : memref<16x128xf32, #tpu.memory_space<vmem>>, vector<1x16xf32>,
    %swap3A_256 = vector.shape_cast %swap3A_255 : vector<1x16xf32> to vector<16xf32>
    %swap3A_257 = vector.shape_cast %broadcast_in_dim3A_0 : vector<16xf32> to vector<1x16xf32>
    tpu.vector_store %arg8[%swap3A_253, %swap3A_254], %swap3A_257 {strides = array<i32>} : memref<16x128xf32, #tpu.memory_space<vmem>>, vector<1x16xf32>,
    %swap3A_258 = arith.constant 5 : i32
    %swap3A_259 = arith.index_cast %swap3A_258 : i32 to index
    %swap3A_260 = arith.constant 48 : index
    %swap3A_261 = tpu.vector_load %arg8[%swap3A_259, %swap3A_260] {strides = array<i32>} : memref<16x128xf32, #tpu.memory_space<vmem>>, vector<1x16xf32>,
    %swap3A_262 = vector.shape_cast %swap3A_261 : vector<1x16xf32> to vector<16xf32>
    %swap3A_263 = vector.shape_cast %broadcast_in_dim3A_0 : vector<16xf32> to vector<1x16xf32>
    tpu.vector_store %arg8[%swap3A_259, %swap3A_260], %swap3A_263 {strides = array<i32>} : memref<16x128xf32, #tpu.memory_space<vmem>>, vector<1x16xf32>,
    %swap3A_264 = arith.constant 5 : i32
    %swap3A_265 = arith.index_cast %swap3A_264 : i32 to index
    %swap3A_266 = arith.constant 64 : index
    %swap3A_267 = tpu.vector_load %arg8[%swap3A_265, %swap3A_266] {strides = array<i32>} : memref<16x128xf32, #tpu.memory_space<vmem>>, vector<1x16xf32>,
    %swap3A_268 = vector.shape_cast %swap3A_267 : vector<1x16xf32> to vector<16xf32>
    %swap3A_269 = vector.shape_cast %broadcast_in_dim3A_0 : vector<16xf32> to vector<1x16xf32>
    tpu.vector_store %arg8[%swap3A_265, %swap3A_266], %swap3A_269 {strides = array<i32>} : memref<16x128xf32, #tpu.memory_space<vmem>>, vector<1x16xf32>,
    %swap3A_270 = arith.constant 5 : i32
    %swap3A_271 = arith.index_cast %swap3A_270 : i32 to index
    %swap3A_272 = arith.constant 80 : index
    %swap3A_273 = tpu.vector_load %arg8[%swap3A_271, %swap3A_272] {strides = array<i32>} : memref<16x128xf32, #tpu.memory_space<vmem>>, vector<1x16xf32>,
    %swap3A_274 = vector.shape_cast %swap3A_273 : vector<1x16xf32> to vector<16xf32>
    %swap3A_275 = vector.shape_cast %broadcast_in_dim3A_0 : vector<16xf32> to vector<1x16xf32>
    tpu.vector_store %arg8[%swap3A_271, %swap3A_272], %swap3A_275 {strides = array<i32>} : memref<16x128xf32, #tpu.memory_space<vmem>>, vector<1x16xf32>,
    %swap3A_276 = arith.constant 5 : i32
    %swap3A_277 = arith.index_cast %swap3A_276 : i32 to index
    %swap3A_278 = arith.constant 96 : index
    %swap3A_279 = tpu.vector_load %arg8[%swap3A_277, %swap3A_278] {strides = array<i32>} : memref<16x128xf32, #tpu.memory_space<vmem>>, vector<1x16xf32>,
    %swap3A_280 = vector.shape_cast %swap3A_279 : vector<1x16xf32> to vector<16xf32>
    %swap3A_281 = vector.shape_cast %broadcast_in_dim3A_0 : vector<16xf32> to vector<1x16xf32>
    tpu.vector_store %arg8[%swap3A_277, %swap3A_278], %swap3A_281 {strides = array<i32>} : memref<16x128xf32, #tpu.memory_space<vmem>>, vector<1x16xf32>,
    %swap3A_282 = arith.constant 5 : i32
    %swap3A_283 = arith.index_cast %swap3A_282 : i32 to index
    %swap3A_284 = arith.constant 112 : index
    %swap3A_285 = tpu.vector_load %arg8[%swap3A_283, %swap3A_284] {strides = array<i32>} : memref<16x128xf32, #tpu.memory_space<vmem>>, vector<1x16xf32>,
    %swap3A_286 = vector.shape_cast %swap3A_285 : vector<1x16xf32> to vector<16xf32>
    %swap3A_287 = vector.shape_cast %broadcast_in_dim3A_0 : vector<16xf32> to vector<1x16xf32>
    tpu.vector_store %arg8[%swap3A_283, %swap3A_284], %swap3A_287 {strides = array<i32>} : memref<16x128xf32, #tpu.memory_space<vmem>>, vector<1x16xf32>,
    %swap3A_288 = arith.constant 6 : i32
    %swap3A_289 = arith.index_cast %swap3A_288 : i32 to index
    %swap3A_290 = arith.constant 0 : index
    %swap3A_291 = tpu.vector_load %arg8[%swap3A_289, %swap3A_290] {strides = array<i32>} : memref<16x128xf32, #tpu.memory_space<vmem>>, vector<1x16xf32>,
    %swap3A_292 = vector.shape_cast %swap3A_291 : vector<1x16xf32> to vector<16xf32>
    %swap3A_293 = vector.shape_cast %broadcast_in_dim3A_0 : vector<16xf32> to vector<1x16xf32>
    tpu.vector_store %arg8[%swap3A_289, %swap3A_290], %swap3A_293 {strides = array<i32>} : memref<16x128xf32, #tpu.memory_space<vmem>>, vector<1x16xf32>,
    %swap3A_294 = arith.constant 6 : i32
    %swap3A_295 = arith.index_cast %swap3A_294 : i32 to index
    %swap3A_296 = arith.constant 16 : index
    %swap3A_297 = tpu.vector_load %arg8[%swap3A_295, %swap3A_296] {strides = array<i32>} : memref<16x128xf32, #tpu.memory_space<vmem>>, vector<1x16xf32>,
    %swap3A_298 = vector.shape_cast %swap3A_297 : vector<1x16xf32> to vector<16xf32>
    %swap3A_299 = vector.shape_cast %broadcast_in_dim3A_0 : vector<16xf32> to vector<1x16xf32>
    tpu.vector_store %arg8[%swap3A_295, %swap3A_296], %swap3A_299 {strides = array<i32>} : memref<16x128xf32, #tpu.memory_space<vmem>>, vector<1x16xf32>,
    %swap3A_300 = arith.constant 6 : i32
    %swap3A_301 = arith.index_cast %swap3A_300 : i32 to index
    %swap3A_302 = arith.constant 32 : index
    %swap3A_303 = tpu.vector_load %arg8[%swap3A_301, %swap3A_302] {strides = array<i32>} : memref<16x128xf32, #tpu.memory_space<vmem>>, vector<1x16xf32>,
    %swap3A_304 = vector.shape_cast %swap3A_303 : vector<1x16xf32> to vector<16xf32>
    %swap3A_305 = vector.shape_cast %broadcast_in_dim3A_0 : vector<16xf32> to vector<1x16xf32>
    tpu.vector_store %arg8[%swap3A_301, %swap3A_302], %swap3A_305 {strides = array<i32>} : memref<16x128xf32, #tpu.memory_space<vmem>>, vector<1x16xf32>,
    %swap3A_306 = arith.constant 6 : i32
    %swap3A_307 = arith.index_cast %swap3A_306 : i32 to index
    %swap3A_308 = arith.constant 48 : index
    %swap3A_309 = tpu.vector_load %arg8[%swap3A_307, %swap3A_308] {strides = array<i32>} : memref<16x128xf32, #tpu.memory_space<vmem>>, vector<1x16xf32>,
    %swap3A_310 = vector.shape_cast %swap3A_309 : vector<1x16xf32> to vector<16xf32>
    %swap3A_311 = vector.shape_cast %broadcast_in_dim3A_0 : vector<16xf32> to vector<1x16xf32>
    tpu.vector_store %arg8[%swap3A_307, %swap3A_308], %swap3A_311 {strides = array<i32>} : memref<16x128xf32, #tpu.memory_space<vmem>>, vector<1x16xf32>,
    %swap3A_312 = arith.constant 6 : i32
    %swap3A_313 = arith.index_cast %swap3A_312 : i32 to index
    %swap3A_314 = arith.constant 64 : index
    %swap3A_315 = tpu.vector_load %arg8[%swap3A_313, %swap3A_314] {strides = array<i32>} : memref<16x128xf32, #tpu.memory_space<vmem>>, vector<1x16xf32>,
    %swap3A_316 = vector.shape_cast %swap3A_315 : vector<1x16xf32> to vector<16xf32>
    %swap3A_317 = vector.shape_cast %broadcast_in_dim3A_0 : vector<16xf32> to vector<1x16xf32>
    tpu.vector_store %arg8[%swap3A_313, %swap3A_314], %swap3A_317 {strides = array<i32>} : memref<16x128xf32, #tpu.memory_space<vmem>>, vector<1x16xf32>,
    %swap3A_318 = arith.constant 6 : i32
    %swap3A_319 = arith.index_cast %swap3A_318 : i32 to index
    %swap3A_320 = arith.constant 80 : index
    %swap3A_321 = tpu.vector_load %arg8[%swap3A_319, %swap3A_320] {strides = array<i32>} : memref<16x128xf32, #tpu.memory_space<vmem>>, vector<1x16xf32>,
    %swap3A_322 = vector.shape_cast %swap3A_321 : vector<1x16xf32> to vector<16xf32>
    %swap3A_323 = vector.shape_cast %broadcast_in_dim3A_0 : vector<16xf32> to vector<1x16xf32>
    tpu.vector_store %arg8[%swap3A_319, %swap3A_320], %swap3A_323 {strides = array<i32>} : memref<16x128xf32, #tpu.memory_space<vmem>>, vector<1x16xf32>,
    %swap3A_324 = arith.constant 6 : i32
    %swap3A_325 = arith.index_cast %swap3A_324 : i32 to index
    %swap3A_326 = arith.constant 96 : index
    %swap3A_327 = tpu.vector_load %arg8[%swap3A_325, %swap3A_326] {strides = array<i32>} : memref<16x128xf32, #tpu.memory_space<vmem>>, vector<1x16xf32>,
    %swap3A_328 = vector.shape_cast %swap3A_327 : vector<1x16xf32> to vector<16xf32>
    %swap3A_329 = vector.shape_cast %broadcast_in_dim3A_0 : vector<16xf32> to vector<1x16xf32>
    tpu.vector_store %arg8[%swap3A_325, %swap3A_326], %swap3A_329 {strides = array<i32>} : memref<16x128xf32, #tpu.memory_space<vmem>>, vector<1x16xf32>,
    %swap3A_330 = arith.constant 6 : i32
    %swap3A_331 = arith.index_cast %swap3A_330 : i32 to index
    %swap3A_332 = arith.constant 112 : index
    %swap3A_333 = tpu.vector_load %arg8[%swap3A_331, %swap3A_332] {strides = array<i32>} : memref<16x128xf32, #tpu.memory_space<vmem>>, vector<1x16xf32>,
    %swap3A_334 = vector.shape_cast %swap3A_333 : vector<1x16xf32> to vector<16xf32>
    %swap3A_335 = vector.shape_cast %broadcast_in_dim3A_0 : vector<16xf32> to vector<1x16xf32>
    tpu.vector_store %arg8[%swap3A_331, %swap3A_332], %swap3A_335 {strides = array<i32>} : memref<16x128xf32, #tpu.memory_space<vmem>>, vector<1x16xf32>,
    %swap3A_336 = arith.constant 7 : i32
    %swap3A_337 = arith.index_cast %swap3A_336 : i32 to index
    %swap3A_338 = arith.constant 0 : index
    %swap3A_339 = tpu.vector_load %arg8[%swap3A_337, %swap3A_338] {strides = array<i32>} : memref<16x128xf32, #tpu.memory_space<vmem>>, vector<1x16xf32>,
    %swap3A_340 = vector.shape_cast %swap3A_339 : vector<1x16xf32> to vector<16xf32>
    %swap3A_341 = vector.shape_cast %broadcast_in_dim3A_0 : vector<16xf32> to vector<1x16xf32>
    tpu.vector_store %arg8[%swap3A_337, %swap3A_338], %swap3A_341 {strides = array<i32>} : memref<16x128xf32, #tpu.memory_space<vmem>>, vector<1x16xf32>,
    %swap3A_342 = arith.constant 7 : i32
    %swap3A_343 = arith.index_cast %swap3A_342 : i32 to index
    %swap3A_344 = arith.constant 16 : index
    %swap3A_345 = tpu.vector_load %arg8[%swap3A_343, %swap3A_344] {strides = array<i32>} : memref<16x128xf32, #tpu.memory_space<vmem>>, vector<1x16xf32>,
    %swap3A_346 = vector.shape_cast %swap3A_345 : vector<1x16xf32> to vector<16xf32>
    %swap3A_347 = vector.shape_cast %broadcast_in_dim3A_0 : vector<16xf32> to vector<1x16xf32>
    tpu.vector_store %arg8[%swap3A_343, %swap3A_344], %swap3A_347 {strides = array<i32>} : memref<16x128xf32, #tpu.memory_space<vmem>>, vector<1x16xf32>,
    %swap3A_348 = arith.constant 7 : i32
    %swap3A_349 = arith.index_cast %swap3A_348 : i32 to index
    %swap3A_350 = arith.constant 32 : index
    %swap3A_351 = tpu.vector_load %arg8[%swap3A_349, %swap3A_350] {strides = array<i32>} : memref<16x128xf32, #tpu.memory_space<vmem>>, vector<1x16xf32>,
    %swap3A_352 = vector.shape_cast %swap3A_351 : vector<1x16xf32> to vector<16xf32>
    %swap3A_353 = vector.shape_cast %broadcast_in_dim3A_0 : vector<16xf32> to vector<1x16xf32>
    tpu.vector_store %arg8[%swap3A_349, %swap3A_350], %swap3A_353 {strides = array<i32>} : memref<16x128xf32, #tpu.memory_space<vmem>>, vector<1x16xf32>,
    %swap3A_354 = arith.constant 7 : i32
    %swap3A_355 = arith.index_cast %swap3A_354 : i32 to index
    %swap3A_356 = arith.constant 48 : index
    %swap3A_357 = tpu.vector_load %arg8[%swap3A_355, %swap3A_356] {strides = array<i32>} : memref<16x128xf32, #tpu.memory_space<vmem>>, vector<1x16xf32>,
    %swap3A_358 = vector.shape_cast %swap3A_357 : vector<1x16xf32> to vector<16xf32>
    %swap3A_359 = vector.shape_cast %broadcast_in_dim3A_0 : vector<16xf32> to vector<1x16xf32>
    tpu.vector_store %arg8[%swap3A_355, %swap3A_356], %swap3A_359 {strides = array<i32>} : memref<16x128xf32, #tpu.memory_space<vmem>>, vector<1x16xf32>,
    %swap3A_360 = arith.constant 7 : i32
    %swap3A_361 = arith.index_cast %swap3A_360 : i32 to index
    %swap3A_362 = arith.constant 64 : index
    %swap3A_363 = tpu.vector_load %arg8[%swap3A_361, %swap3A_362] {strides = array<i32>} : memref<16x128xf32, #tpu.memory_space<vmem>>, vector<1x16xf32>,
    %swap3A_364 = vector.shape_cast %swap3A_363 : vector<1x16xf32> to vector<16xf32>
    %swap3A_365 = vector.shape_cast %broadcast_in_dim3A_0 : vector<16xf32> to vector<1x16xf32>
    tpu.vector_store %arg8[%swap3A_361, %swap3A_362], %swap3A_365 {strides = array<i32>} : memref<16x128xf32, #tpu.memory_space<vmem>>, vector<1x16xf32>,
    %swap3A_366 = arith.constant 7 : i32
    %swap3A_367 = arith.index_cast %swap3A_366 : i32 to index
    %swap3A_368 = arith.constant 80 : index
    %swap3A_369 = tpu.vector_load %arg8[%swap3A_367, %swap3A_368] {strides = array<i32>} : memref<16x128xf32, #tpu.memory_space<vmem>>, vector<1x16xf32>,
    %swap3A_370 = vector.shape_cast %swap3A_369 : vector<1x16xf32> to vector<16xf32>
    %swap3A_371 = vector.shape_cast %broadcast_in_dim3A_0 : vector<16xf32> to vector<1x16xf32>
    tpu.vector_store %arg8[%swap3A_367, %swap3A_368], %swap3A_371 {strides = array<i32>} : memref<16x128xf32, #tpu.memory_space<vmem>>, vector<1x16xf32>,
    %swap3A_372 = arith.constant 7 : i32
    %swap3A_373 = arith.index_cast %swap3A_372 : i32 to index
    %swap3A_374 = arith.constant 96 : index
    %swap3A_375 = tpu.vector_load %arg8[%swap3A_373, %swap3A_374] {strides = array<i32>} : memref<16x128xf32, #tpu.memory_space<vmem>>, vector<1x16xf32>,
    %swap3A_376 = vector.shape_cast %swap3A_375 : vector<1x16xf32> to vector<16xf32>
    %swap3A_377 = vector.shape_cast %broadcast_in_dim3A_0 : vector<16xf32> to vector<1x16xf32>
    tpu.vector_store %arg8[%swap3A_373, %swap3A_374], %swap3A_377 {strides = array<i32>} : memref<16x128xf32, #tpu.memory_space<vmem>>, vector<1x16xf32>,
    %swap3A_378 = arith.constant 7 : i32
    %swap3A_379 = arith.index_cast %swap3A_378 : i32 to index
    %swap3A_380 = arith.constant 112 : index
    %swap3A_381 = tpu.vector_load %arg8[%swap3A_379, %swap3A_380] {strides = array<i32>} : memref<16x128xf32, #tpu.memory_space<vmem>>, vector<1x16xf32>,
    %swap3A_382 = vector.shape_cast %swap3A_381 : vector<1x16xf32> to vector<16xf32>
    %swap3A_383 = vector.shape_cast %broadcast_in_dim3A_0 : vector<16xf32> to vector<1x16xf32>
    tpu.vector_store %arg8[%swap3A_379, %swap3A_380], %swap3A_383 {strides = array<i32>} : memref<16x128xf32, #tpu.memory_space<vmem>>, vector<1x16xf32>,
    %swap3A_384 = arith.constant 8 : i32
    %swap3A_385 = arith.index_cast %swap3A_384 : i32 to index
    %swap3A_386 = arith.constant 0 : index
    %swap3A_387 = tpu.vector_load %arg8[%swap3A_385, %swap3A_386] {strides = array<i32>} : memref<16x128xf32, #tpu.memory_space<vmem>>, vector<1x16xf32>,
    %swap3A_388 = vector.shape_cast %swap3A_387 : vector<1x16xf32> to vector<16xf32>
    %swap3A_389 = vector.shape_cast %broadcast_in_dim3A_0 : vector<16xf32> to vector<1x16xf32>
    tpu.vector_store %arg8[%swap3A_385, %swap3A_386], %swap3A_389 {strides = array<i32>} : memref<16x128xf32, #tpu.memory_space<vmem>>, vector<1x16xf32>,
    %swap3A_390 = arith.constant 8 : i32
    %swap3A_391 = arith.index_cast %swap3A_390 : i32 to index
    %swap3A_392 = arith.constant 16 : index
    %swap3A_393 = tpu.vector_load %arg8[%swap3A_391, %swap3A_392] {strides = array<i32>} : memref<16x128xf32, #tpu.memory_space<vmem>>, vector<1x16xf32>,
    %swap3A_394 = vector.shape_cast %swap3A_393 : vector<1x16xf32> to vector<16xf32>
    %swap3A_395 = vector.shape_cast %broadcast_in_dim3A_0 : vector<16xf32> to vector<1x16xf32>
    tpu.vector_store %arg8[%swap3A_391, %swap3A_392], %swap3A_395 {strides = array<i32>} : memref<16x128xf32, #tpu.memory_space<vmem>>, vector<1x16xf32>,
    %swap3A_396 = arith.constant 8 : i32
    %swap3A_397 = arith.index_cast %swap3A_396 : i32 to index
    %swap3A_398 = arith.constant 32 : index
    %swap3A_399 = tpu.vector_load %arg8[%swap3A_397, %swap3A_398] {strides = array<i32>} : memref<16x128xf32, #tpu.memory_space<vmem>>, vector<1x16xf32>,
    %swap3A_400 = vector.shape_cast %swap3A_399 : vector<1x16xf32> to vector<16xf32>
    %swap3A_401 = vector.shape_cast %broadcast_in_dim3A_0 : vector<16xf32> to vector<1x16xf32>
    tpu.vector_store %arg8[%swap3A_397, %swap3A_398], %swap3A_401 {strides = array<i32>} : memref<16x128xf32, #tpu.memory_space<vmem>>, vector<1x16xf32>,
    %swap3A_402 = arith.constant 8 : i32
    %swap3A_403 = arith.index_cast %swap3A_402 : i32 to index
    %swap3A_404 = arith.constant 48 : index
    %swap3A_405 = tpu.vector_load %arg8[%swap3A_403, %swap3A_404] {strides = array<i32>} : memref<16x128xf32, #tpu.memory_space<vmem>>, vector<1x16xf32>,
    %swap3A_406 = vector.shape_cast %swap3A_405 : vector<1x16xf32> to vector<16xf32>
    %swap3A_407 = vector.shape_cast %broadcast_in_dim3A_0 : vector<16xf32> to vector<1x16xf32>
    tpu.vector_store %arg8[%swap3A_403, %swap3A_404], %swap3A_407 {strides = array<i32>} : memref<16x128xf32, #tpu.memory_space<vmem>>, vector<1x16xf32>,
    %swap3A_408 = arith.constant 8 : i32
    %swap3A_409 = arith.index_cast %swap3A_408 : i32 to index
    %swap3A_410 = arith.constant 64 : index
    %swap3A_411 = tpu.vector_load %arg8[%swap3A_409, %swap3A_410] {strides = array<i32>} : memref<16x128xf32, #tpu.memory_space<vmem>>, vector<1x16xf32>,
    %swap3A_412 = vector.shape_cast %swap3A_411 : vector<1x16xf32> to vector<16xf32>
    %swap3A_413 = vector.shape_cast %broadcast_in_dim3A_0 : vector<16xf32> to vector<1x16xf32>
    tpu.vector_store %arg8[%swap3A_409, %swap3A_410], %swap3A_413 {strides = array<i32>} : memref<16x128xf32, #tpu.memory_space<vmem>>, vector<1x16xf32>,
    %swap3A_414 = arith.constant 8 : i32
    %swap3A_415 = arith.index_cast %swap3A_414 : i32 to index
    %swap3A_416 = arith.constant 80 : index
    %swap3A_417 = tpu.vector_load %arg8[%swap3A_415, %swap3A_416] {strides = array<i32>} : memref<16x128xf32, #tpu.memory_space<vmem>>, vector<1x16xf32>,
    %swap3A_418 = vector.shape_cast %swap3A_417 : vector<1x16xf32> to vector<16xf32>
    %swap3A_419 = vector.shape_cast %broadcast_in_dim3A_0 : vector<16xf32> to vector<1x16xf32>
    tpu.vector_store %arg8[%swap3A_415, %swap3A_416], %swap3A_419 {strides = array<i32>} : memref<16x128xf32, #tpu.memory_space<vmem>>, vector<1x16xf32>,
    %swap3A_420 = arith.constant 8 : i32
    %swap3A_421 = arith.index_cast %swap3A_420 : i32 to index
    %swap3A_422 = arith.constant 96 : index
    %swap3A_423 = tpu.vector_load %arg8[%swap3A_421, %swap3A_422] {strides = array<i32>} : memref<16x128xf32, #tpu.memory_space<vmem>>, vector<1x16xf32>,
    %swap3A_424 = vector.shape_cast %swap3A_423 : vector<1x16xf32> to vector<16xf32>
    %swap3A_425 = vector.shape_cast %broadcast_in_dim3A_0 : vector<16xf32> to vector<1x16xf32>
    tpu.vector_store %arg8[%swap3A_421, %swap3A_422], %swap3A_425 {strides = array<i32>} : memref<16x128xf32, #tpu.memory_space<vmem>>, vector<1x16xf32>,
    %swap3A_426 = arith.constant 8 : i32
    %swap3A_427 = arith.index_cast %swap3A_426 : i32 to index
    %swap3A_428 = arith.constant 112 : index
    %swap3A_429 = tpu.vector_load %arg8[%swap3A_427, %swap3A_428] {strides = array<i32>} : memref<16x128xf32, #tpu.memory_space<vmem>>, vector<1x16xf32>,
    %swap3A_430 = vector.shape_cast %swap3A_429 : vector<1x16xf32> to vector<16xf32>
    %swap3A_431 = vector.shape_cast %broadcast_in_dim3A_0 : vector<16xf32> to vector<1x16xf32>
    tpu.vector_store %arg8[%swap3A_427, %swap3A_428], %swap3A_431 {strides = array<i32>} : memref<16x128xf32, #tpu.memory_space<vmem>>, vector<1x16xf32>,
    %swap3A_432 = arith.constant 9 : i32
    %swap3A_433 = arith.index_cast %swap3A_432 : i32 to index
    %swap3A_434 = arith.constant 0 : index
    %swap3A_435 = tpu.vector_load %arg8[%swap3A_433, %swap3A_434] {strides = array<i32>} : memref<16x128xf32, #tpu.memory_space<vmem>>, vector<1x16xf32>,
    %swap3A_436 = vector.shape_cast %swap3A_435 : vector<1x16xf32> to vector<16xf32>
    %swap3A_437 = vector.shape_cast %broadcast_in_dim3A_0 : vector<16xf32> to vector<1x16xf32>
    tpu.vector_store %arg8[%swap3A_433, %swap3A_434], %swap3A_437 {strides = array<i32>} : memref<16x128xf32, #tpu.memory_space<vmem>>, vector<1x16xf32>,
    %swap3A_438 = arith.constant 9 : i32
    %swap3A_439 = arith.index_cast %swap3A_438 : i32 to index
    %swap3A_440 = arith.constant 16 : index
    %swap3A_441 = tpu.vector_load %arg8[%swap3A_439, %swap3A_440] {strides = array<i32>} : memref<16x128xf32, #tpu.memory_space<vmem>>, vector<1x16xf32>,
    %swap3A_442 = vector.shape_cast %swap3A_441 : vector<1x16xf32> to vector<16xf32>
    %swap3A_443 = vector.shape_cast %broadcast_in_dim3A_0 : vector<16xf32> to vector<1x16xf32>
    tpu.vector_store %arg8[%swap3A_439, %swap3A_440], %swap3A_443 {strides = array<i32>} : memref<16x128xf32, #tpu.memory_space<vmem>>, vector<1x16xf32>,
    %swap3A_444 = arith.constant 9 : i32
    %swap3A_445 = arith.index_cast %swap3A_444 : i32 to index
    %swap3A_446 = arith.constant 32 : index
    %swap3A_447 = tpu.vector_load %arg8[%swap3A_445, %swap3A_446] {strides = array<i32>} : memref<16x128xf32, #tpu.memory_space<vmem>>, vector<1x16xf32>,
    %swap3A_448 = vector.shape_cast %swap3A_447 : vector<1x16xf32> to vector<16xf32>
    %swap3A_449 = vector.shape_cast %broadcast_in_dim3A_0 : vector<16xf32> to vector<1x16xf32>
    tpu.vector_store %arg8[%swap3A_445, %swap3A_446], %swap3A_449 {strides = array<i32>} : memref<16x128xf32, #tpu.memory_space<vmem>>, vector<1x16xf32>,
    %swap3A_450 = arith.constant 9 : i32
    %swap3A_451 = arith.index_cast %swap3A_450 : i32 to index
    %swap3A_452 = arith.constant 48 : index
    %swap3A_453 = tpu.vector_load %arg8[%swap3A_451, %swap3A_452] {strides = array<i32>} : memref<16x128xf32, #tpu.memory_space<vmem>>, vector<1x16xf32>,
    %swap3A_454 = vector.shape_cast %swap3A_453 : vector<1x16xf32> to vector<16xf32>
    %swap3A_455 = vector.shape_cast %broadcast_in_dim3A_0 : vector<16xf32> to vector<1x16xf32>
    tpu.vector_store %arg8[%swap3A_451, %swap3A_452], %swap3A_455 {strides = array<i32>} : memref<16x128xf32, #tpu.memory_space<vmem>>, vector<1x16xf32>,
    %swap3A_456 = arith.constant 9 : i32
    %swap3A_457 = arith.index_cast %swap3A_456 : i32 to index
    %swap3A_458 = arith.constant 64 : index
    %swap3A_459 = tpu.vector_load %arg8[%swap3A_457, %swap3A_458] {strides = array<i32>} : memref<16x128xf32, #tpu.memory_space<vmem>>, vector<1x16xf32>,
    %swap3A_460 = vector.shape_cast %swap3A_459 : vector<1x16xf32> to vector<16xf32>
    %swap3A_461 = vector.shape_cast %broadcast_in_dim3A_0 : vector<16xf32> to vector<1x16xf32>
    tpu.vector_store %arg8[%swap3A_457, %swap3A_458], %swap3A_461 {strides = array<i32>} : memref<16x128xf32, #tpu.memory_space<vmem>>, vector<1x16xf32>,
    %swap3A_462 = arith.constant 9 : i32
    %swap3A_463 = arith.index_cast %swap3A_462 : i32 to index
    %swap3A_464 = arith.constant 80 : index
    %swap3A_465 = tpu.vector_load %arg8[%swap3A_463, %swap3A_464] {strides = array<i32>} : memref<16x128xf32, #tpu.memory_space<vmem>>, vector<1x16xf32>,
    %swap3A_466 = vector.shape_cast %swap3A_465 : vector<1x16xf32> to vector<16xf32>
    %swap3A_467 = vector.shape_cast %broadcast_in_dim3A_0 : vector<16xf32> to vector<1x16xf32>
    tpu.vector_store %arg8[%swap3A_463, %swap3A_464], %swap3A_467 {strides = array<i32>} : memref<16x128xf32, #tpu.memory_space<vmem>>, vector<1x16xf32>,
    %swap3A_468 = arith.constant 9 : i32
    %swap3A_469 = arith.index_cast %swap3A_468 : i32 to index
    %swap3A_470 = arith.constant 96 : index
    %swap3A_471 = tpu.vector_load %arg8[%swap3A_469, %swap3A_470] {strides = array<i32>} : memref<16x128xf32, #tpu.memory_space<vmem>>, vector<1x16xf32>,
    %swap3A_472 = vector.shape_cast %swap3A_471 : vector<1x16xf32> to vector<16xf32>
    %swap3A_473 = vector.shape_cast %broadcast_in_dim3A_0 : vector<16xf32> to vector<1x16xf32>
    tpu.vector_store %arg8[%swap3A_469, %swap3A_470], %swap3A_473 {strides = array<i32>} : memref<16x128xf32, #tpu.memory_space<vmem>>, vector<1x16xf32>,
    %swap3A_474 = arith.constant 9 : i32
    %swap3A_475 = arith.index_cast %swap3A_474 : i32 to index
    %swap3A_476 = arith.constant 112 : index
    %swap3A_477 = tpu.vector_load %arg8[%swap3A_475, %swap3A_476] {strides = array<i32>} : memref<16x128xf32, #tpu.memory_space<vmem>>, vector<1x16xf32>,
    %swap3A_478 = vector.shape_cast %swap3A_477 : vector<1x16xf32> to vector<16xf32>
    %swap3A_479 = vector.shape_cast %broadcast_in_dim3A_0 : vector<16xf32> to vector<1x16xf32>
    tpu.vector_store %arg8[%swap3A_475, %swap3A_476], %swap3A_479 {strides = array<i32>} : memref<16x128xf32, #tpu.memory_space<vmem>>, vector<1x16xf32>,
    %swap3A_480 = arith.constant 10 : i32
    %swap3A_481 = arith.index_cast %swap3A_480 : i32 to index
    %swap3A_482 = arith.constant 0 : index
    %swap3A_483 = tpu.vector_load %arg8[%swap3A_481, %swap3A_482] {strides = array<i32>} : memref<16x128xf32, #tpu.memory_space<vmem>>, vector<1x16xf32>,
    %swap3A_484 = vector.shape_cast %swap3A_483 : vector<1x16xf32> to vector<16xf32>
    %swap3A_485 = vector.shape_cast %broadcast_in_dim3A_0 : vector<16xf32> to vector<1x16xf32>
    tpu.vector_store %arg8[%swap3A_481, %swap3A_482], %swap3A_485 {strides = array<i32>} : memref<16x128xf32, #tpu.memory_space<vmem>>, vector<1x16xf32>,
    %swap3A_486 = arith.constant 10 : i32
    %swap3A_487 = arith.index_cast %swap3A_486 : i32 to index
    %swap3A_488 = arith.constant 16 : index
    %swap3A_489 = tpu.vector_load %arg8[%swap3A_487, %swap3A_488] {strides = array<i32>} : memref<16x128xf32, #tpu.memory_space<vmem>>, vector<1x16xf32>,
    %swap3A_490 = vector.shape_cast %swap3A_489 : vector<1x16xf32> to vector<16xf32>
    %swap3A_491 = vector.shape_cast %broadcast_in_dim3A_0 : vector<16xf32> to vector<1x16xf32>
    tpu.vector_store %arg8[%swap3A_487, %swap3A_488], %swap3A_491 {strides = array<i32>} : memref<16x128xf32, #tpu.memory_space<vmem>>, vector<1x16xf32>,
    %swap3A_492 = arith.constant 10 : i32
    %swap3A_493 = arith.index_cast %swap3A_492 : i32 to index
    %swap3A_494 = arith.constant 32 : index
    %swap3A_495 = tpu.vector_load %arg8[%swap3A_493, %swap3A_494] {strides = array<i32>} : memref<16x128xf32, #tpu.memory_space<vmem>>, vector<1x16xf32>,
    %swap3A_496 = vector.shape_cast %swap3A_495 : vector<1x16xf32> to vector<16xf32>
    %swap3A_497 = vector.shape_cast %broadcast_in_dim3A_0 : vector<16xf32> to vector<1x16xf32>
    tpu.vector_store %arg8[%swap3A_493, %swap3A_494], %swap3A_497 {strides = array<i32>} : memref<16x128xf32, #tpu.memory_space<vmem>>, vector<1x16xf32>,
    %swap3A_498 = arith.constant 10 : i32
    %swap3A_499 = arith.index_cast %swap3A_498 : i32 to index
    %swap3A_500 = arith.constant 48 : index
    %swap3A_501 = tpu.vector_load %arg8[%swap3A_499, %swap3A_500] {strides = array<i32>} : memref<16x128xf32, #tpu.memory_space<vmem>>, vector<1x16xf32>,
    %swap3A_502 = vector.shape_cast %swap3A_501 : vector<1x16xf32> to vector<16xf32>
    %swap3A_503 = vector.shape_cast %broadcast_in_dim3A_0 : vector<16xf32> to vector<1x16xf32>
    tpu.vector_store %arg8[%swap3A_499, %swap3A_500], %swap3A_503 {strides = array<i32>} : memref<16x128xf32, #tpu.memory_space<vmem>>, vector<1x16xf32>,
    %swap3A_504 = arith.constant 10 : i32
    %swap3A_505 = arith.index_cast %swap3A_504 : i32 to index
    %swap3A_506 = arith.constant 64 : index
    %swap3A_507 = tpu.vector_load %arg8[%swap3A_505, %swap3A_506] {strides = array<i32>} : memref<16x128xf32, #tpu.memory_space<vmem>>, vector<1x16xf32>,
    %swap3A_508 = vector.shape_cast %swap3A_507 : vector<1x16xf32> to vector<16xf32>
    %swap3A_509 = vector.shape_cast %broadcast_in_dim3A_0 : vector<16xf32> to vector<1x16xf32>
    tpu.vector_store %arg8[%swap3A_505, %swap3A_506], %swap3A_509 {strides = array<i32>} : memref<16x128xf32, #tpu.memory_space<vmem>>, vector<1x16xf32>,
    %swap3A_510 = arith.constant 10 : i32
    %swap3A_511 = arith.index_cast %swap3A_510 : i32 to index
    %swap3A_512 = arith.constant 80 : index
    %swap3A_513 = tpu.vector_load %arg8[%swap3A_511, %swap3A_512] {strides = array<i32>} : memref<16x128xf32, #tpu.memory_space<vmem>>, vector<1x16xf32>,
    %swap3A_514 = vector.shape_cast %swap3A_513 : vector<1x16xf32> to vector<16xf32>
    %swap3A_515 = vector.shape_cast %broadcast_in_dim3A_0 : vector<16xf32> to vector<1x16xf32>
    tpu.vector_store %arg8[%swap3A_511, %swap3A_512], %swap3A_515 {strides = array<i32>} : memref<16x128xf32, #tpu.memory_space<vmem>>, vector<1x16xf32>,
    %swap3A_516 = arith.constant 10 : i32
    %swap3A_517 = arith.index_cast %swap3A_516 : i32 to index
    %swap3A_518 = arith.constant 96 : index
    %swap3A_519 = tpu.vector_load %arg8[%swap3A_517, %swap3A_518] {strides = array<i32>} : memref<16x128xf32, #tpu.memory_space<vmem>>, vector<1x16xf32>,
    %swap3A_520 = vector.shape_cast %swap3A_519 : vector<1x16xf32> to vector<16xf32>
    %swap3A_521 = vector.shape_cast %broadcast_in_dim3A_0 : vector<16xf32> to vector<1x16xf32>
    tpu.vector_store %arg8[%swap3A_517, %swap3A_518], %swap3A_521 {strides = array<i32>} : memref<16x128xf32, #tpu.memory_space<vmem>>, vector<1x16xf32>,
    %swap3A_522 = arith.constant 10 : i32
    %swap3A_523 = arith.index_cast %swap3A_522 : i32 to index
    %swap3A_524 = arith.constant 112 : index
    %swap3A_525 = tpu.vector_load %arg8[%swap3A_523, %swap3A_524] {strides = array<i32>} : memref<16x128xf32, #tpu.memory_space<vmem>>, vector<1x16xf32>,
    %swap3A_526 = vector.shape_cast %swap3A_525 : vector<1x16xf32> to vector<16xf32>
    %swap3A_527 = vector.shape_cast %broadcast_in_dim3A_0 : vector<16xf32> to vector<1x16xf32>
    tpu.vector_store %arg8[%swap3A_523, %swap3A_524], %swap3A_527 {strides = array<i32>} : memref<16x128xf32, #tpu.memory_space<vmem>>, vector<1x16xf32>,
    %swap3A_528 = arith.constant 11 : i32
    %swap3A_529 = arith.index_cast %swap3A_528 : i32 to index
    %swap3A_530 = arith.constant 0 : index
    %swap3A_531 = tpu.vector_load %arg8[%swap3A_529, %swap3A_530] {strides = array<i32>} : memref<16x128xf32, #tpu.memory_space<vmem>>, vector<1x16xf32>,
    %swap3A_532 = vector.shape_cast %swap3A_531 : vector<1x16xf32> to vector<16xf32>
    %swap3A_533 = vector.shape_cast %broadcast_in_dim3A_0 : vector<16xf32> to vector<1x16xf32>
    tpu.vector_store %arg8[%swap3A_529, %swap3A_530], %swap3A_533 {strides = array<i32>} : memref<16x128xf32, #tpu.memory_space<vmem>>, vector<1x16xf32>,
    %swap3A_534 = arith.constant 11 : i32
    %swap3A_535 = arith.index_cast %swap3A_534 : i32 to index
    %swap3A_536 = arith.constant 16 : index
    %swap3A_537 = tpu.vector_load %arg8[%swap3A_535, %swap3A_536] {strides = array<i32>} : memref<16x128xf32, #tpu.memory_space<vmem>>, vector<1x16xf32>,
    %swap3A_538 = vector.shape_cast %swap3A_537 : vector<1x16xf32> to vector<16xf32>
    %swap3A_539 = vector.shape_cast %broadcast_in_dim3A_0 : vector<16xf32> to vector<1x16xf32>
    tpu.vector_store %arg8[%swap3A_535, %swap3A_536], %swap3A_539 {strides = array<i32>} : memref<16x128xf32, #tpu.memory_space<vmem>>, vector<1x16xf32>,
    %swap3A_540 = arith.constant 11 : i32
    %swap3A_541 = arith.index_cast %swap3A_540 : i32 to index
    %swap3A_542 = arith.constant 32 : index
    %swap3A_543 = tpu.vector_load %arg8[%swap3A_541, %swap3A_542] {strides = array<i32>} : memref<16x128xf32, #tpu.memory_space<vmem>>, vector<1x16xf32>,
    %swap3A_544 = vector.shape_cast %swap3A_543 : vector<1x16xf32> to vector<16xf32>
    %swap3A_545 = vector.shape_cast %broadcast_in_dim3A_0 : vector<16xf32> to vector<1x16xf32>
    tpu.vector_store %arg8[%swap3A_541, %swap3A_542], %swap3A_545 {strides = array<i32>} : memref<16x128xf32, #tpu.memory_space<vmem>>, vector<1x16xf32>,
    %swap3A_546 = arith.constant 11 : i32
    %swap3A_547 = arith.index_cast %swap3A_546 : i32 to index
    %swap3A_548 = arith.constant 48 : index
    %swap3A_549 = tpu.vector_load %arg8[%swap3A_547, %swap3A_548] {strides = array<i32>} : memref<16x128xf32, #tpu.memory_space<vmem>>, vector<1x16xf32>,
    %swap3A_550 = vector.shape_cast %swap3A_549 : vector<1x16xf32> to vector<16xf32>
    %swap3A_551 = vector.shape_cast %broadcast_in_dim3A_0 : vector<16xf32> to vector<1x16xf32>
    tpu.vector_store %arg8[%swap3A_547, %swap3A_548], %swap3A_551 {strides = array<i32>} : memref<16x128xf32, #tpu.memory_space<vmem>>, vector<1x16xf32>,
    %swap3A_552 = arith.constant 11 : i32
    %swap3A_553 = arith.index_cast %swap3A_552 : i32 to index
    %swap3A_554 = arith.constant 64 : index
    %swap3A_555 = tpu.vector_load %arg8[%swap3A_553, %swap3A_554] {strides = array<i32>} : memref<16x128xf32, #tpu.memory_space<vmem>>, vector<1x16xf32>,
    %swap3A_556 = vector.shape_cast %swap3A_555 : vector<1x16xf32> to vector<16xf32>
    %swap3A_557 = vector.shape_cast %broadcast_in_dim3A_0 : vector<16xf32> to vector<1x16xf32>
    tpu.vector_store %arg8[%swap3A_553, %swap3A_554], %swap3A_557 {strides = array<i32>} : memref<16x128xf32, #tpu.memory_space<vmem>>, vector<1x16xf32>,
    %swap3A_558 = arith.constant 11 : i32
    %swap3A_559 = arith.index_cast %swap3A_558 : i32 to index
    %swap3A_560 = arith.constant 80 : index
    %swap3A_561 = tpu.vector_load %arg8[%swap3A_559, %swap3A_560] {strides = array<i32>} : memref<16x128xf32, #tpu.memory_space<vmem>>, vector<1x16xf32>,
    %swap3A_562 = vector.shape_cast %swap3A_561 : vector<1x16xf32> to vector<16xf32>
    %swap3A_563 = vector.shape_cast %broadcast_in_dim3A_0 : vector<16xf32> to vector<1x16xf32>
    tpu.vector_store %arg8[%swap3A_559, %swap3A_560], %swap3A_563 {strides = array<i32>} : memref<16x128xf32, #tpu.memory_space<vmem>>, vector<1x16xf32>,
    %swap3A_564 = arith.constant 11 : i32
    %swap3A_565 = arith.index_cast %swap3A_564 : i32 to index
    %swap3A_566 = arith.constant 96 : index
    %swap3A_567 = tpu.vector_load %arg8[%swap3A_565, %swap3A_566] {strides = array<i32>} : memref<16x128xf32, #tpu.memory_space<vmem>>, vector<1x16xf32>,
    %swap3A_568 = vector.shape_cast %swap3A_567 : vector<1x16xf32> to vector<16xf32>
    %swap3A_569 = vector.shape_cast %broadcast_in_dim3A_0 : vector<16xf32> to vector<1x16xf32>
    tpu.vector_store %arg8[%swap3A_565, %swap3A_566], %swap3A_569 {strides = array<i32>} : memref<16x128xf32, #tpu.memory_space<vmem>>, vector<1x16xf32>,
    %swap3A_570 = arith.constant 11 : i32
    %swap3A_571 = arith.index_cast %swap3A_570 : i32 to index
    %swap3A_572 = arith.constant 112 : index
    %swap3A_573 = tpu.vector_load %arg8[%swap3A_571, %swap3A_572] {strides = array<i32>} : memref<16x128xf32, #tpu.memory_space<vmem>>, vector<1x16xf32>,
    %swap3A_574 = vector.shape_cast %swap3A_573 : vector<1x16xf32> to vector<16xf32>
    %swap3A_575 = vector.shape_cast %broadcast_in_dim3A_0 : vector<16xf32> to vector<1x16xf32>
    tpu.vector_store %arg8[%swap3A_571, %swap3A_572], %swap3A_575 {strides = array<i32>} : memref<16x128xf32, #tpu.memory_space<vmem>>, vector<1x16xf32>,
    %swap3A_576 = arith.constant 12 : i32
    %swap3A_577 = arith.index_cast %swap3A_576 : i32 to index
    %swap3A_578 = arith.constant 0 : index
    %swap3A_579 = tpu.vector_load %arg8[%swap3A_577, %swap3A_578] {strides = array<i32>} : memref<16x128xf32, #tpu.memory_space<vmem>>, vector<1x16xf32>,
    %swap3A_580 = vector.shape_cast %swap3A_579 : vector<1x16xf32> to vector<16xf32>
    %swap3A_581 = vector.shape_cast %broadcast_in_dim3A_0 : vector<16xf32> to vector<1x16xf32>
    tpu.vector_store %arg8[%swap3A_577, %swap3A_578], %swap3A_581 {strides = array<i32>} : memref<16x128xf32, #tpu.memory_space<vmem>>, vector<1x16xf32>,
    %swap3A_582 = arith.constant 12 : i32
    %swap3A_583 = arith.index_cast %swap3A_582 : i32 to index
    %swap3A_584 = arith.constant 16 : index
    %swap3A_585 = tpu.vector_load %arg8[%swap3A_583, %swap3A_584] {strides = array<i32>} : memref<16x128xf32, #tpu.memory_space<vmem>>, vector<1x16xf32>,
    %swap3A_586 = vector.shape_cast %swap3A_585 : vector<1x16xf32> to vector<16xf32>
    %swap3A_587 = vector.shape_cast %broadcast_in_dim3A_0 : vector<16xf32> to vector<1x16xf32>
    tpu.vector_store %arg8[%swap3A_583, %swap3A_584], %swap3A_587 {strides = array<i32>} : memref<16x128xf32, #tpu.memory_space<vmem>>, vector<1x16xf32>,
    %swap3A_588 = arith.constant 12 : i32
    %swap3A_589 = arith.index_cast %swap3A_588 : i32 to index
    %swap3A_590 = arith.constant 32 : index
    %swap3A_591 = tpu.vector_load %arg8[%swap3A_589, %swap3A_590] {strides = array<i32>} : memref<16x128xf32, #tpu.memory_space<vmem>>, vector<1x16xf32>,
    %swap3A_592 = vector.shape_cast %swap3A_591 : vector<1x16xf32> to vector<16xf32>
    %swap3A_593 = vector.shape_cast %broadcast_in_dim3A_0 : vector<16xf32> to vector<1x16xf32>
    tpu.vector_store %arg8[%swap3A_589, %swap3A_590], %swap3A_593 {strides = array<i32>} : memref<16x128xf32, #tpu.memory_space<vmem>>, vector<1x16xf32>,
    %swap3A_594 = arith.constant 12 : i32
    %swap3A_595 = arith.index_cast %swap3A_594 : i32 to index
    %swap3A_596 = arith.constant 48 : index
    %swap3A_597 = tpu.vector_load %arg8[%swap3A_595, %swap3A_596] {strides = array<i32>} : memref<16x128xf32, #tpu.memory_space<vmem>>, vector<1x16xf32>,
    %swap3A_598 = vector.shape_cast %swap3A_597 : vector<1x16xf32> to vector<16xf32>
    %swap3A_599 = vector.shape_cast %broadcast_in_dim3A_0 : vector<16xf32> to vector<1x16xf32>
    tpu.vector_store %arg8[%swap3A_595, %swap3A_596], %swap3A_599 {strides = array<i32>} : memref<16x128xf32, #tpu.memory_space<vmem>>, vector<1x16xf32>,
    %swap3A_600 = arith.constant 12 : i32
    %swap3A_601 = arith.index_cast %swap3A_600 : i32 to index
    %swap3A_602 = arith.constant 64 : index
    %swap3A_603 = tpu.vector_load %arg8[%swap3A_601, %swap3A_602] {strides = array<i32>} : memref<16x128xf32, #tpu.memory_space<vmem>>, vector<1x16xf32>,
    %swap3A_604 = vector.shape_cast %swap3A_603 : vector<1x16xf32> to vector<16xf32>
    %swap3A_605 = vector.shape_cast %broadcast_in_dim3A_0 : vector<16xf32> to vector<1x16xf32>
    tpu.vector_store %arg8[%swap3A_601, %swap3A_602], %swap3A_605 {strides = array<i32>} : memref<16x128xf32, #tpu.memory_space<vmem>>, vector<1x16xf32>,
    %swap3A_606 = arith.constant 12 : i32
    %swap3A_607 = arith.index_cast %swap3A_606 : i32 to index
    %swap3A_608 = arith.constant 80 : index
    %swap3A_609 = tpu.vector_load %arg8[%swap3A_607, %swap3A_608] {strides = array<i32>} : memref<16x128xf32, #tpu.memory_space<vmem>>, vector<1x16xf32>,
    %swap3A_610 = vector.shape_cast %swap3A_609 : vector<1x16xf32> to vector<16xf32>
    %swap3A_611 = vector.shape_cast %broadcast_in_dim3A_0 : vector<16xf32> to vector<1x16xf32>
    tpu.vector_store %arg8[%swap3A_607, %swap3A_608], %swap3A_611 {strides = array<i32>} : memref<16x128xf32, #tpu.memory_space<vmem>>, vector<1x16xf32>,
    %swap3A_612 = arith.constant 12 : i32
    %swap3A_613 = arith.index_cast %swap3A_612 : i32 to index
    %swap3A_614 = arith.constant 96 : index
    %swap3A_615 = tpu.vector_load %arg8[%swap3A_613, %swap3A_614] {strides = array<i32>} : memref<16x128xf32, #tpu.memory_space<vmem>>, vector<1x16xf32>,
    %swap3A_616 = vector.shape_cast %swap3A_615 : vector<1x16xf32> to vector<16xf32>
    %swap3A_617 = vector.shape_cast %broadcast_in_dim3A_0 : vector<16xf32> to vector<1x16xf32>
    tpu.vector_store %arg8[%swap3A_613, %swap3A_614], %swap3A_617 {strides = array<i32>} : memref<16x128xf32, #tpu.memory_space<vmem>>, vector<1x16xf32>,
    %swap3A_618 = arith.constant 12 : i32
    %swap3A_619 = arith.index_cast %swap3A_618 : i32 to index
    %swap3A_620 = arith.constant 112 : index
    %swap3A_621 = tpu.vector_load %arg8[%swap3A_619, %swap3A_620] {strides = array<i32>} : memref<16x128xf32, #tpu.memory_space<vmem>>, vector<1x16xf32>,
    %swap3A_622 = vector.shape_cast %swap3A_621 : vector<1x16xf32> to vector<16xf32>
    %swap3A_623 = vector.shape_cast %broadcast_in_dim3A_0 : vector<16xf32> to vector<1x16xf32>
    tpu.vector_store %arg8[%swap3A_619, %swap3A_620], %swap3A_623 {strides = array<i32>} : memref<16x128xf32, #tpu.memory_space<vmem>>, vector<1x16xf32>,
    %swap3A_624 = arith.constant 13 : i32
    %swap3A_625 = arith.index_cast %swap3A_624 : i32 to index
    %swap3A_626 = arith.constant 0 : index
    %swap3A_627 = tpu.vector_load %arg8[%swap3A_625, %swap3A_626] {strides = array<i32>} : memref<16x128xf32, #tpu.memory_space<vmem>>, vector<1x16xf32>,
    %swap3A_628 = vector.shape_cast %swap3A_627 : vector<1x16xf32> to vector<16xf32>
    %swap3A_629 = vector.shape_cast %broadcast_in_dim3A_0 : vector<16xf32> to vector<1x16xf32>
    tpu.vector_store %arg8[%swap3A_625, %swap3A_626], %swap3A_629 {strides = array<i32>} : memref<16x128xf32, #tpu.memory_space<vmem>>, vector<1x16xf32>,
    %swap3A_630 = arith.constant 13 : i32
    %swap3A_631 = arith.index_cast %swap3A_630 : i32 to index
    %swap3A_632 = arith.constant 16 : index
    %swap3A_633 = tpu.vector_load %arg8[%swap3A_631, %swap3A_632] {strides = array<i32>} : memref<16x128xf32, #tpu.memory_space<vmem>>, vector<1x16xf32>,
    %swap3A_634 = vector.shape_cast %swap3A_633 : vector<1x16xf32> to vector<16xf32>
    %swap3A_635 = vector.shape_cast %broadcast_in_dim3A_0 : vector<16xf32> to vector<1x16xf32>
    tpu.vector_store %arg8[%swap3A_631, %swap3A_632], %swap3A_635 {strides = array<i32>} : memref<16x128xf32, #tpu.memory_space<vmem>>, vector<1x16xf32>,
    %swap3A_636 = arith.constant 13 : i32
    %swap3A_637 = arith.index_cast %swap3A_636 : i32 to index
    %swap3A_638 = arith.constant 32 : index
    %swap3A_639 = tpu.vector_load %arg8[%swap3A_637, %swap3A_638] {strides = array<i32>} : memref<16x128xf32, #tpu.memory_space<vmem>>, vector<1x16xf32>,
    %swap3A_640 = vector.shape_cast %swap3A_639 : vector<1x16xf32> to vector<16xf32>
    %swap3A_641 = vector.shape_cast %broadcast_in_dim3A_0 : vector<16xf32> to vector<1x16xf32>
    tpu.vector_store %arg8[%swap3A_637, %swap3A_638], %swap3A_641 {strides = array<i32>} : memref<16x128xf32, #tpu.memory_space<vmem>>, vector<1x16xf32>,
    %swap3A_642 = arith.constant 13 : i32
    %swap3A_643 = arith.index_cast %swap3A_642 : i32 to index
    %swap3A_644 = arith.constant 48 : index
    %swap3A_645 = tpu.vector_load %arg8[%swap3A_643, %swap3A_644] {strides = array<i32>} : memref<16x128xf32, #tpu.memory_space<vmem>>, vector<1x16xf32>,
    %swap3A_646 = vector.shape_cast %swap3A_645 : vector<1x16xf32> to vector<16xf32>
    %swap3A_647 = vector.shape_cast %broadcast_in_dim3A_0 : vector<16xf32> to vector<1x16xf32>
    tpu.vector_store %arg8[%swap3A_643, %swap3A_644], %swap3A_647 {strides = array<i32>} : memref<16x128xf32, #tpu.memory_space<vmem>>, vector<1x16xf32>,
    %swap3A_648 = arith.constant 13 : i32
    %swap3A_649 = arith.index_cast %swap3A_648 : i32 to index
    %swap3A_650 = arith.constant 64 : index
    %swap3A_651 = tpu.vector_load %arg8[%swap3A_649, %swap3A_650] {strides = array<i32>} : memref<16x128xf32, #tpu.memory_space<vmem>>, vector<1x16xf32>,
    %swap3A_652 = vector.shape_cast %swap3A_651 : vector<1x16xf32> to vector<16xf32>
    %swap3A_653 = vector.shape_cast %broadcast_in_dim3A_0 : vector<16xf32> to vector<1x16xf32>
    tpu.vector_store %arg8[%swap3A_649, %swap3A_650], %swap3A_653 {strides = array<i32>} : memref<16x128xf32, #tpu.memory_space<vmem>>, vector<1x16xf32>,
    %swap3A_654 = arith.constant 13 : i32
    %swap3A_655 = arith.index_cast %swap3A_654 : i32 to index
    %swap3A_656 = arith.constant 80 : index
    %swap3A_657 = tpu.vector_load %arg8[%swap3A_655, %swap3A_656] {strides = array<i32>} : memref<16x128xf32, #tpu.memory_space<vmem>>, vector<1x16xf32>,
    %swap3A_658 = vector.shape_cast %swap3A_657 : vector<1x16xf32> to vector<16xf32>
    %swap3A_659 = vector.shape_cast %broadcast_in_dim3A_0 : vector<16xf32> to vector<1x16xf32>
    tpu.vector_store %arg8[%swap3A_655, %swap3A_656], %swap3A_659 {strides = array<i32>} : memref<16x128xf32, #tpu.memory_space<vmem>>, vector<1x16xf32>,
    %swap3A_660 = arith.constant 13 : i32
    %swap3A_661 = arith.index_cast %swap3A_660 : i32 to index
    %swap3A_662 = arith.constant 96 : index
    %swap3A_663 = tpu.vector_load %arg8[%swap3A_661, %swap3A_662] {strides = array<i32>} : memref<16x128xf32, #tpu.memory_space<vmem>>, vector<1x16xf32>,
    %swap3A_664 = vector.shape_cast %swap3A_663 : vector<1x16xf32> to vector<16xf32>
    %swap3A_665 = vector.shape_cast %broadcast_in_dim3A_0 : vector<16xf32> to vector<1x16xf32>
    tpu.vector_store %arg8[%swap3A_661, %swap3A_662], %swap3A_665 {strides = array<i32>} : memref<16x128xf32, #tpu.memory_space<vmem>>, vector<1x16xf32>,
    %swap3A_666 = arith.constant 13 : i32
    %swap3A_667 = arith.index_cast %swap3A_666 : i32 to index
    %swap3A_668 = arith.constant 112 : index
    %swap3A_669 = tpu.vector_load %arg8[%swap3A_667, %swap3A_668] {strides = array<i32>} : memref<16x128xf32, #tpu.memory_space<vmem>>, vector<1x16xf32>,
    %swap3A_670 = vector.shape_cast %swap3A_669 : vector<1x16xf32> to vector<16xf32>
    %swap3A_671 = vector.shape_cast %broadcast_in_dim3A_0 : vector<16xf32> to vector<1x16xf32>
    tpu.vector_store %arg8[%swap3A_667, %swap3A_668], %swap3A_671 {strides = array<i32>} : memref<16x128xf32, #tpu.memory_space<vmem>>, vector<1x16xf32>,
    %swap3A_672 = arith.constant 14 : i32
    %swap3A_673 = arith.index_cast %swap3A_672 : i32 to index
    %swap3A_674 = arith.constant 0 : index
    %swap3A_675 = tpu.vector_load %arg8[%swap3A_673, %swap3A_674] {strides = array<i32>} : memref<16x128xf32, #tpu.memory_space<vmem>>, vector<1x16xf32>,
    %swap3A_676 = vector.shape_cast %swap3A_675 : vector<1x16xf32> to vector<16xf32>
    %swap3A_677 = vector.shape_cast %broadcast_in_dim3A_0 : vector<16xf32> to vector<1x16xf32>
    tpu.vector_store %arg8[%swap3A_673, %swap3A_674], %swap3A_677 {strides = array<i32>} : memref<16x128xf32, #tpu.memory_space<vmem>>, vector<1x16xf32>,
    %swap3A_678 = arith.constant 14 : i32
    %swap3A_679 = arith.index_cast %swap3A_678 : i32 to index
    %swap3A_680 = arith.constant 16 : index
    %swap3A_681 = tpu.vector_load %arg8[%swap3A_679, %swap3A_680] {strides = array<i32>} : memref<16x128xf32, #tpu.memory_space<vmem>>, vector<1x16xf32>,
    %swap3A_682 = vector.shape_cast %swap3A_681 : vector<1x16xf32> to vector<16xf32>
    %swap3A_683 = vector.shape_cast %broadcast_in_dim3A_0 : vector<16xf32> to vector<1x16xf32>
    tpu.vector_store %arg8[%swap3A_679, %swap3A_680], %swap3A_683 {strides = array<i32>} : memref<16x128xf32, #tpu.memory_space<vmem>>, vector<1x16xf32>,
    %swap3A_684 = arith.constant 14 : i32
    %swap3A_685 = arith.index_cast %swap3A_684 : i32 to index
    %swap3A_686 = arith.constant 32 : index
    %swap3A_687 = tpu.vector_load %arg8[%swap3A_685, %swap3A_686] {strides = array<i32>} : memref<16x128xf32, #tpu.memory_space<vmem>>, vector<1x16xf32>,
    %swap3A_688 = vector.shape_cast %swap3A_687 : vector<1x16xf32> to vector<16xf32>
    %swap3A_689 = vector.shape_cast %broadcast_in_dim3A_0 : vector<16xf32> to vector<1x16xf32>
    tpu.vector_store %arg8[%swap3A_685, %swap3A_686], %swap3A_689 {strides = array<i32>} : memref<16x128xf32, #tpu.memory_space<vmem>>, vector<1x16xf32>,
    %swap3A_690 = arith.constant 14 : i32
    %swap3A_691 = arith.index_cast %swap3A_690 : i32 to index
    %swap3A_692 = arith.constant 48 : index
    %swap3A_693 = tpu.vector_load %arg8[%swap3A_691, %swap3A_692] {strides = array<i32>} : memref<16x128xf32, #tpu.memory_space<vmem>>, vector<1x16xf32>,
    %swap3A_694 = vector.shape_cast %swap3A_693 : vector<1x16xf32> to vector<16xf32>
    %swap3A_695 = vector.shape_cast %broadcast_in_dim3A_0 : vector<16xf32> to vector<1x16xf32>
    tpu.vector_store %arg8[%swap3A_691, %swap3A_692], %swap3A_695 {strides = array<i32>} : memref<16x128xf32, #tpu.memory_space<vmem>>, vector<1x16xf32>,
    %swap3A_696 = arith.constant 14 : i32
    %swap3A_697 = arith.index_cast %swap3A_696 : i32 to index
    %swap3A_698 = arith.constant 64 : index
    %swap3A_699 = tpu.vector_load %arg8[%swap3A_697, %swap3A_698] {strides = array<i32>} : memref<16x128xf32, #tpu.memory_space<vmem>>, vector<1x16xf32>,
    %swap3A_700 = vector.shape_cast %swap3A_699 : vector<1x16xf32> to vector<16xf32>
    %swap3A_701 = vector.shape_cast %broadcast_in_dim3A_0 : vector<16xf32> to vector<1x16xf32>
    tpu.vector_store %arg8[%swap3A_697, %swap3A_698], %swap3A_701 {strides = array<i32>} : memref<16x128xf32, #tpu.memory_space<vmem>>, vector<1x16xf32>,
    %swap3A_702 = arith.constant 14 : i32
    %swap3A_703 = arith.index_cast %swap3A_702 : i32 to index
    %swap3A_704 = arith.constant 80 : index
    %swap3A_705 = tpu.vector_load %arg8[%swap3A_703, %swap3A_704] {strides = array<i32>} : memref<16x128xf32, #tpu.memory_space<vmem>>, vector<1x16xf32>,
    %swap3A_706 = vector.shape_cast %swap3A_705 : vector<1x16xf32> to vector<16xf32>
    %swap3A_707 = vector.shape_cast %broadcast_in_dim3A_0 : vector<16xf32> to vector<1x16xf32>
    tpu.vector_store %arg8[%swap3A_703, %swap3A_704], %swap3A_707 {strides = array<i32>} : memref<16x128xf32, #tpu.memory_space<vmem>>, vector<1x16xf32>,
    %swap3A_708 = arith.constant 14 : i32
    %swap3A_709 = arith.index_cast %swap3A_708 : i32 to index
    %swap3A_710 = arith.constant 96 : index
    %swap3A_711 = tpu.vector_load %arg8[%swap3A_709, %swap3A_710] {strides = array<i32>} : memref<16x128xf32, #tpu.memory_space<vmem>>, vector<1x16xf32>,
    %swap3A_712 = vector.shape_cast %swap3A_711 : vector<1x16xf32> to vector<16xf32>
    %swap3A_713 = vector.shape_cast %broadcast_in_dim3A_0 : vector<16xf32> to vector<1x16xf32>
    tpu.vector_store %arg8[%swap3A_709, %swap3A_710], %swap3A_713 {strides = array<i32>} : memref<16x128xf32, #tpu.memory_space<vmem>>, vector<1x16xf32>,
    %swap3A_714 = arith.constant 14 : i32
    %swap3A_715 = arith.index_cast %swap3A_714 : i32 to index
    %swap3A_716 = arith.constant 112 : index
    %swap3A_717 = tpu.vector_load %arg8[%swap3A_715, %swap3A_716] {strides = array<i32>} : memref<16x128xf32, #tpu.memory_space<vmem>>, vector<1x16xf32>,
    %swap3A_718 = vector.shape_cast %swap3A_717 : vector<1x16xf32> to vector<16xf32>
    %swap3A_719 = vector.shape_cast %broadcast_in_dim3A_0 : vector<16xf32> to vector<1x16xf32>
    tpu.vector_store %arg8[%swap3A_715, %swap3A_716], %swap3A_719 {strides = array<i32>} : memref<16x128xf32, #tpu.memory_space<vmem>>, vector<1x16xf32>,
    %swap3A_720 = arith.constant 15 : i32
    %swap3A_721 = arith.index_cast %swap3A_720 : i32 to index
    %swap3A_722 = arith.constant 0 : index
    %swap3A_723 = tpu.vector_load %arg8[%swap3A_721, %swap3A_722] {strides = array<i32>} : memref<16x128xf32, #tpu.memory_space<vmem>>, vector<1x16xf32>,
    %swap3A_724 = vector.shape_cast %swap3A_723 : vector<1x16xf32> to vector<16xf32>
    %swap3A_725 = vector.shape_cast %broadcast_in_dim3A_0 : vector<16xf32> to vector<1x16xf32>
    tpu.vector_store %arg8[%swap3A_721, %swap3A_722], %swap3A_725 {strides = array<i32>} : memref<16x128xf32, #tpu.memory_space<vmem>>, vector<1x16xf32>,
    %swap3A_726 = arith.constant 15 : i32
    %swap3A_727 = arith.index_cast %swap3A_726 : i32 to index
    %swap3A_728 = arith.constant 16 : index
    %swap3A_729 = tpu.vector_load %arg8[%swap3A_727, %swap3A_728] {strides = array<i32>} : memref<16x128xf32, #tpu.memory_space<vmem>>, vector<1x16xf32>,
    %swap3A_730 = vector.shape_cast %swap3A_729 : vector<1x16xf32> to vector<16xf32>
    %swap3A_731 = vector.shape_cast %broadcast_in_dim3A_0 : vector<16xf32> to vector<1x16xf32>
    tpu.vector_store %arg8[%swap3A_727, %swap3A_728], %swap3A_731 {strides = array<i32>} : memref<16x128xf32, #tpu.memory_space<vmem>>, vector<1x16xf32>,
    %swap3A_732 = arith.constant 15 : i32
    %swap3A_733 = arith.index_cast %swap3A_732 : i32 to index
    %swap3A_734 = arith.constant 32 : index
    %swap3A_735 = tpu.vector_load %arg8[%swap3A_733, %swap3A_734] {strides = array<i32>} : memref<16x128xf32, #tpu.memory_space<vmem>>, vector<1x16xf32>,
    %swap3A_736 = vector.shape_cast %swap3A_735 : vector<1x16xf32> to vector<16xf32>
    %swap3A_737 = vector.shape_cast %broadcast_in_dim3A_0 : vector<16xf32> to vector<1x16xf32>
    tpu.vector_store %arg8[%swap3A_733, %swap3A_734], %swap3A_737 {strides = array<i32>} : memref<16x128xf32, #tpu.memory_space<vmem>>, vector<1x16xf32>,
    %swap3A_738 = arith.constant 15 : i32
    %swap3A_739 = arith.index_cast %swap3A_738 : i32 to index
    %swap3A_740 = arith.constant 48 : index
    %swap3A_741 = tpu.vector_load %arg8[%swap3A_739, %swap3A_740] {strides = array<i32>} : memref<16x128xf32, #tpu.memory_space<vmem>>, vector<1x16xf32>,
    %swap3A_742 = vector.shape_cast %swap3A_741 : vector<1x16xf32> to vector<16xf32>
    %swap3A_743 = vector.shape_cast %broadcast_in_dim3A_0 : vector<16xf32> to vector<1x16xf32>
    tpu.vector_store %arg8[%swap3A_739, %swap3A_740], %swap3A_743 {strides = array<i32>} : memref<16x128xf32, #tpu.memory_space<vmem>>, vector<1x16xf32>,
    %swap3A_744 = arith.constant 15 : i32
    %swap3A_745 = arith.index_cast %swap3A_744 : i32 to index
    %swap3A_746 = arith.constant 64 : index
    %swap3A_747 = tpu.vector_load %arg8[%swap3A_745, %swap3A_746] {strides = array<i32>} : memref<16x128xf32, #tpu.memory_space<vmem>>, vector<1x16xf32>,
    %swap3A_748 = vector.shape_cast %swap3A_747 : vector<1x16xf32> to vector<16xf32>
    %swap3A_749 = vector.shape_cast %broadcast_in_dim3A_0 : vector<16xf32> to vector<1x16xf32>
    tpu.vector_store %arg8[%swap3A_745, %swap3A_746], %swap3A_749 {strides = array<i32>} : memref<16x128xf32, #tpu.memory_space<vmem>>, vector<1x16xf32>,
    %swap3A_750 = arith.constant 15 : i32
    %swap3A_751 = arith.index_cast %swap3A_750 : i32 to index
    %swap3A_752 = arith.constant 80 : index
    %swap3A_753 = tpu.vector_load %arg8[%swap3A_751, %swap3A_752] {strides = array<i32>} : memref<16x128xf32, #tpu.memory_space<vmem>>, vector<1x16xf32>,
    %swap3A_754 = vector.shape_cast %swap3A_753 : vector<1x16xf32> to vector<16xf32>
    %swap3A_755 = vector.shape_cast %broadcast_in_dim3A_0 : vector<16xf32> to vector<1x16xf32>
    tpu.vector_store %arg8[%swap3A_751, %swap3A_752], %swap3A_755 {strides = array<i32>} : memref<16x128xf32, #tpu.memory_space<vmem>>, vector<1x16xf32>,
    %swap3A_756 = arith.constant 15 : i32
    %swap3A_757 = arith.index_cast %swap3A_756 : i32 to index
    %swap3A_758 = arith.constant 96 : index
    %swap3A_759 = tpu.vector_load %arg8[%swap3A_757, %swap3A_758] {strides = array<i32>} : memref<16x128xf32, #tpu.memory_space<vmem>>, vector<1x16xf32>,
    %swap3A_760 = vector.shape_cast %swap3A_759 : vector<1x16xf32> to vector<16xf32>
    %swap3A_761 = vector.shape_cast %broadcast_in_dim3A_0 : vector<16xf32> to vector<1x16xf32>
    tpu.vector_store %arg8[%swap3A_757, %swap3A_758], %swap3A_761 {strides = array<i32>} : memref<16x128xf32, #tpu.memory_space<vmem>>, vector<1x16xf32>,
    %swap3A_762 = arith.constant 15 : i32
    %swap3A_763 = arith.index_cast %swap3A_762 : i32 to index
    %swap3A_764 = arith.constant 112 : index
    %swap3A_765 = tpu.vector_load %arg8[%swap3A_763, %swap3A_764] {strides = array<i32>} : memref<16x128xf32, #tpu.memory_space<vmem>>, vector<1x16xf32>,
    %swap3A_766 = vector.shape_cast %swap3A_765 : vector<1x16xf32> to vector<16xf32>
    %swap3A_767 = vector.shape_cast %broadcast_in_dim3A_0 : vector<16xf32> to vector<1x16xf32>
    tpu.vector_store %arg8[%swap3A_763, %swap3A_764], %swap3A_767 {strides = array<i32>} : memref<16x128xf32, #tpu.memory_space<vmem>>, vector<1x16xf32>,
    %scan3A = arith.constant 0 : i32
    %scan3A_768 = arith.constant 0 : i32
    %scan3A_769 = arith.constant 40 : i32
    %scan3A_770 = arith.addi %scan3A_768, %scan3A_769 : i32
    %scan3A_771 = arith.constant 1 : i32
    scf.for %scan3A_791 = %scan3A_768 to %scan3A_770 step %scan3A_771  : i32 {
      %mul3A = arith.constant 640 : i32
      %mul3A_792 = arith.muli %arg1, %mul3A : i32
      %mul3A_793 = arith.constant 16 : i32
      %mul3A_794 = arith.muli %scan3A_791, %mul3A_793 : i32
      %add3A = arith.addi %mul3A_792, %mul3A_794 : i32
      "tpu.region"() ({
        %run_scoped3A = tpu.sem_alloc : memref<!tpu.dma_semaphore, #tpu.memory_space<semaphore_mem>>
        %dma_start3A = arith.constant 0 : i32
        %dma_start3A_795 = tpu.memref_slice %arg7[%add3A, %dma_start3A] : memref<10240x128xf32, #tpu.memory_space<vmem_shared>> -> memref<16x128xf32, #tpu.memory_space<vmem_shared>>
        %dma_start3A_796 = arith.constant 0 : i32
        %dma_start3A_797 = tpu.memref_slice %arg7[%add3A, %dma_start3A_796] : memref<10240x128xf32, #tpu.memory_space<vmem_shared>> -> memref<16x128xf32, #tpu.memory_space<vmem_shared>>
        tpu.enqueue_dma source(%arg8 : memref<16x128xf32, #tpu.memory_space<vmem>>) target(%dma_start3A_797 : memref<16x128xf32, #tpu.memory_space<vmem_shared>>) target_semaphore(%run_scoped3A : memref<!tpu.dma_semaphore, #tpu.memory_space<semaphore_mem>>)
        %dma_wait3A = arith.constant 0 : i32
        %dma_wait3A_798 = tpu.memref_slice %arg7[%add3A, %dma_wait3A] : memref<10240x128xf32, #tpu.memory_space<vmem_shared>> -> memref<16x128xf32, #tpu.memory_space<vmem_shared>>
        %dma_wait3A_799 = arith.constant 0 : i32
        %dma_wait3A_800 = tpu.memref_slice %arg7[%add3A, %dma_wait3A_799] : memref<10240x128xf32, #tpu.memory_space<vmem_shared>> -> memref<16x128xf32, #tpu.memory_space<vmem_shared>>
        tpu.wait_dma2 semaphore(%run_scoped3A : memref<!tpu.dma_semaphore, #tpu.memory_space<semaphore_mem>>) src(%arg8 : memref<16x128xf32, #tpu.memory_space<vmem>>) dst(%dma_wait3A_800 : memref<16x128xf32, #tpu.memory_space<vmem_shared>>)
        tpu.yield
      }) : () -> ()
    }
    %scan3A_772 = arith.constant 40 : i32
    %barrier3A = arith.constant 0 : index
    tpu.barrier barrier_id(%barrier3A)
    %eq3A = arith.constant 0 : i32
    %eq3A_773 = arith.cmpi eq, %arg0, %eq3A : i32
    %convert_element_type3A = arith.extui %eq3A_773 : i1 to i32
    %cond3A = arith.constant 0 : i32
    %cond3A_774 = arith.cmpi ne, %convert_element_type3A, %cond3A : i32
    scf.if %cond3A_774 {
      %scan3A_791 = arith.constant 0 : i32
      %scan3A_792 = arith.constant 0 : i32
      %scan3A_793 = arith.constant 61 : i32
      %scan3A_794 = arith.addi %scan3A_792, %scan3A_793 : i32
      %scan3A_795 = arith.constant 1 : i32
      scf.for %scan3A_797 = %scan3A_792 to %scan3A_794 step %scan3A_795  : i32 {
        %mul3A = arith.constant 9760 : i32
        %mul3A_798 = arith.muli %arg1, %mul3A : i32
        %mul3A_799 = arith.constant 160 : i32
        %mul3A_800 = arith.muli %scan3A_797, %mul3A_799 : i32
        %add3A = arith.addi %mul3A_798, %mul3A_800 : i32
        %add3A_801 = arith.constant 163840 : i32
        %add3A_802 = arith.addi %add3A_801, %add3A : i32
        "tpu.region"() ({
          %run_scoped3A = tpu.sem_alloc : memref<!tpu.dma_semaphore, #tpu.memory_space<semaphore_mem>>
          %dma_start3A = tpu.memref_slice %arg4[%add3A_802] : memref<320000xi32, #tpu.memory_space<hbm>> -> memref<160xi32, #tpu.memory_space<hbm>>
          %dma_start3A_803 = tpu.memref_slice %arg4[%add3A_802] : memref<320000xi32, #tpu.memory_space<hbm>> -> memref<160xi32, #tpu.memory_space<hbm>>
          tpu.enqueue_dma source(%dma_start3A_803 : memref<160xi32, #tpu.memory_space<hbm>>) target(%arg9 : memref<160xi32, #tpu.memory_space<vmem>>) target_semaphore(%run_scoped3A : memref<!tpu.dma_semaphore, #tpu.memory_space<semaphore_mem>>)
          %dma_wait3A = tpu.memref_slice %arg4[%add3A_802] : memref<320000xi32, #tpu.memory_space<hbm>> -> memref<160xi32, #tpu.memory_space<hbm>>
          %dma_wait3A_804 = tpu.memref_slice %arg4[%add3A_802] : memref<320000xi32, #tpu.memory_space<hbm>> -> memref<160xi32, #tpu.memory_space<hbm>>
          tpu.wait_dma2 semaphore(%run_scoped3A : memref<!tpu.dma_semaphore, #tpu.memory_space<semaphore_mem>>) src(%dma_wait3A_804 : memref<160xi32, #tpu.memory_space<hbm>>) dst(%arg9 : memref<160xi32, #tpu.memory_space<vmem>>)
          tpu.yield
        }) : () -> ()
        "tpu.region"() ({
          %run_scoped3A = tpu.sem_alloc : memref<!tpu.dma_semaphore, #tpu.memory_space<semaphore_mem>>
          %dma_start3A = arith.constant 0 : i32
          %dma_start3A_803 = tpu.memref_slice %arg2[%add3A, %dma_start3A] : memref<156160x128xf32, #tpu.memory_space<hbm>> -> memref<160x128xf32, #tpu.memory_space<hbm>>
          %dma_start3A_804 = arith.constant 0 : i32
          %dma_start3A_805 = tpu.memref_slice %arg2[%add3A, %dma_start3A_804] : memref<156160x128xf32, #tpu.memory_space<hbm>> -> memref<160x128xf32, #tpu.memory_space<hbm>>
          tpu.enqueue_dma source(%dma_start3A_805 : memref<160x128xf32, #tpu.memory_space<hbm>>) target(%arg10 : memref<160x128xf32, #tpu.memory_space<vmem>>) target_semaphore(%run_scoped3A : memref<!tpu.dma_semaphore, #tpu.memory_space<semaphore_mem>>)
          %dma_wait3A = arith.constant 0 : i32
          %dma_wait3A_806 = tpu.memref_slice %arg2[%add3A, %dma_wait3A] : memref<156160x128xf32, #tpu.memory_space<hbm>> -> memref<160x128xf32, #tpu.memory_space<hbm>>
          %dma_wait3A_807 = arith.constant 0 : i32
          %dma_wait3A_808 = tpu.memref_slice %arg2[%add3A, %dma_wait3A_807] : memref<156160x128xf32, #tpu.memory_space<hbm>> -> memref<160x128xf32, #tpu.memory_space<hbm>>
          tpu.wait_dma2 semaphore(%run_scoped3A : memref<!tpu.dma_semaphore, #tpu.memory_space<semaphore_mem>>) src(%dma_wait3A_808 : memref<160x128xf32, #tpu.memory_space<hbm>>) dst(%arg10 : memref<160x128xf32, #tpu.memory_space<vmem>>)
          tpu.yield
        }) : () -> ()
        "tpu.region"() ({
          %run_scoped3A = tpu.sem_alloc : memref<!tpu.dma_semaphore, #tpu.memory_space<semaphore_mem>>
          %dma_start3A = arith.constant 0 : i32
          %dma_start3A_803 = arith.constant 0 : i32
          %dma_start3A_804 = tpu.memref_slice %arg7[%dma_start3A, %dma_start3A_803] : memref<10240x128xf32, #tpu.memory_space<vmem_shared>> -> memref<10240x128xf32, #tpu.memory_space<vmem_shared>>
          tpu.enqueue_indirect_dma source(%arg10 : memref<160x128xf32, #tpu.memory_space<vmem>>) target(%dma_start3A_804 : memref<10240x128xf32, #tpu.memory_space<vmem_shared>>) offsets(%arg9 : memref<160xi32, #tpu.memory_space<vmem>>) semaphore(%run_scoped3A : memref<!tpu.dma_semaphore, #tpu.memory_space<semaphore_mem>>) {add = true}
          %dma_wait3A = arith.constant 0 : i32
          %dma_wait3A_805 = arith.constant 0 : i32
          %dma_wait3A_806 = tpu.memref_slice %arg7[%dma_wait3A, %dma_wait3A_805] : memref<10240x128xf32, #tpu.memory_space<vmem_shared>> -> memref<10240x128xf32, #tpu.memory_space<vmem_shared>>
          tpu.wait_indirect_dma semaphore(%run_scoped3A : memref<!tpu.dma_semaphore, #tpu.memory_space<semaphore_mem>>) src(%arg10 : memref<160x128xf32, #tpu.memory_space<vmem>>) dst(%dma_wait3A_806 : memref<10240x128xf32, #tpu.memory_space<vmem_shared>>)
          tpu.yield
        }) : () -> ()
      }
      %scan3A_796 = arith.constant 61 : i32
    } else {
    }
    %eq3A_775 = arith.constant 1 : i32
    %eq3A_776 = arith.cmpi eq, %arg0, %eq3A_775 : i32
    %convert_element_type3A_777 = arith.extui %eq3A_776 : i1 to i32
    %cond3A_778 = arith.constant 0 : i32
    %cond3A_779 = arith.cmpi ne, %convert_element_type3A_777, %cond3A_778 : i32
    scf.if %cond3A_779 {
      %scan3A_791 = arith.constant 0 : i32
      %scan3A_792 = arith.constant 0 : i32
      %scan3A_793 = arith.constant 61 : i32
      %scan3A_794 = arith.addi %scan3A_792, %scan3A_793 : i32
      %scan3A_795 = arith.constant 1 : i32
      scf.for %scan3A_797 = %scan3A_792 to %scan3A_794 step %scan3A_795  : i32 {
        %mul3A = arith.constant 9760 : i32
        %mul3A_798 = arith.muli %arg1, %mul3A : i32
        %mul3A_799 = arith.constant 160 : i32
        %mul3A_800 = arith.muli %scan3A_797, %mul3A_799 : i32
        %add3A = arith.addi %mul3A_798, %mul3A_800 : i32
        %add3A_801 = arith.constant 163840 : i32
        %add3A_802 = arith.addi %add3A_801, %add3A : i32
        "tpu.region"() ({
          %run_scoped3A = tpu.sem_alloc : memref<!tpu.dma_semaphore, #tpu.memory_space<semaphore_mem>>
          %dma_start3A = tpu.memref_slice %arg4[%add3A_802] : memref<320000xi32, #tpu.memory_space<hbm>> -> memref<160xi32, #tpu.memory_space<hbm>>
          %dma_start3A_803 = tpu.memref_slice %arg4[%add3A_802] : memref<320000xi32, #tpu.memory_space<hbm>> -> memref<160xi32, #tpu.memory_space<hbm>>
          tpu.enqueue_dma source(%dma_start3A_803 : memref<160xi32, #tpu.memory_space<hbm>>) target(%arg9 : memref<160xi32, #tpu.memory_space<vmem>>) target_semaphore(%run_scoped3A : memref<!tpu.dma_semaphore, #tpu.memory_space<semaphore_mem>>)
          %dma_wait3A = tpu.memref_slice %arg4[%add3A_802] : memref<320000xi32, #tpu.memory_space<hbm>> -> memref<160xi32, #tpu.memory_space<hbm>>
          %dma_wait3A_804 = tpu.memref_slice %arg4[%add3A_802] : memref<320000xi32, #tpu.memory_space<hbm>> -> memref<160xi32, #tpu.memory_space<hbm>>
          tpu.wait_dma2 semaphore(%run_scoped3A : memref<!tpu.dma_semaphore, #tpu.memory_space<semaphore_mem>>) src(%dma_wait3A_804 : memref<160xi32, #tpu.memory_space<hbm>>) dst(%arg9 : memref<160xi32, #tpu.memory_space<vmem>>)
          tpu.yield
        }) : () -> ()
        "tpu.region"() ({
          %run_scoped3A = tpu.sem_alloc : memref<!tpu.dma_semaphore, #tpu.memory_space<semaphore_mem>>
          %dma_start3A = arith.constant 0 : i32
          %dma_start3A_803 = tpu.memref_slice %arg3[%add3A, %dma_start3A] : memref<156160x128xf32, #tpu.memory_space<hbm>> -> memref<160x128xf32, #tpu.memory_space<hbm>>
          %dma_start3A_804 = arith.constant 0 : i32
          %dma_start3A_805 = tpu.memref_slice %arg3[%add3A, %dma_start3A_804] : memref<156160x128xf32, #tpu.memory_space<hbm>> -> memref<160x128xf32, #tpu.memory_space<hbm>>
          tpu.enqueue_dma source(%dma_start3A_805 : memref<160x128xf32, #tpu.memory_space<hbm>>) target(%arg10 : memref<160x128xf32, #tpu.memory_space<vmem>>) target_semaphore(%run_scoped3A : memref<!tpu.dma_semaphore, #tpu.memory_space<semaphore_mem>>)
          %dma_wait3A = arith.constant 0 : i32
          %dma_wait3A_806 = tpu.memref_slice %arg3[%add3A, %dma_wait3A] : memref<156160x128xf32, #tpu.memory_space<hbm>> -> memref<160x128xf32, #tpu.memory_space<hbm>>
          %dma_wait3A_807 = arith.constant 0 : i32
          %dma_wait3A_808 = tpu.memref_slice %arg3[%add3A, %dma_wait3A_807] : memref<156160x128xf32, #tpu.memory_space<hbm>> -> memref<160x128xf32, #tpu.memory_space<hbm>>
          tpu.wait_dma2 semaphore(%run_scoped3A : memref<!tpu.dma_semaphore, #tpu.memory_space<semaphore_mem>>) src(%dma_wait3A_808 : memref<160x128xf32, #tpu.memory_space<hbm>>) dst(%arg10 : memref<160x128xf32, #tpu.memory_space<vmem>>)
          tpu.yield
        }) : () -> ()
        "tpu.region"() ({
          %run_scoped3A = tpu.sem_alloc : memref<!tpu.dma_semaphore, #tpu.memory_space<semaphore_mem>>
          %dma_start3A = arith.constant 0 : i32
          %dma_start3A_803 = arith.constant 0 : i32
          %dma_start3A_804 = tpu.memref_slice %arg7[%dma_start3A, %dma_start3A_803] : memref<10240x128xf32, #tpu.memory_space<vmem_shared>> -> memref<10240x128xf32, #tpu.memory_space<vmem_shared>>
          tpu.enqueue_indirect_dma source(%arg10 : memref<160x128xf32, #tpu.memory_space<vmem>>) target(%dma_start3A_804 : memref<10240x128xf32, #tpu.memory_space<vmem_shared>>) offsets(%arg9 : memref<160xi32, #tpu.memory_space<vmem>>) semaphore(%run_scoped3A : memref<!tpu.dma_semaphore, #tpu.memory_space<semaphore_mem>>) {add = true}
          %dma_wait3A = arith.constant 0 : i32
          %dma_wait3A_805 = arith.constant 0 : i32
          %dma_wait3A_806 = tpu.memref_slice %arg7[%dma_wait3A, %dma_wait3A_805] : memref<10240x128xf32, #tpu.memory_space<vmem_shared>> -> memref<10240x128xf32, #tpu.memory_space<vmem_shared>>
          tpu.wait_indirect_dma semaphore(%run_scoped3A : memref<!tpu.dma_semaphore, #tpu.memory_space<semaphore_mem>>) src(%arg10 : memref<160x128xf32, #tpu.memory_space<vmem>>) dst(%dma_wait3A_806 : memref<10240x128xf32, #tpu.memory_space<vmem_shared>>)
          tpu.yield
        }) : () -> ()
      }
      %scan3A_796 = arith.constant 61 : i32
    } else {
    }
    %barrier3A_780 = arith.constant 0 : index
    tpu.barrier barrier_id(%barrier3A_780)
    %eq3A_781 = arith.constant 0 : i32
    %eq3A_782 = arith.cmpi eq, %arg0, %eq3A_781 : i32
    %convert_element_type3A_783 = arith.extui %eq3A_782 : i1 to i32
    %cond3A_784 = arith.constant 0 : i32
    %cond3A_785 = arith.cmpi ne, %convert_element_type3A_783, %cond3A_784 : i32
    scf.if %cond3A_785 {
      %mul3A = arith.constant 640 : i32
      %mul3A_791 = arith.muli %arg1, %mul3A : i32
      %lt3A = arith.constant 15 : i32
      %lt3A_792 = arith.cmpi slt, %arg1, %lt3A : i32
      %convert_element_type3A_793 = arith.extui %lt3A_792 : i1 to i32
      %cond3A_794 = arith.constant 0 : i32
      %cond3A_795 = arith.cmpi ne, %convert_element_type3A_793, %cond3A_794 : i32
      scf.if %cond3A_795 {
        "tpu.region"() ({
          %run_scoped3A = tpu.sem_alloc : memref<!tpu.dma_semaphore, #tpu.memory_space<semaphore_mem>>
          %dma_start3A = arith.constant 0 : i32
          %dma_start3A_801 = tpu.memref_slice %arg6[%mul3A_791, %dma_start3A] : memref<10000x128xf32, #tpu.memory_space<hbm>> -> memref<640x128xf32, #tpu.memory_space<hbm>>
          %dma_start3A_802 = arith.constant 0 : i32
          %dma_start3A_803 = tpu.memref_slice %arg7[%mul3A_791, %dma_start3A_802] : memref<10240x128xf32, #tpu.memory_space<vmem_shared>> -> memref<640x128xf32, #tpu.memory_space<vmem_shared>>
          tpu.enqueue_dma source(%dma_start3A_803 : memref<640x128xf32, #tpu.memory_space<vmem_shared>>) target(%dma_start3A_801 : memref<640x128xf32, #tpu.memory_space<hbm>>) target_semaphore(%run_scoped3A : memref<!tpu.dma_semaphore, #tpu.memory_space<semaphore_mem>>)
          %dma_wait3A = arith.constant 0 : i32
          %dma_wait3A_804 = tpu.memref_slice %arg6[%mul3A_791, %dma_wait3A] : memref<10000x128xf32, #tpu.memory_space<hbm>> -> memref<640x128xf32, #tpu.memory_space<hbm>>
          %dma_wait3A_805 = arith.constant 0 : i32
          %dma_wait3A_806 = tpu.memref_slice %arg7[%mul3A_791, %dma_wait3A_805] : memref<10240x128xf32, #tpu.memory_space<vmem_shared>> -> memref<640x128xf32, #tpu.memory_space<vmem_shared>>
          tpu.wait_dma2 semaphore(%run_scoped3A : memref<!tpu.dma_semaphore, #tpu.memory_space<semaphore_mem>>) src(%dma_wait3A_806 : memref<640x128xf32, #tpu.memory_space<vmem_shared>>) dst(%dma_wait3A_804 : memref<640x128xf32, #tpu.memory_space<hbm>>)
          tpu.yield
        }) : () -> ()
      } else {
      }
      %eq3A_796 = arith.constant 15 : i32
      %eq3A_797 = arith.cmpi eq, %arg1, %eq3A_796 : i32
      %convert_element_type3A_798 = arith.extui %eq3A_797 : i1 to i32
      %cond3A_799 = arith.constant 0 : i32
      %cond3A_800 = arith.cmpi ne, %convert_element_type3A_798, %cond3A_799 : i32
      scf.if %cond3A_800 {
        "tpu.region"() ({
          %run_scoped3A = tpu.sem_alloc : memref<!tpu.dma_semaphore, #tpu.memory_space<semaphore_mem>>
          %dma_start3A = arith.constant 0 : i32
          %dma_start3A_801 = tpu.memref_slice %arg6[%mul3A_791, %dma_start3A] : memref<10000x128xf32, #tpu.memory_space<hbm>> -> memref<400x128xf32, #tpu.memory_space<hbm>>
          %dma_start3A_802 = arith.constant 0 : i32
          %dma_start3A_803 = tpu.memref_slice %arg7[%mul3A_791, %dma_start3A_802] : memref<10240x128xf32, #tpu.memory_space<vmem_shared>> -> memref<400x128xf32, #tpu.memory_space<vmem_shared>>
          tpu.enqueue_dma source(%dma_start3A_803 : memref<400x128xf32, #tpu.memory_space<vmem_shared>>) target(%dma_start3A_801 : memref<400x128xf32, #tpu.memory_space<hbm>>) target_semaphore(%run_scoped3A : memref<!tpu.dma_semaphore, #tpu.memory_space<semaphore_mem>>)
          %dma_wait3A = arith.constant 0 : i32
          %dma_wait3A_804 = tpu.memref_slice %arg6[%mul3A_791, %dma_wait3A] : memref<10000x128xf32, #tpu.memory_space<hbm>> -> memref<400x128xf32, #tpu.memory_space<hbm>>
          %dma_wait3A_805 = arith.constant 0 : i32
          %dma_wait3A_806 = tpu.memref_slice %arg7[%mul3A_791, %dma_wait3A_805] : memref<10240x128xf32, #tpu.memory_space<vmem_shared>> -> memref<400x128xf32, #tpu.memory_space<vmem_shared>>
          tpu.wait_dma2 semaphore(%run_scoped3A : memref<!tpu.dma_semaphore, #tpu.memory_space<semaphore_mem>>) src(%dma_wait3A_806 : memref<400x128xf32, #tpu.memory_space<vmem_shared>>) dst(%dma_wait3A_804 : memref<400x128xf32, #tpu.memory_space<hbm>>)
          tpu.yield
        }) : () -> ()
      } else {
      }
    } else {
    }
    %eq3A_786 = arith.constant 1 : i32
    %eq3A_787 = arith.cmpi eq, %arg0, %eq3A_786 : i32
    %convert_element_type3A_788 = arith.extui %eq3A_787 : i1 to i32
    %cond3A_789 = arith.constant 0 : i32
    %cond3A_790 = arith.cmpi ne, %convert_element_type3A_788, %cond3A_789 : i32
    scf.if %cond3A_790 {
      %mul3A = arith.constant 640 : i32
      %mul3A_791 = arith.muli %arg1, %mul3A : i32
      %lt3A = arith.constant 15 : i32
      %lt3A_792 = arith.cmpi slt, %arg1, %lt3A : i32
      %convert_element_type3A_793 = arith.extui %lt3A_792 : i1 to i32
      %cond3A_794 = arith.constant 0 : i32
      %cond3A_795 = arith.cmpi ne, %convert_element_type3A_793, %cond3A_794 : i32
      scf.if %cond3A_795 {
        "tpu.region"() ({
          %run_scoped3A = tpu.sem_alloc : memref<!tpu.dma_semaphore, #tpu.memory_space<semaphore_mem>>
          %dma_start3A = arith.constant 0 : i32
          %dma_start3A_801 = tpu.memref_slice %arg5[%mul3A_791, %dma_start3A] : memref<10000x128xf32, #tpu.memory_space<hbm>> -> memref<640x128xf32, #tpu.memory_space<hbm>>
          %dma_start3A_802 = arith.constant 0 : i32
          %dma_start3A_803 = tpu.memref_slice %arg7[%mul3A_791, %dma_start3A_802] : memref<10240x128xf32, #tpu.memory_space<vmem_shared>> -> memref<640x128xf32, #tpu.memory_space<vmem_shared>>
          tpu.enqueue_dma source(%dma_start3A_803 : memref<640x128xf32, #tpu.memory_space<vmem_shared>>) target(%dma_start3A_801 : memref<640x128xf32, #tpu.memory_space<hbm>>) target_semaphore(%run_scoped3A : memref<!tpu.dma_semaphore, #tpu.memory_space<semaphore_mem>>)
          %dma_wait3A = arith.constant 0 : i32
          %dma_wait3A_804 = tpu.memref_slice %arg5[%mul3A_791, %dma_wait3A] : memref<10000x128xf32, #tpu.memory_space<hbm>> -> memref<640x128xf32, #tpu.memory_space<hbm>>
          %dma_wait3A_805 = arith.constant 0 : i32
          %dma_wait3A_806 = tpu.memref_slice %arg7[%mul3A_791, %dma_wait3A_805] : memref<10240x128xf32, #tpu.memory_space<vmem_shared>> -> memref<640x128xf32, #tpu.memory_space<vmem_shared>>
          tpu.wait_dma2 semaphore(%run_scoped3A : memref<!tpu.dma_semaphore, #tpu.memory_space<semaphore_mem>>) src(%dma_wait3A_806 : memref<640x128xf32, #tpu.memory_space<vmem_shared>>) dst(%dma_wait3A_804 : memref<640x128xf32, #tpu.memory_space<hbm>>)
          tpu.yield
        }) : () -> ()
      } else {
      }
      %eq3A_796 = arith.constant 15 : i32
      %eq3A_797 = arith.cmpi eq, %arg1, %eq3A_796 : i32
      %convert_element_type3A_798 = arith.extui %eq3A_797 : i1 to i32
      %cond3A_799 = arith.constant 0 : i32
      %cond3A_800 = arith.cmpi ne, %convert_element_type3A_798, %cond3A_799 : i32
      scf.if %cond3A_800 {
        "tpu.region"() ({
          %run_scoped3A = tpu.sem_alloc : memref<!tpu.dma_semaphore, #tpu.memory_space<semaphore_mem>>
          %dma_start3A = arith.constant 0 : i32
          %dma_start3A_801 = tpu.memref_slice %arg5[%mul3A_791, %dma_start3A] : memref<10000x128xf32, #tpu.memory_space<hbm>> -> memref<400x128xf32, #tpu.memory_space<hbm>>
          %dma_start3A_802 = arith.constant 0 : i32
          %dma_start3A_803 = tpu.memref_slice %arg7[%mul3A_791, %dma_start3A_802] : memref<10240x128xf32, #tpu.memory_space<vmem_shared>> -> memref<400x128xf32, #tpu.memory_space<vmem_shared>>
          tpu.enqueue_dma source(%dma_start3A_803 : memref<400x128xf32, #tpu.memory_space<vmem_shared>>) target(%dma_start3A_801 : memref<400x128xf32, #tpu.memory_space<hbm>>) target_semaphore(%run_scoped3A : memref<!tpu.dma_semaphore, #tpu.memory_space<semaphore_mem>>)
          %dma_wait3A = arith.constant 0 : i32
          %dma_wait3A_804 = tpu.memref_slice %arg5[%mul3A_791, %dma_wait3A] : memref<10000x128xf32, #tpu.memory_space<hbm>> -> memref<400x128xf32, #tpu.memory_space<hbm>>
          %dma_wait3A_805 = arith.constant 0 : i32
          %dma_wait3A_806 = tpu.memref_slice %arg7[%mul3A_791, %dma_wait3A_805] : memref<10240x128xf32, #tpu.memory_space<vmem_shared>> -> memref<400x128xf32, #tpu.memory_space<vmem_shared>>
          tpu.wait_dma2 semaphore(%run_scoped3A : memref<!tpu.dma_semaphore, #tpu.memory_space<semaphore_mem>>) src(%dma_wait3A_806 : memref<400x128xf32, #tpu.memory_space<vmem_shared>>) dst(%dma_wait3A_804 : memref<400x128xf32, #tpu.memory_space<hbm>>)
          tpu.yield
        }) : () -> ()
      } else {
      }
    } else {
    }
    return
  }
}

#map = affine_map<(d0, d1) -> (0, 0)>
#map1 = affine_map<(d0, d1) -> (0)>
module attributes {stable_mosaic.version = 14 : i64} {
  func.func @_sc_gather_body(%arg0: i32, %arg1: i32, %arg2: memref<10000x128xi32, #tpu.memory_space<hbm>>, %arg3: memref<10000x128xf32, #tpu.memory_space<hbm>>, %arg4: memref<320000xi32, #tpu.memory_space<hbm>>, %arg5: memref<320000xi32, #tpu.memory_space<hbm>>, %arg6: memref<156160x128xi32, #tpu.memory_space<hbm>>, %arg7: memref<156160x128xf32, #tpu.memory_space<hbm>>, %arg8: memref<2x80xi32, #tpu.memory_space<vmem>>, %arg9: memref<2x80xi32, #tpu.memory_space<vmem>>, %arg10: memref<2x80x128xi32, #tpu.memory_space<vmem>>, %arg11: memref<2x80x128xf32, #tpu.memory_space<vmem>>, %arg12: memref<!tpu.dma_semaphore, #tpu.memory_space<semaphore_mem>>, %arg13: memref<!tpu.dma_semaphore, #tpu.memory_space<semaphore_mem>>, %arg14: memref<!tpu.dma_semaphore, #tpu.memory_space<semaphore_mem>>, %arg15: memref<!tpu.dma_semaphore, #tpu.memory_space<semaphore_mem>>) attributes {dimension_semantics = [#tpu.dimension_semantics<core_parallel>, #tpu.dimension_semantics<subcore_parallel>], iteration_bounds = array<i64: 2, 16>, scalar_prefetch = 0 : i64, scratch_operands = 8 : i64, tpu.core_type = #tpu.core_type<sc_vector_subcore>, window_params = [{transform_indices = #map}, {transform_indices = #map}, {transform_indices = #map1}, {transform_indices = #map1}, {transform_indices = #map}, {transform_indices = #map}]} {
    %mul3A = arith.constant 2 : i32
    %mul3A_0 = arith.muli %arg1, %mul3A : i32
    %add3A = arith.addi %mul3A_0, %arg0 : i32
    %scan3A = arith.constant 0 : i32
    %scan3A_1 = arith.constant 0 : i32
    %scan3A_2 = arith.constant 30 : i32
    %scan3A_3 = arith.addi %scan3A_1, %scan3A_2 : i32
    %scan3A_4 = arith.constant 1 : i32
    scf.for %scan3A_67 = %scan3A_1 to %scan3A_3 step %scan3A_4  : i32 {
      %mul3A_68 = arith.constant 2 : i32
      %mul3A_69 = arith.muli %scan3A_67, %mul3A_68 : i32
      %mul3A_70 = arith.constant 4880 : i32
      %mul3A_71 = arith.muli %add3A, %mul3A_70 : i32
      %mul3A_72 = arith.constant 80 : i32
      %mul3A_73 = arith.muli %mul3A_69, %mul3A_72 : i32
      %add3A_74 = arith.addi %mul3A_71, %mul3A_73 : i32
      %add3A_75 = arith.constant 163840 : i32
      %add3A_76 = arith.addi %add3A_75, %add3A_74 : i32
      %run_scoped3A_77 = arith.constant 0 : i32
      "tpu.region"() ({
        %run_scoped3A_206 = tpu.sem_alloc : memref<!tpu.dma_semaphore, #tpu.memory_space<semaphore_mem>>
        %dma_start3A_207 = arith.constant 0 : i32
        %dma_start3A_208 = tpu.memref_slice %arg8[%run_scoped3A_77, %dma_start3A_207] : memref<2x80xi32, #tpu.memory_space<vmem>> -> memref<1x80xi32, #tpu.memory_space<vmem>>
        %dma_start3A_209 = tpu.memref_squeeze %dma_start3A_208 : memref<1x80xi32, #tpu.memory_space<vmem>> -> memref<80xi32, #tpu.memory_space<vmem>>
        %dma_start3A_210 = tpu.memref_slice %arg4[%add3A_76] : memref<320000xi32, #tpu.memory_space<hbm>> -> memref<80xi32, #tpu.memory_space<hbm>>
        %dma_start3A_211 = arith.constant 0 : i32
        %dma_start3A_212 = tpu.memref_slice %arg8[%run_scoped3A_77, %dma_start3A_211] : memref<2x80xi32, #tpu.memory_space<vmem>> -> memref<1x80xi32, #tpu.memory_space<vmem>>
        %dma_start3A_213 = tpu.memref_squeeze %dma_start3A_212 : memref<1x80xi32, #tpu.memory_space<vmem>> -> memref<80xi32, #tpu.memory_space<vmem>>
        %dma_start3A_214 = tpu.memref_slice %arg4[%add3A_76] : memref<320000xi32, #tpu.memory_space<hbm>> -> memref<80xi32, #tpu.memory_space<hbm>>
        tpu.enqueue_dma source(%dma_start3A_214 : memref<80xi32, #tpu.memory_space<hbm>>) target(%dma_start3A_213 : memref<80xi32, #tpu.memory_space<vmem>>) target_semaphore(%run_scoped3A_206 : memref<!tpu.dma_semaphore, #tpu.memory_space<semaphore_mem>>)
        %dma_wait3A_215 = arith.constant 0 : i32
        %dma_wait3A_216 = tpu.memref_slice %arg8[%run_scoped3A_77, %dma_wait3A_215] : memref<2x80xi32, #tpu.memory_space<vmem>> -> memref<1x80xi32, #tpu.memory_space<vmem>>
        %dma_wait3A_217 = tpu.memref_squeeze %dma_wait3A_216 : memref<1x80xi32, #tpu.memory_space<vmem>> -> memref<80xi32, #tpu.memory_space<vmem>>
        %dma_wait3A_218 = tpu.memref_slice %arg4[%add3A_76] : memref<320000xi32, #tpu.memory_space<hbm>> -> memref<80xi32, #tpu.memory_space<hbm>>
        %dma_wait3A_219 = arith.constant 0 : i32
        %dma_wait3A_220 = tpu.memref_slice %arg8[%run_scoped3A_77, %dma_wait3A_219] : memref<2x80xi32, #tpu.memory_space<vmem>> -> memref<1x80xi32, #tpu.memory_space<vmem>>
        %dma_wait3A_221 = tpu.memref_squeeze %dma_wait3A_220 : memref<1x80xi32, #tpu.memory_space<vmem>> -> memref<80xi32, #tpu.memory_space<vmem>>
        %dma_wait3A_222 = tpu.memref_slice %arg4[%add3A_76] : memref<320000xi32, #tpu.memory_space<hbm>> -> memref<80xi32, #tpu.memory_space<hbm>>
        tpu.wait_dma2 semaphore(%run_scoped3A_206 : memref<!tpu.dma_semaphore, #tpu.memory_space<semaphore_mem>>) src(%dma_wait3A_222 : memref<80xi32, #tpu.memory_space<hbm>>) dst(%dma_wait3A_221 : memref<80xi32, #tpu.memory_space<vmem>>)
        tpu.yield
      }) : () -> ()
      %add3A_78 = arith.constant 163840 : i32
      %add3A_79 = arith.addi %add3A_78, %add3A_74 : i32
      %run_scoped3A_80 = arith.constant 0 : i32
      "tpu.region"() ({
        %run_scoped3A_206 = tpu.sem_alloc : memref<!tpu.dma_semaphore, #tpu.memory_space<semaphore_mem>>
        %dma_start3A_207 = arith.constant 0 : i32
        %dma_start3A_208 = tpu.memref_slice %arg9[%run_scoped3A_80, %dma_start3A_207] : memref<2x80xi32, #tpu.memory_space<vmem>> -> memref<1x80xi32, #tpu.memory_space<vmem>>
        %dma_start3A_209 = tpu.memref_squeeze %dma_start3A_208 : memref<1x80xi32, #tpu.memory_space<vmem>> -> memref<80xi32, #tpu.memory_space<vmem>>
        %dma_start3A_210 = tpu.memref_slice %arg5[%add3A_79] : memref<320000xi32, #tpu.memory_space<hbm>> -> memref<80xi32, #tpu.memory_space<hbm>>
        %dma_start3A_211 = arith.constant 0 : i32
        %dma_start3A_212 = tpu.memref_slice %arg9[%run_scoped3A_80, %dma_start3A_211] : memref<2x80xi32, #tpu.memory_space<vmem>> -> memref<1x80xi32, #tpu.memory_space<vmem>>
        %dma_start3A_213 = tpu.memref_squeeze %dma_start3A_212 : memref<1x80xi32, #tpu.memory_space<vmem>> -> memref<80xi32, #tpu.memory_space<vmem>>
        %dma_start3A_214 = tpu.memref_slice %arg5[%add3A_79] : memref<320000xi32, #tpu.memory_space<hbm>> -> memref<80xi32, #tpu.memory_space<hbm>>
        tpu.enqueue_dma source(%dma_start3A_214 : memref<80xi32, #tpu.memory_space<hbm>>) target(%dma_start3A_213 : memref<80xi32, #tpu.memory_space<vmem>>) target_semaphore(%run_scoped3A_206 : memref<!tpu.dma_semaphore, #tpu.memory_space<semaphore_mem>>)
        %dma_wait3A_215 = arith.constant 0 : i32
        %dma_wait3A_216 = tpu.memref_slice %arg9[%run_scoped3A_80, %dma_wait3A_215] : memref<2x80xi32, #tpu.memory_space<vmem>> -> memref<1x80xi32, #tpu.memory_space<vmem>>
        %dma_wait3A_217 = tpu.memref_squeeze %dma_wait3A_216 : memref<1x80xi32, #tpu.memory_space<vmem>> -> memref<80xi32, #tpu.memory_space<vmem>>
        %dma_wait3A_218 = tpu.memref_slice %arg5[%add3A_79] : memref<320000xi32, #tpu.memory_space<hbm>> -> memref<80xi32, #tpu.memory_space<hbm>>
        %dma_wait3A_219 = arith.constant 0 : i32
        %dma_wait3A_220 = tpu.memref_slice %arg9[%run_scoped3A_80, %dma_wait3A_219] : memref<2x80xi32, #tpu.memory_space<vmem>> -> memref<1x80xi32, #tpu.memory_space<vmem>>
        %dma_wait3A_221 = tpu.memref_squeeze %dma_wait3A_220 : memref<1x80xi32, #tpu.memory_space<vmem>> -> memref<80xi32, #tpu.memory_space<vmem>>
        %dma_wait3A_222 = tpu.memref_slice %arg5[%add3A_79] : memref<320000xi32, #tpu.memory_space<hbm>> -> memref<80xi32, #tpu.memory_space<hbm>>
        tpu.wait_dma2 semaphore(%run_scoped3A_206 : memref<!tpu.dma_semaphore, #tpu.memory_space<semaphore_mem>>) src(%dma_wait3A_222 : memref<80xi32, #tpu.memory_space<hbm>>) dst(%dma_wait3A_221 : memref<80xi32, #tpu.memory_space<vmem>>)
        tpu.yield
      }) : () -> ()
      %dma_start3A_81 = arith.constant 0 : i32
      %dma_start3A_82 = arith.constant 0 : i32
      %dma_start3A_83 = arith.constant 0 : i32
      %dma_start3A_84 = arith.constant 0 : i32
      %dma_start3A_85 = tpu.memref_slice %arg10[%dma_start3A_82, %dma_start3A_83, %dma_start3A_84] : memref<2x80x128xi32, #tpu.memory_space<vmem>> -> memref<1x80x128xi32, #tpu.memory_space<vmem>>
      %dma_start3A_86 = tpu.memref_squeeze %dma_start3A_85 : memref<1x80x128xi32, #tpu.memory_space<vmem>> -> memref<80x128xi32, #tpu.memory_space<vmem>>
      %dma_start3A_87 = arith.constant 0 : i32
      %dma_start3A_88 = tpu.memref_slice %arg8[%dma_start3A_81, %dma_start3A_87] : memref<2x80xi32, #tpu.memory_space<vmem>> -> memref<1x80xi32, #tpu.memory_space<vmem>>
      %dma_start3A_89 = tpu.memref_squeeze %dma_start3A_88 : memref<1x80xi32, #tpu.memory_space<vmem>> -> memref<80xi32, #tpu.memory_space<vmem>>
      %dma_start3A_90 = arith.constant 0 : i32
      %dma_start3A_91 = arith.constant 0 : i32
      %dma_start3A_92 = tpu.memref_slice %arg2[%dma_start3A_90, %dma_start3A_91] : memref<10000x128xi32, #tpu.memory_space<hbm>> -> memref<10000x128xi32, #tpu.memory_space<hbm>>
      tpu.enqueue_indirect_dma source(%dma_start3A_92 : memref<10000x128xi32, #tpu.memory_space<hbm>>) target(%dma_start3A_86 : memref<80x128xi32, #tpu.memory_space<vmem>>) offsets(%dma_start3A_89 : memref<80xi32, #tpu.memory_space<vmem>>) semaphore(%arg12 : memref<!tpu.dma_semaphore, #tpu.memory_space<semaphore_mem>>)
      %dma_start3A_93 = arith.constant 0 : i32
      %dma_start3A_94 = arith.constant 0 : i32
      %dma_start3A_95 = arith.constant 0 : i32
      %dma_start3A_96 = arith.constant 0 : i32
      %dma_start3A_97 = tpu.memref_slice %arg11[%dma_start3A_94, %dma_start3A_95, %dma_start3A_96] : memref<2x80x128xf32, #tpu.memory_space<vmem>> -> memref<1x80x128xf32, #tpu.memory_space<vmem>>
      %dma_start3A_98 = tpu.memref_squeeze %dma_start3A_97 : memref<1x80x128xf32, #tpu.memory_space<vmem>> -> memref<80x128xf32, #tpu.memory_space<vmem>>
      %dma_start3A_99 = arith.constant 0 : i32
      %dma_start3A_100 = tpu.memref_slice %arg9[%dma_start3A_93, %dma_start3A_99] : memref<2x80xi32, #tpu.memory_space<vmem>> -> memref<1x80xi32, #tpu.memory_space<vmem>>
      %dma_start3A_101 = tpu.memref_squeeze %dma_start3A_100 : memref<1x80xi32, #tpu.memory_space<vmem>> -> memref<80xi32, #tpu.memory_space<vmem>>
      %dma_start3A_102 = arith.constant 0 : i32
      %dma_start3A_103 = arith.constant 0 : i32
      %dma_start3A_104 = tpu.memref_slice %arg3[%dma_start3A_102, %dma_start3A_103] : memref<10000x128xf32, #tpu.memory_space<hbm>> -> memref<10000x128xf32, #tpu.memory_space<hbm>>
      tpu.enqueue_indirect_dma source(%dma_start3A_104 : memref<10000x128xf32, #tpu.memory_space<hbm>>) target(%dma_start3A_98 : memref<80x128xf32, #tpu.memory_space<vmem>>) offsets(%dma_start3A_101 : memref<80xi32, #tpu.memory_space<vmem>>) semaphore(%arg13 : memref<!tpu.dma_semaphore, #tpu.memory_space<semaphore_mem>>)
      %add3A_105 = arith.constant 1 : i32
      %add3A_106 = arith.addi %mul3A_69, %add3A_105 : i32
      %mul3A_107 = arith.constant 4880 : i32
      %mul3A_108 = arith.muli %add3A, %mul3A_107 : i32
      %mul3A_109 = arith.constant 80 : i32
      %mul3A_110 = arith.muli %add3A_106, %mul3A_109 : i32
      %add3A_111 = arith.addi %mul3A_108, %mul3A_110 : i32
      %add3A_112 = arith.constant 163840 : i32
      %add3A_113 = arith.addi %add3A_112, %add3A_111 : i32
      %run_scoped3A_114 = arith.constant 1 : i32
      "tpu.region"() ({
        %run_scoped3A_206 = tpu.sem_alloc : memref<!tpu.dma_semaphore, #tpu.memory_space<semaphore_mem>>
        %dma_start3A_207 = arith.constant 0 : i32
        %dma_start3A_208 = tpu.memref_slice %arg8[%run_scoped3A_114, %dma_start3A_207] : memref<2x80xi32, #tpu.memory_space<vmem>> -> memref<1x80xi32, #tpu.memory_space<vmem>>
        %dma_start3A_209 = tpu.memref_squeeze %dma_start3A_208 : memref<1x80xi32, #tpu.memory_space<vmem>> -> memref<80xi32, #tpu.memory_space<vmem>>
        %dma_start3A_210 = tpu.memref_slice %arg4[%add3A_113] : memref<320000xi32, #tpu.memory_space<hbm>> -> memref<80xi32, #tpu.memory_space<hbm>>
        %dma_start3A_211 = arith.constant 0 : i32
        %dma_start3A_212 = tpu.memref_slice %arg8[%run_scoped3A_114, %dma_start3A_211] : memref<2x80xi32, #tpu.memory_space<vmem>> -> memref<1x80xi32, #tpu.memory_space<vmem>>
        %dma_start3A_213 = tpu.memref_squeeze %dma_start3A_212 : memref<1x80xi32, #tpu.memory_space<vmem>> -> memref<80xi32, #tpu.memory_space<vmem>>
        %dma_start3A_214 = tpu.memref_slice %arg4[%add3A_113] : memref<320000xi32, #tpu.memory_space<hbm>> -> memref<80xi32, #tpu.memory_space<hbm>>
        tpu.enqueue_dma source(%dma_start3A_214 : memref<80xi32, #tpu.memory_space<hbm>>) target(%dma_start3A_213 : memref<80xi32, #tpu.memory_space<vmem>>) target_semaphore(%run_scoped3A_206 : memref<!tpu.dma_semaphore, #tpu.memory_space<semaphore_mem>>)
        %dma_wait3A_215 = arith.constant 0 : i32
        %dma_wait3A_216 = tpu.memref_slice %arg8[%run_scoped3A_114, %dma_wait3A_215] : memref<2x80xi32, #tpu.memory_space<vmem>> -> memref<1x80xi32, #tpu.memory_space<vmem>>
        %dma_wait3A_217 = tpu.memref_squeeze %dma_wait3A_216 : memref<1x80xi32, #tpu.memory_space<vmem>> -> memref<80xi32, #tpu.memory_space<vmem>>
        %dma_wait3A_218 = tpu.memref_slice %arg4[%add3A_113] : memref<320000xi32, #tpu.memory_space<hbm>> -> memref<80xi32, #tpu.memory_space<hbm>>
        %dma_wait3A_219 = arith.constant 0 : i32
        %dma_wait3A_220 = tpu.memref_slice %arg8[%run_scoped3A_114, %dma_wait3A_219] : memref<2x80xi32, #tpu.memory_space<vmem>> -> memref<1x80xi32, #tpu.memory_space<vmem>>
        %dma_wait3A_221 = tpu.memref_squeeze %dma_wait3A_220 : memref<1x80xi32, #tpu.memory_space<vmem>> -> memref<80xi32, #tpu.memory_space<vmem>>
        %dma_wait3A_222 = tpu.memref_slice %arg4[%add3A_113] : memref<320000xi32, #tpu.memory_space<hbm>> -> memref<80xi32, #tpu.memory_space<hbm>>
        tpu.wait_dma2 semaphore(%run_scoped3A_206 : memref<!tpu.dma_semaphore, #tpu.memory_space<semaphore_mem>>) src(%dma_wait3A_222 : memref<80xi32, #tpu.memory_space<hbm>>) dst(%dma_wait3A_221 : memref<80xi32, #tpu.memory_space<vmem>>)
        tpu.yield
      }) : () -> ()
      %add3A_115 = arith.constant 163840 : i32
      %add3A_116 = arith.addi %add3A_115, %add3A_111 : i32
      %run_scoped3A_117 = arith.constant 1 : i32
      "tpu.region"() ({
        %run_scoped3A_206 = tpu.sem_alloc : memref<!tpu.dma_semaphore, #tpu.memory_space<semaphore_mem>>
        %dma_start3A_207 = arith.constant 0 : i32
        %dma_start3A_208 = tpu.memref_slice %arg9[%run_scoped3A_117, %dma_start3A_207] : memref<2x80xi32, #tpu.memory_space<vmem>> -> memref<1x80xi32, #tpu.memory_space<vmem>>
        %dma_start3A_209 = tpu.memref_squeeze %dma_start3A_208 : memref<1x80xi32, #tpu.memory_space<vmem>> -> memref<80xi32, #tpu.memory_space<vmem>>
        %dma_start3A_210 = tpu.memref_slice %arg5[%add3A_116] : memref<320000xi32, #tpu.memory_space<hbm>> -> memref<80xi32, #tpu.memory_space<hbm>>
        %dma_start3A_211 = arith.constant 0 : i32
        %dma_start3A_212 = tpu.memref_slice %arg9[%run_scoped3A_117, %dma_start3A_211] : memref<2x80xi32, #tpu.memory_space<vmem>> -> memref<1x80xi32, #tpu.memory_space<vmem>>
        %dma_start3A_213 = tpu.memref_squeeze %dma_start3A_212 : memref<1x80xi32, #tpu.memory_space<vmem>> -> memref<80xi32, #tpu.memory_space<vmem>>
        %dma_start3A_214 = tpu.memref_slice %arg5[%add3A_116] : memref<320000xi32, #tpu.memory_space<hbm>> -> memref<80xi32, #tpu.memory_space<hbm>>
        tpu.enqueue_dma source(%dma_start3A_214 : memref<80xi32, #tpu.memory_space<hbm>>) target(%dma_start3A_213 : memref<80xi32, #tpu.memory_space<vmem>>) target_semaphore(%run_scoped3A_206 : memref<!tpu.dma_semaphore, #tpu.memory_space<semaphore_mem>>)
        %dma_wait3A_215 = arith.constant 0 : i32
        %dma_wait3A_216 = tpu.memref_slice %arg9[%run_scoped3A_117, %dma_wait3A_215] : memref<2x80xi32, #tpu.memory_space<vmem>> -> memref<1x80xi32, #tpu.memory_space<vmem>>
        %dma_wait3A_217 = tpu.memref_squeeze %dma_wait3A_216 : memref<1x80xi32, #tpu.memory_space<vmem>> -> memref<80xi32, #tpu.memory_space<vmem>>
        %dma_wait3A_218 = tpu.memref_slice %arg5[%add3A_116] : memref<320000xi32, #tpu.memory_space<hbm>> -> memref<80xi32, #tpu.memory_space<hbm>>
        %dma_wait3A_219 = arith.constant 0 : i32
        %dma_wait3A_220 = tpu.memref_slice %arg9[%run_scoped3A_117, %dma_wait3A_219] : memref<2x80xi32, #tpu.memory_space<vmem>> -> memref<1x80xi32, #tpu.memory_space<vmem>>
        %dma_wait3A_221 = tpu.memref_squeeze %dma_wait3A_220 : memref<1x80xi32, #tpu.memory_space<vmem>> -> memref<80xi32, #tpu.memory_space<vmem>>
        %dma_wait3A_222 = tpu.memref_slice %arg5[%add3A_116] : memref<320000xi32, #tpu.memory_space<hbm>> -> memref<80xi32, #tpu.memory_space<hbm>>
        tpu.wait_dma2 semaphore(%run_scoped3A_206 : memref<!tpu.dma_semaphore, #tpu.memory_space<semaphore_mem>>) src(%dma_wait3A_222 : memref<80xi32, #tpu.memory_space<hbm>>) dst(%dma_wait3A_221 : memref<80xi32, #tpu.memory_space<vmem>>)
        tpu.yield
      }) : () -> ()
      %dma_start3A_118 = arith.constant 1 : i32
      %dma_start3A_119 = arith.constant 1 : i32
      %dma_start3A_120 = arith.constant 0 : i32
      %dma_start3A_121 = arith.constant 0 : i32
      %dma_start3A_122 = tpu.memref_slice %arg10[%dma_start3A_119, %dma_start3A_120, %dma_start3A_121] : memref<2x80x128xi32, #tpu.memory_space<vmem>> -> memref<1x80x128xi32, #tpu.memory_space<vmem>>
      %dma_start3A_123 = tpu.memref_squeeze %dma_start3A_122 : memref<1x80x128xi32, #tpu.memory_space<vmem>> -> memref<80x128xi32, #tpu.memory_space<vmem>>
      %dma_start3A_124 = arith.constant 0 : i32
      %dma_start3A_125 = tpu.memref_slice %arg8[%dma_start3A_118, %dma_start3A_124] : memref<2x80xi32, #tpu.memory_space<vmem>> -> memref<1x80xi32, #tpu.memory_space<vmem>>
      %dma_start3A_126 = tpu.memref_squeeze %dma_start3A_125 : memref<1x80xi32, #tpu.memory_space<vmem>> -> memref<80xi32, #tpu.memory_space<vmem>>
      %dma_start3A_127 = arith.constant 0 : i32
      %dma_start3A_128 = arith.constant 0 : i32
      %dma_start3A_129 = tpu.memref_slice %arg2[%dma_start3A_127, %dma_start3A_128] : memref<10000x128xi32, #tpu.memory_space<hbm>> -> memref<10000x128xi32, #tpu.memory_space<hbm>>
      tpu.enqueue_indirect_dma source(%dma_start3A_129 : memref<10000x128xi32, #tpu.memory_space<hbm>>) target(%dma_start3A_123 : memref<80x128xi32, #tpu.memory_space<vmem>>) offsets(%dma_start3A_126 : memref<80xi32, #tpu.memory_space<vmem>>) semaphore(%arg14 : memref<!tpu.dma_semaphore, #tpu.memory_space<semaphore_mem>>)
      %dma_start3A_130 = arith.constant 1 : i32
      %dma_start3A_131 = arith.constant 1 : i32
      %dma_start3A_132 = arith.constant 0 : i32
      %dma_start3A_133 = arith.constant 0 : i32
      %dma_start3A_134 = tpu.memref_slice %arg11[%dma_start3A_131, %dma_start3A_132, %dma_start3A_133] : memref<2x80x128xf32, #tpu.memory_space<vmem>> -> memref<1x80x128xf32, #tpu.memory_space<vmem>>
      %dma_start3A_135 = tpu.memref_squeeze %dma_start3A_134 : memref<1x80x128xf32, #tpu.memory_space<vmem>> -> memref<80x128xf32, #tpu.memory_space<vmem>>
      %dma_start3A_136 = arith.constant 0 : i32
      %dma_start3A_137 = tpu.memref_slice %arg9[%dma_start3A_130, %dma_start3A_136] : memref<2x80xi32, #tpu.memory_space<vmem>> -> memref<1x80xi32, #tpu.memory_space<vmem>>
      %dma_start3A_138 = tpu.memref_squeeze %dma_start3A_137 : memref<1x80xi32, #tpu.memory_space<vmem>> -> memref<80xi32, #tpu.memory_space<vmem>>
      %dma_start3A_139 = arith.constant 0 : i32
      %dma_start3A_140 = arith.constant 0 : i32
      %dma_start3A_141 = tpu.memref_slice %arg3[%dma_start3A_139, %dma_start3A_140] : memref<10000x128xf32, #tpu.memory_space<hbm>> -> memref<10000x128xf32, #tpu.memory_space<hbm>>
      tpu.enqueue_indirect_dma source(%dma_start3A_141 : memref<10000x128xf32, #tpu.memory_space<hbm>>) target(%dma_start3A_135 : memref<80x128xf32, #tpu.memory_space<vmem>>) offsets(%dma_start3A_138 : memref<80xi32, #tpu.memory_space<vmem>>) semaphore(%arg15 : memref<!tpu.dma_semaphore, #tpu.memory_space<semaphore_mem>>)
      %mul3A_142 = arith.constant 4880 : i32
      %mul3A_143 = arith.muli %add3A, %mul3A_142 : i32
      %mul3A_144 = arith.constant 80 : i32
      %mul3A_145 = arith.muli %mul3A_69, %mul3A_144 : i32
      %add3A_146 = arith.addi %mul3A_143, %mul3A_145 : i32
      %dma_wait3A_147 = arith.constant 0 : i32
      %dma_wait3A_148 = arith.constant 0 : i32
      %dma_wait3A_149 = arith.constant 0 : i32
      %dma_wait3A_150 = arith.constant 0 : i32
      %dma_wait3A_151 = tpu.memref_slice %arg10[%dma_wait3A_148, %dma_wait3A_149, %dma_wait3A_150] : memref<2x80x128xi32, #tpu.memory_space<vmem>> -> memref<1x80x128xi32, #tpu.memory_space<vmem>>
      %dma_wait3A_152 = tpu.memref_squeeze %dma_wait3A_151 : memref<1x80x128xi32, #tpu.memory_space<vmem>> -> memref<80x128xi32, #tpu.memory_space<vmem>>
      %dma_wait3A_153 = arith.constant 0 : i32
      %dma_wait3A_154 = tpu.memref_slice %arg8[%dma_wait3A_147, %dma_wait3A_153] : memref<2x80xi32, #tpu.memory_space<vmem>> -> memref<1x80xi32, #tpu.memory_space<vmem>>
      %dma_wait3A_155 = tpu.memref_squeeze %dma_wait3A_154 : memref<1x80xi32, #tpu.memory_space<vmem>> -> memref<80xi32, #tpu.memory_space<vmem>>
      %dma_wait3A_156 = arith.constant 0 : i32
      %dma_wait3A_157 = arith.constant 0 : i32
      %dma_wait3A_158 = tpu.memref_slice %arg2[%dma_wait3A_156, %dma_wait3A_157] : memref<10000x128xi32, #tpu.memory_space<hbm>> -> memref<10000x128xi32, #tpu.memory_space<hbm>>
      tpu.wait_indirect_dma semaphore(%arg12 : memref<!tpu.dma_semaphore, #tpu.memory_space<semaphore_mem>>) src(%dma_wait3A_158 : memref<10000x128xi32, #tpu.memory_space<hbm>>) dst(%dma_wait3A_152 : memref<80x128xi32, #tpu.memory_space<vmem>>)
      %run_scoped3A_159 = arith.constant 0 : i32
      "tpu.region"() ({
        %run_scoped3A_206 = tpu.sem_alloc : memref<!tpu.dma_semaphore, #tpu.memory_space<semaphore_mem>>
        %dma_start3A_207 = arith.constant 0 : i32
        %dma_start3A_208 = arith.constant 0 : i32
        %dma_start3A_209 = tpu.memref_slice %arg10[%run_scoped3A_159, %dma_start3A_207, %dma_start3A_208] : memref<2x80x128xi32, #tpu.memory_space<vmem>> -> memref<1x80x128xi32, #tpu.memory_space<vmem>>
        %dma_start3A_210 = tpu.memref_squeeze %dma_start3A_209 : memref<1x80x128xi32, #tpu.memory_space<vmem>> -> memref<80x128xi32, #tpu.memory_space<vmem>>
        %dma_start3A_211 = arith.constant 0 : i32
        %dma_start3A_212 = tpu.memref_slice %arg6[%add3A_146, %dma_start3A_211] : memref<156160x128xi32, #tpu.memory_space<hbm>> -> memref<80x128xi32, #tpu.memory_space<hbm>>
        %dma_start3A_213 = arith.constant 0 : i32
        %dma_start3A_214 = tpu.memref_slice %arg6[%add3A_146, %dma_start3A_213] : memref<156160x128xi32, #tpu.memory_space<hbm>> -> memref<80x128xi32, #tpu.memory_space<hbm>>
        %dma_start3A_215 = arith.constant 0 : i32
        %dma_start3A_216 = arith.constant 0 : i32
        %dma_start3A_217 = tpu.memref_slice %arg10[%run_scoped3A_159, %dma_start3A_215, %dma_start3A_216] : memref<2x80x128xi32, #tpu.memory_space<vmem>> -> memref<1x80x128xi32, #tpu.memory_space<vmem>>
        %dma_start3A_218 = tpu.memref_squeeze %dma_start3A_217 : memref<1x80x128xi32, #tpu.memory_space<vmem>> -> memref<80x128xi32, #tpu.memory_space<vmem>>
        tpu.enqueue_dma source(%dma_start3A_218 : memref<80x128xi32, #tpu.memory_space<vmem>>) target(%dma_start3A_214 : memref<80x128xi32, #tpu.memory_space<hbm>>) target_semaphore(%run_scoped3A_206 : memref<!tpu.dma_semaphore, #tpu.memory_space<semaphore_mem>>)
        %dma_wait3A_219 = arith.constant 0 : i32
        %dma_wait3A_220 = arith.constant 0 : i32
        %dma_wait3A_221 = tpu.memref_slice %arg10[%run_scoped3A_159, %dma_wait3A_219, %dma_wait3A_220] : memref<2x80x128xi32, #tpu.memory_space<vmem>> -> memref<1x80x128xi32, #tpu.memory_space<vmem>>
        %dma_wait3A_222 = tpu.memref_squeeze %dma_wait3A_221 : memref<1x80x128xi32, #tpu.memory_space<vmem>> -> memref<80x128xi32, #tpu.memory_space<vmem>>
        %dma_wait3A_223 = arith.constant 0 : i32
        %dma_wait3A_224 = tpu.memref_slice %arg6[%add3A_146, %dma_wait3A_223] : memref<156160x128xi32, #tpu.memory_space<hbm>> -> memref<80x128xi32, #tpu.memory_space<hbm>>
        %dma_wait3A_225 = arith.constant 0 : i32
        %dma_wait3A_226 = tpu.memref_slice %arg6[%add3A_146, %dma_wait3A_225] : memref<156160x128xi32, #tpu.memory_space<hbm>> -> memref<80x128xi32, #tpu.memory_space<hbm>>
        %dma_wait3A_227 = arith.constant 0 : i32
        %dma_wait3A_228 = arith.constant 0 : i32
        %dma_wait3A_229 = tpu.memref_slice %arg10[%run_scoped3A_159, %dma_wait3A_227, %dma_wait3A_228] : memref<2x80x128xi32, #tpu.memory_space<vmem>> -> memref<1x80x128xi32, #tpu.memory_space<vmem>>
        %dma_wait3A_230 = tpu.memref_squeeze %dma_wait3A_229 : memref<1x80x128xi32, #tpu.memory_space<vmem>> -> memref<80x128xi32, #tpu.memory_space<vmem>>
        tpu.wait_dma2 semaphore(%run_scoped3A_206 : memref<!tpu.dma_semaphore, #tpu.memory_space<semaphore_mem>>) src(%dma_wait3A_230 : memref<80x128xi32, #tpu.memory_space<vmem>>) dst(%dma_wait3A_226 : memref<80x128xi32, #tpu.memory_space<hbm>>)
        tpu.yield
      }) : () -> ()
      %dma_wait3A_160 = arith.constant 0 : i32
      %dma_wait3A_161 = arith.constant 0 : i32
      %dma_wait3A_162 = arith.constant 0 : i32
      %dma_wait3A_163 = arith.constant 0 : i32
      %dma_wait3A_164 = tpu.memref_slice %arg11[%dma_wait3A_161, %dma_wait3A_162, %dma_wait3A_163] : memref<2x80x128xf32, #tpu.memory_space<vmem>> -> memref<1x80x128xf32, #tpu.memory_space<vmem>>
      %dma_wait3A_165 = tpu.memref_squeeze %dma_wait3A_164 : memref<1x80x128xf32, #tpu.memory_space<vmem>> -> memref<80x128xf32, #tpu.memory_space<vmem>>
      %dma_wait3A_166 = arith.constant 0 : i32
      %dma_wait3A_167 = tpu.memref_slice %arg9[%dma_wait3A_160, %dma_wait3A_166] : memref<2x80xi32, #tpu.memory_space<vmem>> -> memref<1x80xi32, #tpu.memory_space<vmem>>
      %dma_wait3A_168 = tpu.memref_squeeze %dma_wait3A_167 : memref<1x80xi32, #tpu.memory_space<vmem>> -> memref<80xi32, #tpu.memory_space<vmem>>
      %dma_wait3A_169 = arith.constant 0 : i32
      %dma_wait3A_170 = arith.constant 0 : i32
      %dma_wait3A_171 = tpu.memref_slice %arg3[%dma_wait3A_169, %dma_wait3A_170] : memref<10000x128xf32, #tpu.memory_space<hbm>> -> memref<10000x128xf32, #tpu.memory_space<hbm>>
      tpu.wait_indirect_dma semaphore(%arg13 : memref<!tpu.dma_semaphore, #tpu.memory_space<semaphore_mem>>) src(%dma_wait3A_171 : memref<10000x128xf32, #tpu.memory_space<hbm>>) dst(%dma_wait3A_165 : memref<80x128xf32, #tpu.memory_space<vmem>>)
      %run_scoped3A_172 = arith.constant 0 : i32
      "tpu.region"() ({
        %run_scoped3A_206 = tpu.sem_alloc : memref<!tpu.dma_semaphore, #tpu.memory_space<semaphore_mem>>
        %dma_start3A_207 = arith.constant 0 : i32
        %dma_start3A_208 = arith.constant 0 : i32
        %dma_start3A_209 = tpu.memref_slice %arg11[%run_scoped3A_172, %dma_start3A_207, %dma_start3A_208] : memref<2x80x128xf32, #tpu.memory_space<vmem>> -> memref<1x80x128xf32, #tpu.memory_space<vmem>>
        %dma_start3A_210 = tpu.memref_squeeze %dma_start3A_209 : memref<1x80x128xf32, #tpu.memory_space<vmem>> -> memref<80x128xf32, #tpu.memory_space<vmem>>
        %dma_start3A_211 = arith.constant 0 : i32
        %dma_start3A_212 = tpu.memref_slice %arg7[%add3A_146, %dma_start3A_211] : memref<156160x128xf32, #tpu.memory_space<hbm>> -> memref<80x128xf32, #tpu.memory_space<hbm>>
        %dma_start3A_213 = arith.constant 0 : i32
        %dma_start3A_214 = tpu.memref_slice %arg7[%add3A_146, %dma_start3A_213] : memref<156160x128xf32, #tpu.memory_space<hbm>> -> memref<80x128xf32, #tpu.memory_space<hbm>>
        %dma_start3A_215 = arith.constant 0 : i32
        %dma_start3A_216 = arith.constant 0 : i32
        %dma_start3A_217 = tpu.memref_slice %arg11[%run_scoped3A_172, %dma_start3A_215, %dma_start3A_216] : memref<2x80x128xf32, #tpu.memory_space<vmem>> -> memref<1x80x128xf32, #tpu.memory_space<vmem>>
        %dma_start3A_218 = tpu.memref_squeeze %dma_start3A_217 : memref<1x80x128xf32, #tpu.memory_space<vmem>> -> memref<80x128xf32, #tpu.memory_space<vmem>>
        tpu.enqueue_dma source(%dma_start3A_218 : memref<80x128xf32, #tpu.memory_space<vmem>>) target(%dma_start3A_214 : memref<80x128xf32, #tpu.memory_space<hbm>>) target_semaphore(%run_scoped3A_206 : memref<!tpu.dma_semaphore, #tpu.memory_space<semaphore_mem>>)
        %dma_wait3A_219 = arith.constant 0 : i32
        %dma_wait3A_220 = arith.constant 0 : i32
        %dma_wait3A_221 = tpu.memref_slice %arg11[%run_scoped3A_172, %dma_wait3A_219, %dma_wait3A_220] : memref<2x80x128xf32, #tpu.memory_space<vmem>> -> memref<1x80x128xf32, #tpu.memory_space<vmem>>
        %dma_wait3A_222 = tpu.memref_squeeze %dma_wait3A_221 : memref<1x80x128xf32, #tpu.memory_space<vmem>> -> memref<80x128xf32, #tpu.memory_space<vmem>>
        %dma_wait3A_223 = arith.constant 0 : i32
        %dma_wait3A_224 = tpu.memref_slice %arg7[%add3A_146, %dma_wait3A_223] : memref<156160x128xf32, #tpu.memory_space<hbm>> -> memref<80x128xf32, #tpu.memory_space<hbm>>
        %dma_wait3A_225 = arith.constant 0 : i32
        %dma_wait3A_226 = tpu.memref_slice %arg7[%add3A_146, %dma_wait3A_225] : memref<156160x128xf32, #tpu.memory_space<hbm>> -> memref<80x128xf32, #tpu.memory_space<hbm>>
        %dma_wait3A_227 = arith.constant 0 : i32
        %dma_wait3A_228 = arith.constant 0 : i32
        %dma_wait3A_229 = tpu.memref_slice %arg11[%run_scoped3A_172, %dma_wait3A_227, %dma_wait3A_228] : memref<2x80x128xf32, #tpu.memory_space<vmem>> -> memref<1x80x128xf32, #tpu.memory_space<vmem>>
        %dma_wait3A_230 = tpu.memref_squeeze %dma_wait3A_229 : memref<1x80x128xf32, #tpu.memory_space<vmem>> -> memref<80x128xf32, #tpu.memory_space<vmem>>
        tpu.wait_dma2 semaphore(%run_scoped3A_206 : memref<!tpu.dma_semaphore, #tpu.memory_space<semaphore_mem>>) src(%dma_wait3A_230 : memref<80x128xf32, #tpu.memory_space<vmem>>) dst(%dma_wait3A_226 : memref<80x128xf32, #tpu.memory_space<hbm>>)
        tpu.yield
      }) : () -> ()
      %add3A_173 = arith.constant 1 : i32
      %add3A_174 = arith.addi %mul3A_69, %add3A_173 : i32
      %mul3A_175 = arith.constant 4880 : i32
      %mul3A_176 = arith.muli %add3A, %mul3A_175 : i32
      %mul3A_177 = arith.constant 80 : i32
      %mul3A_178 = arith.muli %add3A_174, %mul3A_177 : i32
      %add3A_179 = arith.addi %mul3A_176, %mul3A_178 : i32
      %dma_wait3A_180 = arith.constant 1 : i32
      %dma_wait3A_181 = arith.constant 1 : i32
      %dma_wait3A_182 = arith.constant 0 : i32
      %dma_wait3A_183 = arith.constant 0 : i32
      %dma_wait3A_184 = tpu.memref_slice %arg10[%dma_wait3A_181, %dma_wait3A_182, %dma_wait3A_183] : memref<2x80x128xi32, #tpu.memory_space<vmem>> -> memref<1x80x128xi32, #tpu.memory_space<vmem>>
      %dma_wait3A_185 = tpu.memref_squeeze %dma_wait3A_184 : memref<1x80x128xi32, #tpu.memory_space<vmem>> -> memref<80x128xi32, #tpu.memory_space<vmem>>
      %dma_wait3A_186 = arith.constant 0 : i32
      %dma_wait3A_187 = tpu.memref_slice %arg8[%dma_wait3A_180, %dma_wait3A_186] : memref<2x80xi32, #tpu.memory_space<vmem>> -> memref<1x80xi32, #tpu.memory_space<vmem>>
      %dma_wait3A_188 = tpu.memref_squeeze %dma_wait3A_187 : memref<1x80xi32, #tpu.memory_space<vmem>> -> memref<80xi32, #tpu.memory_space<vmem>>
      %dma_wait3A_189 = arith.constant 0 : i32
      %dma_wait3A_190 = arith.constant 0 : i32
      %dma_wait3A_191 = tpu.memref_slice %arg2[%dma_wait3A_189, %dma_wait3A_190] : memref<10000x128xi32, #tpu.memory_space<hbm>> -> memref<10000x128xi32, #tpu.memory_space<hbm>>
      tpu.wait_indirect_dma semaphore(%arg14 : memref<!tpu.dma_semaphore, #tpu.memory_space<semaphore_mem>>) src(%dma_wait3A_191 : memref<10000x128xi32, #tpu.memory_space<hbm>>) dst(%dma_wait3A_185 : memref<80x128xi32, #tpu.memory_space<vmem>>)
      %run_scoped3A_192 = arith.constant 1 : i32
      "tpu.region"() ({
        %run_scoped3A_206 = tpu.sem_alloc : memref<!tpu.dma_semaphore, #tpu.memory_space<semaphore_mem>>
        %dma_start3A_207 = arith.constant 0 : i32
        %dma_start3A_208 = arith.constant 0 : i32
        %dma_start3A_209 = tpu.memref_slice %arg10[%run_scoped3A_192, %dma_start3A_207, %dma_start3A_208] : memref<2x80x128xi32, #tpu.memory_space<vmem>> -> memref<1x80x128xi32, #tpu.memory_space<vmem>>
        %dma_start3A_210 = tpu.memref_squeeze %dma_start3A_209 : memref<1x80x128xi32, #tpu.memory_space<vmem>> -> memref<80x128xi32, #tpu.memory_space<vmem>>
        %dma_start3A_211 = arith.constant 0 : i32
        %dma_start3A_212 = tpu.memref_slice %arg6[%add3A_179, %dma_start3A_211] : memref<156160x128xi32, #tpu.memory_space<hbm>> -> memref<80x128xi32, #tpu.memory_space<hbm>>
        %dma_start3A_213 = arith.constant 0 : i32
        %dma_start3A_214 = tpu.memref_slice %arg6[%add3A_179, %dma_start3A_213] : memref<156160x128xi32, #tpu.memory_space<hbm>> -> memref<80x128xi32, #tpu.memory_space<hbm>>
        %dma_start3A_215 = arith.constant 0 : i32
        %dma_start3A_216 = arith.constant 0 : i32
        %dma_start3A_217 = tpu.memref_slice %arg10[%run_scoped3A_192, %dma_start3A_215, %dma_start3A_216] : memref<2x80x128xi32, #tpu.memory_space<vmem>> -> memref<1x80x128xi32, #tpu.memory_space<vmem>>
        %dma_start3A_218 = tpu.memref_squeeze %dma_start3A_217 : memref<1x80x128xi32, #tpu.memory_space<vmem>> -> memref<80x128xi32, #tpu.memory_space<vmem>>
        tpu.enqueue_dma source(%dma_start3A_218 : memref<80x128xi32, #tpu.memory_space<vmem>>) target(%dma_start3A_214 : memref<80x128xi32, #tpu.memory_space<hbm>>) target_semaphore(%run_scoped3A_206 : memref<!tpu.dma_semaphore, #tpu.memory_space<semaphore_mem>>)
        %dma_wait3A_219 = arith.constant 0 : i32
        %dma_wait3A_220 = arith.constant 0 : i32
        %dma_wait3A_221 = tpu.memref_slice %arg10[%run_scoped3A_192, %dma_wait3A_219, %dma_wait3A_220] : memref<2x80x128xi32, #tpu.memory_space<vmem>> -> memref<1x80x128xi32, #tpu.memory_space<vmem>>
        %dma_wait3A_222 = tpu.memref_squeeze %dma_wait3A_221 : memref<1x80x128xi32, #tpu.memory_space<vmem>> -> memref<80x128xi32, #tpu.memory_space<vmem>>
        %dma_wait3A_223 = arith.constant 0 : i32
        %dma_wait3A_224 = tpu.memref_slice %arg6[%add3A_179, %dma_wait3A_223] : memref<156160x128xi32, #tpu.memory_space<hbm>> -> memref<80x128xi32, #tpu.memory_space<hbm>>
        %dma_wait3A_225 = arith.constant 0 : i32
        %dma_wait3A_226 = tpu.memref_slice %arg6[%add3A_179, %dma_wait3A_225] : memref<156160x128xi32, #tpu.memory_space<hbm>> -> memref<80x128xi32, #tpu.memory_space<hbm>>
        %dma_wait3A_227 = arith.constant 0 : i32
        %dma_wait3A_228 = arith.constant 0 : i32
        %dma_wait3A_229 = tpu.memref_slice %arg10[%run_scoped3A_192, %dma_wait3A_227, %dma_wait3A_228] : memref<2x80x128xi32, #tpu.memory_space<vmem>> -> memref<1x80x128xi32, #tpu.memory_space<vmem>>
        %dma_wait3A_230 = tpu.memref_squeeze %dma_wait3A_229 : memref<1x80x128xi32, #tpu.memory_space<vmem>> -> memref<80x128xi32, #tpu.memory_space<vmem>>
        tpu.wait_dma2 semaphore(%run_scoped3A_206 : memref<!tpu.dma_semaphore, #tpu.memory_space<semaphore_mem>>) src(%dma_wait3A_230 : memref<80x128xi32, #tpu.memory_space<vmem>>) dst(%dma_wait3A_226 : memref<80x128xi32, #tpu.memory_space<hbm>>)
        tpu.yield
      }) : () -> ()
      %dma_wait3A_193 = arith.constant 1 : i32
      %dma_wait3A_194 = arith.constant 1 : i32
      %dma_wait3A_195 = arith.constant 0 : i32
      %dma_wait3A_196 = arith.constant 0 : i32
      %dma_wait3A_197 = tpu.memref_slice %arg11[%dma_wait3A_194, %dma_wait3A_195, %dma_wait3A_196] : memref<2x80x128xf32, #tpu.memory_space<vmem>> -> memref<1x80x128xf32, #tpu.memory_space<vmem>>
      %dma_wait3A_198 = tpu.memref_squeeze %dma_wait3A_197 : memref<1x80x128xf32, #tpu.memory_space<vmem>> -> memref<80x128xf32, #tpu.memory_space<vmem>>
      %dma_wait3A_199 = arith.constant 0 : i32
      %dma_wait3A_200 = tpu.memref_slice %arg9[%dma_wait3A_193, %dma_wait3A_199] : memref<2x80xi32, #tpu.memory_space<vmem>> -> memref<1x80xi32, #tpu.memory_space<vmem>>
      %dma_wait3A_201 = tpu.memref_squeeze %dma_wait3A_200 : memref<1x80xi32, #tpu.memory_space<vmem>> -> memref<80xi32, #tpu.memory_space<vmem>>
      %dma_wait3A_202 = arith.constant 0 : i32
      %dma_wait3A_203 = arith.constant 0 : i32
      %dma_wait3A_204 = tpu.memref_slice %arg3[%dma_wait3A_202, %dma_wait3A_203] : memref<10000x128xf32, #tpu.memory_space<hbm>> -> memref<10000x128xf32, #tpu.memory_space<hbm>>
      tpu.wait_indirect_dma semaphore(%arg15 : memref<!tpu.dma_semaphore, #tpu.memory_space<semaphore_mem>>) src(%dma_wait3A_204 : memref<10000x128xf32, #tpu.memory_space<hbm>>) dst(%dma_wait3A_198 : memref<80x128xf32, #tpu.memory_space<vmem>>)
      %run_scoped3A_205 = arith.constant 1 : i32
      "tpu.region"() ({
        %run_scoped3A_206 = tpu.sem_alloc : memref<!tpu.dma_semaphore, #tpu.memory_space<semaphore_mem>>
        %dma_start3A_207 = arith.constant 0 : i32
        %dma_start3A_208 = arith.constant 0 : i32
        %dma_start3A_209 = tpu.memref_slice %arg11[%run_scoped3A_205, %dma_start3A_207, %dma_start3A_208] : memref<2x80x128xf32, #tpu.memory_space<vmem>> -> memref<1x80x128xf32, #tpu.memory_space<vmem>>
        %dma_start3A_210 = tpu.memref_squeeze %dma_start3A_209 : memref<1x80x128xf32, #tpu.memory_space<vmem>> -> memref<80x128xf32, #tpu.memory_space<vmem>>
        %dma_start3A_211 = arith.constant 0 : i32
        %dma_start3A_212 = tpu.memref_slice %arg7[%add3A_179, %dma_start3A_211] : memref<156160x128xf32, #tpu.memory_space<hbm>> -> memref<80x128xf32, #tpu.memory_space<hbm>>
        %dma_start3A_213 = arith.constant 0 : i32
        %dma_start3A_214 = tpu.memref_slice %arg7[%add3A_179, %dma_start3A_213] : memref<156160x128xf32, #tpu.memory_space<hbm>> -> memref<80x128xf32, #tpu.memory_space<hbm>>
        %dma_start3A_215 = arith.constant 0 : i32
        %dma_start3A_216 = arith.constant 0 : i32
        %dma_start3A_217 = tpu.memref_slice %arg11[%run_scoped3A_205, %dma_start3A_215, %dma_start3A_216] : memref<2x80x128xf32, #tpu.memory_space<vmem>> -> memref<1x80x128xf32, #tpu.memory_space<vmem>>
        %dma_start3A_218 = tpu.memref_squeeze %dma_start3A_217 : memref<1x80x128xf32, #tpu.memory_space<vmem>> -> memref<80x128xf32, #tpu.memory_space<vmem>>
        tpu.enqueue_dma source(%dma_start3A_218 : memref<80x128xf32, #tpu.memory_space<vmem>>) target(%dma_start3A_214 : memref<80x128xf32, #tpu.memory_space<hbm>>) target_semaphore(%run_scoped3A_206 : memref<!tpu.dma_semaphore, #tpu.memory_space<semaphore_mem>>)
        %dma_wait3A_219 = arith.constant 0 : i32
        %dma_wait3A_220 = arith.constant 0 : i32
        %dma_wait3A_221 = tpu.memref_slice %arg11[%run_scoped3A_205, %dma_wait3A_219, %dma_wait3A_220] : memref<2x80x128xf32, #tpu.memory_space<vmem>> -> memref<1x80x128xf32, #tpu.memory_space<vmem>>
        %dma_wait3A_222 = tpu.memref_squeeze %dma_wait3A_221 : memref<1x80x128xf32, #tpu.memory_space<vmem>> -> memref<80x128xf32, #tpu.memory_space<vmem>>
        %dma_wait3A_223 = arith.constant 0 : i32
        %dma_wait3A_224 = tpu.memref_slice %arg7[%add3A_179, %dma_wait3A_223] : memref<156160x128xf32, #tpu.memory_space<hbm>> -> memref<80x128xf32, #tpu.memory_space<hbm>>
        %dma_wait3A_225 = arith.constant 0 : i32
        %dma_wait3A_226 = tpu.memref_slice %arg7[%add3A_179, %dma_wait3A_225] : memref<156160x128xf32, #tpu.memory_space<hbm>> -> memref<80x128xf32, #tpu.memory_space<hbm>>
        %dma_wait3A_227 = arith.constant 0 : i32
        %dma_wait3A_228 = arith.constant 0 : i32
        %dma_wait3A_229 = tpu.memref_slice %arg11[%run_scoped3A_205, %dma_wait3A_227, %dma_wait3A_228] : memref<2x80x128xf32, #tpu.memory_space<vmem>> -> memref<1x80x128xf32, #tpu.memory_space<vmem>>
        %dma_wait3A_230 = tpu.memref_squeeze %dma_wait3A_229 : memref<1x80x128xf32, #tpu.memory_space<vmem>> -> memref<80x128xf32, #tpu.memory_space<vmem>>
        tpu.wait_dma2 semaphore(%run_scoped3A_206 : memref<!tpu.dma_semaphore, #tpu.memory_space<semaphore_mem>>) src(%dma_wait3A_230 : memref<80x128xf32, #tpu.memory_space<vmem>>) dst(%dma_wait3A_226 : memref<80x128xf32, #tpu.memory_space<hbm>>)
        tpu.yield
      }) : () -> ()
    }
    %scan3A_5 = arith.constant 30 : i32
    %mul3A_6 = arith.constant 4880 : i32
    %mul3A_7 = arith.muli %add3A, %mul3A_6 : i32
    %add3A_8 = arith.constant 4800 : i32
    %add3A_9 = arith.addi %mul3A_7, %add3A_8 : i32
    %add3A_10 = arith.constant 163840 : i32
    %add3A_11 = arith.addi %add3A_10, %add3A_9 : i32
    %run_scoped3A = arith.constant 0 : i32
    "tpu.region"() ({
      %run_scoped3A_67 = tpu.sem_alloc : memref<!tpu.dma_semaphore, #tpu.memory_space<semaphore_mem>>
      %dma_start3A_68 = arith.constant 0 : i32
      %dma_start3A_69 = tpu.memref_slice %arg8[%run_scoped3A, %dma_start3A_68] : memref<2x80xi32, #tpu.memory_space<vmem>> -> memref<1x80xi32, #tpu.memory_space<vmem>>
      %dma_start3A_70 = tpu.memref_squeeze %dma_start3A_69 : memref<1x80xi32, #tpu.memory_space<vmem>> -> memref<80xi32, #tpu.memory_space<vmem>>
      %dma_start3A_71 = tpu.memref_slice %arg4[%add3A_11] : memref<320000xi32, #tpu.memory_space<hbm>> -> memref<80xi32, #tpu.memory_space<hbm>>
      %dma_start3A_72 = arith.constant 0 : i32
      %dma_start3A_73 = tpu.memref_slice %arg8[%run_scoped3A, %dma_start3A_72] : memref<2x80xi32, #tpu.memory_space<vmem>> -> memref<1x80xi32, #tpu.memory_space<vmem>>
      %dma_start3A_74 = tpu.memref_squeeze %dma_start3A_73 : memref<1x80xi32, #tpu.memory_space<vmem>> -> memref<80xi32, #tpu.memory_space<vmem>>
      %dma_start3A_75 = tpu.memref_slice %arg4[%add3A_11] : memref<320000xi32, #tpu.memory_space<hbm>> -> memref<80xi32, #tpu.memory_space<hbm>>
      tpu.enqueue_dma source(%dma_start3A_75 : memref<80xi32, #tpu.memory_space<hbm>>) target(%dma_start3A_74 : memref<80xi32, #tpu.memory_space<vmem>>) target_semaphore(%run_scoped3A_67 : memref<!tpu.dma_semaphore, #tpu.memory_space<semaphore_mem>>)
      %dma_wait3A_76 = arith.constant 0 : i32
      %dma_wait3A_77 = tpu.memref_slice %arg8[%run_scoped3A, %dma_wait3A_76] : memref<2x80xi32, #tpu.memory_space<vmem>> -> memref<1x80xi32, #tpu.memory_space<vmem>>
      %dma_wait3A_78 = tpu.memref_squeeze %dma_wait3A_77 : memref<1x80xi32, #tpu.memory_space<vmem>> -> memref<80xi32, #tpu.memory_space<vmem>>
      %dma_wait3A_79 = tpu.memref_slice %arg4[%add3A_11] : memref<320000xi32, #tpu.memory_space<hbm>> -> memref<80xi32, #tpu.memory_space<hbm>>
      %dma_wait3A_80 = arith.constant 0 : i32
      %dma_wait3A_81 = tpu.memref_slice %arg8[%run_scoped3A, %dma_wait3A_80] : memref<2x80xi32, #tpu.memory_space<vmem>> -> memref<1x80xi32, #tpu.memory_space<vmem>>
      %dma_wait3A_82 = tpu.memref_squeeze %dma_wait3A_81 : memref<1x80xi32, #tpu.memory_space<vmem>> -> memref<80xi32, #tpu.memory_space<vmem>>
      %dma_wait3A_83 = tpu.memref_slice %arg4[%add3A_11] : memref<320000xi32, #tpu.memory_space<hbm>> -> memref<80xi32, #tpu.memory_space<hbm>>
      tpu.wait_dma2 semaphore(%run_scoped3A_67 : memref<!tpu.dma_semaphore, #tpu.memory_space<semaphore_mem>>) src(%dma_wait3A_83 : memref<80xi32, #tpu.memory_space<hbm>>) dst(%dma_wait3A_82 : memref<80xi32, #tpu.memory_space<vmem>>)
      tpu.yield
    }) : () -> ()
    %add3A_12 = arith.constant 163840 : i32
    %add3A_13 = arith.addi %add3A_12, %add3A_9 : i32
    %run_scoped3A_14 = arith.constant 0 : i32
    "tpu.region"() ({
      %run_scoped3A_67 = tpu.sem_alloc : memref<!tpu.dma_semaphore, #tpu.memory_space<semaphore_mem>>
      %dma_start3A_68 = arith.constant 0 : i32
      %dma_start3A_69 = tpu.memref_slice %arg9[%run_scoped3A_14, %dma_start3A_68] : memref<2x80xi32, #tpu.memory_space<vmem>> -> memref<1x80xi32, #tpu.memory_space<vmem>>
      %dma_start3A_70 = tpu.memref_squeeze %dma_start3A_69 : memref<1x80xi32, #tpu.memory_space<vmem>> -> memref<80xi32, #tpu.memory_space<vmem>>
      %dma_start3A_71 = tpu.memref_slice %arg5[%add3A_13] : memref<320000xi32, #tpu.memory_space<hbm>> -> memref<80xi32, #tpu.memory_space<hbm>>
      %dma_start3A_72 = arith.constant 0 : i32
      %dma_start3A_73 = tpu.memref_slice %arg9[%run_scoped3A_14, %dma_start3A_72] : memref<2x80xi32, #tpu.memory_space<vmem>> -> memref<1x80xi32, #tpu.memory_space<vmem>>
      %dma_start3A_74 = tpu.memref_squeeze %dma_start3A_73 : memref<1x80xi32, #tpu.memory_space<vmem>> -> memref<80xi32, #tpu.memory_space<vmem>>
      %dma_start3A_75 = tpu.memref_slice %arg5[%add3A_13] : memref<320000xi32, #tpu.memory_space<hbm>> -> memref<80xi32, #tpu.memory_space<hbm>>
      tpu.enqueue_dma source(%dma_start3A_75 : memref<80xi32, #tpu.memory_space<hbm>>) target(%dma_start3A_74 : memref<80xi32, #tpu.memory_space<vmem>>) target_semaphore(%run_scoped3A_67 : memref<!tpu.dma_semaphore, #tpu.memory_space<semaphore_mem>>)
      %dma_wait3A_76 = arith.constant 0 : i32
      %dma_wait3A_77 = tpu.memref_slice %arg9[%run_scoped3A_14, %dma_wait3A_76] : memref<2x80xi32, #tpu.memory_space<vmem>> -> memref<1x80xi32, #tpu.memory_space<vmem>>
      %dma_wait3A_78 = tpu.memref_squeeze %dma_wait3A_77 : memref<1x80xi32, #tpu.memory_space<vmem>> -> memref<80xi32, #tpu.memory_space<vmem>>
      %dma_wait3A_79 = tpu.memref_slice %arg5[%add3A_13] : memref<320000xi32, #tpu.memory_space<hbm>> -> memref<80xi32, #tpu.memory_space<hbm>>
      %dma_wait3A_80 = arith.constant 0 : i32
      %dma_wait3A_81 = tpu.memref_slice %arg9[%run_scoped3A_14, %dma_wait3A_80] : memref<2x80xi32, #tpu.memory_space<vmem>> -> memref<1x80xi32, #tpu.memory_space<vmem>>
      %dma_wait3A_82 = tpu.memref_squeeze %dma_wait3A_81 : memref<1x80xi32, #tpu.memory_space<vmem>> -> memref<80xi32, #tpu.memory_space<vmem>>
      %dma_wait3A_83 = tpu.memref_slice %arg5[%add3A_13] : memref<320000xi32, #tpu.memory_space<hbm>> -> memref<80xi32, #tpu.memory_space<hbm>>
      tpu.wait_dma2 semaphore(%run_scoped3A_67 : memref<!tpu.dma_semaphore, #tpu.memory_space<semaphore_mem>>) src(%dma_wait3A_83 : memref<80xi32, #tpu.memory_space<hbm>>) dst(%dma_wait3A_82 : memref<80xi32, #tpu.memory_space<vmem>>)
      tpu.yield
    }) : () -> ()
    %dma_start3A = arith.constant 0 : i32
    %dma_start3A_15 = arith.constant 0 : i32
    %dma_start3A_16 = arith.constant 0 : i32
    %dma_start3A_17 = arith.constant 0 : i32
    %dma_start3A_18 = tpu.memref_slice %arg10[%dma_start3A_15, %dma_start3A_16, %dma_start3A_17] : memref<2x80x128xi32, #tpu.memory_space<vmem>> -> memref<1x80x128xi32, #tpu.memory_space<vmem>>
    %dma_start3A_19 = tpu.memref_squeeze %dma_start3A_18 : memref<1x80x128xi32, #tpu.memory_space<vmem>> -> memref<80x128xi32, #tpu.memory_space<vmem>>
    %dma_start3A_20 = arith.constant 0 : i32
    %dma_start3A_21 = tpu.memref_slice %arg8[%dma_start3A, %dma_start3A_20] : memref<2x80xi32, #tpu.memory_space<vmem>> -> memref<1x80xi32, #tpu.memory_space<vmem>>
    %dma_start3A_22 = tpu.memref_squeeze %dma_start3A_21 : memref<1x80xi32, #tpu.memory_space<vmem>> -> memref<80xi32, #tpu.memory_space<vmem>>
    %dma_start3A_23 = arith.constant 0 : i32
    %dma_start3A_24 = arith.constant 0 : i32
    %dma_start3A_25 = tpu.memref_slice %arg2[%dma_start3A_23, %dma_start3A_24] : memref<10000x128xi32, #tpu.memory_space<hbm>> -> memref<10000x128xi32, #tpu.memory_space<hbm>>
    tpu.enqueue_indirect_dma source(%dma_start3A_25 : memref<10000x128xi32, #tpu.memory_space<hbm>>) target(%dma_start3A_19 : memref<80x128xi32, #tpu.memory_space<vmem>>) offsets(%dma_start3A_22 : memref<80xi32, #tpu.memory_space<vmem>>) semaphore(%arg12 : memref<!tpu.dma_semaphore, #tpu.memory_space<semaphore_mem>>)
    %dma_start3A_26 = arith.constant 0 : i32
    %dma_start3A_27 = arith.constant 0 : i32
    %dma_start3A_28 = arith.constant 0 : i32
    %dma_start3A_29 = arith.constant 0 : i32
    %dma_start3A_30 = tpu.memref_slice %arg11[%dma_start3A_27, %dma_start3A_28, %dma_start3A_29] : memref<2x80x128xf32, #tpu.memory_space<vmem>> -> memref<1x80x128xf32, #tpu.memory_space<vmem>>
    %dma_start3A_31 = tpu.memref_squeeze %dma_start3A_30 : memref<1x80x128xf32, #tpu.memory_space<vmem>> -> memref<80x128xf32, #tpu.memory_space<vmem>>
    %dma_start3A_32 = arith.constant 0 : i32
    %dma_start3A_33 = tpu.memref_slice %arg9[%dma_start3A_26, %dma_start3A_32] : memref<2x80xi32, #tpu.memory_space<vmem>> -> memref<1x80xi32, #tpu.memory_space<vmem>>
    %dma_start3A_34 = tpu.memref_squeeze %dma_start3A_33 : memref<1x80xi32, #tpu.memory_space<vmem>> -> memref<80xi32, #tpu.memory_space<vmem>>
    %dma_start3A_35 = arith.constant 0 : i32
    %dma_start3A_36 = arith.constant 0 : i32
    %dma_start3A_37 = tpu.memref_slice %arg3[%dma_start3A_35, %dma_start3A_36] : memref<10000x128xf32, #tpu.memory_space<hbm>> -> memref<10000x128xf32, #tpu.memory_space<hbm>>
    tpu.enqueue_indirect_dma source(%dma_start3A_37 : memref<10000x128xf32, #tpu.memory_space<hbm>>) target(%dma_start3A_31 : memref<80x128xf32, #tpu.memory_space<vmem>>) offsets(%dma_start3A_34 : memref<80xi32, #tpu.memory_space<vmem>>) semaphore(%arg13 : memref<!tpu.dma_semaphore, #tpu.memory_space<semaphore_mem>>)
    %mul3A_38 = arith.constant 4880 : i32
    %mul3A_39 = arith.muli %add3A, %mul3A_38 : i32
    %add3A_40 = arith.constant 4800 : i32
    %add3A_41 = arith.addi %mul3A_39, %add3A_40 : i32
    %dma_wait3A = arith.constant 0 : i32
    %dma_wait3A_42 = arith.constant 0 : i32
    %dma_wait3A_43 = arith.constant 0 : i32
    %dma_wait3A_44 = arith.constant 0 : i32
    %dma_wait3A_45 = tpu.memref_slice %arg10[%dma_wait3A_42, %dma_wait3A_43, %dma_wait3A_44] : memref<2x80x128xi32, #tpu.memory_space<vmem>> -> memref<1x80x128xi32, #tpu.memory_space<vmem>>
    %dma_wait3A_46 = tpu.memref_squeeze %dma_wait3A_45 : memref<1x80x128xi32, #tpu.memory_space<vmem>> -> memref<80x128xi32, #tpu.memory_space<vmem>>
    %dma_wait3A_47 = arith.constant 0 : i32
    %dma_wait3A_48 = tpu.memref_slice %arg8[%dma_wait3A, %dma_wait3A_47] : memref<2x80xi32, #tpu.memory_space<vmem>> -> memref<1x80xi32, #tpu.memory_space<vmem>>
    %dma_wait3A_49 = tpu.memref_squeeze %dma_wait3A_48 : memref<1x80xi32, #tpu.memory_space<vmem>> -> memref<80xi32, #tpu.memory_space<vmem>>
    %dma_wait3A_50 = arith.constant 0 : i32
    %dma_wait3A_51 = arith.constant 0 : i32
    %dma_wait3A_52 = tpu.memref_slice %arg2[%dma_wait3A_50, %dma_wait3A_51] : memref<10000x128xi32, #tpu.memory_space<hbm>> -> memref<10000x128xi32, #tpu.memory_space<hbm>>
    tpu.wait_indirect_dma semaphore(%arg12 : memref<!tpu.dma_semaphore, #tpu.memory_space<semaphore_mem>>) src(%dma_wait3A_52 : memref<10000x128xi32, #tpu.memory_space<hbm>>) dst(%dma_wait3A_46 : memref<80x128xi32, #tpu.memory_space<vmem>>)
    %run_scoped3A_53 = arith.constant 0 : i32
    "tpu.region"() ({
      %run_scoped3A_67 = tpu.sem_alloc : memref<!tpu.dma_semaphore, #tpu.memory_space<semaphore_mem>>
      %dma_start3A_68 = arith.constant 0 : i32
      %dma_start3A_69 = arith.constant 0 : i32
      %dma_start3A_70 = tpu.memref_slice %arg10[%run_scoped3A_53, %dma_start3A_68, %dma_start3A_69] : memref<2x80x128xi32, #tpu.memory_space<vmem>> -> memref<1x80x128xi32, #tpu.memory_space<vmem>>
      %dma_start3A_71 = tpu.memref_squeeze %dma_start3A_70 : memref<1x80x128xi32, #tpu.memory_space<vmem>> -> memref<80x128xi32, #tpu.memory_space<vmem>>
      %dma_start3A_72 = arith.constant 0 : i32
      %dma_start3A_73 = tpu.memref_slice %arg6[%add3A_41, %dma_start3A_72] : memref<156160x128xi32, #tpu.memory_space<hbm>> -> memref<80x128xi32, #tpu.memory_space<hbm>>
      %dma_start3A_74 = arith.constant 0 : i32
      %dma_start3A_75 = tpu.memref_slice %arg6[%add3A_41, %dma_start3A_74] : memref<156160x128xi32, #tpu.memory_space<hbm>> -> memref<80x128xi32, #tpu.memory_space<hbm>>
      %dma_start3A_76 = arith.constant 0 : i32
      %dma_start3A_77 = arith.constant 0 : i32
      %dma_start3A_78 = tpu.memref_slice %arg10[%run_scoped3A_53, %dma_start3A_76, %dma_start3A_77] : memref<2x80x128xi32, #tpu.memory_space<vmem>> -> memref<1x80x128xi32, #tpu.memory_space<vmem>>
      %dma_start3A_79 = tpu.memref_squeeze %dma_start3A_78 : memref<1x80x128xi32, #tpu.memory_space<vmem>> -> memref<80x128xi32, #tpu.memory_space<vmem>>
      tpu.enqueue_dma source(%dma_start3A_79 : memref<80x128xi32, #tpu.memory_space<vmem>>) target(%dma_start3A_75 : memref<80x128xi32, #tpu.memory_space<hbm>>) target_semaphore(%run_scoped3A_67 : memref<!tpu.dma_semaphore, #tpu.memory_space<semaphore_mem>>)
      %dma_wait3A_80 = arith.constant 0 : i32
      %dma_wait3A_81 = arith.constant 0 : i32
      %dma_wait3A_82 = tpu.memref_slice %arg10[%run_scoped3A_53, %dma_wait3A_80, %dma_wait3A_81] : memref<2x80x128xi32, #tpu.memory_space<vmem>> -> memref<1x80x128xi32, #tpu.memory_space<vmem>>
      %dma_wait3A_83 = tpu.memref_squeeze %dma_wait3A_82 : memref<1x80x128xi32, #tpu.memory_space<vmem>> -> memref<80x128xi32, #tpu.memory_space<vmem>>
      %dma_wait3A_84 = arith.constant 0 : i32
      %dma_wait3A_85 = tpu.memref_slice %arg6[%add3A_41, %dma_wait3A_84] : memref<156160x128xi32, #tpu.memory_space<hbm>> -> memref<80x128xi32, #tpu.memory_space<hbm>>
      %dma_wait3A_86 = arith.constant 0 : i32
      %dma_wait3A_87 = tpu.memref_slice %arg6[%add3A_41, %dma_wait3A_86] : memref<156160x128xi32, #tpu.memory_space<hbm>> -> memref<80x128xi32, #tpu.memory_space<hbm>>
      %dma_wait3A_88 = arith.constant 0 : i32
      %dma_wait3A_89 = arith.constant 0 : i32
      %dma_wait3A_90 = tpu.memref_slice %arg10[%run_scoped3A_53, %dma_wait3A_88, %dma_wait3A_89] : memref<2x80x128xi32, #tpu.memory_space<vmem>> -> memref<1x80x128xi32, #tpu.memory_space<vmem>>
      %dma_wait3A_91 = tpu.memref_squeeze %dma_wait3A_90 : memref<1x80x128xi32, #tpu.memory_space<vmem>> -> memref<80x128xi32, #tpu.memory_space<vmem>>
      tpu.wait_dma2 semaphore(%run_scoped3A_67 : memref<!tpu.dma_semaphore, #tpu.memory_space<semaphore_mem>>) src(%dma_wait3A_91 : memref<80x128xi32, #tpu.memory_space<vmem>>) dst(%dma_wait3A_87 : memref<80x128xi32, #tpu.memory_space<hbm>>)
      tpu.yield
    }) : () -> ()
    %dma_wait3A_54 = arith.constant 0 : i32
    %dma_wait3A_55 = arith.constant 0 : i32
    %dma_wait3A_56 = arith.constant 0 : i32
    %dma_wait3A_57 = arith.constant 0 : i32
    %dma_wait3A_58 = tpu.memref_slice %arg11[%dma_wait3A_55, %dma_wait3A_56, %dma_wait3A_57] : memref<2x80x128xf32, #tpu.memory_space<vmem>> -> memref<1x80x128xf32, #tpu.memory_space<vmem>>
    %dma_wait3A_59 = tpu.memref_squeeze %dma_wait3A_58 : memref<1x80x128xf32, #tpu.memory_space<vmem>> -> memref<80x128xf32, #tpu.memory_space<vmem>>
    %dma_wait3A_60 = arith.constant 0 : i32
    %dma_wait3A_61 = tpu.memref_slice %arg9[%dma_wait3A_54, %dma_wait3A_60] : memref<2x80xi32, #tpu.memory_space<vmem>> -> memref<1x80xi32, #tpu.memory_space<vmem>>
    %dma_wait3A_62 = tpu.memref_squeeze %dma_wait3A_61 : memref<1x80xi32, #tpu.memory_space<vmem>> -> memref<80xi32, #tpu.memory_space<vmem>>
    %dma_wait3A_63 = arith.constant 0 : i32
    %dma_wait3A_64 = arith.constant 0 : i32
    %dma_wait3A_65 = tpu.memref_slice %arg3[%dma_wait3A_63, %dma_wait3A_64] : memref<10000x128xf32, #tpu.memory_space<hbm>> -> memref<10000x128xf32, #tpu.memory_space<hbm>>
    tpu.wait_indirect_dma semaphore(%arg13 : memref<!tpu.dma_semaphore, #tpu.memory_space<semaphore_mem>>) src(%dma_wait3A_65 : memref<10000x128xf32, #tpu.memory_space<hbm>>) dst(%dma_wait3A_59 : memref<80x128xf32, #tpu.memory_space<vmem>>)
    %run_scoped3A_66 = arith.constant 0 : i32
    "tpu.region"() ({
      %run_scoped3A_67 = tpu.sem_alloc : memref<!tpu.dma_semaphore, #tpu.memory_space<semaphore_mem>>
      %dma_start3A_68 = arith.constant 0 : i32
      %dma_start3A_69 = arith.constant 0 : i32
      %dma_start3A_70 = tpu.memref_slice %arg11[%run_scoped3A_66, %dma_start3A_68, %dma_start3A_69] : memref<2x80x128xf32, #tpu.memory_space<vmem>> -> memref<1x80x128xf32, #tpu.memory_space<vmem>>
      %dma_start3A_71 = tpu.memref_squeeze %dma_start3A_70 : memref<1x80x128xf32, #tpu.memory_space<vmem>> -> memref<80x128xf32, #tpu.memory_space<vmem>>
      %dma_start3A_72 = arith.constant 0 : i32
      %dma_start3A_73 = tpu.memref_slice %arg7[%add3A_41, %dma_start3A_72] : memref<156160x128xf32, #tpu.memory_space<hbm>> -> memref<80x128xf32, #tpu.memory_space<hbm>>
      %dma_start3A_74 = arith.constant 0 : i32
      %dma_start3A_75 = tpu.memref_slice %arg7[%add3A_41, %dma_start3A_74] : memref<156160x128xf32, #tpu.memory_space<hbm>> -> memref<80x128xf32, #tpu.memory_space<hbm>>
      %dma_start3A_76 = arith.constant 0 : i32
      %dma_start3A_77 = arith.constant 0 : i32
      %dma_start3A_78 = tpu.memref_slice %arg11[%run_scoped3A_66, %dma_start3A_76, %dma_start3A_77] : memref<2x80x128xf32, #tpu.memory_space<vmem>> -> memref<1x80x128xf32, #tpu.memory_space<vmem>>
      %dma_start3A_79 = tpu.memref_squeeze %dma_start3A_78 : memref<1x80x128xf32, #tpu.memory_space<vmem>> -> memref<80x128xf32, #tpu.memory_space<vmem>>
      tpu.enqueue_dma source(%dma_start3A_79 : memref<80x128xf32, #tpu.memory_space<vmem>>) target(%dma_start3A_75 : memref<80x128xf32, #tpu.memory_space<hbm>>) target_semaphore(%run_scoped3A_67 : memref<!tpu.dma_semaphore, #tpu.memory_space<semaphore_mem>>)
      %dma_wait3A_80 = arith.constant 0 : i32
      %dma_wait3A_81 = arith.constant 0 : i32
      %dma_wait3A_82 = tpu.memref_slice %arg11[%run_scoped3A_66, %dma_wait3A_80, %dma_wait3A_81] : memref<2x80x128xf32, #tpu.memory_space<vmem>> -> memref<1x80x128xf32, #tpu.memory_space<vmem>>
      %dma_wait3A_83 = tpu.memref_squeeze %dma_wait3A_82 : memref<1x80x128xf32, #tpu.memory_space<vmem>> -> memref<80x128xf32, #tpu.memory_space<vmem>>
      %dma_wait3A_84 = arith.constant 0 : i32
      %dma_wait3A_85 = tpu.memref_slice %arg7[%add3A_41, %dma_wait3A_84] : memref<156160x128xf32, #tpu.memory_space<hbm>> -> memref<80x128xf32, #tpu.memory_space<hbm>>
      %dma_wait3A_86 = arith.constant 0 : i32
      %dma_wait3A_87 = tpu.memref_slice %arg7[%add3A_41, %dma_wait3A_86] : memref<156160x128xf32, #tpu.memory_space<hbm>> -> memref<80x128xf32, #tpu.memory_space<hbm>>
      %dma_wait3A_88 = arith.constant 0 : i32
      %dma_wait3A_89 = arith.constant 0 : i32
      %dma_wait3A_90 = tpu.memref_slice %arg11[%run_scoped3A_66, %dma_wait3A_88, %dma_wait3A_89] : memref<2x80x128xf32, #tpu.memory_space<vmem>> -> memref<1x80x128xf32, #tpu.memory_space<vmem>>
      %dma_wait3A_91 = tpu.memref_squeeze %dma_wait3A_90 : memref<1x80x128xf32, #tpu.memory_space<vmem>> -> memref<80x128xf32, #tpu.memory_space<vmem>>
      tpu.wait_dma2 semaphore(%run_scoped3A_67 : memref<!tpu.dma_semaphore, #tpu.memory_space<semaphore_mem>>) src(%dma_wait3A_91 : memref<80x128xf32, #tpu.memory_space<vmem>>) dst(%dma_wait3A_87 : memref<80x128xf32, #tpu.memory_space<hbm>>)
      tpu.yield
    }) : () -> ()
    return
  }
}

#map = affine_map<(d0, d1) -> (0, 0)>
#map1 = affine_map<(d0, d1) -> (0)>
module attributes {stable_mosaic.version = 14 : i64} {
  func.func @_sc_scatter_body(%arg0: i32, %arg1: i32, %arg2: memref<163840x128xf32, #tpu.memory_space<hbm>>, %arg3: memref<163840x128xf32, #tpu.memory_space<hbm>>, %arg4: memref<320000xi32, #tpu.memory_space<hbm>>, %arg5: memref<10000x128xf32, #tpu.memory_space<hbm>>, %arg6: memref<10000x128xf32, #tpu.memory_space<hbm>>, %arg7: memref<10240x128xf32, #tpu.memory_space<vmem_shared>>, %arg8: memref<16x128xf32, #tpu.memory_space<vmem>>, %arg9: memref<320xi32, #tpu.memory_space<vmem>>, %arg10: memref<320x128xf32, #tpu.memory_space<vmem>>) attributes {dimension_semantics = [#tpu.dimension_semantics<core_parallel>, #tpu.dimension_semantics<subcore_parallel>], iteration_bounds = array<i64: 2, 16>, scalar_prefetch = 0 : i64, scratch_operands = 4 : i64, tpu.core_type = #tpu.core_type<sc_vector_subcore>, window_params = [{transform_indices = #map}, {transform_indices = #map}, {transform_indices = #map1}, {transform_indices = #map}, {transform_indices = #map}]} {
    %broadcast_in_dim3A = arith.constant 0.000000e+00 : f32
    %broadcast_in_dim3A_0 = vector.broadcast %broadcast_in_dim3A : f32 to vector<16xf32>
    %swap3A = arith.constant 0 : i32
    %swap3A_1 = arith.index_cast %swap3A : i32 to index
    %swap3A_2 = arith.constant 0 : index
    %swap3A_3 = tpu.vector_load %arg8[%swap3A_1, %swap3A_2] {strides = array<i32>} : memref<16x128xf32, #tpu.memory_space<vmem>>, vector<1x16xf32>,
    %swap3A_4 = vector.shape_cast %swap3A_3 : vector<1x16xf32> to vector<16xf32>
    %swap3A_5 = vector.shape_cast %broadcast_in_dim3A_0 : vector<16xf32> to vector<1x16xf32>
    tpu.vector_store %arg8[%swap3A_1, %swap3A_2], %swap3A_5 {strides = array<i32>} : memref<16x128xf32, #tpu.memory_space<vmem>>, vector<1x16xf32>,
    %swap3A_6 = arith.constant 0 : i32
    %swap3A_7 = arith.index_cast %swap3A_6 : i32 to index
    %swap3A_8 = arith.constant 16 : index
    %swap3A_9 = tpu.vector_load %arg8[%swap3A_7, %swap3A_8] {strides = array<i32>} : memref<16x128xf32, #tpu.memory_space<vmem>>, vector<1x16xf32>,
    %swap3A_10 = vector.shape_cast %swap3A_9 : vector<1x16xf32> to vector<16xf32>
    %swap3A_11 = vector.shape_cast %broadcast_in_dim3A_0 : vector<16xf32> to vector<1x16xf32>
    tpu.vector_store %arg8[%swap3A_7, %swap3A_8], %swap3A_11 {strides = array<i32>} : memref<16x128xf32, #tpu.memory_space<vmem>>, vector<1x16xf32>,
    %swap3A_12 = arith.constant 0 : i32
    %swap3A_13 = arith.index_cast %swap3A_12 : i32 to index
    %swap3A_14 = arith.constant 32 : index
    %swap3A_15 = tpu.vector_load %arg8[%swap3A_13, %swap3A_14] {strides = array<i32>} : memref<16x128xf32, #tpu.memory_space<vmem>>, vector<1x16xf32>,
    %swap3A_16 = vector.shape_cast %swap3A_15 : vector<1x16xf32> to vector<16xf32>
    %swap3A_17 = vector.shape_cast %broadcast_in_dim3A_0 : vector<16xf32> to vector<1x16xf32>
    tpu.vector_store %arg8[%swap3A_13, %swap3A_14], %swap3A_17 {strides = array<i32>} : memref<16x128xf32, #tpu.memory_space<vmem>>, vector<1x16xf32>,
    %swap3A_18 = arith.constant 0 : i32
    %swap3A_19 = arith.index_cast %swap3A_18 : i32 to index
    %swap3A_20 = arith.constant 48 : index
    %swap3A_21 = tpu.vector_load %arg8[%swap3A_19, %swap3A_20] {strides = array<i32>} : memref<16x128xf32, #tpu.memory_space<vmem>>, vector<1x16xf32>,
    %swap3A_22 = vector.shape_cast %swap3A_21 : vector<1x16xf32> to vector<16xf32>
    %swap3A_23 = vector.shape_cast %broadcast_in_dim3A_0 : vector<16xf32> to vector<1x16xf32>
    tpu.vector_store %arg8[%swap3A_19, %swap3A_20], %swap3A_23 {strides = array<i32>} : memref<16x128xf32, #tpu.memory_space<vmem>>, vector<1x16xf32>,
    %swap3A_24 = arith.constant 0 : i32
    %swap3A_25 = arith.index_cast %swap3A_24 : i32 to index
    %swap3A_26 = arith.constant 64 : index
    %swap3A_27 = tpu.vector_load %arg8[%swap3A_25, %swap3A_26] {strides = array<i32>} : memref<16x128xf32, #tpu.memory_space<vmem>>, vector<1x16xf32>,
    %swap3A_28 = vector.shape_cast %swap3A_27 : vector<1x16xf32> to vector<16xf32>
    %swap3A_29 = vector.shape_cast %broadcast_in_dim3A_0 : vector<16xf32> to vector<1x16xf32>
    tpu.vector_store %arg8[%swap3A_25, %swap3A_26], %swap3A_29 {strides = array<i32>} : memref<16x128xf32, #tpu.memory_space<vmem>>, vector<1x16xf32>,
    %swap3A_30 = arith.constant 0 : i32
    %swap3A_31 = arith.index_cast %swap3A_30 : i32 to index
    %swap3A_32 = arith.constant 80 : index
    %swap3A_33 = tpu.vector_load %arg8[%swap3A_31, %swap3A_32] {strides = array<i32>} : memref<16x128xf32, #tpu.memory_space<vmem>>, vector<1x16xf32>,
    %swap3A_34 = vector.shape_cast %swap3A_33 : vector<1x16xf32> to vector<16xf32>
    %swap3A_35 = vector.shape_cast %broadcast_in_dim3A_0 : vector<16xf32> to vector<1x16xf32>
    tpu.vector_store %arg8[%swap3A_31, %swap3A_32], %swap3A_35 {strides = array<i32>} : memref<16x128xf32, #tpu.memory_space<vmem>>, vector<1x16xf32>,
    %swap3A_36 = arith.constant 0 : i32
    %swap3A_37 = arith.index_cast %swap3A_36 : i32 to index
    %swap3A_38 = arith.constant 96 : index
    %swap3A_39 = tpu.vector_load %arg8[%swap3A_37, %swap3A_38] {strides = array<i32>} : memref<16x128xf32, #tpu.memory_space<vmem>>, vector<1x16xf32>,
    %swap3A_40 = vector.shape_cast %swap3A_39 : vector<1x16xf32> to vector<16xf32>
    %swap3A_41 = vector.shape_cast %broadcast_in_dim3A_0 : vector<16xf32> to vector<1x16xf32>
    tpu.vector_store %arg8[%swap3A_37, %swap3A_38], %swap3A_41 {strides = array<i32>} : memref<16x128xf32, #tpu.memory_space<vmem>>, vector<1x16xf32>,
    %swap3A_42 = arith.constant 0 : i32
    %swap3A_43 = arith.index_cast %swap3A_42 : i32 to index
    %swap3A_44 = arith.constant 112 : index
    %swap3A_45 = tpu.vector_load %arg8[%swap3A_43, %swap3A_44] {strides = array<i32>} : memref<16x128xf32, #tpu.memory_space<vmem>>, vector<1x16xf32>,
    %swap3A_46 = vector.shape_cast %swap3A_45 : vector<1x16xf32> to vector<16xf32>
    %swap3A_47 = vector.shape_cast %broadcast_in_dim3A_0 : vector<16xf32> to vector<1x16xf32>
    tpu.vector_store %arg8[%swap3A_43, %swap3A_44], %swap3A_47 {strides = array<i32>} : memref<16x128xf32, #tpu.memory_space<vmem>>, vector<1x16xf32>,
    %swap3A_48 = arith.constant 1 : i32
    %swap3A_49 = arith.index_cast %swap3A_48 : i32 to index
    %swap3A_50 = arith.constant 0 : index
    %swap3A_51 = tpu.vector_load %arg8[%swap3A_49, %swap3A_50] {strides = array<i32>} : memref<16x128xf32, #tpu.memory_space<vmem>>, vector<1x16xf32>,
    %swap3A_52 = vector.shape_cast %swap3A_51 : vector<1x16xf32> to vector<16xf32>
    %swap3A_53 = vector.shape_cast %broadcast_in_dim3A_0 : vector<16xf32> to vector<1x16xf32>
    tpu.vector_store %arg8[%swap3A_49, %swap3A_50], %swap3A_53 {strides = array<i32>} : memref<16x128xf32, #tpu.memory_space<vmem>>, vector<1x16xf32>,
    %swap3A_54 = arith.constant 1 : i32
    %swap3A_55 = arith.index_cast %swap3A_54 : i32 to index
    %swap3A_56 = arith.constant 16 : index
    %swap3A_57 = tpu.vector_load %arg8[%swap3A_55, %swap3A_56] {strides = array<i32>} : memref<16x128xf32, #tpu.memory_space<vmem>>, vector<1x16xf32>,
    %swap3A_58 = vector.shape_cast %swap3A_57 : vector<1x16xf32> to vector<16xf32>
    %swap3A_59 = vector.shape_cast %broadcast_in_dim3A_0 : vector<16xf32> to vector<1x16xf32>
    tpu.vector_store %arg8[%swap3A_55, %swap3A_56], %swap3A_59 {strides = array<i32>} : memref<16x128xf32, #tpu.memory_space<vmem>>, vector<1x16xf32>,
    %swap3A_60 = arith.constant 1 : i32
    %swap3A_61 = arith.index_cast %swap3A_60 : i32 to index
    %swap3A_62 = arith.constant 32 : index
    %swap3A_63 = tpu.vector_load %arg8[%swap3A_61, %swap3A_62] {strides = array<i32>} : memref<16x128xf32, #tpu.memory_space<vmem>>, vector<1x16xf32>,
    %swap3A_64 = vector.shape_cast %swap3A_63 : vector<1x16xf32> to vector<16xf32>
    %swap3A_65 = vector.shape_cast %broadcast_in_dim3A_0 : vector<16xf32> to vector<1x16xf32>
    tpu.vector_store %arg8[%swap3A_61, %swap3A_62], %swap3A_65 {strides = array<i32>} : memref<16x128xf32, #tpu.memory_space<vmem>>, vector<1x16xf32>,
    %swap3A_66 = arith.constant 1 : i32
    %swap3A_67 = arith.index_cast %swap3A_66 : i32 to index
    %swap3A_68 = arith.constant 48 : index
    %swap3A_69 = tpu.vector_load %arg8[%swap3A_67, %swap3A_68] {strides = array<i32>} : memref<16x128xf32, #tpu.memory_space<vmem>>, vector<1x16xf32>,
    %swap3A_70 = vector.shape_cast %swap3A_69 : vector<1x16xf32> to vector<16xf32>
    %swap3A_71 = vector.shape_cast %broadcast_in_dim3A_0 : vector<16xf32> to vector<1x16xf32>
    tpu.vector_store %arg8[%swap3A_67, %swap3A_68], %swap3A_71 {strides = array<i32>} : memref<16x128xf32, #tpu.memory_space<vmem>>, vector<1x16xf32>,
    %swap3A_72 = arith.constant 1 : i32
    %swap3A_73 = arith.index_cast %swap3A_72 : i32 to index
    %swap3A_74 = arith.constant 64 : index
    %swap3A_75 = tpu.vector_load %arg8[%swap3A_73, %swap3A_74] {strides = array<i32>} : memref<16x128xf32, #tpu.memory_space<vmem>>, vector<1x16xf32>,
    %swap3A_76 = vector.shape_cast %swap3A_75 : vector<1x16xf32> to vector<16xf32>
    %swap3A_77 = vector.shape_cast %broadcast_in_dim3A_0 : vector<16xf32> to vector<1x16xf32>
    tpu.vector_store %arg8[%swap3A_73, %swap3A_74], %swap3A_77 {strides = array<i32>} : memref<16x128xf32, #tpu.memory_space<vmem>>, vector<1x16xf32>,
    %swap3A_78 = arith.constant 1 : i32
    %swap3A_79 = arith.index_cast %swap3A_78 : i32 to index
    %swap3A_80 = arith.constant 80 : index
    %swap3A_81 = tpu.vector_load %arg8[%swap3A_79, %swap3A_80] {strides = array<i32>} : memref<16x128xf32, #tpu.memory_space<vmem>>, vector<1x16xf32>,
    %swap3A_82 = vector.shape_cast %swap3A_81 : vector<1x16xf32> to vector<16xf32>
    %swap3A_83 = vector.shape_cast %broadcast_in_dim3A_0 : vector<16xf32> to vector<1x16xf32>
    tpu.vector_store %arg8[%swap3A_79, %swap3A_80], %swap3A_83 {strides = array<i32>} : memref<16x128xf32, #tpu.memory_space<vmem>>, vector<1x16xf32>,
    %swap3A_84 = arith.constant 1 : i32
    %swap3A_85 = arith.index_cast %swap3A_84 : i32 to index
    %swap3A_86 = arith.constant 96 : index
    %swap3A_87 = tpu.vector_load %arg8[%swap3A_85, %swap3A_86] {strides = array<i32>} : memref<16x128xf32, #tpu.memory_space<vmem>>, vector<1x16xf32>,
    %swap3A_88 = vector.shape_cast %swap3A_87 : vector<1x16xf32> to vector<16xf32>
    %swap3A_89 = vector.shape_cast %broadcast_in_dim3A_0 : vector<16xf32> to vector<1x16xf32>
    tpu.vector_store %arg8[%swap3A_85, %swap3A_86], %swap3A_89 {strides = array<i32>} : memref<16x128xf32, #tpu.memory_space<vmem>>, vector<1x16xf32>,
    %swap3A_90 = arith.constant 1 : i32
    %swap3A_91 = arith.index_cast %swap3A_90 : i32 to index
    %swap3A_92 = arith.constant 112 : index
    %swap3A_93 = tpu.vector_load %arg8[%swap3A_91, %swap3A_92] {strides = array<i32>} : memref<16x128xf32, #tpu.memory_space<vmem>>, vector<1x16xf32>,
    %swap3A_94 = vector.shape_cast %swap3A_93 : vector<1x16xf32> to vector<16xf32>
    %swap3A_95 = vector.shape_cast %broadcast_in_dim3A_0 : vector<16xf32> to vector<1x16xf32>
    tpu.vector_store %arg8[%swap3A_91, %swap3A_92], %swap3A_95 {strides = array<i32>} : memref<16x128xf32, #tpu.memory_space<vmem>>, vector<1x16xf32>,
    %swap3A_96 = arith.constant 2 : i32
    %swap3A_97 = arith.index_cast %swap3A_96 : i32 to index
    %swap3A_98 = arith.constant 0 : index
    %swap3A_99 = tpu.vector_load %arg8[%swap3A_97, %swap3A_98] {strides = array<i32>} : memref<16x128xf32, #tpu.memory_space<vmem>>, vector<1x16xf32>,
    %swap3A_100 = vector.shape_cast %swap3A_99 : vector<1x16xf32> to vector<16xf32>
    %swap3A_101 = vector.shape_cast %broadcast_in_dim3A_0 : vector<16xf32> to vector<1x16xf32>
    tpu.vector_store %arg8[%swap3A_97, %swap3A_98], %swap3A_101 {strides = array<i32>} : memref<16x128xf32, #tpu.memory_space<vmem>>, vector<1x16xf32>,
    %swap3A_102 = arith.constant 2 : i32
    %swap3A_103 = arith.index_cast %swap3A_102 : i32 to index
    %swap3A_104 = arith.constant 16 : index
    %swap3A_105 = tpu.vector_load %arg8[%swap3A_103, %swap3A_104] {strides = array<i32>} : memref<16x128xf32, #tpu.memory_space<vmem>>, vector<1x16xf32>,
    %swap3A_106 = vector.shape_cast %swap3A_105 : vector<1x16xf32> to vector<16xf32>
    %swap3A_107 = vector.shape_cast %broadcast_in_dim3A_0 : vector<16xf32> to vector<1x16xf32>
    tpu.vector_store %arg8[%swap3A_103, %swap3A_104], %swap3A_107 {strides = array<i32>} : memref<16x128xf32, #tpu.memory_space<vmem>>, vector<1x16xf32>,
    %swap3A_108 = arith.constant 2 : i32
    %swap3A_109 = arith.index_cast %swap3A_108 : i32 to index
    %swap3A_110 = arith.constant 32 : index
    %swap3A_111 = tpu.vector_load %arg8[%swap3A_109, %swap3A_110] {strides = array<i32>} : memref<16x128xf32, #tpu.memory_space<vmem>>, vector<1x16xf32>,
    %swap3A_112 = vector.shape_cast %swap3A_111 : vector<1x16xf32> to vector<16xf32>
    %swap3A_113 = vector.shape_cast %broadcast_in_dim3A_0 : vector<16xf32> to vector<1x16xf32>
    tpu.vector_store %arg8[%swap3A_109, %swap3A_110], %swap3A_113 {strides = array<i32>} : memref<16x128xf32, #tpu.memory_space<vmem>>, vector<1x16xf32>,
    %swap3A_114 = arith.constant 2 : i32
    %swap3A_115 = arith.index_cast %swap3A_114 : i32 to index
    %swap3A_116 = arith.constant 48 : index
    %swap3A_117 = tpu.vector_load %arg8[%swap3A_115, %swap3A_116] {strides = array<i32>} : memref<16x128xf32, #tpu.memory_space<vmem>>, vector<1x16xf32>,
    %swap3A_118 = vector.shape_cast %swap3A_117 : vector<1x16xf32> to vector<16xf32>
    %swap3A_119 = vector.shape_cast %broadcast_in_dim3A_0 : vector<16xf32> to vector<1x16xf32>
    tpu.vector_store %arg8[%swap3A_115, %swap3A_116], %swap3A_119 {strides = array<i32>} : memref<16x128xf32, #tpu.memory_space<vmem>>, vector<1x16xf32>,
    %swap3A_120 = arith.constant 2 : i32
    %swap3A_121 = arith.index_cast %swap3A_120 : i32 to index
    %swap3A_122 = arith.constant 64 : index
    %swap3A_123 = tpu.vector_load %arg8[%swap3A_121, %swap3A_122] {strides = array<i32>} : memref<16x128xf32, #tpu.memory_space<vmem>>, vector<1x16xf32>,
    %swap3A_124 = vector.shape_cast %swap3A_123 : vector<1x16xf32> to vector<16xf32>
    %swap3A_125 = vector.shape_cast %broadcast_in_dim3A_0 : vector<16xf32> to vector<1x16xf32>
    tpu.vector_store %arg8[%swap3A_121, %swap3A_122], %swap3A_125 {strides = array<i32>} : memref<16x128xf32, #tpu.memory_space<vmem>>, vector<1x16xf32>,
    %swap3A_126 = arith.constant 2 : i32
    %swap3A_127 = arith.index_cast %swap3A_126 : i32 to index
    %swap3A_128 = arith.constant 80 : index
    %swap3A_129 = tpu.vector_load %arg8[%swap3A_127, %swap3A_128] {strides = array<i32>} : memref<16x128xf32, #tpu.memory_space<vmem>>, vector<1x16xf32>,
    %swap3A_130 = vector.shape_cast %swap3A_129 : vector<1x16xf32> to vector<16xf32>
    %swap3A_131 = vector.shape_cast %broadcast_in_dim3A_0 : vector<16xf32> to vector<1x16xf32>
    tpu.vector_store %arg8[%swap3A_127, %swap3A_128], %swap3A_131 {strides = array<i32>} : memref<16x128xf32, #tpu.memory_space<vmem>>, vector<1x16xf32>,
    %swap3A_132 = arith.constant 2 : i32
    %swap3A_133 = arith.index_cast %swap3A_132 : i32 to index
    %swap3A_134 = arith.constant 96 : index
    %swap3A_135 = tpu.vector_load %arg8[%swap3A_133, %swap3A_134] {strides = array<i32>} : memref<16x128xf32, #tpu.memory_space<vmem>>, vector<1x16xf32>,
    %swap3A_136 = vector.shape_cast %swap3A_135 : vector<1x16xf32> to vector<16xf32>
    %swap3A_137 = vector.shape_cast %broadcast_in_dim3A_0 : vector<16xf32> to vector<1x16xf32>
    tpu.vector_store %arg8[%swap3A_133, %swap3A_134], %swap3A_137 {strides = array<i32>} : memref<16x128xf32, #tpu.memory_space<vmem>>, vector<1x16xf32>,
    %swap3A_138 = arith.constant 2 : i32
    %swap3A_139 = arith.index_cast %swap3A_138 : i32 to index
    %swap3A_140 = arith.constant 112 : index
    %swap3A_141 = tpu.vector_load %arg8[%swap3A_139, %swap3A_140] {strides = array<i32>} : memref<16x128xf32, #tpu.memory_space<vmem>>, vector<1x16xf32>,
    %swap3A_142 = vector.shape_cast %swap3A_141 : vector<1x16xf32> to vector<16xf32>
    %swap3A_143 = vector.shape_cast %broadcast_in_dim3A_0 : vector<16xf32> to vector<1x16xf32>
    tpu.vector_store %arg8[%swap3A_139, %swap3A_140], %swap3A_143 {strides = array<i32>} : memref<16x128xf32, #tpu.memory_space<vmem>>, vector<1x16xf32>,
    %swap3A_144 = arith.constant 3 : i32
    %swap3A_145 = arith.index_cast %swap3A_144 : i32 to index
    %swap3A_146 = arith.constant 0 : index
    %swap3A_147 = tpu.vector_load %arg8[%swap3A_145, %swap3A_146] {strides = array<i32>} : memref<16x128xf32, #tpu.memory_space<vmem>>, vector<1x16xf32>,
    %swap3A_148 = vector.shape_cast %swap3A_147 : vector<1x16xf32> to vector<16xf32>
    %swap3A_149 = vector.shape_cast %broadcast_in_dim3A_0 : vector<16xf32> to vector<1x16xf32>
    tpu.vector_store %arg8[%swap3A_145, %swap3A_146], %swap3A_149 {strides = array<i32>} : memref<16x128xf32, #tpu.memory_space<vmem>>, vector<1x16xf32>,
    %swap3A_150 = arith.constant 3 : i32
    %swap3A_151 = arith.index_cast %swap3A_150 : i32 to index
    %swap3A_152 = arith.constant 16 : index
    %swap3A_153 = tpu.vector_load %arg8[%swap3A_151, %swap3A_152] {strides = array<i32>} : memref<16x128xf32, #tpu.memory_space<vmem>>, vector<1x16xf32>,
    %swap3A_154 = vector.shape_cast %swap3A_153 : vector<1x16xf32> to vector<16xf32>
    %swap3A_155 = vector.shape_cast %broadcast_in_dim3A_0 : vector<16xf32> to vector<1x16xf32>
    tpu.vector_store %arg8[%swap3A_151, %swap3A_152], %swap3A_155 {strides = array<i32>} : memref<16x128xf32, #tpu.memory_space<vmem>>, vector<1x16xf32>,
    %swap3A_156 = arith.constant 3 : i32
    %swap3A_157 = arith.index_cast %swap3A_156 : i32 to index
    %swap3A_158 = arith.constant 32 : index
    %swap3A_159 = tpu.vector_load %arg8[%swap3A_157, %swap3A_158] {strides = array<i32>} : memref<16x128xf32, #tpu.memory_space<vmem>>, vector<1x16xf32>,
    %swap3A_160 = vector.shape_cast %swap3A_159 : vector<1x16xf32> to vector<16xf32>
    %swap3A_161 = vector.shape_cast %broadcast_in_dim3A_0 : vector<16xf32> to vector<1x16xf32>
    tpu.vector_store %arg8[%swap3A_157, %swap3A_158], %swap3A_161 {strides = array<i32>} : memref<16x128xf32, #tpu.memory_space<vmem>>, vector<1x16xf32>,
    %swap3A_162 = arith.constant 3 : i32
    %swap3A_163 = arith.index_cast %swap3A_162 : i32 to index
    %swap3A_164 = arith.constant 48 : index
    %swap3A_165 = tpu.vector_load %arg8[%swap3A_163, %swap3A_164] {strides = array<i32>} : memref<16x128xf32, #tpu.memory_space<vmem>>, vector<1x16xf32>,
    %swap3A_166 = vector.shape_cast %swap3A_165 : vector<1x16xf32> to vector<16xf32>
    %swap3A_167 = vector.shape_cast %broadcast_in_dim3A_0 : vector<16xf32> to vector<1x16xf32>
    tpu.vector_store %arg8[%swap3A_163, %swap3A_164], %swap3A_167 {strides = array<i32>} : memref<16x128xf32, #tpu.memory_space<vmem>>, vector<1x16xf32>,
    %swap3A_168 = arith.constant 3 : i32
    %swap3A_169 = arith.index_cast %swap3A_168 : i32 to index
    %swap3A_170 = arith.constant 64 : index
    %swap3A_171 = tpu.vector_load %arg8[%swap3A_169, %swap3A_170] {strides = array<i32>} : memref<16x128xf32, #tpu.memory_space<vmem>>, vector<1x16xf32>,
    %swap3A_172 = vector.shape_cast %swap3A_171 : vector<1x16xf32> to vector<16xf32>
    %swap3A_173 = vector.shape_cast %broadcast_in_dim3A_0 : vector<16xf32> to vector<1x16xf32>
    tpu.vector_store %arg8[%swap3A_169, %swap3A_170], %swap3A_173 {strides = array<i32>} : memref<16x128xf32, #tpu.memory_space<vmem>>, vector<1x16xf32>,
    %swap3A_174 = arith.constant 3 : i32
    %swap3A_175 = arith.index_cast %swap3A_174 : i32 to index
    %swap3A_176 = arith.constant 80 : index
    %swap3A_177 = tpu.vector_load %arg8[%swap3A_175, %swap3A_176] {strides = array<i32>} : memref<16x128xf32, #tpu.memory_space<vmem>>, vector<1x16xf32>,
    %swap3A_178 = vector.shape_cast %swap3A_177 : vector<1x16xf32> to vector<16xf32>
    %swap3A_179 = vector.shape_cast %broadcast_in_dim3A_0 : vector<16xf32> to vector<1x16xf32>
    tpu.vector_store %arg8[%swap3A_175, %swap3A_176], %swap3A_179 {strides = array<i32>} : memref<16x128xf32, #tpu.memory_space<vmem>>, vector<1x16xf32>,
    %swap3A_180 = arith.constant 3 : i32
    %swap3A_181 = arith.index_cast %swap3A_180 : i32 to index
    %swap3A_182 = arith.constant 96 : index
    %swap3A_183 = tpu.vector_load %arg8[%swap3A_181, %swap3A_182] {strides = array<i32>} : memref<16x128xf32, #tpu.memory_space<vmem>>, vector<1x16xf32>,
    %swap3A_184 = vector.shape_cast %swap3A_183 : vector<1x16xf32> to vector<16xf32>
    %swap3A_185 = vector.shape_cast %broadcast_in_dim3A_0 : vector<16xf32> to vector<1x16xf32>
    tpu.vector_store %arg8[%swap3A_181, %swap3A_182], %swap3A_185 {strides = array<i32>} : memref<16x128xf32, #tpu.memory_space<vmem>>, vector<1x16xf32>,
    %swap3A_186 = arith.constant 3 : i32
    %swap3A_187 = arith.index_cast %swap3A_186 : i32 to index
    %swap3A_188 = arith.constant 112 : index
    %swap3A_189 = tpu.vector_load %arg8[%swap3A_187, %swap3A_188] {strides = array<i32>} : memref<16x128xf32, #tpu.memory_space<vmem>>, vector<1x16xf32>,
    %swap3A_190 = vector.shape_cast %swap3A_189 : vector<1x16xf32> to vector<16xf32>
    %swap3A_191 = vector.shape_cast %broadcast_in_dim3A_0 : vector<16xf32> to vector<1x16xf32>
    tpu.vector_store %arg8[%swap3A_187, %swap3A_188], %swap3A_191 {strides = array<i32>} : memref<16x128xf32, #tpu.memory_space<vmem>>, vector<1x16xf32>,
    %swap3A_192 = arith.constant 4 : i32
    %swap3A_193 = arith.index_cast %swap3A_192 : i32 to index
    %swap3A_194 = arith.constant 0 : index
    %swap3A_195 = tpu.vector_load %arg8[%swap3A_193, %swap3A_194] {strides = array<i32>} : memref<16x128xf32, #tpu.memory_space<vmem>>, vector<1x16xf32>,
    %swap3A_196 = vector.shape_cast %swap3A_195 : vector<1x16xf32> to vector<16xf32>
    %swap3A_197 = vector.shape_cast %broadcast_in_dim3A_0 : vector<16xf32> to vector<1x16xf32>
    tpu.vector_store %arg8[%swap3A_193, %swap3A_194], %swap3A_197 {strides = array<i32>} : memref<16x128xf32, #tpu.memory_space<vmem>>, vector<1x16xf32>,
    %swap3A_198 = arith.constant 4 : i32
    %swap3A_199 = arith.index_cast %swap3A_198 : i32 to index
    %swap3A_200 = arith.constant 16 : index
    %swap3A_201 = tpu.vector_load %arg8[%swap3A_199, %swap3A_200] {strides = array<i32>} : memref<16x128xf32, #tpu.memory_space<vmem>>, vector<1x16xf32>,
    %swap3A_202 = vector.shape_cast %swap3A_201 : vector<1x16xf32> to vector<16xf32>
    %swap3A_203 = vector.shape_cast %broadcast_in_dim3A_0 : vector<16xf32> to vector<1x16xf32>
    tpu.vector_store %arg8[%swap3A_199, %swap3A_200], %swap3A_203 {strides = array<i32>} : memref<16x128xf32, #tpu.memory_space<vmem>>, vector<1x16xf32>,
    %swap3A_204 = arith.constant 4 : i32
    %swap3A_205 = arith.index_cast %swap3A_204 : i32 to index
    %swap3A_206 = arith.constant 32 : index
    %swap3A_207 = tpu.vector_load %arg8[%swap3A_205, %swap3A_206] {strides = array<i32>} : memref<16x128xf32, #tpu.memory_space<vmem>>, vector<1x16xf32>,
    %swap3A_208 = vector.shape_cast %swap3A_207 : vector<1x16xf32> to vector<16xf32>
    %swap3A_209 = vector.shape_cast %broadcast_in_dim3A_0 : vector<16xf32> to vector<1x16xf32>
    tpu.vector_store %arg8[%swap3A_205, %swap3A_206], %swap3A_209 {strides = array<i32>} : memref<16x128xf32, #tpu.memory_space<vmem>>, vector<1x16xf32>,
    %swap3A_210 = arith.constant 4 : i32
    %swap3A_211 = arith.index_cast %swap3A_210 : i32 to index
    %swap3A_212 = arith.constant 48 : index
    %swap3A_213 = tpu.vector_load %arg8[%swap3A_211, %swap3A_212] {strides = array<i32>} : memref<16x128xf32, #tpu.memory_space<vmem>>, vector<1x16xf32>,
    %swap3A_214 = vector.shape_cast %swap3A_213 : vector<1x16xf32> to vector<16xf32>
    %swap3A_215 = vector.shape_cast %broadcast_in_dim3A_0 : vector<16xf32> to vector<1x16xf32>
    tpu.vector_store %arg8[%swap3A_211, %swap3A_212], %swap3A_215 {strides = array<i32>} : memref<16x128xf32, #tpu.memory_space<vmem>>, vector<1x16xf32>,
    %swap3A_216 = arith.constant 4 : i32
    %swap3A_217 = arith.index_cast %swap3A_216 : i32 to index
    %swap3A_218 = arith.constant 64 : index
    %swap3A_219 = tpu.vector_load %arg8[%swap3A_217, %swap3A_218] {strides = array<i32>} : memref<16x128xf32, #tpu.memory_space<vmem>>, vector<1x16xf32>,
    %swap3A_220 = vector.shape_cast %swap3A_219 : vector<1x16xf32> to vector<16xf32>
    %swap3A_221 = vector.shape_cast %broadcast_in_dim3A_0 : vector<16xf32> to vector<1x16xf32>
    tpu.vector_store %arg8[%swap3A_217, %swap3A_218], %swap3A_221 {strides = array<i32>} : memref<16x128xf32, #tpu.memory_space<vmem>>, vector<1x16xf32>,
    %swap3A_222 = arith.constant 4 : i32
    %swap3A_223 = arith.index_cast %swap3A_222 : i32 to index
    %swap3A_224 = arith.constant 80 : index
    %swap3A_225 = tpu.vector_load %arg8[%swap3A_223, %swap3A_224] {strides = array<i32>} : memref<16x128xf32, #tpu.memory_space<vmem>>, vector<1x16xf32>,
    %swap3A_226 = vector.shape_cast %swap3A_225 : vector<1x16xf32> to vector<16xf32>
    %swap3A_227 = vector.shape_cast %broadcast_in_dim3A_0 : vector<16xf32> to vector<1x16xf32>
    tpu.vector_store %arg8[%swap3A_223, %swap3A_224], %swap3A_227 {strides = array<i32>} : memref<16x128xf32, #tpu.memory_space<vmem>>, vector<1x16xf32>,
    %swap3A_228 = arith.constant 4 : i32
    %swap3A_229 = arith.index_cast %swap3A_228 : i32 to index
    %swap3A_230 = arith.constant 96 : index
    %swap3A_231 = tpu.vector_load %arg8[%swap3A_229, %swap3A_230] {strides = array<i32>} : memref<16x128xf32, #tpu.memory_space<vmem>>, vector<1x16xf32>,
    %swap3A_232 = vector.shape_cast %swap3A_231 : vector<1x16xf32> to vector<16xf32>
    %swap3A_233 = vector.shape_cast %broadcast_in_dim3A_0 : vector<16xf32> to vector<1x16xf32>
    tpu.vector_store %arg8[%swap3A_229, %swap3A_230], %swap3A_233 {strides = array<i32>} : memref<16x128xf32, #tpu.memory_space<vmem>>, vector<1x16xf32>,
    %swap3A_234 = arith.constant 4 : i32
    %swap3A_235 = arith.index_cast %swap3A_234 : i32 to index
    %swap3A_236 = arith.constant 112 : index
    %swap3A_237 = tpu.vector_load %arg8[%swap3A_235, %swap3A_236] {strides = array<i32>} : memref<16x128xf32, #tpu.memory_space<vmem>>, vector<1x16xf32>,
    %swap3A_238 = vector.shape_cast %swap3A_237 : vector<1x16xf32> to vector<16xf32>
    %swap3A_239 = vector.shape_cast %broadcast_in_dim3A_0 : vector<16xf32> to vector<1x16xf32>
    tpu.vector_store %arg8[%swap3A_235, %swap3A_236], %swap3A_239 {strides = array<i32>} : memref<16x128xf32, #tpu.memory_space<vmem>>, vector<1x16xf32>,
    %swap3A_240 = arith.constant 5 : i32
    %swap3A_241 = arith.index_cast %swap3A_240 : i32 to index
    %swap3A_242 = arith.constant 0 : index
    %swap3A_243 = tpu.vector_load %arg8[%swap3A_241, %swap3A_242] {strides = array<i32>} : memref<16x128xf32, #tpu.memory_space<vmem>>, vector<1x16xf32>,
    %swap3A_244 = vector.shape_cast %swap3A_243 : vector<1x16xf32> to vector<16xf32>
    %swap3A_245 = vector.shape_cast %broadcast_in_dim3A_0 : vector<16xf32> to vector<1x16xf32>
    tpu.vector_store %arg8[%swap3A_241, %swap3A_242], %swap3A_245 {strides = array<i32>} : memref<16x128xf32, #tpu.memory_space<vmem>>, vector<1x16xf32>,
    %swap3A_246 = arith.constant 5 : i32
    %swap3A_247 = arith.index_cast %swap3A_246 : i32 to index
    %swap3A_248 = arith.constant 16 : index
    %swap3A_249 = tpu.vector_load %arg8[%swap3A_247, %swap3A_248] {strides = array<i32>} : memref<16x128xf32, #tpu.memory_space<vmem>>, vector<1x16xf32>,
    %swap3A_250 = vector.shape_cast %swap3A_249 : vector<1x16xf32> to vector<16xf32>
    %swap3A_251 = vector.shape_cast %broadcast_in_dim3A_0 : vector<16xf32> to vector<1x16xf32>
    tpu.vector_store %arg8[%swap3A_247, %swap3A_248], %swap3A_251 {strides = array<i32>} : memref<16x128xf32, #tpu.memory_space<vmem>>, vector<1x16xf32>,
    %swap3A_252 = arith.constant 5 : i32
    %swap3A_253 = arith.index_cast %swap3A_252 : i32 to index
    %swap3A_254 = arith.constant 32 : index
    %swap3A_255 = tpu.vector_load %arg8[%swap3A_253, %swap3A_254] {strides = array<i32>} : memref<16x128xf32, #tpu.memory_space<vmem>>, vector<1x16xf32>,
    %swap3A_256 = vector.shape_cast %swap3A_255 : vector<1x16xf32> to vector<16xf32>
    %swap3A_257 = vector.shape_cast %broadcast_in_dim3A_0 : vector<16xf32> to vector<1x16xf32>
    tpu.vector_store %arg8[%swap3A_253, %swap3A_254], %swap3A_257 {strides = array<i32>} : memref<16x128xf32, #tpu.memory_space<vmem>>, vector<1x16xf32>,
    %swap3A_258 = arith.constant 5 : i32
    %swap3A_259 = arith.index_cast %swap3A_258 : i32 to index
    %swap3A_260 = arith.constant 48 : index
    %swap3A_261 = tpu.vector_load %arg8[%swap3A_259, %swap3A_260] {strides = array<i32>} : memref<16x128xf32, #tpu.memory_space<vmem>>, vector<1x16xf32>,
    %swap3A_262 = vector.shape_cast %swap3A_261 : vector<1x16xf32> to vector<16xf32>
    %swap3A_263 = vector.shape_cast %broadcast_in_dim3A_0 : vector<16xf32> to vector<1x16xf32>
    tpu.vector_store %arg8[%swap3A_259, %swap3A_260], %swap3A_263 {strides = array<i32>} : memref<16x128xf32, #tpu.memory_space<vmem>>, vector<1x16xf32>,
    %swap3A_264 = arith.constant 5 : i32
    %swap3A_265 = arith.index_cast %swap3A_264 : i32 to index
    %swap3A_266 = arith.constant 64 : index
    %swap3A_267 = tpu.vector_load %arg8[%swap3A_265, %swap3A_266] {strides = array<i32>} : memref<16x128xf32, #tpu.memory_space<vmem>>, vector<1x16xf32>,
    %swap3A_268 = vector.shape_cast %swap3A_267 : vector<1x16xf32> to vector<16xf32>
    %swap3A_269 = vector.shape_cast %broadcast_in_dim3A_0 : vector<16xf32> to vector<1x16xf32>
    tpu.vector_store %arg8[%swap3A_265, %swap3A_266], %swap3A_269 {strides = array<i32>} : memref<16x128xf32, #tpu.memory_space<vmem>>, vector<1x16xf32>,
    %swap3A_270 = arith.constant 5 : i32
    %swap3A_271 = arith.index_cast %swap3A_270 : i32 to index
    %swap3A_272 = arith.constant 80 : index
    %swap3A_273 = tpu.vector_load %arg8[%swap3A_271, %swap3A_272] {strides = array<i32>} : memref<16x128xf32, #tpu.memory_space<vmem>>, vector<1x16xf32>,
    %swap3A_274 = vector.shape_cast %swap3A_273 : vector<1x16xf32> to vector<16xf32>
    %swap3A_275 = vector.shape_cast %broadcast_in_dim3A_0 : vector<16xf32> to vector<1x16xf32>
    tpu.vector_store %arg8[%swap3A_271, %swap3A_272], %swap3A_275 {strides = array<i32>} : memref<16x128xf32, #tpu.memory_space<vmem>>, vector<1x16xf32>,
    %swap3A_276 = arith.constant 5 : i32
    %swap3A_277 = arith.index_cast %swap3A_276 : i32 to index
    %swap3A_278 = arith.constant 96 : index
    %swap3A_279 = tpu.vector_load %arg8[%swap3A_277, %swap3A_278] {strides = array<i32>} : memref<16x128xf32, #tpu.memory_space<vmem>>, vector<1x16xf32>,
    %swap3A_280 = vector.shape_cast %swap3A_279 : vector<1x16xf32> to vector<16xf32>
    %swap3A_281 = vector.shape_cast %broadcast_in_dim3A_0 : vector<16xf32> to vector<1x16xf32>
    tpu.vector_store %arg8[%swap3A_277, %swap3A_278], %swap3A_281 {strides = array<i32>} : memref<16x128xf32, #tpu.memory_space<vmem>>, vector<1x16xf32>,
    %swap3A_282 = arith.constant 5 : i32
    %swap3A_283 = arith.index_cast %swap3A_282 : i32 to index
    %swap3A_284 = arith.constant 112 : index
    %swap3A_285 = tpu.vector_load %arg8[%swap3A_283, %swap3A_284] {strides = array<i32>} : memref<16x128xf32, #tpu.memory_space<vmem>>, vector<1x16xf32>,
    %swap3A_286 = vector.shape_cast %swap3A_285 : vector<1x16xf32> to vector<16xf32>
    %swap3A_287 = vector.shape_cast %broadcast_in_dim3A_0 : vector<16xf32> to vector<1x16xf32>
    tpu.vector_store %arg8[%swap3A_283, %swap3A_284], %swap3A_287 {strides = array<i32>} : memref<16x128xf32, #tpu.memory_space<vmem>>, vector<1x16xf32>,
    %swap3A_288 = arith.constant 6 : i32
    %swap3A_289 = arith.index_cast %swap3A_288 : i32 to index
    %swap3A_290 = arith.constant 0 : index
    %swap3A_291 = tpu.vector_load %arg8[%swap3A_289, %swap3A_290] {strides = array<i32>} : memref<16x128xf32, #tpu.memory_space<vmem>>, vector<1x16xf32>,
    %swap3A_292 = vector.shape_cast %swap3A_291 : vector<1x16xf32> to vector<16xf32>
    %swap3A_293 = vector.shape_cast %broadcast_in_dim3A_0 : vector<16xf32> to vector<1x16xf32>
    tpu.vector_store %arg8[%swap3A_289, %swap3A_290], %swap3A_293 {strides = array<i32>} : memref<16x128xf32, #tpu.memory_space<vmem>>, vector<1x16xf32>,
    %swap3A_294 = arith.constant 6 : i32
    %swap3A_295 = arith.index_cast %swap3A_294 : i32 to index
    %swap3A_296 = arith.constant 16 : index
    %swap3A_297 = tpu.vector_load %arg8[%swap3A_295, %swap3A_296] {strides = array<i32>} : memref<16x128xf32, #tpu.memory_space<vmem>>, vector<1x16xf32>,
    %swap3A_298 = vector.shape_cast %swap3A_297 : vector<1x16xf32> to vector<16xf32>
    %swap3A_299 = vector.shape_cast %broadcast_in_dim3A_0 : vector<16xf32> to vector<1x16xf32>
    tpu.vector_store %arg8[%swap3A_295, %swap3A_296], %swap3A_299 {strides = array<i32>} : memref<16x128xf32, #tpu.memory_space<vmem>>, vector<1x16xf32>,
    %swap3A_300 = arith.constant 6 : i32
    %swap3A_301 = arith.index_cast %swap3A_300 : i32 to index
    %swap3A_302 = arith.constant 32 : index
    %swap3A_303 = tpu.vector_load %arg8[%swap3A_301, %swap3A_302] {strides = array<i32>} : memref<16x128xf32, #tpu.memory_space<vmem>>, vector<1x16xf32>,
    %swap3A_304 = vector.shape_cast %swap3A_303 : vector<1x16xf32> to vector<16xf32>
    %swap3A_305 = vector.shape_cast %broadcast_in_dim3A_0 : vector<16xf32> to vector<1x16xf32>
    tpu.vector_store %arg8[%swap3A_301, %swap3A_302], %swap3A_305 {strides = array<i32>} : memref<16x128xf32, #tpu.memory_space<vmem>>, vector<1x16xf32>,
    %swap3A_306 = arith.constant 6 : i32
    %swap3A_307 = arith.index_cast %swap3A_306 : i32 to index
    %swap3A_308 = arith.constant 48 : index
    %swap3A_309 = tpu.vector_load %arg8[%swap3A_307, %swap3A_308] {strides = array<i32>} : memref<16x128xf32, #tpu.memory_space<vmem>>, vector<1x16xf32>,
    %swap3A_310 = vector.shape_cast %swap3A_309 : vector<1x16xf32> to vector<16xf32>
    %swap3A_311 = vector.shape_cast %broadcast_in_dim3A_0 : vector<16xf32> to vector<1x16xf32>
    tpu.vector_store %arg8[%swap3A_307, %swap3A_308], %swap3A_311 {strides = array<i32>} : memref<16x128xf32, #tpu.memory_space<vmem>>, vector<1x16xf32>,
    %swap3A_312 = arith.constant 6 : i32
    %swap3A_313 = arith.index_cast %swap3A_312 : i32 to index
    %swap3A_314 = arith.constant 64 : index
    %swap3A_315 = tpu.vector_load %arg8[%swap3A_313, %swap3A_314] {strides = array<i32>} : memref<16x128xf32, #tpu.memory_space<vmem>>, vector<1x16xf32>,
    %swap3A_316 = vector.shape_cast %swap3A_315 : vector<1x16xf32> to vector<16xf32>
    %swap3A_317 = vector.shape_cast %broadcast_in_dim3A_0 : vector<16xf32> to vector<1x16xf32>
    tpu.vector_store %arg8[%swap3A_313, %swap3A_314], %swap3A_317 {strides = array<i32>} : memref<16x128xf32, #tpu.memory_space<vmem>>, vector<1x16xf32>,
    %swap3A_318 = arith.constant 6 : i32
    %swap3A_319 = arith.index_cast %swap3A_318 : i32 to index
    %swap3A_320 = arith.constant 80 : index
    %swap3A_321 = tpu.vector_load %arg8[%swap3A_319, %swap3A_320] {strides = array<i32>} : memref<16x128xf32, #tpu.memory_space<vmem>>, vector<1x16xf32>,
    %swap3A_322 = vector.shape_cast %swap3A_321 : vector<1x16xf32> to vector<16xf32>
    %swap3A_323 = vector.shape_cast %broadcast_in_dim3A_0 : vector<16xf32> to vector<1x16xf32>
    tpu.vector_store %arg8[%swap3A_319, %swap3A_320], %swap3A_323 {strides = array<i32>} : memref<16x128xf32, #tpu.memory_space<vmem>>, vector<1x16xf32>,
    %swap3A_324 = arith.constant 6 : i32
    %swap3A_325 = arith.index_cast %swap3A_324 : i32 to index
    %swap3A_326 = arith.constant 96 : index
    %swap3A_327 = tpu.vector_load %arg8[%swap3A_325, %swap3A_326] {strides = array<i32>} : memref<16x128xf32, #tpu.memory_space<vmem>>, vector<1x16xf32>,
    %swap3A_328 = vector.shape_cast %swap3A_327 : vector<1x16xf32> to vector<16xf32>
    %swap3A_329 = vector.shape_cast %broadcast_in_dim3A_0 : vector<16xf32> to vector<1x16xf32>
    tpu.vector_store %arg8[%swap3A_325, %swap3A_326], %swap3A_329 {strides = array<i32>} : memref<16x128xf32, #tpu.memory_space<vmem>>, vector<1x16xf32>,
    %swap3A_330 = arith.constant 6 : i32
    %swap3A_331 = arith.index_cast %swap3A_330 : i32 to index
    %swap3A_332 = arith.constant 112 : index
    %swap3A_333 = tpu.vector_load %arg8[%swap3A_331, %swap3A_332] {strides = array<i32>} : memref<16x128xf32, #tpu.memory_space<vmem>>, vector<1x16xf32>,
    %swap3A_334 = vector.shape_cast %swap3A_333 : vector<1x16xf32> to vector<16xf32>
    %swap3A_335 = vector.shape_cast %broadcast_in_dim3A_0 : vector<16xf32> to vector<1x16xf32>
    tpu.vector_store %arg8[%swap3A_331, %swap3A_332], %swap3A_335 {strides = array<i32>} : memref<16x128xf32, #tpu.memory_space<vmem>>, vector<1x16xf32>,
    %swap3A_336 = arith.constant 7 : i32
    %swap3A_337 = arith.index_cast %swap3A_336 : i32 to index
    %swap3A_338 = arith.constant 0 : index
    %swap3A_339 = tpu.vector_load %arg8[%swap3A_337, %swap3A_338] {strides = array<i32>} : memref<16x128xf32, #tpu.memory_space<vmem>>, vector<1x16xf32>,
    %swap3A_340 = vector.shape_cast %swap3A_339 : vector<1x16xf32> to vector<16xf32>
    %swap3A_341 = vector.shape_cast %broadcast_in_dim3A_0 : vector<16xf32> to vector<1x16xf32>
    tpu.vector_store %arg8[%swap3A_337, %swap3A_338], %swap3A_341 {strides = array<i32>} : memref<16x128xf32, #tpu.memory_space<vmem>>, vector<1x16xf32>,
    %swap3A_342 = arith.constant 7 : i32
    %swap3A_343 = arith.index_cast %swap3A_342 : i32 to index
    %swap3A_344 = arith.constant 16 : index
    %swap3A_345 = tpu.vector_load %arg8[%swap3A_343, %swap3A_344] {strides = array<i32>} : memref<16x128xf32, #tpu.memory_space<vmem>>, vector<1x16xf32>,
    %swap3A_346 = vector.shape_cast %swap3A_345 : vector<1x16xf32> to vector<16xf32>
    %swap3A_347 = vector.shape_cast %broadcast_in_dim3A_0 : vector<16xf32> to vector<1x16xf32>
    tpu.vector_store %arg8[%swap3A_343, %swap3A_344], %swap3A_347 {strides = array<i32>} : memref<16x128xf32, #tpu.memory_space<vmem>>, vector<1x16xf32>,
    %swap3A_348 = arith.constant 7 : i32
    %swap3A_349 = arith.index_cast %swap3A_348 : i32 to index
    %swap3A_350 = arith.constant 32 : index
    %swap3A_351 = tpu.vector_load %arg8[%swap3A_349, %swap3A_350] {strides = array<i32>} : memref<16x128xf32, #tpu.memory_space<vmem>>, vector<1x16xf32>,
    %swap3A_352 = vector.shape_cast %swap3A_351 : vector<1x16xf32> to vector<16xf32>
    %swap3A_353 = vector.shape_cast %broadcast_in_dim3A_0 : vector<16xf32> to vector<1x16xf32>
    tpu.vector_store %arg8[%swap3A_349, %swap3A_350], %swap3A_353 {strides = array<i32>} : memref<16x128xf32, #tpu.memory_space<vmem>>, vector<1x16xf32>,
    %swap3A_354 = arith.constant 7 : i32
    %swap3A_355 = arith.index_cast %swap3A_354 : i32 to index
    %swap3A_356 = arith.constant 48 : index
    %swap3A_357 = tpu.vector_load %arg8[%swap3A_355, %swap3A_356] {strides = array<i32>} : memref<16x128xf32, #tpu.memory_space<vmem>>, vector<1x16xf32>,
    %swap3A_358 = vector.shape_cast %swap3A_357 : vector<1x16xf32> to vector<16xf32>
    %swap3A_359 = vector.shape_cast %broadcast_in_dim3A_0 : vector<16xf32> to vector<1x16xf32>
    tpu.vector_store %arg8[%swap3A_355, %swap3A_356], %swap3A_359 {strides = array<i32>} : memref<16x128xf32, #tpu.memory_space<vmem>>, vector<1x16xf32>,
    %swap3A_360 = arith.constant 7 : i32
    %swap3A_361 = arith.index_cast %swap3A_360 : i32 to index
    %swap3A_362 = arith.constant 64 : index
    %swap3A_363 = tpu.vector_load %arg8[%swap3A_361, %swap3A_362] {strides = array<i32>} : memref<16x128xf32, #tpu.memory_space<vmem>>, vector<1x16xf32>,
    %swap3A_364 = vector.shape_cast %swap3A_363 : vector<1x16xf32> to vector<16xf32>
    %swap3A_365 = vector.shape_cast %broadcast_in_dim3A_0 : vector<16xf32> to vector<1x16xf32>
    tpu.vector_store %arg8[%swap3A_361, %swap3A_362], %swap3A_365 {strides = array<i32>} : memref<16x128xf32, #tpu.memory_space<vmem>>, vector<1x16xf32>,
    %swap3A_366 = arith.constant 7 : i32
    %swap3A_367 = arith.index_cast %swap3A_366 : i32 to index
    %swap3A_368 = arith.constant 80 : index
    %swap3A_369 = tpu.vector_load %arg8[%swap3A_367, %swap3A_368] {strides = array<i32>} : memref<16x128xf32, #tpu.memory_space<vmem>>, vector<1x16xf32>,
    %swap3A_370 = vector.shape_cast %swap3A_369 : vector<1x16xf32> to vector<16xf32>
    %swap3A_371 = vector.shape_cast %broadcast_in_dim3A_0 : vector<16xf32> to vector<1x16xf32>
    tpu.vector_store %arg8[%swap3A_367, %swap3A_368], %swap3A_371 {strides = array<i32>} : memref<16x128xf32, #tpu.memory_space<vmem>>, vector<1x16xf32>,
    %swap3A_372 = arith.constant 7 : i32
    %swap3A_373 = arith.index_cast %swap3A_372 : i32 to index
    %swap3A_374 = arith.constant 96 : index
    %swap3A_375 = tpu.vector_load %arg8[%swap3A_373, %swap3A_374] {strides = array<i32>} : memref<16x128xf32, #tpu.memory_space<vmem>>, vector<1x16xf32>,
    %swap3A_376 = vector.shape_cast %swap3A_375 : vector<1x16xf32> to vector<16xf32>
    %swap3A_377 = vector.shape_cast %broadcast_in_dim3A_0 : vector<16xf32> to vector<1x16xf32>
    tpu.vector_store %arg8[%swap3A_373, %swap3A_374], %swap3A_377 {strides = array<i32>} : memref<16x128xf32, #tpu.memory_space<vmem>>, vector<1x16xf32>,
    %swap3A_378 = arith.constant 7 : i32
    %swap3A_379 = arith.index_cast %swap3A_378 : i32 to index
    %swap3A_380 = arith.constant 112 : index
    %swap3A_381 = tpu.vector_load %arg8[%swap3A_379, %swap3A_380] {strides = array<i32>} : memref<16x128xf32, #tpu.memory_space<vmem>>, vector<1x16xf32>,
    %swap3A_382 = vector.shape_cast %swap3A_381 : vector<1x16xf32> to vector<16xf32>
    %swap3A_383 = vector.shape_cast %broadcast_in_dim3A_0 : vector<16xf32> to vector<1x16xf32>
    tpu.vector_store %arg8[%swap3A_379, %swap3A_380], %swap3A_383 {strides = array<i32>} : memref<16x128xf32, #tpu.memory_space<vmem>>, vector<1x16xf32>,
    %swap3A_384 = arith.constant 8 : i32
    %swap3A_385 = arith.index_cast %swap3A_384 : i32 to index
    %swap3A_386 = arith.constant 0 : index
    %swap3A_387 = tpu.vector_load %arg8[%swap3A_385, %swap3A_386] {strides = array<i32>} : memref<16x128xf32, #tpu.memory_space<vmem>>, vector<1x16xf32>,
    %swap3A_388 = vector.shape_cast %swap3A_387 : vector<1x16xf32> to vector<16xf32>
    %swap3A_389 = vector.shape_cast %broadcast_in_dim3A_0 : vector<16xf32> to vector<1x16xf32>
    tpu.vector_store %arg8[%swap3A_385, %swap3A_386], %swap3A_389 {strides = array<i32>} : memref<16x128xf32, #tpu.memory_space<vmem>>, vector<1x16xf32>,
    %swap3A_390 = arith.constant 8 : i32
    %swap3A_391 = arith.index_cast %swap3A_390 : i32 to index
    %swap3A_392 = arith.constant 16 : index
    %swap3A_393 = tpu.vector_load %arg8[%swap3A_391, %swap3A_392] {strides = array<i32>} : memref<16x128xf32, #tpu.memory_space<vmem>>, vector<1x16xf32>,
    %swap3A_394 = vector.shape_cast %swap3A_393 : vector<1x16xf32> to vector<16xf32>
    %swap3A_395 = vector.shape_cast %broadcast_in_dim3A_0 : vector<16xf32> to vector<1x16xf32>
    tpu.vector_store %arg8[%swap3A_391, %swap3A_392], %swap3A_395 {strides = array<i32>} : memref<16x128xf32, #tpu.memory_space<vmem>>, vector<1x16xf32>,
    %swap3A_396 = arith.constant 8 : i32
    %swap3A_397 = arith.index_cast %swap3A_396 : i32 to index
    %swap3A_398 = arith.constant 32 : index
    %swap3A_399 = tpu.vector_load %arg8[%swap3A_397, %swap3A_398] {strides = array<i32>} : memref<16x128xf32, #tpu.memory_space<vmem>>, vector<1x16xf32>,
    %swap3A_400 = vector.shape_cast %swap3A_399 : vector<1x16xf32> to vector<16xf32>
    %swap3A_401 = vector.shape_cast %broadcast_in_dim3A_0 : vector<16xf32> to vector<1x16xf32>
    tpu.vector_store %arg8[%swap3A_397, %swap3A_398], %swap3A_401 {strides = array<i32>} : memref<16x128xf32, #tpu.memory_space<vmem>>, vector<1x16xf32>,
    %swap3A_402 = arith.constant 8 : i32
    %swap3A_403 = arith.index_cast %swap3A_402 : i32 to index
    %swap3A_404 = arith.constant 48 : index
    %swap3A_405 = tpu.vector_load %arg8[%swap3A_403, %swap3A_404] {strides = array<i32>} : memref<16x128xf32, #tpu.memory_space<vmem>>, vector<1x16xf32>,
    %swap3A_406 = vector.shape_cast %swap3A_405 : vector<1x16xf32> to vector<16xf32>
    %swap3A_407 = vector.shape_cast %broadcast_in_dim3A_0 : vector<16xf32> to vector<1x16xf32>
    tpu.vector_store %arg8[%swap3A_403, %swap3A_404], %swap3A_407 {strides = array<i32>} : memref<16x128xf32, #tpu.memory_space<vmem>>, vector<1x16xf32>,
    %swap3A_408 = arith.constant 8 : i32
    %swap3A_409 = arith.index_cast %swap3A_408 : i32 to index
    %swap3A_410 = arith.constant 64 : index
    %swap3A_411 = tpu.vector_load %arg8[%swap3A_409, %swap3A_410] {strides = array<i32>} : memref<16x128xf32, #tpu.memory_space<vmem>>, vector<1x16xf32>,
    %swap3A_412 = vector.shape_cast %swap3A_411 : vector<1x16xf32> to vector<16xf32>
    %swap3A_413 = vector.shape_cast %broadcast_in_dim3A_0 : vector<16xf32> to vector<1x16xf32>
    tpu.vector_store %arg8[%swap3A_409, %swap3A_410], %swap3A_413 {strides = array<i32>} : memref<16x128xf32, #tpu.memory_space<vmem>>, vector<1x16xf32>,
    %swap3A_414 = arith.constant 8 : i32
    %swap3A_415 = arith.index_cast %swap3A_414 : i32 to index
    %swap3A_416 = arith.constant 80 : index
    %swap3A_417 = tpu.vector_load %arg8[%swap3A_415, %swap3A_416] {strides = array<i32>} : memref<16x128xf32, #tpu.memory_space<vmem>>, vector<1x16xf32>,
    %swap3A_418 = vector.shape_cast %swap3A_417 : vector<1x16xf32> to vector<16xf32>
    %swap3A_419 = vector.shape_cast %broadcast_in_dim3A_0 : vector<16xf32> to vector<1x16xf32>
    tpu.vector_store %arg8[%swap3A_415, %swap3A_416], %swap3A_419 {strides = array<i32>} : memref<16x128xf32, #tpu.memory_space<vmem>>, vector<1x16xf32>,
    %swap3A_420 = arith.constant 8 : i32
    %swap3A_421 = arith.index_cast %swap3A_420 : i32 to index
    %swap3A_422 = arith.constant 96 : index
    %swap3A_423 = tpu.vector_load %arg8[%swap3A_421, %swap3A_422] {strides = array<i32>} : memref<16x128xf32, #tpu.memory_space<vmem>>, vector<1x16xf32>,
    %swap3A_424 = vector.shape_cast %swap3A_423 : vector<1x16xf32> to vector<16xf32>
    %swap3A_425 = vector.shape_cast %broadcast_in_dim3A_0 : vector<16xf32> to vector<1x16xf32>
    tpu.vector_store %arg8[%swap3A_421, %swap3A_422], %swap3A_425 {strides = array<i32>} : memref<16x128xf32, #tpu.memory_space<vmem>>, vector<1x16xf32>,
    %swap3A_426 = arith.constant 8 : i32
    %swap3A_427 = arith.index_cast %swap3A_426 : i32 to index
    %swap3A_428 = arith.constant 112 : index
    %swap3A_429 = tpu.vector_load %arg8[%swap3A_427, %swap3A_428] {strides = array<i32>} : memref<16x128xf32, #tpu.memory_space<vmem>>, vector<1x16xf32>,
    %swap3A_430 = vector.shape_cast %swap3A_429 : vector<1x16xf32> to vector<16xf32>
    %swap3A_431 = vector.shape_cast %broadcast_in_dim3A_0 : vector<16xf32> to vector<1x16xf32>
    tpu.vector_store %arg8[%swap3A_427, %swap3A_428], %swap3A_431 {strides = array<i32>} : memref<16x128xf32, #tpu.memory_space<vmem>>, vector<1x16xf32>,
    %swap3A_432 = arith.constant 9 : i32
    %swap3A_433 = arith.index_cast %swap3A_432 : i32 to index
    %swap3A_434 = arith.constant 0 : index
    %swap3A_435 = tpu.vector_load %arg8[%swap3A_433, %swap3A_434] {strides = array<i32>} : memref<16x128xf32, #tpu.memory_space<vmem>>, vector<1x16xf32>,
    %swap3A_436 = vector.shape_cast %swap3A_435 : vector<1x16xf32> to vector<16xf32>
    %swap3A_437 = vector.shape_cast %broadcast_in_dim3A_0 : vector<16xf32> to vector<1x16xf32>
    tpu.vector_store %arg8[%swap3A_433, %swap3A_434], %swap3A_437 {strides = array<i32>} : memref<16x128xf32, #tpu.memory_space<vmem>>, vector<1x16xf32>,
    %swap3A_438 = arith.constant 9 : i32
    %swap3A_439 = arith.index_cast %swap3A_438 : i32 to index
    %swap3A_440 = arith.constant 16 : index
    %swap3A_441 = tpu.vector_load %arg8[%swap3A_439, %swap3A_440] {strides = array<i32>} : memref<16x128xf32, #tpu.memory_space<vmem>>, vector<1x16xf32>,
    %swap3A_442 = vector.shape_cast %swap3A_441 : vector<1x16xf32> to vector<16xf32>
    %swap3A_443 = vector.shape_cast %broadcast_in_dim3A_0 : vector<16xf32> to vector<1x16xf32>
    tpu.vector_store %arg8[%swap3A_439, %swap3A_440], %swap3A_443 {strides = array<i32>} : memref<16x128xf32, #tpu.memory_space<vmem>>, vector<1x16xf32>,
    %swap3A_444 = arith.constant 9 : i32
    %swap3A_445 = arith.index_cast %swap3A_444 : i32 to index
    %swap3A_446 = arith.constant 32 : index
    %swap3A_447 = tpu.vector_load %arg8[%swap3A_445, %swap3A_446] {strides = array<i32>} : memref<16x128xf32, #tpu.memory_space<vmem>>, vector<1x16xf32>,
    %swap3A_448 = vector.shape_cast %swap3A_447 : vector<1x16xf32> to vector<16xf32>
    %swap3A_449 = vector.shape_cast %broadcast_in_dim3A_0 : vector<16xf32> to vector<1x16xf32>
    tpu.vector_store %arg8[%swap3A_445, %swap3A_446], %swap3A_449 {strides = array<i32>} : memref<16x128xf32, #tpu.memory_space<vmem>>, vector<1x16xf32>,
    %swap3A_450 = arith.constant 9 : i32
    %swap3A_451 = arith.index_cast %swap3A_450 : i32 to index
    %swap3A_452 = arith.constant 48 : index
    %swap3A_453 = tpu.vector_load %arg8[%swap3A_451, %swap3A_452] {strides = array<i32>} : memref<16x128xf32, #tpu.memory_space<vmem>>, vector<1x16xf32>,
    %swap3A_454 = vector.shape_cast %swap3A_453 : vector<1x16xf32> to vector<16xf32>
    %swap3A_455 = vector.shape_cast %broadcast_in_dim3A_0 : vector<16xf32> to vector<1x16xf32>
    tpu.vector_store %arg8[%swap3A_451, %swap3A_452], %swap3A_455 {strides = array<i32>} : memref<16x128xf32, #tpu.memory_space<vmem>>, vector<1x16xf32>,
    %swap3A_456 = arith.constant 9 : i32
    %swap3A_457 = arith.index_cast %swap3A_456 : i32 to index
    %swap3A_458 = arith.constant 64 : index
    %swap3A_459 = tpu.vector_load %arg8[%swap3A_457, %swap3A_458] {strides = array<i32>} : memref<16x128xf32, #tpu.memory_space<vmem>>, vector<1x16xf32>,
    %swap3A_460 = vector.shape_cast %swap3A_459 : vector<1x16xf32> to vector<16xf32>
    %swap3A_461 = vector.shape_cast %broadcast_in_dim3A_0 : vector<16xf32> to vector<1x16xf32>
    tpu.vector_store %arg8[%swap3A_457, %swap3A_458], %swap3A_461 {strides = array<i32>} : memref<16x128xf32, #tpu.memory_space<vmem>>, vector<1x16xf32>,
    %swap3A_462 = arith.constant 9 : i32
    %swap3A_463 = arith.index_cast %swap3A_462 : i32 to index
    %swap3A_464 = arith.constant 80 : index
    %swap3A_465 = tpu.vector_load %arg8[%swap3A_463, %swap3A_464] {strides = array<i32>} : memref<16x128xf32, #tpu.memory_space<vmem>>, vector<1x16xf32>,
    %swap3A_466 = vector.shape_cast %swap3A_465 : vector<1x16xf32> to vector<16xf32>
    %swap3A_467 = vector.shape_cast %broadcast_in_dim3A_0 : vector<16xf32> to vector<1x16xf32>
    tpu.vector_store %arg8[%swap3A_463, %swap3A_464], %swap3A_467 {strides = array<i32>} : memref<16x128xf32, #tpu.memory_space<vmem>>, vector<1x16xf32>,
    %swap3A_468 = arith.constant 9 : i32
    %swap3A_469 = arith.index_cast %swap3A_468 : i32 to index
    %swap3A_470 = arith.constant 96 : index
    %swap3A_471 = tpu.vector_load %arg8[%swap3A_469, %swap3A_470] {strides = array<i32>} : memref<16x128xf32, #tpu.memory_space<vmem>>, vector<1x16xf32>,
    %swap3A_472 = vector.shape_cast %swap3A_471 : vector<1x16xf32> to vector<16xf32>
    %swap3A_473 = vector.shape_cast %broadcast_in_dim3A_0 : vector<16xf32> to vector<1x16xf32>
    tpu.vector_store %arg8[%swap3A_469, %swap3A_470], %swap3A_473 {strides = array<i32>} : memref<16x128xf32, #tpu.memory_space<vmem>>, vector<1x16xf32>,
    %swap3A_474 = arith.constant 9 : i32
    %swap3A_475 = arith.index_cast %swap3A_474 : i32 to index
    %swap3A_476 = arith.constant 112 : index
    %swap3A_477 = tpu.vector_load %arg8[%swap3A_475, %swap3A_476] {strides = array<i32>} : memref<16x128xf32, #tpu.memory_space<vmem>>, vector<1x16xf32>,
    %swap3A_478 = vector.shape_cast %swap3A_477 : vector<1x16xf32> to vector<16xf32>
    %swap3A_479 = vector.shape_cast %broadcast_in_dim3A_0 : vector<16xf32> to vector<1x16xf32>
    tpu.vector_store %arg8[%swap3A_475, %swap3A_476], %swap3A_479 {strides = array<i32>} : memref<16x128xf32, #tpu.memory_space<vmem>>, vector<1x16xf32>,
    %swap3A_480 = arith.constant 10 : i32
    %swap3A_481 = arith.index_cast %swap3A_480 : i32 to index
    %swap3A_482 = arith.constant 0 : index
    %swap3A_483 = tpu.vector_load %arg8[%swap3A_481, %swap3A_482] {strides = array<i32>} : memref<16x128xf32, #tpu.memory_space<vmem>>, vector<1x16xf32>,
    %swap3A_484 = vector.shape_cast %swap3A_483 : vector<1x16xf32> to vector<16xf32>
    %swap3A_485 = vector.shape_cast %broadcast_in_dim3A_0 : vector<16xf32> to vector<1x16xf32>
    tpu.vector_store %arg8[%swap3A_481, %swap3A_482], %swap3A_485 {strides = array<i32>} : memref<16x128xf32, #tpu.memory_space<vmem>>, vector<1x16xf32>,
    %swap3A_486 = arith.constant 10 : i32
    %swap3A_487 = arith.index_cast %swap3A_486 : i32 to index
    %swap3A_488 = arith.constant 16 : index
    %swap3A_489 = tpu.vector_load %arg8[%swap3A_487, %swap3A_488] {strides = array<i32>} : memref<16x128xf32, #tpu.memory_space<vmem>>, vector<1x16xf32>,
    %swap3A_490 = vector.shape_cast %swap3A_489 : vector<1x16xf32> to vector<16xf32>
    %swap3A_491 = vector.shape_cast %broadcast_in_dim3A_0 : vector<16xf32> to vector<1x16xf32>
    tpu.vector_store %arg8[%swap3A_487, %swap3A_488], %swap3A_491 {strides = array<i32>} : memref<16x128xf32, #tpu.memory_space<vmem>>, vector<1x16xf32>,
    %swap3A_492 = arith.constant 10 : i32
    %swap3A_493 = arith.index_cast %swap3A_492 : i32 to index
    %swap3A_494 = arith.constant 32 : index
    %swap3A_495 = tpu.vector_load %arg8[%swap3A_493, %swap3A_494] {strides = array<i32>} : memref<16x128xf32, #tpu.memory_space<vmem>>, vector<1x16xf32>,
    %swap3A_496 = vector.shape_cast %swap3A_495 : vector<1x16xf32> to vector<16xf32>
    %swap3A_497 = vector.shape_cast %broadcast_in_dim3A_0 : vector<16xf32> to vector<1x16xf32>
    tpu.vector_store %arg8[%swap3A_493, %swap3A_494], %swap3A_497 {strides = array<i32>} : memref<16x128xf32, #tpu.memory_space<vmem>>, vector<1x16xf32>,
    %swap3A_498 = arith.constant 10 : i32
    %swap3A_499 = arith.index_cast %swap3A_498 : i32 to index
    %swap3A_500 = arith.constant 48 : index
    %swap3A_501 = tpu.vector_load %arg8[%swap3A_499, %swap3A_500] {strides = array<i32>} : memref<16x128xf32, #tpu.memory_space<vmem>>, vector<1x16xf32>,
    %swap3A_502 = vector.shape_cast %swap3A_501 : vector<1x16xf32> to vector<16xf32>
    %swap3A_503 = vector.shape_cast %broadcast_in_dim3A_0 : vector<16xf32> to vector<1x16xf32>
    tpu.vector_store %arg8[%swap3A_499, %swap3A_500], %swap3A_503 {strides = array<i32>} : memref<16x128xf32, #tpu.memory_space<vmem>>, vector<1x16xf32>,
    %swap3A_504 = arith.constant 10 : i32
    %swap3A_505 = arith.index_cast %swap3A_504 : i32 to index
    %swap3A_506 = arith.constant 64 : index
    %swap3A_507 = tpu.vector_load %arg8[%swap3A_505, %swap3A_506] {strides = array<i32>} : memref<16x128xf32, #tpu.memory_space<vmem>>, vector<1x16xf32>,
    %swap3A_508 = vector.shape_cast %swap3A_507 : vector<1x16xf32> to vector<16xf32>
    %swap3A_509 = vector.shape_cast %broadcast_in_dim3A_0 : vector<16xf32> to vector<1x16xf32>
    tpu.vector_store %arg8[%swap3A_505, %swap3A_506], %swap3A_509 {strides = array<i32>} : memref<16x128xf32, #tpu.memory_space<vmem>>, vector<1x16xf32>,
    %swap3A_510 = arith.constant 10 : i32
    %swap3A_511 = arith.index_cast %swap3A_510 : i32 to index
    %swap3A_512 = arith.constant 80 : index
    %swap3A_513 = tpu.vector_load %arg8[%swap3A_511, %swap3A_512] {strides = array<i32>} : memref<16x128xf32, #tpu.memory_space<vmem>>, vector<1x16xf32>,
    %swap3A_514 = vector.shape_cast %swap3A_513 : vector<1x16xf32> to vector<16xf32>
    %swap3A_515 = vector.shape_cast %broadcast_in_dim3A_0 : vector<16xf32> to vector<1x16xf32>
    tpu.vector_store %arg8[%swap3A_511, %swap3A_512], %swap3A_515 {strides = array<i32>} : memref<16x128xf32, #tpu.memory_space<vmem>>, vector<1x16xf32>,
    %swap3A_516 = arith.constant 10 : i32
    %swap3A_517 = arith.index_cast %swap3A_516 : i32 to index
    %swap3A_518 = arith.constant 96 : index
    %swap3A_519 = tpu.vector_load %arg8[%swap3A_517, %swap3A_518] {strides = array<i32>} : memref<16x128xf32, #tpu.memory_space<vmem>>, vector<1x16xf32>,
    %swap3A_520 = vector.shape_cast %swap3A_519 : vector<1x16xf32> to vector<16xf32>
    %swap3A_521 = vector.shape_cast %broadcast_in_dim3A_0 : vector<16xf32> to vector<1x16xf32>
    tpu.vector_store %arg8[%swap3A_517, %swap3A_518], %swap3A_521 {strides = array<i32>} : memref<16x128xf32, #tpu.memory_space<vmem>>, vector<1x16xf32>,
    %swap3A_522 = arith.constant 10 : i32
    %swap3A_523 = arith.index_cast %swap3A_522 : i32 to index
    %swap3A_524 = arith.constant 112 : index
    %swap3A_525 = tpu.vector_load %arg8[%swap3A_523, %swap3A_524] {strides = array<i32>} : memref<16x128xf32, #tpu.memory_space<vmem>>, vector<1x16xf32>,
    %swap3A_526 = vector.shape_cast %swap3A_525 : vector<1x16xf32> to vector<16xf32>
    %swap3A_527 = vector.shape_cast %broadcast_in_dim3A_0 : vector<16xf32> to vector<1x16xf32>
    tpu.vector_store %arg8[%swap3A_523, %swap3A_524], %swap3A_527 {strides = array<i32>} : memref<16x128xf32, #tpu.memory_space<vmem>>, vector<1x16xf32>,
    %swap3A_528 = arith.constant 11 : i32
    %swap3A_529 = arith.index_cast %swap3A_528 : i32 to index
    %swap3A_530 = arith.constant 0 : index
    %swap3A_531 = tpu.vector_load %arg8[%swap3A_529, %swap3A_530] {strides = array<i32>} : memref<16x128xf32, #tpu.memory_space<vmem>>, vector<1x16xf32>,
    %swap3A_532 = vector.shape_cast %swap3A_531 : vector<1x16xf32> to vector<16xf32>
    %swap3A_533 = vector.shape_cast %broadcast_in_dim3A_0 : vector<16xf32> to vector<1x16xf32>
    tpu.vector_store %arg8[%swap3A_529, %swap3A_530], %swap3A_533 {strides = array<i32>} : memref<16x128xf32, #tpu.memory_space<vmem>>, vector<1x16xf32>,
    %swap3A_534 = arith.constant 11 : i32
    %swap3A_535 = arith.index_cast %swap3A_534 : i32 to index
    %swap3A_536 = arith.constant 16 : index
    %swap3A_537 = tpu.vector_load %arg8[%swap3A_535, %swap3A_536] {strides = array<i32>} : memref<16x128xf32, #tpu.memory_space<vmem>>, vector<1x16xf32>,
    %swap3A_538 = vector.shape_cast %swap3A_537 : vector<1x16xf32> to vector<16xf32>
    %swap3A_539 = vector.shape_cast %broadcast_in_dim3A_0 : vector<16xf32> to vector<1x16xf32>
    tpu.vector_store %arg8[%swap3A_535, %swap3A_536], %swap3A_539 {strides = array<i32>} : memref<16x128xf32, #tpu.memory_space<vmem>>, vector<1x16xf32>,
    %swap3A_540 = arith.constant 11 : i32
    %swap3A_541 = arith.index_cast %swap3A_540 : i32 to index
    %swap3A_542 = arith.constant 32 : index
    %swap3A_543 = tpu.vector_load %arg8[%swap3A_541, %swap3A_542] {strides = array<i32>} : memref<16x128xf32, #tpu.memory_space<vmem>>, vector<1x16xf32>,
    %swap3A_544 = vector.shape_cast %swap3A_543 : vector<1x16xf32> to vector<16xf32>
    %swap3A_545 = vector.shape_cast %broadcast_in_dim3A_0 : vector<16xf32> to vector<1x16xf32>
    tpu.vector_store %arg8[%swap3A_541, %swap3A_542], %swap3A_545 {strides = array<i32>} : memref<16x128xf32, #tpu.memory_space<vmem>>, vector<1x16xf32>,
    %swap3A_546 = arith.constant 11 : i32
    %swap3A_547 = arith.index_cast %swap3A_546 : i32 to index
    %swap3A_548 = arith.constant 48 : index
    %swap3A_549 = tpu.vector_load %arg8[%swap3A_547, %swap3A_548] {strides = array<i32>} : memref<16x128xf32, #tpu.memory_space<vmem>>, vector<1x16xf32>,
    %swap3A_550 = vector.shape_cast %swap3A_549 : vector<1x16xf32> to vector<16xf32>
    %swap3A_551 = vector.shape_cast %broadcast_in_dim3A_0 : vector<16xf32> to vector<1x16xf32>
    tpu.vector_store %arg8[%swap3A_547, %swap3A_548], %swap3A_551 {strides = array<i32>} : memref<16x128xf32, #tpu.memory_space<vmem>>, vector<1x16xf32>,
    %swap3A_552 = arith.constant 11 : i32
    %swap3A_553 = arith.index_cast %swap3A_552 : i32 to index
    %swap3A_554 = arith.constant 64 : index
    %swap3A_555 = tpu.vector_load %arg8[%swap3A_553, %swap3A_554] {strides = array<i32>} : memref<16x128xf32, #tpu.memory_space<vmem>>, vector<1x16xf32>,
    %swap3A_556 = vector.shape_cast %swap3A_555 : vector<1x16xf32> to vector<16xf32>
    %swap3A_557 = vector.shape_cast %broadcast_in_dim3A_0 : vector<16xf32> to vector<1x16xf32>
    tpu.vector_store %arg8[%swap3A_553, %swap3A_554], %swap3A_557 {strides = array<i32>} : memref<16x128xf32, #tpu.memory_space<vmem>>, vector<1x16xf32>,
    %swap3A_558 = arith.constant 11 : i32
    %swap3A_559 = arith.index_cast %swap3A_558 : i32 to index
    %swap3A_560 = arith.constant 80 : index
    %swap3A_561 = tpu.vector_load %arg8[%swap3A_559, %swap3A_560] {strides = array<i32>} : memref<16x128xf32, #tpu.memory_space<vmem>>, vector<1x16xf32>,
    %swap3A_562 = vector.shape_cast %swap3A_561 : vector<1x16xf32> to vector<16xf32>
    %swap3A_563 = vector.shape_cast %broadcast_in_dim3A_0 : vector<16xf32> to vector<1x16xf32>
    tpu.vector_store %arg8[%swap3A_559, %swap3A_560], %swap3A_563 {strides = array<i32>} : memref<16x128xf32, #tpu.memory_space<vmem>>, vector<1x16xf32>,
    %swap3A_564 = arith.constant 11 : i32
    %swap3A_565 = arith.index_cast %swap3A_564 : i32 to index
    %swap3A_566 = arith.constant 96 : index
    %swap3A_567 = tpu.vector_load %arg8[%swap3A_565, %swap3A_566] {strides = array<i32>} : memref<16x128xf32, #tpu.memory_space<vmem>>, vector<1x16xf32>,
    %swap3A_568 = vector.shape_cast %swap3A_567 : vector<1x16xf32> to vector<16xf32>
    %swap3A_569 = vector.shape_cast %broadcast_in_dim3A_0 : vector<16xf32> to vector<1x16xf32>
    tpu.vector_store %arg8[%swap3A_565, %swap3A_566], %swap3A_569 {strides = array<i32>} : memref<16x128xf32, #tpu.memory_space<vmem>>, vector<1x16xf32>,
    %swap3A_570 = arith.constant 11 : i32
    %swap3A_571 = arith.index_cast %swap3A_570 : i32 to index
    %swap3A_572 = arith.constant 112 : index
    %swap3A_573 = tpu.vector_load %arg8[%swap3A_571, %swap3A_572] {strides = array<i32>} : memref<16x128xf32, #tpu.memory_space<vmem>>, vector<1x16xf32>,
    %swap3A_574 = vector.shape_cast %swap3A_573 : vector<1x16xf32> to vector<16xf32>
    %swap3A_575 = vector.shape_cast %broadcast_in_dim3A_0 : vector<16xf32> to vector<1x16xf32>
    tpu.vector_store %arg8[%swap3A_571, %swap3A_572], %swap3A_575 {strides = array<i32>} : memref<16x128xf32, #tpu.memory_space<vmem>>, vector<1x16xf32>,
    %swap3A_576 = arith.constant 12 : i32
    %swap3A_577 = arith.index_cast %swap3A_576 : i32 to index
    %swap3A_578 = arith.constant 0 : index
    %swap3A_579 = tpu.vector_load %arg8[%swap3A_577, %swap3A_578] {strides = array<i32>} : memref<16x128xf32, #tpu.memory_space<vmem>>, vector<1x16xf32>,
    %swap3A_580 = vector.shape_cast %swap3A_579 : vector<1x16xf32> to vector<16xf32>
    %swap3A_581 = vector.shape_cast %broadcast_in_dim3A_0 : vector<16xf32> to vector<1x16xf32>
    tpu.vector_store %arg8[%swap3A_577, %swap3A_578], %swap3A_581 {strides = array<i32>} : memref<16x128xf32, #tpu.memory_space<vmem>>, vector<1x16xf32>,
    %swap3A_582 = arith.constant 12 : i32
    %swap3A_583 = arith.index_cast %swap3A_582 : i32 to index
    %swap3A_584 = arith.constant 16 : index
    %swap3A_585 = tpu.vector_load %arg8[%swap3A_583, %swap3A_584] {strides = array<i32>} : memref<16x128xf32, #tpu.memory_space<vmem>>, vector<1x16xf32>,
    %swap3A_586 = vector.shape_cast %swap3A_585 : vector<1x16xf32> to vector<16xf32>
    %swap3A_587 = vector.shape_cast %broadcast_in_dim3A_0 : vector<16xf32> to vector<1x16xf32>
    tpu.vector_store %arg8[%swap3A_583, %swap3A_584], %swap3A_587 {strides = array<i32>} : memref<16x128xf32, #tpu.memory_space<vmem>>, vector<1x16xf32>,
    %swap3A_588 = arith.constant 12 : i32
    %swap3A_589 = arith.index_cast %swap3A_588 : i32 to index
    %swap3A_590 = arith.constant 32 : index
    %swap3A_591 = tpu.vector_load %arg8[%swap3A_589, %swap3A_590] {strides = array<i32>} : memref<16x128xf32, #tpu.memory_space<vmem>>, vector<1x16xf32>,
    %swap3A_592 = vector.shape_cast %swap3A_591 : vector<1x16xf32> to vector<16xf32>
    %swap3A_593 = vector.shape_cast %broadcast_in_dim3A_0 : vector<16xf32> to vector<1x16xf32>
    tpu.vector_store %arg8[%swap3A_589, %swap3A_590], %swap3A_593 {strides = array<i32>} : memref<16x128xf32, #tpu.memory_space<vmem>>, vector<1x16xf32>,
    %swap3A_594 = arith.constant 12 : i32
    %swap3A_595 = arith.index_cast %swap3A_594 : i32 to index
    %swap3A_596 = arith.constant 48 : index
    %swap3A_597 = tpu.vector_load %arg8[%swap3A_595, %swap3A_596] {strides = array<i32>} : memref<16x128xf32, #tpu.memory_space<vmem>>, vector<1x16xf32>,
    %swap3A_598 = vector.shape_cast %swap3A_597 : vector<1x16xf32> to vector<16xf32>
    %swap3A_599 = vector.shape_cast %broadcast_in_dim3A_0 : vector<16xf32> to vector<1x16xf32>
    tpu.vector_store %arg8[%swap3A_595, %swap3A_596], %swap3A_599 {strides = array<i32>} : memref<16x128xf32, #tpu.memory_space<vmem>>, vector<1x16xf32>,
    %swap3A_600 = arith.constant 12 : i32
    %swap3A_601 = arith.index_cast %swap3A_600 : i32 to index
    %swap3A_602 = arith.constant 64 : index
    %swap3A_603 = tpu.vector_load %arg8[%swap3A_601, %swap3A_602] {strides = array<i32>} : memref<16x128xf32, #tpu.memory_space<vmem>>, vector<1x16xf32>,
    %swap3A_604 = vector.shape_cast %swap3A_603 : vector<1x16xf32> to vector<16xf32>
    %swap3A_605 = vector.shape_cast %broadcast_in_dim3A_0 : vector<16xf32> to vector<1x16xf32>
    tpu.vector_store %arg8[%swap3A_601, %swap3A_602], %swap3A_605 {strides = array<i32>} : memref<16x128xf32, #tpu.memory_space<vmem>>, vector<1x16xf32>,
    %swap3A_606 = arith.constant 12 : i32
    %swap3A_607 = arith.index_cast %swap3A_606 : i32 to index
    %swap3A_608 = arith.constant 80 : index
    %swap3A_609 = tpu.vector_load %arg8[%swap3A_607, %swap3A_608] {strides = array<i32>} : memref<16x128xf32, #tpu.memory_space<vmem>>, vector<1x16xf32>,
    %swap3A_610 = vector.shape_cast %swap3A_609 : vector<1x16xf32> to vector<16xf32>
    %swap3A_611 = vector.shape_cast %broadcast_in_dim3A_0 : vector<16xf32> to vector<1x16xf32>
    tpu.vector_store %arg8[%swap3A_607, %swap3A_608], %swap3A_611 {strides = array<i32>} : memref<16x128xf32, #tpu.memory_space<vmem>>, vector<1x16xf32>,
    %swap3A_612 = arith.constant 12 : i32
    %swap3A_613 = arith.index_cast %swap3A_612 : i32 to index
    %swap3A_614 = arith.constant 96 : index
    %swap3A_615 = tpu.vector_load %arg8[%swap3A_613, %swap3A_614] {strides = array<i32>} : memref<16x128xf32, #tpu.memory_space<vmem>>, vector<1x16xf32>,
    %swap3A_616 = vector.shape_cast %swap3A_615 : vector<1x16xf32> to vector<16xf32>
    %swap3A_617 = vector.shape_cast %broadcast_in_dim3A_0 : vector<16xf32> to vector<1x16xf32>
    tpu.vector_store %arg8[%swap3A_613, %swap3A_614], %swap3A_617 {strides = array<i32>} : memref<16x128xf32, #tpu.memory_space<vmem>>, vector<1x16xf32>,
    %swap3A_618 = arith.constant 12 : i32
    %swap3A_619 = arith.index_cast %swap3A_618 : i32 to index
    %swap3A_620 = arith.constant 112 : index
    %swap3A_621 = tpu.vector_load %arg8[%swap3A_619, %swap3A_620] {strides = array<i32>} : memref<16x128xf32, #tpu.memory_space<vmem>>, vector<1x16xf32>,
    %swap3A_622 = vector.shape_cast %swap3A_621 : vector<1x16xf32> to vector<16xf32>
    %swap3A_623 = vector.shape_cast %broadcast_in_dim3A_0 : vector<16xf32> to vector<1x16xf32>
    tpu.vector_store %arg8[%swap3A_619, %swap3A_620], %swap3A_623 {strides = array<i32>} : memref<16x128xf32, #tpu.memory_space<vmem>>, vector<1x16xf32>,
    %swap3A_624 = arith.constant 13 : i32
    %swap3A_625 = arith.index_cast %swap3A_624 : i32 to index
    %swap3A_626 = arith.constant 0 : index
    %swap3A_627 = tpu.vector_load %arg8[%swap3A_625, %swap3A_626] {strides = array<i32>} : memref<16x128xf32, #tpu.memory_space<vmem>>, vector<1x16xf32>,
    %swap3A_628 = vector.shape_cast %swap3A_627 : vector<1x16xf32> to vector<16xf32>
    %swap3A_629 = vector.shape_cast %broadcast_in_dim3A_0 : vector<16xf32> to vector<1x16xf32>
    tpu.vector_store %arg8[%swap3A_625, %swap3A_626], %swap3A_629 {strides = array<i32>} : memref<16x128xf32, #tpu.memory_space<vmem>>, vector<1x16xf32>,
    %swap3A_630 = arith.constant 13 : i32
    %swap3A_631 = arith.index_cast %swap3A_630 : i32 to index
    %swap3A_632 = arith.constant 16 : index
    %swap3A_633 = tpu.vector_load %arg8[%swap3A_631, %swap3A_632] {strides = array<i32>} : memref<16x128xf32, #tpu.memory_space<vmem>>, vector<1x16xf32>,
    %swap3A_634 = vector.shape_cast %swap3A_633 : vector<1x16xf32> to vector<16xf32>
    %swap3A_635 = vector.shape_cast %broadcast_in_dim3A_0 : vector<16xf32> to vector<1x16xf32>
    tpu.vector_store %arg8[%swap3A_631, %swap3A_632], %swap3A_635 {strides = array<i32>} : memref<16x128xf32, #tpu.memory_space<vmem>>, vector<1x16xf32>,
    %swap3A_636 = arith.constant 13 : i32
    %swap3A_637 = arith.index_cast %swap3A_636 : i32 to index
    %swap3A_638 = arith.constant 32 : index
    %swap3A_639 = tpu.vector_load %arg8[%swap3A_637, %swap3A_638] {strides = array<i32>} : memref<16x128xf32, #tpu.memory_space<vmem>>, vector<1x16xf32>,
    %swap3A_640 = vector.shape_cast %swap3A_639 : vector<1x16xf32> to vector<16xf32>
    %swap3A_641 = vector.shape_cast %broadcast_in_dim3A_0 : vector<16xf32> to vector<1x16xf32>
    tpu.vector_store %arg8[%swap3A_637, %swap3A_638], %swap3A_641 {strides = array<i32>} : memref<16x128xf32, #tpu.memory_space<vmem>>, vector<1x16xf32>,
    %swap3A_642 = arith.constant 13 : i32
    %swap3A_643 = arith.index_cast %swap3A_642 : i32 to index
    %swap3A_644 = arith.constant 48 : index
    %swap3A_645 = tpu.vector_load %arg8[%swap3A_643, %swap3A_644] {strides = array<i32>} : memref<16x128xf32, #tpu.memory_space<vmem>>, vector<1x16xf32>,
    %swap3A_646 = vector.shape_cast %swap3A_645 : vector<1x16xf32> to vector<16xf32>
    %swap3A_647 = vector.shape_cast %broadcast_in_dim3A_0 : vector<16xf32> to vector<1x16xf32>
    tpu.vector_store %arg8[%swap3A_643, %swap3A_644], %swap3A_647 {strides = array<i32>} : memref<16x128xf32, #tpu.memory_space<vmem>>, vector<1x16xf32>,
    %swap3A_648 = arith.constant 13 : i32
    %swap3A_649 = arith.index_cast %swap3A_648 : i32 to index
    %swap3A_650 = arith.constant 64 : index
    %swap3A_651 = tpu.vector_load %arg8[%swap3A_649, %swap3A_650] {strides = array<i32>} : memref<16x128xf32, #tpu.memory_space<vmem>>, vector<1x16xf32>,
    %swap3A_652 = vector.shape_cast %swap3A_651 : vector<1x16xf32> to vector<16xf32>
    %swap3A_653 = vector.shape_cast %broadcast_in_dim3A_0 : vector<16xf32> to vector<1x16xf32>
    tpu.vector_store %arg8[%swap3A_649, %swap3A_650], %swap3A_653 {strides = array<i32>} : memref<16x128xf32, #tpu.memory_space<vmem>>, vector<1x16xf32>,
    %swap3A_654 = arith.constant 13 : i32
    %swap3A_655 = arith.index_cast %swap3A_654 : i32 to index
    %swap3A_656 = arith.constant 80 : index
    %swap3A_657 = tpu.vector_load %arg8[%swap3A_655, %swap3A_656] {strides = array<i32>} : memref<16x128xf32, #tpu.memory_space<vmem>>, vector<1x16xf32>,
    %swap3A_658 = vector.shape_cast %swap3A_657 : vector<1x16xf32> to vector<16xf32>
    %swap3A_659 = vector.shape_cast %broadcast_in_dim3A_0 : vector<16xf32> to vector<1x16xf32>
    tpu.vector_store %arg8[%swap3A_655, %swap3A_656], %swap3A_659 {strides = array<i32>} : memref<16x128xf32, #tpu.memory_space<vmem>>, vector<1x16xf32>,
    %swap3A_660 = arith.constant 13 : i32
    %swap3A_661 = arith.index_cast %swap3A_660 : i32 to index
    %swap3A_662 = arith.constant 96 : index
    %swap3A_663 = tpu.vector_load %arg8[%swap3A_661, %swap3A_662] {strides = array<i32>} : memref<16x128xf32, #tpu.memory_space<vmem>>, vector<1x16xf32>,
    %swap3A_664 = vector.shape_cast %swap3A_663 : vector<1x16xf32> to vector<16xf32>
    %swap3A_665 = vector.shape_cast %broadcast_in_dim3A_0 : vector<16xf32> to vector<1x16xf32>
    tpu.vector_store %arg8[%swap3A_661, %swap3A_662], %swap3A_665 {strides = array<i32>} : memref<16x128xf32, #tpu.memory_space<vmem>>, vector<1x16xf32>,
    %swap3A_666 = arith.constant 13 : i32
    %swap3A_667 = arith.index_cast %swap3A_666 : i32 to index
    %swap3A_668 = arith.constant 112 : index
    %swap3A_669 = tpu.vector_load %arg8[%swap3A_667, %swap3A_668] {strides = array<i32>} : memref<16x128xf32, #tpu.memory_space<vmem>>, vector<1x16xf32>,
    %swap3A_670 = vector.shape_cast %swap3A_669 : vector<1x16xf32> to vector<16xf32>
    %swap3A_671 = vector.shape_cast %broadcast_in_dim3A_0 : vector<16xf32> to vector<1x16xf32>
    tpu.vector_store %arg8[%swap3A_667, %swap3A_668], %swap3A_671 {strides = array<i32>} : memref<16x128xf32, #tpu.memory_space<vmem>>, vector<1x16xf32>,
    %swap3A_672 = arith.constant 14 : i32
    %swap3A_673 = arith.index_cast %swap3A_672 : i32 to index
    %swap3A_674 = arith.constant 0 : index
    %swap3A_675 = tpu.vector_load %arg8[%swap3A_673, %swap3A_674] {strides = array<i32>} : memref<16x128xf32, #tpu.memory_space<vmem>>, vector<1x16xf32>,
    %swap3A_676 = vector.shape_cast %swap3A_675 : vector<1x16xf32> to vector<16xf32>
    %swap3A_677 = vector.shape_cast %broadcast_in_dim3A_0 : vector<16xf32> to vector<1x16xf32>
    tpu.vector_store %arg8[%swap3A_673, %swap3A_674], %swap3A_677 {strides = array<i32>} : memref<16x128xf32, #tpu.memory_space<vmem>>, vector<1x16xf32>,
    %swap3A_678 = arith.constant 14 : i32
    %swap3A_679 = arith.index_cast %swap3A_678 : i32 to index
    %swap3A_680 = arith.constant 16 : index
    %swap3A_681 = tpu.vector_load %arg8[%swap3A_679, %swap3A_680] {strides = array<i32>} : memref<16x128xf32, #tpu.memory_space<vmem>>, vector<1x16xf32>,
    %swap3A_682 = vector.shape_cast %swap3A_681 : vector<1x16xf32> to vector<16xf32>
    %swap3A_683 = vector.shape_cast %broadcast_in_dim3A_0 : vector<16xf32> to vector<1x16xf32>
    tpu.vector_store %arg8[%swap3A_679, %swap3A_680], %swap3A_683 {strides = array<i32>} : memref<16x128xf32, #tpu.memory_space<vmem>>, vector<1x16xf32>,
    %swap3A_684 = arith.constant 14 : i32
    %swap3A_685 = arith.index_cast %swap3A_684 : i32 to index
    %swap3A_686 = arith.constant 32 : index
    %swap3A_687 = tpu.vector_load %arg8[%swap3A_685, %swap3A_686] {strides = array<i32>} : memref<16x128xf32, #tpu.memory_space<vmem>>, vector<1x16xf32>,
    %swap3A_688 = vector.shape_cast %swap3A_687 : vector<1x16xf32> to vector<16xf32>
    %swap3A_689 = vector.shape_cast %broadcast_in_dim3A_0 : vector<16xf32> to vector<1x16xf32>
    tpu.vector_store %arg8[%swap3A_685, %swap3A_686], %swap3A_689 {strides = array<i32>} : memref<16x128xf32, #tpu.memory_space<vmem>>, vector<1x16xf32>,
    %swap3A_690 = arith.constant 14 : i32
    %swap3A_691 = arith.index_cast %swap3A_690 : i32 to index
    %swap3A_692 = arith.constant 48 : index
    %swap3A_693 = tpu.vector_load %arg8[%swap3A_691, %swap3A_692] {strides = array<i32>} : memref<16x128xf32, #tpu.memory_space<vmem>>, vector<1x16xf32>,
    %swap3A_694 = vector.shape_cast %swap3A_693 : vector<1x16xf32> to vector<16xf32>
    %swap3A_695 = vector.shape_cast %broadcast_in_dim3A_0 : vector<16xf32> to vector<1x16xf32>
    tpu.vector_store %arg8[%swap3A_691, %swap3A_692], %swap3A_695 {strides = array<i32>} : memref<16x128xf32, #tpu.memory_space<vmem>>, vector<1x16xf32>,
    %swap3A_696 = arith.constant 14 : i32
    %swap3A_697 = arith.index_cast %swap3A_696 : i32 to index
    %swap3A_698 = arith.constant 64 : index
    %swap3A_699 = tpu.vector_load %arg8[%swap3A_697, %swap3A_698] {strides = array<i32>} : memref<16x128xf32, #tpu.memory_space<vmem>>, vector<1x16xf32>,
    %swap3A_700 = vector.shape_cast %swap3A_699 : vector<1x16xf32> to vector<16xf32>
    %swap3A_701 = vector.shape_cast %broadcast_in_dim3A_0 : vector<16xf32> to vector<1x16xf32>
    tpu.vector_store %arg8[%swap3A_697, %swap3A_698], %swap3A_701 {strides = array<i32>} : memref<16x128xf32, #tpu.memory_space<vmem>>, vector<1x16xf32>,
    %swap3A_702 = arith.constant 14 : i32
    %swap3A_703 = arith.index_cast %swap3A_702 : i32 to index
    %swap3A_704 = arith.constant 80 : index
    %swap3A_705 = tpu.vector_load %arg8[%swap3A_703, %swap3A_704] {strides = array<i32>} : memref<16x128xf32, #tpu.memory_space<vmem>>, vector<1x16xf32>,
    %swap3A_706 = vector.shape_cast %swap3A_705 : vector<1x16xf32> to vector<16xf32>
    %swap3A_707 = vector.shape_cast %broadcast_in_dim3A_0 : vector<16xf32> to vector<1x16xf32>
    tpu.vector_store %arg8[%swap3A_703, %swap3A_704], %swap3A_707 {strides = array<i32>} : memref<16x128xf32, #tpu.memory_space<vmem>>, vector<1x16xf32>,
    %swap3A_708 = arith.constant 14 : i32
    %swap3A_709 = arith.index_cast %swap3A_708 : i32 to index
    %swap3A_710 = arith.constant 96 : index
    %swap3A_711 = tpu.vector_load %arg8[%swap3A_709, %swap3A_710] {strides = array<i32>} : memref<16x128xf32, #tpu.memory_space<vmem>>, vector<1x16xf32>,
    %swap3A_712 = vector.shape_cast %swap3A_711 : vector<1x16xf32> to vector<16xf32>
    %swap3A_713 = vector.shape_cast %broadcast_in_dim3A_0 : vector<16xf32> to vector<1x16xf32>
    tpu.vector_store %arg8[%swap3A_709, %swap3A_710], %swap3A_713 {strides = array<i32>} : memref<16x128xf32, #tpu.memory_space<vmem>>, vector<1x16xf32>,
    %swap3A_714 = arith.constant 14 : i32
    %swap3A_715 = arith.index_cast %swap3A_714 : i32 to index
    %swap3A_716 = arith.constant 112 : index
    %swap3A_717 = tpu.vector_load %arg8[%swap3A_715, %swap3A_716] {strides = array<i32>} : memref<16x128xf32, #tpu.memory_space<vmem>>, vector<1x16xf32>,
    %swap3A_718 = vector.shape_cast %swap3A_717 : vector<1x16xf32> to vector<16xf32>
    %swap3A_719 = vector.shape_cast %broadcast_in_dim3A_0 : vector<16xf32> to vector<1x16xf32>
    tpu.vector_store %arg8[%swap3A_715, %swap3A_716], %swap3A_719 {strides = array<i32>} : memref<16x128xf32, #tpu.memory_space<vmem>>, vector<1x16xf32>,
    %swap3A_720 = arith.constant 15 : i32
    %swap3A_721 = arith.index_cast %swap3A_720 : i32 to index
    %swap3A_722 = arith.constant 0 : index
    %swap3A_723 = tpu.vector_load %arg8[%swap3A_721, %swap3A_722] {strides = array<i32>} : memref<16x128xf32, #tpu.memory_space<vmem>>, vector<1x16xf32>,
    %swap3A_724 = vector.shape_cast %swap3A_723 : vector<1x16xf32> to vector<16xf32>
    %swap3A_725 = vector.shape_cast %broadcast_in_dim3A_0 : vector<16xf32> to vector<1x16xf32>
    tpu.vector_store %arg8[%swap3A_721, %swap3A_722], %swap3A_725 {strides = array<i32>} : memref<16x128xf32, #tpu.memory_space<vmem>>, vector<1x16xf32>,
    %swap3A_726 = arith.constant 15 : i32
    %swap3A_727 = arith.index_cast %swap3A_726 : i32 to index
    %swap3A_728 = arith.constant 16 : index
    %swap3A_729 = tpu.vector_load %arg8[%swap3A_727, %swap3A_728] {strides = array<i32>} : memref<16x128xf32, #tpu.memory_space<vmem>>, vector<1x16xf32>,
    %swap3A_730 = vector.shape_cast %swap3A_729 : vector<1x16xf32> to vector<16xf32>
    %swap3A_731 = vector.shape_cast %broadcast_in_dim3A_0 : vector<16xf32> to vector<1x16xf32>
    tpu.vector_store %arg8[%swap3A_727, %swap3A_728], %swap3A_731 {strides = array<i32>} : memref<16x128xf32, #tpu.memory_space<vmem>>, vector<1x16xf32>,
    %swap3A_732 = arith.constant 15 : i32
    %swap3A_733 = arith.index_cast %swap3A_732 : i32 to index
    %swap3A_734 = arith.constant 32 : index
    %swap3A_735 = tpu.vector_load %arg8[%swap3A_733, %swap3A_734] {strides = array<i32>} : memref<16x128xf32, #tpu.memory_space<vmem>>, vector<1x16xf32>,
    %swap3A_736 = vector.shape_cast %swap3A_735 : vector<1x16xf32> to vector<16xf32>
    %swap3A_737 = vector.shape_cast %broadcast_in_dim3A_0 : vector<16xf32> to vector<1x16xf32>
    tpu.vector_store %arg8[%swap3A_733, %swap3A_734], %swap3A_737 {strides = array<i32>} : memref<16x128xf32, #tpu.memory_space<vmem>>, vector<1x16xf32>,
    %swap3A_738 = arith.constant 15 : i32
    %swap3A_739 = arith.index_cast %swap3A_738 : i32 to index
    %swap3A_740 = arith.constant 48 : index
    %swap3A_741 = tpu.vector_load %arg8[%swap3A_739, %swap3A_740] {strides = array<i32>} : memref<16x128xf32, #tpu.memory_space<vmem>>, vector<1x16xf32>,
    %swap3A_742 = vector.shape_cast %swap3A_741 : vector<1x16xf32> to vector<16xf32>
    %swap3A_743 = vector.shape_cast %broadcast_in_dim3A_0 : vector<16xf32> to vector<1x16xf32>
    tpu.vector_store %arg8[%swap3A_739, %swap3A_740], %swap3A_743 {strides = array<i32>} : memref<16x128xf32, #tpu.memory_space<vmem>>, vector<1x16xf32>,
    %swap3A_744 = arith.constant 15 : i32
    %swap3A_745 = arith.index_cast %swap3A_744 : i32 to index
    %swap3A_746 = arith.constant 64 : index
    %swap3A_747 = tpu.vector_load %arg8[%swap3A_745, %swap3A_746] {strides = array<i32>} : memref<16x128xf32, #tpu.memory_space<vmem>>, vector<1x16xf32>,
    %swap3A_748 = vector.shape_cast %swap3A_747 : vector<1x16xf32> to vector<16xf32>
    %swap3A_749 = vector.shape_cast %broadcast_in_dim3A_0 : vector<16xf32> to vector<1x16xf32>
    tpu.vector_store %arg8[%swap3A_745, %swap3A_746], %swap3A_749 {strides = array<i32>} : memref<16x128xf32, #tpu.memory_space<vmem>>, vector<1x16xf32>,
    %swap3A_750 = arith.constant 15 : i32
    %swap3A_751 = arith.index_cast %swap3A_750 : i32 to index
    %swap3A_752 = arith.constant 80 : index
    %swap3A_753 = tpu.vector_load %arg8[%swap3A_751, %swap3A_752] {strides = array<i32>} : memref<16x128xf32, #tpu.memory_space<vmem>>, vector<1x16xf32>,
    %swap3A_754 = vector.shape_cast %swap3A_753 : vector<1x16xf32> to vector<16xf32>
    %swap3A_755 = vector.shape_cast %broadcast_in_dim3A_0 : vector<16xf32> to vector<1x16xf32>
    tpu.vector_store %arg8[%swap3A_751, %swap3A_752], %swap3A_755 {strides = array<i32>} : memref<16x128xf32, #tpu.memory_space<vmem>>, vector<1x16xf32>,
    %swap3A_756 = arith.constant 15 : i32
    %swap3A_757 = arith.index_cast %swap3A_756 : i32 to index
    %swap3A_758 = arith.constant 96 : index
    %swap3A_759 = tpu.vector_load %arg8[%swap3A_757, %swap3A_758] {strides = array<i32>} : memref<16x128xf32, #tpu.memory_space<vmem>>, vector<1x16xf32>,
    %swap3A_760 = vector.shape_cast %swap3A_759 : vector<1x16xf32> to vector<16xf32>
    %swap3A_761 = vector.shape_cast %broadcast_in_dim3A_0 : vector<16xf32> to vector<1x16xf32>
    tpu.vector_store %arg8[%swap3A_757, %swap3A_758], %swap3A_761 {strides = array<i32>} : memref<16x128xf32, #tpu.memory_space<vmem>>, vector<1x16xf32>,
    %swap3A_762 = arith.constant 15 : i32
    %swap3A_763 = arith.index_cast %swap3A_762 : i32 to index
    %swap3A_764 = arith.constant 112 : index
    %swap3A_765 = tpu.vector_load %arg8[%swap3A_763, %swap3A_764] {strides = array<i32>} : memref<16x128xf32, #tpu.memory_space<vmem>>, vector<1x16xf32>,
    %swap3A_766 = vector.shape_cast %swap3A_765 : vector<1x16xf32> to vector<16xf32>
    %swap3A_767 = vector.shape_cast %broadcast_in_dim3A_0 : vector<16xf32> to vector<1x16xf32>
    tpu.vector_store %arg8[%swap3A_763, %swap3A_764], %swap3A_767 {strides = array<i32>} : memref<16x128xf32, #tpu.memory_space<vmem>>, vector<1x16xf32>,
    %scan3A = arith.constant 0 : i32
    %scan3A_768 = arith.constant 0 : i32
    %scan3A_769 = arith.constant 40 : i32
    %scan3A_770 = arith.addi %scan3A_768, %scan3A_769 : i32
    %scan3A_771 = arith.constant 1 : i32
    scf.for %scan3A_791 = %scan3A_768 to %scan3A_770 step %scan3A_771  : i32 {
      %mul3A = arith.constant 640 : i32
      %mul3A_792 = arith.muli %arg1, %mul3A : i32
      %mul3A_793 = arith.constant 16 : i32
      %mul3A_794 = arith.muli %scan3A_791, %mul3A_793 : i32
      %add3A = arith.addi %mul3A_792, %mul3A_794 : i32
      "tpu.region"() ({
        %run_scoped3A = tpu.sem_alloc : memref<!tpu.dma_semaphore, #tpu.memory_space<semaphore_mem>>
        %dma_start3A = arith.constant 0 : i32
        %dma_start3A_795 = tpu.memref_slice %arg7[%add3A, %dma_start3A] : memref<10240x128xf32, #tpu.memory_space<vmem_shared>> -> memref<16x128xf32, #tpu.memory_space<vmem_shared>>
        %dma_start3A_796 = arith.constant 0 : i32
        %dma_start3A_797 = tpu.memref_slice %arg7[%add3A, %dma_start3A_796] : memref<10240x128xf32, #tpu.memory_space<vmem_shared>> -> memref<16x128xf32, #tpu.memory_space<vmem_shared>>
        tpu.enqueue_dma source(%arg8 : memref<16x128xf32, #tpu.memory_space<vmem>>) target(%dma_start3A_797 : memref<16x128xf32, #tpu.memory_space<vmem_shared>>) target_semaphore(%run_scoped3A : memref<!tpu.dma_semaphore, #tpu.memory_space<semaphore_mem>>)
        %dma_wait3A = arith.constant 0 : i32
        %dma_wait3A_798 = tpu.memref_slice %arg7[%add3A, %dma_wait3A] : memref<10240x128xf32, #tpu.memory_space<vmem_shared>> -> memref<16x128xf32, #tpu.memory_space<vmem_shared>>
        %dma_wait3A_799 = arith.constant 0 : i32
        %dma_wait3A_800 = tpu.memref_slice %arg7[%add3A, %dma_wait3A_799] : memref<10240x128xf32, #tpu.memory_space<vmem_shared>> -> memref<16x128xf32, #tpu.memory_space<vmem_shared>>
        tpu.wait_dma2 semaphore(%run_scoped3A : memref<!tpu.dma_semaphore, #tpu.memory_space<semaphore_mem>>) src(%arg8 : memref<16x128xf32, #tpu.memory_space<vmem>>) dst(%dma_wait3A_800 : memref<16x128xf32, #tpu.memory_space<vmem_shared>>)
        tpu.yield
      }) : () -> ()
    }
    %scan3A_772 = arith.constant 40 : i32
    %barrier3A = arith.constant 0 : index
    tpu.barrier barrier_id(%barrier3A)
    %eq3A = arith.constant 0 : i32
    %eq3A_773 = arith.cmpi eq, %arg0, %eq3A : i32
    %convert_element_type3A = arith.extui %eq3A_773 : i1 to i32
    %cond3A = arith.constant 0 : i32
    %cond3A_774 = arith.cmpi ne, %convert_element_type3A, %cond3A : i32
    scf.if %cond3A_774 {
      %scan3A_791 = arith.constant 0 : i32
      %scan3A_792 = arith.constant 0 : i32
      %scan3A_793 = arith.constant 32 : i32
      %scan3A_794 = arith.addi %scan3A_792, %scan3A_793 : i32
      %scan3A_795 = arith.constant 1 : i32
      scf.for %scan3A_797 = %scan3A_792 to %scan3A_794 step %scan3A_795  : i32 {
        %mul3A = arith.constant 10240 : i32
        %mul3A_798 = arith.muli %arg1, %mul3A : i32
        %mul3A_799 = arith.constant 320 : i32
        %mul3A_800 = arith.muli %scan3A_797, %mul3A_799 : i32
        %add3A = arith.addi %mul3A_798, %mul3A_800 : i32
        %add3A_801 = arith.constant 0 : i32
        %add3A_802 = arith.addi %add3A_801, %add3A : i32
        "tpu.region"() ({
          %run_scoped3A = tpu.sem_alloc : memref<!tpu.dma_semaphore, #tpu.memory_space<semaphore_mem>>
          %dma_start3A = tpu.memref_slice %arg4[%add3A_802] : memref<320000xi32, #tpu.memory_space<hbm>> -> memref<320xi32, #tpu.memory_space<hbm>>
          %dma_start3A_803 = tpu.memref_slice %arg4[%add3A_802] : memref<320000xi32, #tpu.memory_space<hbm>> -> memref<320xi32, #tpu.memory_space<hbm>>
          tpu.enqueue_dma source(%dma_start3A_803 : memref<320xi32, #tpu.memory_space<hbm>>) target(%arg9 : memref<320xi32, #tpu.memory_space<vmem>>) target_semaphore(%run_scoped3A : memref<!tpu.dma_semaphore, #tpu.memory_space<semaphore_mem>>)
          %dma_wait3A = tpu.memref_slice %arg4[%add3A_802] : memref<320000xi32, #tpu.memory_space<hbm>> -> memref<320xi32, #tpu.memory_space<hbm>>
          %dma_wait3A_804 = tpu.memref_slice %arg4[%add3A_802] : memref<320000xi32, #tpu.memory_space<hbm>> -> memref<320xi32, #tpu.memory_space<hbm>>
          tpu.wait_dma2 semaphore(%run_scoped3A : memref<!tpu.dma_semaphore, #tpu.memory_space<semaphore_mem>>) src(%dma_wait3A_804 : memref<320xi32, #tpu.memory_space<hbm>>) dst(%arg9 : memref<320xi32, #tpu.memory_space<vmem>>)
          tpu.yield
        }) : () -> ()
        "tpu.region"() ({
          %run_scoped3A = tpu.sem_alloc : memref<!tpu.dma_semaphore, #tpu.memory_space<semaphore_mem>>
          %dma_start3A = arith.constant 0 : i32
          %dma_start3A_803 = tpu.memref_slice %arg2[%add3A, %dma_start3A] : memref<163840x128xf32, #tpu.memory_space<hbm>> -> memref<320x128xf32, #tpu.memory_space<hbm>>
          %dma_start3A_804 = arith.constant 0 : i32
          %dma_start3A_805 = tpu.memref_slice %arg2[%add3A, %dma_start3A_804] : memref<163840x128xf32, #tpu.memory_space<hbm>> -> memref<320x128xf32, #tpu.memory_space<hbm>>
          tpu.enqueue_dma source(%dma_start3A_805 : memref<320x128xf32, #tpu.memory_space<hbm>>) target(%arg10 : memref<320x128xf32, #tpu.memory_space<vmem>>) target_semaphore(%run_scoped3A : memref<!tpu.dma_semaphore, #tpu.memory_space<semaphore_mem>>)
          %dma_wait3A = arith.constant 0 : i32
          %dma_wait3A_806 = tpu.memref_slice %arg2[%add3A, %dma_wait3A] : memref<163840x128xf32, #tpu.memory_space<hbm>> -> memref<320x128xf32, #tpu.memory_space<hbm>>
          %dma_wait3A_807 = arith.constant 0 : i32
          %dma_wait3A_808 = tpu.memref_slice %arg2[%add3A, %dma_wait3A_807] : memref<163840x128xf32, #tpu.memory_space<hbm>> -> memref<320x128xf32, #tpu.memory_space<hbm>>
          tpu.wait_dma2 semaphore(%run_scoped3A : memref<!tpu.dma_semaphore, #tpu.memory_space<semaphore_mem>>) src(%dma_wait3A_808 : memref<320x128xf32, #tpu.memory_space<hbm>>) dst(%arg10 : memref<320x128xf32, #tpu.memory_space<vmem>>)
          tpu.yield
        }) : () -> ()
        "tpu.region"() ({
          %run_scoped3A = tpu.sem_alloc : memref<!tpu.dma_semaphore, #tpu.memory_space<semaphore_mem>>
          %dma_start3A = arith.constant 0 : i32
          %dma_start3A_803 = arith.constant 0 : i32
          %dma_start3A_804 = tpu.memref_slice %arg7[%dma_start3A, %dma_start3A_803] : memref<10240x128xf32, #tpu.memory_space<vmem_shared>> -> memref<10240x128xf32, #tpu.memory_space<vmem_shared>>
          tpu.enqueue_indirect_dma source(%arg10 : memref<320x128xf32, #tpu.memory_space<vmem>>) target(%dma_start3A_804 : memref<10240x128xf32, #tpu.memory_space<vmem_shared>>) offsets(%arg9 : memref<320xi32, #tpu.memory_space<vmem>>) semaphore(%run_scoped3A : memref<!tpu.dma_semaphore, #tpu.memory_space<semaphore_mem>>) {add = true}
          %dma_wait3A = arith.constant 0 : i32
          %dma_wait3A_805 = arith.constant 0 : i32
          %dma_wait3A_806 = tpu.memref_slice %arg7[%dma_wait3A, %dma_wait3A_805] : memref<10240x128xf32, #tpu.memory_space<vmem_shared>> -> memref<10240x128xf32, #tpu.memory_space<vmem_shared>>
          tpu.wait_indirect_dma semaphore(%run_scoped3A : memref<!tpu.dma_semaphore, #tpu.memory_space<semaphore_mem>>) src(%arg10 : memref<320x128xf32, #tpu.memory_space<vmem>>) dst(%dma_wait3A_806 : memref<10240x128xf32, #tpu.memory_space<vmem_shared>>)
          tpu.yield
        }) : () -> ()
      }
      %scan3A_796 = arith.constant 32 : i32
    } else {
    }
    %eq3A_775 = arith.constant 1 : i32
    %eq3A_776 = arith.cmpi eq, %arg0, %eq3A_775 : i32
    %convert_element_type3A_777 = arith.extui %eq3A_776 : i1 to i32
    %cond3A_778 = arith.constant 0 : i32
    %cond3A_779 = arith.cmpi ne, %convert_element_type3A_777, %cond3A_778 : i32
    scf.if %cond3A_779 {
      %scan3A_791 = arith.constant 0 : i32
      %scan3A_792 = arith.constant 0 : i32
      %scan3A_793 = arith.constant 32 : i32
      %scan3A_794 = arith.addi %scan3A_792, %scan3A_793 : i32
      %scan3A_795 = arith.constant 1 : i32
      scf.for %scan3A_797 = %scan3A_792 to %scan3A_794 step %scan3A_795  : i32 {
        %mul3A = arith.constant 10240 : i32
        %mul3A_798 = arith.muli %arg1, %mul3A : i32
        %mul3A_799 = arith.constant 320 : i32
        %mul3A_800 = arith.muli %scan3A_797, %mul3A_799 : i32
        %add3A = arith.addi %mul3A_798, %mul3A_800 : i32
        %add3A_801 = arith.constant 0 : i32
        %add3A_802 = arith.addi %add3A_801, %add3A : i32
        "tpu.region"() ({
          %run_scoped3A = tpu.sem_alloc : memref<!tpu.dma_semaphore, #tpu.memory_space<semaphore_mem>>
          %dma_start3A = tpu.memref_slice %arg4[%add3A_802] : memref<320000xi32, #tpu.memory_space<hbm>> -> memref<320xi32, #tpu.memory_space<hbm>>
          %dma_start3A_803 = tpu.memref_slice %arg4[%add3A_802] : memref<320000xi32, #tpu.memory_space<hbm>> -> memref<320xi32, #tpu.memory_space<hbm>>
          tpu.enqueue_dma source(%dma_start3A_803 : memref<320xi32, #tpu.memory_space<hbm>>) target(%arg9 : memref<320xi32, #tpu.memory_space<vmem>>) target_semaphore(%run_scoped3A : memref<!tpu.dma_semaphore, #tpu.memory_space<semaphore_mem>>)
          %dma_wait3A = tpu.memref_slice %arg4[%add3A_802] : memref<320000xi32, #tpu.memory_space<hbm>> -> memref<320xi32, #tpu.memory_space<hbm>>
          %dma_wait3A_804 = tpu.memref_slice %arg4[%add3A_802] : memref<320000xi32, #tpu.memory_space<hbm>> -> memref<320xi32, #tpu.memory_space<hbm>>
          tpu.wait_dma2 semaphore(%run_scoped3A : memref<!tpu.dma_semaphore, #tpu.memory_space<semaphore_mem>>) src(%dma_wait3A_804 : memref<320xi32, #tpu.memory_space<hbm>>) dst(%arg9 : memref<320xi32, #tpu.memory_space<vmem>>)
          tpu.yield
        }) : () -> ()
        "tpu.region"() ({
          %run_scoped3A = tpu.sem_alloc : memref<!tpu.dma_semaphore, #tpu.memory_space<semaphore_mem>>
          %dma_start3A = arith.constant 0 : i32
          %dma_start3A_803 = tpu.memref_slice %arg3[%add3A, %dma_start3A] : memref<163840x128xf32, #tpu.memory_space<hbm>> -> memref<320x128xf32, #tpu.memory_space<hbm>>
          %dma_start3A_804 = arith.constant 0 : i32
          %dma_start3A_805 = tpu.memref_slice %arg3[%add3A, %dma_start3A_804] : memref<163840x128xf32, #tpu.memory_space<hbm>> -> memref<320x128xf32, #tpu.memory_space<hbm>>
          tpu.enqueue_dma source(%dma_start3A_805 : memref<320x128xf32, #tpu.memory_space<hbm>>) target(%arg10 : memref<320x128xf32, #tpu.memory_space<vmem>>) target_semaphore(%run_scoped3A : memref<!tpu.dma_semaphore, #tpu.memory_space<semaphore_mem>>)
          %dma_wait3A = arith.constant 0 : i32
          %dma_wait3A_806 = tpu.memref_slice %arg3[%add3A, %dma_wait3A] : memref<163840x128xf32, #tpu.memory_space<hbm>> -> memref<320x128xf32, #tpu.memory_space<hbm>>
          %dma_wait3A_807 = arith.constant 0 : i32
          %dma_wait3A_808 = tpu.memref_slice %arg3[%add3A, %dma_wait3A_807] : memref<163840x128xf32, #tpu.memory_space<hbm>> -> memref<320x128xf32, #tpu.memory_space<hbm>>
          tpu.wait_dma2 semaphore(%run_scoped3A : memref<!tpu.dma_semaphore, #tpu.memory_space<semaphore_mem>>) src(%dma_wait3A_808 : memref<320x128xf32, #tpu.memory_space<hbm>>) dst(%arg10 : memref<320x128xf32, #tpu.memory_space<vmem>>)
          tpu.yield
        }) : () -> ()
        "tpu.region"() ({
          %run_scoped3A = tpu.sem_alloc : memref<!tpu.dma_semaphore, #tpu.memory_space<semaphore_mem>>
          %dma_start3A = arith.constant 0 : i32
          %dma_start3A_803 = arith.constant 0 : i32
          %dma_start3A_804 = tpu.memref_slice %arg7[%dma_start3A, %dma_start3A_803] : memref<10240x128xf32, #tpu.memory_space<vmem_shared>> -> memref<10240x128xf32, #tpu.memory_space<vmem_shared>>
          tpu.enqueue_indirect_dma source(%arg10 : memref<320x128xf32, #tpu.memory_space<vmem>>) target(%dma_start3A_804 : memref<10240x128xf32, #tpu.memory_space<vmem_shared>>) offsets(%arg9 : memref<320xi32, #tpu.memory_space<vmem>>) semaphore(%run_scoped3A : memref<!tpu.dma_semaphore, #tpu.memory_space<semaphore_mem>>) {add = true}
          %dma_wait3A = arith.constant 0 : i32
          %dma_wait3A_805 = arith.constant 0 : i32
          %dma_wait3A_806 = tpu.memref_slice %arg7[%dma_wait3A, %dma_wait3A_805] : memref<10240x128xf32, #tpu.memory_space<vmem_shared>> -> memref<10240x128xf32, #tpu.memory_space<vmem_shared>>
          tpu.wait_indirect_dma semaphore(%run_scoped3A : memref<!tpu.dma_semaphore, #tpu.memory_space<semaphore_mem>>) src(%arg10 : memref<320x128xf32, #tpu.memory_space<vmem>>) dst(%dma_wait3A_806 : memref<10240x128xf32, #tpu.memory_space<vmem_shared>>)
          tpu.yield
        }) : () -> ()
      }
      %scan3A_796 = arith.constant 32 : i32
    } else {
    }
    %barrier3A_780 = arith.constant 0 : index
    tpu.barrier barrier_id(%barrier3A_780)
    %eq3A_781 = arith.constant 0 : i32
    %eq3A_782 = arith.cmpi eq, %arg0, %eq3A_781 : i32
    %convert_element_type3A_783 = arith.extui %eq3A_782 : i1 to i32
    %cond3A_784 = arith.constant 0 : i32
    %cond3A_785 = arith.cmpi ne, %convert_element_type3A_783, %cond3A_784 : i32
    scf.if %cond3A_785 {
      %mul3A = arith.constant 640 : i32
      %mul3A_791 = arith.muli %arg1, %mul3A : i32
      %lt3A = arith.constant 15 : i32
      %lt3A_792 = arith.cmpi slt, %arg1, %lt3A : i32
      %convert_element_type3A_793 = arith.extui %lt3A_792 : i1 to i32
      %cond3A_794 = arith.constant 0 : i32
      %cond3A_795 = arith.cmpi ne, %convert_element_type3A_793, %cond3A_794 : i32
      scf.if %cond3A_795 {
        "tpu.region"() ({
          %run_scoped3A = tpu.sem_alloc : memref<!tpu.dma_semaphore, #tpu.memory_space<semaphore_mem>>
          %dma_start3A = arith.constant 0 : i32
          %dma_start3A_801 = tpu.memref_slice %arg6[%mul3A_791, %dma_start3A] : memref<10000x128xf32, #tpu.memory_space<hbm>> -> memref<640x128xf32, #tpu.memory_space<hbm>>
          %dma_start3A_802 = arith.constant 0 : i32
          %dma_start3A_803 = tpu.memref_slice %arg7[%mul3A_791, %dma_start3A_802] : memref<10240x128xf32, #tpu.memory_space<vmem_shared>> -> memref<640x128xf32, #tpu.memory_space<vmem_shared>>
          tpu.enqueue_dma source(%dma_start3A_803 : memref<640x128xf32, #tpu.memory_space<vmem_shared>>) target(%dma_start3A_801 : memref<640x128xf32, #tpu.memory_space<hbm>>) target_semaphore(%run_scoped3A : memref<!tpu.dma_semaphore, #tpu.memory_space<semaphore_mem>>)
          %dma_wait3A = arith.constant 0 : i32
          %dma_wait3A_804 = tpu.memref_slice %arg6[%mul3A_791, %dma_wait3A] : memref<10000x128xf32, #tpu.memory_space<hbm>> -> memref<640x128xf32, #tpu.memory_space<hbm>>
          %dma_wait3A_805 = arith.constant 0 : i32
          %dma_wait3A_806 = tpu.memref_slice %arg7[%mul3A_791, %dma_wait3A_805] : memref<10240x128xf32, #tpu.memory_space<vmem_shared>> -> memref<640x128xf32, #tpu.memory_space<vmem_shared>>
          tpu.wait_dma2 semaphore(%run_scoped3A : memref<!tpu.dma_semaphore, #tpu.memory_space<semaphore_mem>>) src(%dma_wait3A_806 : memref<640x128xf32, #tpu.memory_space<vmem_shared>>) dst(%dma_wait3A_804 : memref<640x128xf32, #tpu.memory_space<hbm>>)
          tpu.yield
        }) : () -> ()
      } else {
      }
      %eq3A_796 = arith.constant 15 : i32
      %eq3A_797 = arith.cmpi eq, %arg1, %eq3A_796 : i32
      %convert_element_type3A_798 = arith.extui %eq3A_797 : i1 to i32
      %cond3A_799 = arith.constant 0 : i32
      %cond3A_800 = arith.cmpi ne, %convert_element_type3A_798, %cond3A_799 : i32
      scf.if %cond3A_800 {
        "tpu.region"() ({
          %run_scoped3A = tpu.sem_alloc : memref<!tpu.dma_semaphore, #tpu.memory_space<semaphore_mem>>
          %dma_start3A = arith.constant 0 : i32
          %dma_start3A_801 = tpu.memref_slice %arg6[%mul3A_791, %dma_start3A] : memref<10000x128xf32, #tpu.memory_space<hbm>> -> memref<400x128xf32, #tpu.memory_space<hbm>>
          %dma_start3A_802 = arith.constant 0 : i32
          %dma_start3A_803 = tpu.memref_slice %arg7[%mul3A_791, %dma_start3A_802] : memref<10240x128xf32, #tpu.memory_space<vmem_shared>> -> memref<400x128xf32, #tpu.memory_space<vmem_shared>>
          tpu.enqueue_dma source(%dma_start3A_803 : memref<400x128xf32, #tpu.memory_space<vmem_shared>>) target(%dma_start3A_801 : memref<400x128xf32, #tpu.memory_space<hbm>>) target_semaphore(%run_scoped3A : memref<!tpu.dma_semaphore, #tpu.memory_space<semaphore_mem>>)
          %dma_wait3A = arith.constant 0 : i32
          %dma_wait3A_804 = tpu.memref_slice %arg6[%mul3A_791, %dma_wait3A] : memref<10000x128xf32, #tpu.memory_space<hbm>> -> memref<400x128xf32, #tpu.memory_space<hbm>>
          %dma_wait3A_805 = arith.constant 0 : i32
          %dma_wait3A_806 = tpu.memref_slice %arg7[%mul3A_791, %dma_wait3A_805] : memref<10240x128xf32, #tpu.memory_space<vmem_shared>> -> memref<400x128xf32, #tpu.memory_space<vmem_shared>>
          tpu.wait_dma2 semaphore(%run_scoped3A : memref<!tpu.dma_semaphore, #tpu.memory_space<semaphore_mem>>) src(%dma_wait3A_806 : memref<400x128xf32, #tpu.memory_space<vmem_shared>>) dst(%dma_wait3A_804 : memref<400x128xf32, #tpu.memory_space<hbm>>)
          tpu.yield
        }) : () -> ()
      } else {
      }
    } else {
    }
    %eq3A_786 = arith.constant 1 : i32
    %eq3A_787 = arith.cmpi eq, %arg0, %eq3A_786 : i32
    %convert_element_type3A_788 = arith.extui %eq3A_787 : i1 to i32
    %cond3A_789 = arith.constant 0 : i32
    %cond3A_790 = arith.cmpi ne, %convert_element_type3A_788, %cond3A_789 : i32
    scf.if %cond3A_790 {
      %mul3A = arith.constant 640 : i32
      %mul3A_791 = arith.muli %arg1, %mul3A : i32
      %lt3A = arith.constant 15 : i32
      %lt3A_792 = arith.cmpi slt, %arg1, %lt3A : i32
      %convert_element_type3A_793 = arith.extui %lt3A_792 : i1 to i32
      %cond3A_794 = arith.constant 0 : i32
      %cond3A_795 = arith.cmpi ne, %convert_element_type3A_793, %cond3A_794 : i32
      scf.if %cond3A_795 {
        "tpu.region"() ({
          %run_scoped3A = tpu.sem_alloc : memref<!tpu.dma_semaphore, #tpu.memory_space<semaphore_mem>>
          %dma_start3A = arith.constant 0 : i32
          %dma_start3A_801 = tpu.memref_slice %arg5[%mul3A_791, %dma_start3A] : memref<10000x128xf32, #tpu.memory_space<hbm>> -> memref<640x128xf32, #tpu.memory_space<hbm>>
          %dma_start3A_802 = arith.constant 0 : i32
          %dma_start3A_803 = tpu.memref_slice %arg7[%mul3A_791, %dma_start3A_802] : memref<10240x128xf32, #tpu.memory_space<vmem_shared>> -> memref<640x128xf32, #tpu.memory_space<vmem_shared>>
          tpu.enqueue_dma source(%dma_start3A_803 : memref<640x128xf32, #tpu.memory_space<vmem_shared>>) target(%dma_start3A_801 : memref<640x128xf32, #tpu.memory_space<hbm>>) target_semaphore(%run_scoped3A : memref<!tpu.dma_semaphore, #tpu.memory_space<semaphore_mem>>)
          %dma_wait3A = arith.constant 0 : i32
          %dma_wait3A_804 = tpu.memref_slice %arg5[%mul3A_791, %dma_wait3A] : memref<10000x128xf32, #tpu.memory_space<hbm>> -> memref<640x128xf32, #tpu.memory_space<hbm>>
          %dma_wait3A_805 = arith.constant 0 : i32
          %dma_wait3A_806 = tpu.memref_slice %arg7[%mul3A_791, %dma_wait3A_805] : memref<10240x128xf32, #tpu.memory_space<vmem_shared>> -> memref<640x128xf32, #tpu.memory_space<vmem_shared>>
          tpu.wait_dma2 semaphore(%run_scoped3A : memref<!tpu.dma_semaphore, #tpu.memory_space<semaphore_mem>>) src(%dma_wait3A_806 : memref<640x128xf32, #tpu.memory_space<vmem_shared>>) dst(%dma_wait3A_804 : memref<640x128xf32, #tpu.memory_space<hbm>>)
          tpu.yield
        }) : () -> ()
      } else {
      }
      %eq3A_796 = arith.constant 15 : i32
      %eq3A_797 = arith.cmpi eq, %arg1, %eq3A_796 : i32
      %convert_element_type3A_798 = arith.extui %eq3A_797 : i1 to i32
      %cond3A_799 = arith.constant 0 : i32
      %cond3A_800 = arith.cmpi ne, %convert_element_type3A_798, %cond3A_799 : i32
      scf.if %cond3A_800 {
        "tpu.region"() ({
          %run_scoped3A = tpu.sem_alloc : memref<!tpu.dma_semaphore, #tpu.memory_space<semaphore_mem>>
          %dma_start3A = arith.constant 0 : i32
          %dma_start3A_801 = tpu.memref_slice %arg5[%mul3A_791, %dma_start3A] : memref<10000x128xf32, #tpu.memory_space<hbm>> -> memref<400x128xf32, #tpu.memory_space<hbm>>
          %dma_start3A_802 = arith.constant 0 : i32
          %dma_start3A_803 = tpu.memref_slice %arg7[%mul3A_791, %dma_start3A_802] : memref<10240x128xf32, #tpu.memory_space<vmem_shared>> -> memref<400x128xf32, #tpu.memory_space<vmem_shared>>
          tpu.enqueue_dma source(%dma_start3A_803 : memref<400x128xf32, #tpu.memory_space<vmem_shared>>) target(%dma_start3A_801 : memref<400x128xf32, #tpu.memory_space<hbm>>) target_semaphore(%run_scoped3A : memref<!tpu.dma_semaphore, #tpu.memory_space<semaphore_mem>>)
          %dma_wait3A = arith.constant 0 : i32
          %dma_wait3A_804 = tpu.memref_slice %arg5[%mul3A_791, %dma_wait3A] : memref<10000x128xf32, #tpu.memory_space<hbm>> -> memref<400x128xf32, #tpu.memory_space<hbm>>
          %dma_wait3A_805 = arith.constant 0 : i32
          %dma_wait3A_806 = tpu.memref_slice %arg7[%mul3A_791, %dma_wait3A_805] : memref<10240x128xf32, #tpu.memory_space<vmem_shared>> -> memref<400x128xf32, #tpu.memory_space<vmem_shared>>
          tpu.wait_dma2 semaphore(%run_scoped3A : memref<!tpu.dma_semaphore, #tpu.memory_space<semaphore_mem>>) src(%dma_wait3A_806 : memref<400x128xf32, #tpu.memory_space<vmem_shared>>) dst(%dma_wait3A_804 : memref<400x128xf32, #tpu.memory_space<hbm>>)
          tpu.yield
        }) : () -> ()
      } else {
      }
    } else {
    }
    return
  }
}

module attributes {stable_mosaic.version = 14 : i64} {
  func.func @_tables_body(%arg0: i32, %arg1: memref<400x128xf32, #tpu.memory_space<vmem>>, %arg2: memref<128x128xf32, #tpu.memory_space<vmem>>, %arg3: memref<128x128xf32, #tpu.memory_space<vmem>>, %arg4: memref<128x128xf32, #tpu.memory_space<vmem>>, %arg5: memref<128x128xf32, #tpu.memory_space<vmem>>, %arg6: memref<8x128xf32, #tpu.memory_space<vmem>>, %arg7: memref<400x128xi32, #tpu.memory_space<vmem>>, %arg8: memref<400x128xf32, #tpu.memory_space<vmem>>, %arg9: memref<400x128xf32, #tpu.memory_space<vmem>>) attributes {dimension_semantics = [#tpu.dimension_semantics<arbitrary>], iteration_bounds = array<i64: 25>, scalar_prefetch = 0 : i64, scratch_operands = 0 : i64, tpu.core_type = #tpu.core_type<tc>, window_params = [{transform_indices = @transform_0, window_bounds = array<i64: 400, 128>}, {pipeline_mode = #tpu.pipeline_mode<synchronous>, transform_indices = @transform_1, window_bounds = array<i64: 128, 128>}, {pipeline_mode = #tpu.pipeline_mode<synchronous>, transform_indices = @transform_2, window_bounds = array<i64: 128, 128>}, {pipeline_mode = #tpu.pipeline_mode<synchronous>, transform_indices = @transform_3, window_bounds = array<i64: 128, 128>}, {pipeline_mode = #tpu.pipeline_mode<synchronous>, transform_indices = @transform_4, window_bounds = array<i64: 128, 128>}, {pipeline_mode = #tpu.pipeline_mode<synchronous>, transform_indices = @transform_5, window_bounds = array<i64: 8, 128>}, {transform_indices = @transform_6, window_bounds = array<i64: 400, 128>}, {transform_indices = @transform_7, window_bounds = array<i64: 400, 128>}, {transform_indices = @transform_8, window_bounds = array<i64: 400, 128>}]} {
    %get3A = arith.constant 0 : index
    %get3A_0 = arith.constant 0 : index
    %get3A_1 = vector.load %arg1[%get3A, %get3A_0] : memref<400x128xf32, #tpu.memory_space<vmem>>, vector<400x128xf32>
    %get3A_2 = arith.constant 0 : index
    %get3A_3 = arith.constant 0 : index
    %get3A_4 = vector.load %arg2[%get3A_2, %get3A_3] : memref<128x128xf32, #tpu.memory_space<vmem>>, vector<128x128xf32>
    %dot_general3A = arith.constant dense<0.000000e+00> : vector<400x128xf32>
    %dot_general3A_5 = tpu.matmul %get3A_1, %get3A_4, %dot_general3A {dimension_numbers = #tpu.dot_dimension_numbers<[1], [1], [0], [0], [0, 0, 1, 0], [], []>, transpose_lhs_hint = false} : vector<400x128xf32>, vector<128x128xf32>, vector<400x128xf32> -> vector<400x128xf32>
    %get3A_6 = arith.constant 0 : index
    %get3A_7 = arith.constant 0 : index
    %get3A_8 = vector.load %arg3[%get3A_6, %get3A_7] : memref<128x128xf32, #tpu.memory_space<vmem>>, vector<128x128xf32>
    %dot_general3A_9 = arith.constant dense<0.000000e+00> : vector<400x128xf32>
    %dot_general3A_10 = tpu.matmul %get3A_1, %get3A_8, %dot_general3A_9 {dimension_numbers = #tpu.dot_dimension_numbers<[1], [1], [0], [0], [0, 0, 1, 0], [], []>, transpose_lhs_hint = false} : vector<400x128xf32>, vector<128x128xf32>, vector<400x128xf32> -> vector<400x128xf32>
    %get3A_11 = arith.constant 0 : index
    %get3A_12 = arith.constant 0 : index
    %get3A_13 = vector.load %arg6[%get3A_11, %get3A_12] : memref<8x128xf32, #tpu.memory_space<vmem>>, vector<1x128xf32>
    %get3A_14 = vector.shape_cast %get3A_13 : vector<1x128xf32> to vector<128xf32>
    %broadcast_in_dim3A = vector.shape_cast %get3A_14 : vector<128xf32> to vector<1x128xf32>
    %add3A = vector.broadcast %broadcast_in_dim3A : vector<1x128xf32> to vector<400x128xf32>
    %add3A_15 = arith.addf %dot_general3A_10, %add3A : vector<400x128xf32>
    %bitcast_convert_type3A = tpu.bitcast %dot_general3A_5 : vector<400x128xf32> -> vector<400x128xi32>
    %add3A_16 = arith.constant 32768 : i32
    %add3A_17 = vector.broadcast %add3A_16 : i32 to vector<400x128xi32>
    %add3A_18 = arith.addi %bitcast_convert_type3A, %add3A_17 : vector<400x128xi32>
    %bitcast_convert_type3A_19 = tpu.bitcast %add3A_15 : vector<400x128xf32> -> vector<400x128xi32>
    %add3A_20 = arith.constant 32768 : i32
    %add3A_21 = vector.broadcast %add3A_20 : i32 to vector<400x128xi32>
    %add3A_22 = arith.addi %bitcast_convert_type3A_19, %add3A_21 : vector<400x128xi32>
    %and3A = arith.constant -65536 : i32
    %and3A_23 = vector.broadcast %and3A : i32 to vector<400x128xi32>
    %and3A_24 = arith.andi %add3A_22, %and3A_23 : vector<400x128xi32>
    %shift_right_arithmetic3A = arith.constant 16 : i32
    %shift_right_arithmetic3A_25 = vector.broadcast %shift_right_arithmetic3A : i32 to vector<400x128xi32>
    %shift_right_arithmetic3A_26 = arith.shrsi %add3A_18, %shift_right_arithmetic3A_25 : vector<400x128xi32>
    %and3A_27 = arith.constant 65535 : i32
    %and3A_28 = vector.broadcast %and3A_27 : i32 to vector<400x128xi32>
    %and3A_29 = arith.andi %shift_right_arithmetic3A_26, %and3A_28 : vector<400x128xi32>
    %or3A = arith.ori %and3A_24, %and3A_29 : vector<400x128xi32>
    %swap3A = arith.constant 0 : index
    %swap3A_30 = arith.constant 0 : index
    %swap3A_31 = vector.load %arg7[%swap3A, %swap3A_30] : memref<400x128xi32, #tpu.memory_space<vmem>>, vector<400x128xi32>
    tpu.vector_store %arg7[%swap3A, %swap3A_30], %or3A {strides = array<i32>} : memref<400x128xi32, #tpu.memory_space<vmem>>, vector<400x128xi32>,
    %get3A_32 = arith.constant 0 : index
    %get3A_33 = arith.constant 0 : index
    %get3A_34 = vector.load %arg4[%get3A_32, %get3A_33] : memref<128x128xf32, #tpu.memory_space<vmem>>, vector<128x128xf32>
    %dot_general3A_35 = arith.constant dense<0.000000e+00> : vector<400x128xf32>
    %dot_general3A_36 = tpu.matmul %get3A_1, %get3A_34, %dot_general3A_35 {dimension_numbers = #tpu.dot_dimension_numbers<[1], [1], [0], [0], [0, 0, 1, 0], [], []>, transpose_lhs_hint = false} : vector<400x128xf32>, vector<128x128xf32>, vector<400x128xf32> -> vector<400x128xf32>
    %swap3A_37 = arith.constant 0 : index
    %swap3A_38 = arith.constant 0 : index
    %swap3A_39 = vector.load %arg8[%swap3A_37, %swap3A_38] : memref<400x128xf32, #tpu.memory_space<vmem>>, vector<400x128xf32>
    tpu.vector_store %arg8[%swap3A_37, %swap3A_38], %dot_general3A_36 {strides = array<i32>} : memref<400x128xf32, #tpu.memory_space<vmem>>, vector<400x128xf32>,
    %get3A_40 = arith.constant 0 : index
    %get3A_41 = arith.constant 0 : index
    %get3A_42 = vector.load %arg5[%get3A_40, %get3A_41] : memref<128x128xf32, #tpu.memory_space<vmem>>, vector<128x128xf32>
    %dot_general3A_43 = arith.constant dense<0.000000e+00> : vector<400x128xf32>
    %dot_general3A_44 = tpu.matmul %get3A_1, %get3A_42, %dot_general3A_43 {dimension_numbers = #tpu.dot_dimension_numbers<[1], [1], [0], [0], [0, 0, 1, 0], [], []>, transpose_lhs_hint = false} : vector<400x128xf32>, vector<128x128xf32>, vector<400x128xf32> -> vector<400x128xf32>
    %swap3A_45 = arith.constant 0 : index
    %swap3A_46 = arith.constant 0 : index
    %swap3A_47 = vector.load %arg9[%swap3A_45, %swap3A_46] : memref<400x128xf32, #tpu.memory_space<vmem>>, vector<400x128xf32>
    tpu.vector_store %arg9[%swap3A_45, %swap3A_46], %dot_general3A_44 {strides = array<i32>} : memref<400x128xf32, #tpu.memory_space<vmem>>, vector<400x128xf32>,
    return
  }
  func.func @transform_0(%arg0: i32) -> (i32, i32) {
    %c0_i32 = arith.constant 0 : i32
    %c0_i32_0 = arith.constant 0 : i32
    return %arg0, %c0_i32 : i32, i32
  }
  func.func @transform_1(%arg0: i32) -> (i32, i32) {
    %c0_i32 = arith.constant 0 : i32
    %c0_i32_0 = arith.constant 0 : i32
    %c0_i32_1 = arith.constant 0 : i32
    return %c0_i32, %c0_i32_0 : i32, i32
  }
  func.func @transform_2(%arg0: i32) -> (i32, i32) {
    %c0_i32 = arith.constant 0 : i32
    %c0_i32_0 = arith.constant 0 : i32
    %c0_i32_1 = arith.constant 0 : i32
    return %c0_i32, %c0_i32_0 : i32, i32
  }
  func.func @transform_3(%arg0: i32) -> (i32, i32) {
    %c0_i32 = arith.constant 0 : i32
    %c0_i32_0 = arith.constant 0 : i32
    %c0_i32_1 = arith.constant 0 : i32
    return %c0_i32, %c0_i32_0 : i32, i32
  }
  func.func @transform_4(%arg0: i32) -> (i32, i32) {
    %c0_i32 = arith.constant 0 : i32
    %c0_i32_0 = arith.constant 0 : i32
    %c0_i32_1 = arith.constant 0 : i32
    return %c0_i32, %c0_i32_0 : i32, i32
  }
  func.func @transform_5(%arg0: i32) -> (i32, i32) {
    %c0_i32 = arith.constant 0 : i32
    %c0_i32_0 = arith.constant 0 : i32
    %c0_i32_1 = arith.constant 0 : i32
    return %c0_i32, %c0_i32_0 : i32, i32
  }
  func.func @transform_6(%arg0: i32) -> (i32, i32) {
    %c0_i32 = arith.constant 0 : i32
    %c0_i32_0 = arith.constant 0 : i32
    return %arg0, %c0_i32 : i32, i32
  }
  func.func @transform_7(%arg0: i32) -> (i32, i32) {
    %c0_i32 = arith.constant 0 : i32
    %c0_i32_0 = arith.constant 0 : i32
    return %arg0, %c0_i32 : i32, i32
  }
  func.func @transform_8(%arg0: i32) -> (i32, i32) {
    %c0_i32 = arith.constant 0 : i32
    %c0_i32_0 = arith.constant 0 : i32
    return %arg0, %c0_i32 : i32, i32
  }
}

module attributes {stable_mosaic.version = 14 : i64} {
  func.func @_edge_pre_body(%arg0: i32, %arg1: memref<1280x128xf32, #tpu.memory_space<vmem>>, %arg2: memref<1280x128xi32, #tpu.memory_space<vmem>>, %arg3: memref<1280x128xf32, #tpu.memory_space<vmem>>, %arg4: memref<128x128xf32, #tpu.memory_space<vmem>>, %arg5: memref<1280x128xf32, #tpu.memory_space<vmem>>, %arg6: memref<8x128xf32, #tpu.memory_space<vmem>>) attributes {dimension_semantics = [#tpu.dimension_semantics<arbitrary>], iteration_bounds = array<i64: 128>, scalar_prefetch = 0 : i64, scratch_operands = 0 : i64, tpu.core_type = #tpu.core_type<tc>, window_params = [{transform_indices = @transform_0, window_bounds = array<i64: 1280, 128>}, {transform_indices = @transform_1, window_bounds = array<i64: 1280, 128>}, {transform_indices = @transform_2, window_bounds = array<i64: 1280, 128>}, {pipeline_mode = #tpu.pipeline_mode<synchronous>, transform_indices = @transform_3, window_bounds = array<i64: 128, 128>}, {transform_indices = @transform_4, window_bounds = array<i64: 1280, 128>}, {pipeline_mode = #tpu.pipeline_mode<synchronous>, transform_indices = @transform_5, window_bounds = array<i64: 8, 128>}]} {
    %get3A = arith.constant 0 : index
    %get3A_0 = arith.constant 0 : index
    %get3A_1 = vector.load %arg2[%get3A, %get3A_0] : memref<1280x128xi32, #tpu.memory_space<vmem>>, vector<1280x128xi32>
    %shift_left3A = arith.constant 16 : i32
    %shift_left3A_2 = vector.broadcast %shift_left3A : i32 to vector<1280x128xi32>
    %shift_left3A_3 = arith.shli %get3A_1, %shift_left3A_2 : vector<1280x128xi32>
    %bitcast_convert_type3A = tpu.bitcast %shift_left3A_3 : vector<1280x128xi32> -> vector<1280x128xf32>
    %get3A_4 = arith.constant 0 : index
    %get3A_5 = arith.constant 0 : index
    %get3A_6 = vector.load %arg1[%get3A_4, %get3A_5] : memref<1280x128xf32, #tpu.memory_space<vmem>>, vector<1280x128xf32>
    %get3A_7 = arith.constant 0 : index
    %get3A_8 = arith.constant 0 : index
    %get3A_9 = vector.load %arg4[%get3A_7, %get3A_8] : memref<128x128xf32, #tpu.memory_space<vmem>>, vector<128x128xf32>
    %dot_general3A = arith.constant dense<0.000000e+00> : vector<1280x128xf32>
    %dot_general3A_10 = tpu.matmul %get3A_6, %get3A_9, %dot_general3A {dimension_numbers = #tpu.dot_dimension_numbers<[1], [1], [0], [0], [0, 0, 1, 0], [], []>, transpose_lhs_hint = false} : vector<1280x128xf32>, vector<128x128xf32>, vector<1280x128xf32> -> vector<1280x128xf32>
    %add3A = arith.addf %dot_general3A_10, %bitcast_convert_type3A : vector<1280x128xf32>
    %get3A_11 = arith.constant 0 : index
    %get3A_12 = arith.constant 0 : index
    %get3A_13 = vector.load %arg3[%get3A_11, %get3A_12] : memref<1280x128xf32, #tpu.memory_space<vmem>>, vector<1280x128xf32>
    %add3A_14 = arith.addf %add3A, %get3A_13 : vector<1280x128xf32>
    %swap3A = arith.constant 0 : index
    %swap3A_15 = arith.constant 0 : index
    %swap3A_16 = vector.load %arg5[%swap3A, %swap3A_15] : memref<1280x128xf32, #tpu.memory_space<vmem>>, vector<1280x128xf32>
    tpu.vector_store %arg5[%swap3A, %swap3A_15], %add3A_14 {strides = array<i32>} : memref<1280x128xf32, #tpu.memory_space<vmem>>, vector<1280x128xf32>,
    %reduce_sum3A = arith.constant dense<0.000000e+00> : vector<128xf32>
    %reduce_sum3A_17 = vector.multi_reduction <add>, %add3A_14, %reduce_sum3A [0] : vector<1280x128xf32> to vector<128xf32>
    %mul3A = arith.mulf %add3A_14, %add3A_14 : vector<1280x128xf32>
    %reduce_sum3A_18 = arith.constant dense<0.000000e+00> : vector<128xf32>
    %reduce_sum3A_19 = vector.multi_reduction <add>, %mul3A, %reduce_sum3A_18 [0] : vector<1280x128xf32> to vector<128xf32>
    %broadcast_in_dim3A = vector.shape_cast %reduce_sum3A_17 : vector<128xf32> to vector<1x128xf32>
    %broadcast_in_dim3A_20 = vector.shape_cast %reduce_sum3A_19 : vector<128xf32> to vector<1x128xf32>
    %broadcast_in_dim3A_21 = arith.constant 0.000000e+00 : f32
    %broadcast_in_dim3A_22 = vector.broadcast %broadcast_in_dim3A_21 : f32 to vector<6x128xf32>
    %concatenate3A = tpu.concatenate %broadcast_in_dim3A, %broadcast_in_dim3A_20, %broadcast_in_dim3A_22 in 0 : vector<1x128xf32>, vector<1x128xf32>, vector<6x128xf32> -> vector<8x128xf32>
    %eq3A = arith.constant 0 : i32
    %eq3A_23 = arith.cmpi eq, %arg0, %eq3A : i32
    %convert_element_type3A = arith.extui %eq3A_23 : i1 to i32
    %cond3A = arith.constant 0 : i32
    %cond3A_24 = arith.cmpi ne, %convert_element_type3A, %cond3A : i32
    scf.if %cond3A_24 {
      %swap3A_29 = arith.constant 0 : index
      %swap3A_30 = arith.constant 0 : index
      %swap3A_31 = vector.load %arg6[%swap3A_29, %swap3A_30] : memref<8x128xf32, #tpu.memory_space<vmem>>, vector<8x128xf32>
      tpu.vector_store %arg6[%swap3A_29, %swap3A_30], %concatenate3A {strides = array<i32>} : memref<8x128xf32, #tpu.memory_space<vmem>>, vector<8x128xf32>,
    } else {
    }
    %gt3A = arith.constant 0 : i32
    %gt3A_25 = arith.cmpi sgt, %arg0, %gt3A : i32
    %convert_element_type3A_26 = arith.extui %gt3A_25 : i1 to i32
    %cond3A_27 = arith.constant 0 : i32
    %cond3A_28 = arith.cmpi ne, %convert_element_type3A_26, %cond3A_27 : i32
    scf.if %cond3A_28 {
      %get3A_29 = arith.constant 0 : index
      %get3A_30 = arith.constant 0 : index
      %get3A_31 = vector.load %arg6[%get3A_29, %get3A_30] : memref<8x128xf32, #tpu.memory_space<vmem>>, vector<8x128xf32>
      %add3A_32 = arith.addf %get3A_31, %concatenate3A : vector<8x128xf32>
      %swap3A_33 = arith.constant 0 : index
      %swap3A_34 = arith.constant 0 : index
      %swap3A_35 = vector.load %arg6[%swap3A_33, %swap3A_34] : memref<8x128xf32, #tpu.memory_space<vmem>>, vector<8x128xf32>
      tpu.vector_store %arg6[%swap3A_33, %swap3A_34], %add3A_32 {strides = array<i32>} : memref<8x128xf32, #tpu.memory_space<vmem>>, vector<8x128xf32>,
    } else {
    }
    return
  }
  func.func @transform_0(%arg0: i32) -> (i32, i32) {
    %add3A = arith.constant 0 : i32
    %add3A_0 = arith.addi %arg0, %add3A : i32
    %c0_i32 = arith.constant 0 : i32
    %c0_i32_1 = arith.constant 0 : i32
    return %add3A_0, %c0_i32 : i32, i32
  }
  func.func @transform_1(%arg0: i32) -> (i32, i32) {
    %c0_i32 = arith.constant 0 : i32
    %c0_i32_0 = arith.constant 0 : i32
    return %arg0, %c0_i32 : i32, i32
  }
  func.func @transform_2(%arg0: i32) -> (i32, i32) {
    %c0_i32 = arith.constant 0 : i32
    %c0_i32_0 = arith.constant 0 : i32
    return %arg0, %c0_i32 : i32, i32
  }
  func.func @transform_3(%arg0: i32) -> (i32, i32) {
    %c0_i32 = arith.constant 0 : i32
    %c0_i32_0 = arith.constant 0 : i32
    %c0_i32_1 = arith.constant 0 : i32
    return %c0_i32, %c0_i32_0 : i32, i32
  }
  func.func @transform_4(%arg0: i32) -> (i32, i32) {
    %c0_i32 = arith.constant 0 : i32
    %c0_i32_0 = arith.constant 0 : i32
    return %arg0, %c0_i32 : i32, i32
  }
  func.func @transform_5(%arg0: i32) -> (i32, i32) {
    %c0_i32 = arith.constant 0 : i32
    %c0_i32_0 = arith.constant 0 : i32
    %c0_i32_1 = arith.constant 0 : i32
    return %c0_i32, %c0_i32_0 : i32, i32
  }
}

module attributes {stable_mosaic.version = 14 : i64} {
  func.func @_edge_pre_body(%arg0: i32, %arg1: memref<1280x128xf32, #tpu.memory_space<vmem>>, %arg2: memref<1280x128xi32, #tpu.memory_space<vmem>>, %arg3: memref<1280x128xf32, #tpu.memory_space<vmem>>, %arg4: memref<128x128xf32, #tpu.memory_space<vmem>>, %arg5: memref<1280x128xf32, #tpu.memory_space<vmem>>, %arg6: memref<8x128xf32, #tpu.memory_space<vmem>>) attributes {dimension_semantics = [#tpu.dimension_semantics<arbitrary>], iteration_bounds = array<i64: 122>, scalar_prefetch = 0 : i64, scratch_operands = 0 : i64, tpu.core_type = #tpu.core_type<tc>, window_params = [{transform_indices = @transform_0, window_bounds = array<i64: 1280, 128>}, {transform_indices = @transform_1, window_bounds = array<i64: 1280, 128>}, {transform_indices = @transform_2, window_bounds = array<i64: 1280, 128>}, {pipeline_mode = #tpu.pipeline_mode<synchronous>, transform_indices = @transform_3, window_bounds = array<i64: 128, 128>}, {transform_indices = @transform_4, window_bounds = array<i64: 1280, 128>}, {pipeline_mode = #tpu.pipeline_mode<synchronous>, transform_indices = @transform_5, window_bounds = array<i64: 8, 128>}]} {
    %get3A = arith.constant 0 : index
    %get3A_0 = arith.constant 0 : index
    %get3A_1 = vector.load %arg2[%get3A, %get3A_0] : memref<1280x128xi32, #tpu.memory_space<vmem>>, vector<1280x128xi32>
    %shift_left3A = arith.constant 16 : i32
    %shift_left3A_2 = vector.broadcast %shift_left3A : i32 to vector<1280x128xi32>
    %shift_left3A_3 = arith.shli %get3A_1, %shift_left3A_2 : vector<1280x128xi32>
    %bitcast_convert_type3A = tpu.bitcast %shift_left3A_3 : vector<1280x128xi32> -> vector<1280x128xf32>
    %get3A_4 = arith.constant 0 : index
    %get3A_5 = arith.constant 0 : index
    %get3A_6 = vector.load %arg1[%get3A_4, %get3A_5] : memref<1280x128xf32, #tpu.memory_space<vmem>>, vector<1280x128xf32>
    %get3A_7 = arith.constant 0 : index
    %get3A_8 = arith.constant 0 : index
    %get3A_9 = vector.load %arg4[%get3A_7, %get3A_8] : memref<128x128xf32, #tpu.memory_space<vmem>>, vector<128x128xf32>
    %dot_general3A = arith.constant dense<0.000000e+00> : vector<1280x128xf32>
    %dot_general3A_10 = tpu.matmul %get3A_6, %get3A_9, %dot_general3A {dimension_numbers = #tpu.dot_dimension_numbers<[1], [1], [0], [0], [0, 0, 1, 0], [], []>, transpose_lhs_hint = false} : vector<1280x128xf32>, vector<128x128xf32>, vector<1280x128xf32> -> vector<1280x128xf32>
    %add3A = arith.addf %dot_general3A_10, %bitcast_convert_type3A : vector<1280x128xf32>
    %get3A_11 = arith.constant 0 : index
    %get3A_12 = arith.constant 0 : index
    %get3A_13 = vector.load %arg3[%get3A_11, %get3A_12] : memref<1280x128xf32, #tpu.memory_space<vmem>>, vector<1280x128xf32>
    %add3A_14 = arith.addf %add3A, %get3A_13 : vector<1280x128xf32>
    %swap3A = arith.constant 0 : index
    %swap3A_15 = arith.constant 0 : index
    %swap3A_16 = vector.load %arg5[%swap3A, %swap3A_15] : memref<1280x128xf32, #tpu.memory_space<vmem>>, vector<1280x128xf32>
    tpu.vector_store %arg5[%swap3A, %swap3A_15], %add3A_14 {strides = array<i32>} : memref<1280x128xf32, #tpu.memory_space<vmem>>, vector<1280x128xf32>,
    %reduce_sum3A = arith.constant dense<0.000000e+00> : vector<128xf32>
    %reduce_sum3A_17 = vector.multi_reduction <add>, %add3A_14, %reduce_sum3A [0] : vector<1280x128xf32> to vector<128xf32>
    %mul3A = arith.mulf %add3A_14, %add3A_14 : vector<1280x128xf32>
    %reduce_sum3A_18 = arith.constant dense<0.000000e+00> : vector<128xf32>
    %reduce_sum3A_19 = vector.multi_reduction <add>, %mul3A, %reduce_sum3A_18 [0] : vector<1280x128xf32> to vector<128xf32>
    %broadcast_in_dim3A = vector.shape_cast %reduce_sum3A_17 : vector<128xf32> to vector<1x128xf32>
    %broadcast_in_dim3A_20 = vector.shape_cast %reduce_sum3A_19 : vector<128xf32> to vector<1x128xf32>
    %broadcast_in_dim3A_21 = arith.constant 0.000000e+00 : f32
    %broadcast_in_dim3A_22 = vector.broadcast %broadcast_in_dim3A_21 : f32 to vector<6x128xf32>
    %concatenate3A = tpu.concatenate %broadcast_in_dim3A, %broadcast_in_dim3A_20, %broadcast_in_dim3A_22 in 0 : vector<1x128xf32>, vector<1x128xf32>, vector<6x128xf32> -> vector<8x128xf32>
    %eq3A = arith.constant 0 : i32
    %eq3A_23 = arith.cmpi eq, %arg0, %eq3A : i32
    %convert_element_type3A = arith.extui %eq3A_23 : i1 to i32
    %cond3A = arith.constant 0 : i32
    %cond3A_24 = arith.cmpi ne, %convert_element_type3A, %cond3A : i32
    scf.if %cond3A_24 {
      %swap3A_29 = arith.constant 0 : index
      %swap3A_30 = arith.constant 0 : index
      %swap3A_31 = vector.load %arg6[%swap3A_29, %swap3A_30] : memref<8x128xf32, #tpu.memory_space<vmem>>, vector<8x128xf32>
      tpu.vector_store %arg6[%swap3A_29, %swap3A_30], %concatenate3A {strides = array<i32>} : memref<8x128xf32, #tpu.memory_space<vmem>>, vector<8x128xf32>,
    } else {
    }
    %gt3A = arith.constant 0 : i32
    %gt3A_25 = arith.cmpi sgt, %arg0, %gt3A : i32
    %convert_element_type3A_26 = arith.extui %gt3A_25 : i1 to i32
    %cond3A_27 = arith.constant 0 : i32
    %cond3A_28 = arith.cmpi ne, %convert_element_type3A_26, %cond3A_27 : i32
    scf.if %cond3A_28 {
      %get3A_29 = arith.constant 0 : index
      %get3A_30 = arith.constant 0 : index
      %get3A_31 = vector.load %arg6[%get3A_29, %get3A_30] : memref<8x128xf32, #tpu.memory_space<vmem>>, vector<8x128xf32>
      %add3A_32 = arith.addf %get3A_31, %concatenate3A : vector<8x128xf32>
      %swap3A_33 = arith.constant 0 : index
      %swap3A_34 = arith.constant 0 : index
      %swap3A_35 = vector.load %arg6[%swap3A_33, %swap3A_34] : memref<8x128xf32, #tpu.memory_space<vmem>>, vector<8x128xf32>
      tpu.vector_store %arg6[%swap3A_33, %swap3A_34], %add3A_32 {strides = array<i32>} : memref<8x128xf32, #tpu.memory_space<vmem>>, vector<8x128xf32>,
    } else {
    }
    return
  }
  func.func @transform_0(%arg0: i32) -> (i32, i32) {
    %add3A = arith.constant 128 : i32
    %add3A_0 = arith.addi %arg0, %add3A : i32
    %c0_i32 = arith.constant 0 : i32
    %c0_i32_1 = arith.constant 0 : i32
    return %add3A_0, %c0_i32 : i32, i32
  }
  func.func @transform_1(%arg0: i32) -> (i32, i32) {
    %c0_i32 = arith.constant 0 : i32
    %c0_i32_0 = arith.constant 0 : i32
    return %arg0, %c0_i32 : i32, i32
  }
  func.func @transform_2(%arg0: i32) -> (i32, i32) {
    %c0_i32 = arith.constant 0 : i32
    %c0_i32_0 = arith.constant 0 : i32
    return %arg0, %c0_i32 : i32, i32
  }
  func.func @transform_3(%arg0: i32) -> (i32, i32) {
    %c0_i32 = arith.constant 0 : i32
    %c0_i32_0 = arith.constant 0 : i32
    %c0_i32_1 = arith.constant 0 : i32
    return %c0_i32, %c0_i32_0 : i32, i32
  }
  func.func @transform_4(%arg0: i32) -> (i32, i32) {
    %c0_i32 = arith.constant 0 : i32
    %c0_i32_0 = arith.constant 0 : i32
    return %arg0, %c0_i32 : i32, i32
  }
  func.func @transform_5(%arg0: i32) -> (i32, i32) {
    %c0_i32 = arith.constant 0 : i32
    %c0_i32_0 = arith.constant 0 : i32
    %c0_i32_1 = arith.constant 0 : i32
    return %c0_i32, %c0_i32_0 : i32, i32
  }
}

module attributes {stable_mosaic.version = 14 : i64} {
  func.func @_edge_fin_body(%arg0: i32, %arg1: memref<1280x128xf32, #tpu.memory_space<vmem>>, %arg2: memref<1280x128xf32, #tpu.memory_space<vmem>>, %arg3: memref<1280x128xi32, #tpu.memory_space<vmem>>, %arg4: memref<8x128xf32, #tpu.memory_space<vmem>>, %arg5: memref<8x128xf32, #tpu.memory_space<vmem>>, %arg6: memref<8x128xf32, #tpu.memory_space<vmem>>, %arg7: memref<1280x128xf32, #tpu.memory_space<vmem>>, %arg8: memref<1280x128xf32, #tpu.memory_space<vmem>>, %arg9: memref<1280x128xf32, #tpu.memory_space<vmem>>) attributes {dimension_semantics = [#tpu.dimension_semantics<arbitrary>], iteration_bounds = array<i64: 128>, scalar_prefetch = 0 : i64, scratch_operands = 0 : i64, tpu.core_type = #tpu.core_type<tc>, window_params = [{transform_indices = @transform_0, window_bounds = array<i64: 1280, 128>}, {transform_indices = @transform_1, window_bounds = array<i64: 1280, 128>}, {transform_indices = @transform_2, window_bounds = array<i64: 1280, 128>}, {pipeline_mode = #tpu.pipeline_mode<synchronous>, transform_indices = @transform_3, window_bounds = array<i64: 8, 128>}, {pipeline_mode = #tpu.pipeline_mode<synchronous>, transform_indices = @transform_4, window_bounds = array<i64: 8, 128>}, {pipeline_mode = #tpu.pipeline_mode<synchronous>, transform_indices = @transform_5, window_bounds = array<i64: 8, 128>}, {transform_indices = @transform_6, window_bounds = array<i64: 1280, 128>}, {transform_indices = @transform_7, window_bounds = array<i64: 1280, 128>}, {transform_indices = @transform_8, window_bounds = array<i64: 1280, 128>}]} {
    %get3A = arith.constant 0 : index
    %get3A_0 = arith.constant 0 : index
    %get3A_1 = vector.load %arg4[%get3A, %get3A_0] : memref<8x128xf32, #tpu.memory_space<vmem>>, vector<8x128xf32>
    %get3A_2 = arith.constant 0 : index
    %get3A_3 = arith.constant 0 : index
    %get3A_4 = vector.load %arg5[%get3A_2, %get3A_3] : memref<8x128xf32, #tpu.memory_space<vmem>>, vector<8x128xf32>
    %add3A = arith.addf %get3A_1, %get3A_4 : vector<8x128xf32>
    %slice3A = vector.extract_strided_slice %add3A {offsets = [0, 0], sizes = [1, 128], strides = [1, 1]} : vector<8x128xf32> to vector<1x128xf32>
    %squeeze3A = vector.shape_cast %slice3A : vector<1x128xf32> to vector<128xf32>
    %div3A = arith.constant 3.200000e+05 : f32
    %div3A_5 = vector.broadcast %div3A : f32 to vector<128xf32>
    %div3A_6 = arith.divf %squeeze3A, %div3A_5 : vector<128xf32>
    %slice3A_7 = vector.extract_strided_slice %add3A {offsets = [1, 0], sizes = [1, 128], strides = [1, 1]} : vector<8x128xf32> to vector<1x128xf32>
    %squeeze3A_8 = vector.shape_cast %slice3A_7 : vector<1x128xf32> to vector<128xf32>
    %div3A_9 = arith.constant 3.200000e+05 : f32
    %div3A_10 = vector.broadcast %div3A_9 : f32 to vector<128xf32>
    %div3A_11 = arith.divf %squeeze3A_8, %div3A_10 : vector<128xf32>
    %mul3A = arith.mulf %div3A_6, %div3A_6 : vector<128xf32>
    %sub3A = arith.subf %div3A_11, %mul3A : vector<128xf32>
    %add3A_12 = arith.constant 9.99999974E-6 : f32
    %add3A_13 = vector.broadcast %add3A_12 : f32 to vector<128xf32>
    %add3A_14 = arith.addf %sub3A, %add3A_13 : vector<128xf32>
    %rsqrt3A = math.rsqrt %add3A_14 : vector<128xf32>
    %get3A_15 = arith.constant 0 : index
    %get3A_16 = arith.constant 0 : index
    %get3A_17 = vector.load %arg1[%get3A_15, %get3A_16] : memref<1280x128xf32, #tpu.memory_space<vmem>>, vector<1280x128xf32>
    %broadcast_in_dim3A = vector.shape_cast %div3A_6 : vector<128xf32> to vector<1x128xf32>
    %sub3A_18 = vector.broadcast %broadcast_in_dim3A : vector<1x128xf32> to vector<1280x128xf32>
    %sub3A_19 = arith.subf %get3A_17, %sub3A_18 : vector<1280x128xf32>
    %broadcast_in_dim3A_20 = vector.shape_cast %rsqrt3A : vector<128xf32> to vector<1x128xf32>
    %mul3A_21 = vector.broadcast %broadcast_in_dim3A_20 : vector<1x128xf32> to vector<1280x128xf32>
    %mul3A_22 = arith.mulf %sub3A_19, %mul3A_21 : vector<1280x128xf32>
    %get3A_23 = arith.constant 0 : index
    %get3A_24 = arith.constant 0 : index
    %get3A_25 = vector.load %arg6[%get3A_23, %get3A_24] : memref<8x128xf32, #tpu.memory_space<vmem>>, vector<1x128xf32>
    %get3A_26 = vector.shape_cast %get3A_25 : vector<1x128xf32> to vector<128xf32>
    %broadcast_in_dim3A_27 = vector.shape_cast %get3A_26 : vector<128xf32> to vector<1x128xf32>
    %mul3A_28 = vector.broadcast %broadcast_in_dim3A_27 : vector<1x128xf32> to vector<1280x128xf32>
    %mul3A_29 = arith.mulf %mul3A_22, %mul3A_28 : vector<1280x128xf32>
    %get3A_30 = arith.constant 1 : index
    %get3A_31 = arith.constant 0 : index
    %get3A_32 = vector.load %arg6[%get3A_30, %get3A_31] : memref<8x128xf32, #tpu.memory_space<vmem>>, vector<1x128xf32>
    %get3A_33 = vector.shape_cast %get3A_32 : vector<1x128xf32> to vector<128xf32>
    %broadcast_in_dim3A_34 = vector.shape_cast %get3A_33 : vector<128xf32> to vector<1x128xf32>
    %add3A_35 = vector.broadcast %broadcast_in_dim3A_34 : vector<1x128xf32> to vector<1280x128xf32>
    %add3A_36 = arith.addf %mul3A_29, %add3A_35 : vector<1280x128xf32>
    %get3A_37 = arith.constant 0 : index
    %get3A_38 = arith.constant 0 : index
    %get3A_39 = vector.load %arg2[%get3A_37, %get3A_38] : memref<1280x128xf32, #tpu.memory_space<vmem>>, vector<1280x128xf32>
    %logistic3A = arith.negf %add3A_36 : vector<1280x128xf32>
    %logistic3A_40 = math.exp %logistic3A : vector<1280x128xf32>
    %logistic3A_41 = arith.constant 1.000000e+00 : f32
    %logistic3A_42 = vector.broadcast %logistic3A_41 : f32 to vector<1280x128xf32>
    %logistic3A_43 = arith.addf %logistic3A_42, %logistic3A_40 : vector<1280x128xf32>
    %logistic3A_44 = arith.divf %logistic3A_42, %logistic3A_43 : vector<1280x128xf32>
    %mul3A_45 = arith.mulf %add3A_36, %logistic3A_44 : vector<1280x128xf32>
    %add3A_46 = arith.addf %get3A_39, %mul3A_45 : vector<1280x128xf32>
    %logistic3A_47 = arith.negf %add3A_46 : vector<1280x128xf32>
    %logistic3A_48 = math.exp %logistic3A_47 : vector<1280x128xf32>
    %logistic3A_49 = arith.constant 1.000000e+00 : f32
    %logistic3A_50 = vector.broadcast %logistic3A_49 : f32 to vector<1280x128xf32>
    %logistic3A_51 = arith.addf %logistic3A_50, %logistic3A_48 : vector<1280x128xf32>
    %logistic3A_52 = arith.divf %logistic3A_50, %logistic3A_51 : vector<1280x128xf32>
    %swap3A = arith.constant 0 : index
    %swap3A_53 = arith.constant 0 : index
    %swap3A_54 = vector.load %arg7[%swap3A, %swap3A_53] : memref<1280x128xf32, #tpu.memory_space<vmem>>, vector<1280x128xf32>
    tpu.vector_store %arg7[%swap3A, %swap3A_53], %add3A_46 {strides = array<i32>} : memref<1280x128xf32, #tpu.memory_space<vmem>>, vector<1280x128xf32>,
    %swap3A_55 = arith.constant 0 : index
    %swap3A_56 = arith.constant 0 : index
    %swap3A_57 = vector.load %arg8[%swap3A_55, %swap3A_56] : memref<1280x128xf32, #tpu.memory_space<vmem>>, vector<1280x128xf32>
    tpu.vector_store %arg8[%swap3A_55, %swap3A_56], %logistic3A_52 {strides = array<i32>} : memref<1280x128xf32, #tpu.memory_space<vmem>>, vector<1280x128xf32>,
    %get3A_58 = arith.constant 0 : index
    %get3A_59 = arith.constant 0 : index
    %get3A_60 = vector.load %arg3[%get3A_58, %get3A_59] : memref<1280x128xi32, #tpu.memory_space<vmem>>, vector<1280x128xi32>
    %and3A = arith.constant -65536 : i32
    %and3A_61 = vector.broadcast %and3A : i32 to vector<1280x128xi32>
    %and3A_62 = arith.andi %get3A_60, %and3A_61 : vector<1280x128xi32>
    %bitcast_convert_type3A = tpu.bitcast %and3A_62 : vector<1280x128xi32> -> vector<1280x128xf32>
    %mul3A_63 = arith.mulf %logistic3A_52, %bitcast_convert_type3A : vector<1280x128xf32>
    %swap3A_64 = arith.constant 0 : index
    %swap3A_65 = arith.constant 0 : index
    %swap3A_66 = vector.load %arg9[%swap3A_64, %swap3A_65] : memref<1280x128xf32, #tpu.memory_space<vmem>>, vector<1280x128xf32>
    tpu.vector_store %arg9[%swap3A_64, %swap3A_65], %mul3A_63 {strides = array<i32>} : memref<1280x128xf32, #tpu.memory_space<vmem>>, vector<1280x128xf32>,
    return
  }
  func.func @transform_0(%arg0: i32) -> (i32, i32) {
    %c0_i32 = arith.constant 0 : i32
    %c0_i32_0 = arith.constant 0 : i32
    return %arg0, %c0_i32 : i32, i32
  }
  func.func @transform_1(%arg0: i32) -> (i32, i32) {
    %c0_i32 = arith.constant 0 : i32
    %c0_i32_0 = arith.constant 0 : i32
    return %arg0, %c0_i32 : i32, i32
  }
  func.func @transform_2(%arg0: i32) -> (i32, i32) {
    %c0_i32 = arith.constant 0 : i32
    %c0_i32_0 = arith.constant 0 : i32
    return %arg0, %c0_i32 : i32, i32
  }
  func.func @transform_3(%arg0: i32) -> (i32, i32) {
    %c0_i32 = arith.constant 0 : i32
    %c0_i32_0 = arith.constant 0 : i32
    %c0_i32_1 = arith.constant 0 : i32
    return %c0_i32, %c0_i32_0 : i32, i32
  }
  func.func @transform_4(%arg0: i32) -> (i32, i32) {
    %c0_i32 = arith.constant 0 : i32
    %c0_i32_0 = arith.constant 0 : i32
    %c0_i32_1 = arith.constant 0 : i32
    return %c0_i32, %c0_i32_0 : i32, i32
  }
  func.func @transform_5(%arg0: i32) -> (i32, i32) {
    %c0_i32 = arith.constant 0 : i32
    %c0_i32_0 = arith.constant 0 : i32
    %c0_i32_1 = arith.constant 0 : i32
    return %c0_i32, %c0_i32_0 : i32, i32
  }
  func.func @transform_6(%arg0: i32) -> (i32, i32) {
    %c0_i32 = arith.constant 0 : i32
    %c0_i32_0 = arith.constant 0 : i32
    return %arg0, %c0_i32 : i32, i32
  }
  func.func @transform_7(%arg0: i32) -> (i32, i32) {
    %c0_i32 = arith.constant 0 : i32
    %c0_i32_0 = arith.constant 0 : i32
    return %arg0, %c0_i32 : i32, i32
  }
  func.func @transform_8(%arg0: i32) -> (i32, i32) {
    %c0_i32 = arith.constant 0 : i32
    %c0_i32_0 = arith.constant 0 : i32
    return %arg0, %c0_i32 : i32, i32
  }
}

module attributes {stable_mosaic.version = 14 : i64} {
  func.func @_edge_fin_body_b(%arg0: i32, %arg1: memref<1280x128xf32, #tpu.memory_space<vmem>>, %arg2: memref<1280x128xf32, #tpu.memory_space<vmem>>, %arg3: memref<1280x128xi32, #tpu.memory_space<vmem>>, %arg4: memref<8x128xf32, #tpu.memory_space<vmem>>, %arg5: memref<8x128xf32, #tpu.memory_space<vmem>>, %arg6: memref<8x128xf32, #tpu.memory_space<vmem>>, %arg7: memref<320000x128xf32, #tpu.memory_space<any>>, %arg8: memref<1280x128xf32, #tpu.memory_space<vmem>>, %arg9: memref<1280x128xf32, #tpu.memory_space<vmem>>, %arg10: memref<1280x128xf32, #tpu.memory_space<vmem>>) attributes {dimension_semantics = [#tpu.dimension_semantics<arbitrary>], iteration_bounds = array<i64: 122>, scalar_prefetch = 0 : i64, scratch_operands = 0 : i64, tpu.core_type = #tpu.core_type<tc>, window_params = [{transform_indices = @transform_0, window_bounds = array<i64: 1280, 128>}, {transform_indices = @transform_1, window_bounds = array<i64: 1280, 128>}, {transform_indices = @transform_2, window_bounds = array<i64: 1280, 128>}, {pipeline_mode = #tpu.pipeline_mode<synchronous>, transform_indices = @transform_3, window_bounds = array<i64: 8, 128>}, {pipeline_mode = #tpu.pipeline_mode<synchronous>, transform_indices = @transform_4, window_bounds = array<i64: 8, 128>}, {pipeline_mode = #tpu.pipeline_mode<synchronous>, transform_indices = @transform_5, window_bounds = array<i64: 8, 128>}, {}, {transform_indices = @transform_7, window_bounds = array<i64: 1280, 128>}, {transform_indices = @transform_8, window_bounds = array<i64: 1280, 128>}, {transform_indices = @transform_9, window_bounds = array<i64: 1280, 128>}]} {
    %get3A = arith.constant 0 : index
    %get3A_0 = arith.constant 0 : index
    %get3A_1 = vector.load %arg4[%get3A, %get3A_0] : memref<8x128xf32, #tpu.memory_space<vmem>>, vector<8x128xf32>
    %get3A_2 = arith.constant 0 : index
    %get3A_3 = arith.constant 0 : index
    %get3A_4 = vector.load %arg5[%get3A_2, %get3A_3] : memref<8x128xf32, #tpu.memory_space<vmem>>, vector<8x128xf32>
    %add3A = arith.addf %get3A_1, %get3A_4 : vector<8x128xf32>
    %slice3A = vector.extract_strided_slice %add3A {offsets = [0, 0], sizes = [1, 128], strides = [1, 1]} : vector<8x128xf32> to vector<1x128xf32>
    %squeeze3A = vector.shape_cast %slice3A : vector<1x128xf32> to vector<128xf32>
    %div3A = arith.constant 3.200000e+05 : f32
    %div3A_5 = vector.broadcast %div3A : f32 to vector<128xf32>
    %div3A_6 = arith.divf %squeeze3A, %div3A_5 : vector<128xf32>
    %slice3A_7 = vector.extract_strided_slice %add3A {offsets = [1, 0], sizes = [1, 128], strides = [1, 1]} : vector<8x128xf32> to vector<1x128xf32>
    %squeeze3A_8 = vector.shape_cast %slice3A_7 : vector<1x128xf32> to vector<128xf32>
    %div3A_9 = arith.constant 3.200000e+05 : f32
    %div3A_10 = vector.broadcast %div3A_9 : f32 to vector<128xf32>
    %div3A_11 = arith.divf %squeeze3A_8, %div3A_10 : vector<128xf32>
    %mul3A = arith.mulf %div3A_6, %div3A_6 : vector<128xf32>
    %sub3A = arith.subf %div3A_11, %mul3A : vector<128xf32>
    %add3A_12 = arith.constant 9.99999974E-6 : f32
    %add3A_13 = vector.broadcast %add3A_12 : f32 to vector<128xf32>
    %add3A_14 = arith.addf %sub3A, %add3A_13 : vector<128xf32>
    %rsqrt3A = math.rsqrt %add3A_14 : vector<128xf32>
    %get3A_15 = arith.constant 0 : index
    %get3A_16 = arith.constant 0 : index
    %get3A_17 = vector.load %arg1[%get3A_15, %get3A_16] : memref<1280x128xf32, #tpu.memory_space<vmem>>, vector<1280x128xf32>
    %broadcast_in_dim3A = vector.shape_cast %div3A_6 : vector<128xf32> to vector<1x128xf32>
    %sub3A_18 = vector.broadcast %broadcast_in_dim3A : vector<1x128xf32> to vector<1280x128xf32>
    %sub3A_19 = arith.subf %get3A_17, %sub3A_18 : vector<1280x128xf32>
    %broadcast_in_dim3A_20 = vector.shape_cast %rsqrt3A : vector<128xf32> to vector<1x128xf32>
    %mul3A_21 = vector.broadcast %broadcast_in_dim3A_20 : vector<1x128xf32> to vector<1280x128xf32>
    %mul3A_22 = arith.mulf %sub3A_19, %mul3A_21 : vector<1280x128xf32>
    %get3A_23 = arith.constant 0 : index
    %get3A_24 = arith.constant 0 : index
    %get3A_25 = vector.load %arg6[%get3A_23, %get3A_24] : memref<8x128xf32, #tpu.memory_space<vmem>>, vector<1x128xf32>
    %get3A_26 = vector.shape_cast %get3A_25 : vector<1x128xf32> to vector<128xf32>
    %broadcast_in_dim3A_27 = vector.shape_cast %get3A_26 : vector<128xf32> to vector<1x128xf32>
    %mul3A_28 = vector.broadcast %broadcast_in_dim3A_27 : vector<1x128xf32> to vector<1280x128xf32>
    %mul3A_29 = arith.mulf %mul3A_22, %mul3A_28 : vector<1280x128xf32>
    %get3A_30 = arith.constant 1 : index
    %get3A_31 = arith.constant 0 : index
    %get3A_32 = vector.load %arg6[%get3A_30, %get3A_31] : memref<8x128xf32, #tpu.memory_space<vmem>>, vector<1x128xf32>
    %get3A_33 = vector.shape_cast %get3A_32 : vector<1x128xf32> to vector<128xf32>
    %broadcast_in_dim3A_34 = vector.shape_cast %get3A_33 : vector<128xf32> to vector<1x128xf32>
    %add3A_35 = vector.broadcast %broadcast_in_dim3A_34 : vector<1x128xf32> to vector<1280x128xf32>
    %add3A_36 = arith.addf %mul3A_29, %add3A_35 : vector<1280x128xf32>
    %get3A_37 = arith.constant 0 : index
    %get3A_38 = arith.constant 0 : index
    %get3A_39 = vector.load %arg2[%get3A_37, %get3A_38] : memref<1280x128xf32, #tpu.memory_space<vmem>>, vector<1280x128xf32>
    %logistic3A = arith.negf %add3A_36 : vector<1280x128xf32>
    %logistic3A_40 = math.exp %logistic3A : vector<1280x128xf32>
    %logistic3A_41 = arith.constant 1.000000e+00 : f32
    %logistic3A_42 = vector.broadcast %logistic3A_41 : f32 to vector<1280x128xf32>
    %logistic3A_43 = arith.addf %logistic3A_42, %logistic3A_40 : vector<1280x128xf32>
    %logistic3A_44 = arith.divf %logistic3A_42, %logistic3A_43 : vector<1280x128xf32>
    %mul3A_45 = arith.mulf %add3A_36, %logistic3A_44 : vector<1280x128xf32>
    %add3A_46 = arith.addf %get3A_39, %mul3A_45 : vector<1280x128xf32>
    %logistic3A_47 = arith.negf %add3A_46 : vector<1280x128xf32>
    %logistic3A_48 = math.exp %logistic3A_47 : vector<1280x128xf32>
    %logistic3A_49 = arith.constant 1.000000e+00 : f32
    %logistic3A_50 = vector.broadcast %logistic3A_49 : f32 to vector<1280x128xf32>
    %logistic3A_51 = arith.addf %logistic3A_50, %logistic3A_48 : vector<1280x128xf32>
    %logistic3A_52 = arith.divf %logistic3A_50, %logistic3A_51 : vector<1280x128xf32>
    %swap3A = arith.constant 0 : index
    %swap3A_53 = arith.constant 0 : index
    %swap3A_54 = vector.load %arg8[%swap3A, %swap3A_53] : memref<1280x128xf32, #tpu.memory_space<vmem>>, vector<1280x128xf32>
    tpu.vector_store %arg8[%swap3A, %swap3A_53], %add3A_46 {strides = array<i32>} : memref<1280x128xf32, #tpu.memory_space<vmem>>, vector<1280x128xf32>,
    %swap3A_55 = arith.constant 0 : index
    %swap3A_56 = arith.constant 0 : index
    %swap3A_57 = vector.load %arg9[%swap3A_55, %swap3A_56] : memref<1280x128xf32, #tpu.memory_space<vmem>>, vector<1280x128xf32>
    tpu.vector_store %arg9[%swap3A_55, %swap3A_56], %logistic3A_52 {strides = array<i32>} : memref<1280x128xf32, #tpu.memory_space<vmem>>, vector<1280x128xf32>,
    %get3A_58 = arith.constant 0 : index
    %get3A_59 = arith.constant 0 : index
    %get3A_60 = vector.load %arg3[%get3A_58, %get3A_59] : memref<1280x128xi32, #tpu.memory_space<vmem>>, vector<1280x128xi32>
    %and3A = arith.constant -65536 : i32
    %and3A_61 = vector.broadcast %and3A : i32 to vector<1280x128xi32>
    %and3A_62 = arith.andi %get3A_60, %and3A_61 : vector<1280x128xi32>
    %bitcast_convert_type3A = tpu.bitcast %and3A_62 : vector<1280x128xi32> -> vector<1280x128xf32>
    %mul3A_63 = arith.mulf %logistic3A_52, %bitcast_convert_type3A : vector<1280x128xf32>
    %swap3A_64 = arith.constant 0 : index
    %swap3A_65 = arith.constant 0 : index
    %swap3A_66 = vector.load %arg10[%swap3A_64, %swap3A_65] : memref<1280x128xf32, #tpu.memory_space<vmem>>, vector<1280x128xf32>
    tpu.vector_store %arg10[%swap3A_64, %swap3A_65], %mul3A_63 {strides = array<i32>} : memref<1280x128xf32, #tpu.memory_space<vmem>>, vector<1280x128xf32>,
    return
  }
  func.func @transform_0(%arg0: i32) -> (i32, i32) {
    %c0_i32 = arith.constant 0 : i32
    %c0_i32_0 = arith.constant 0 : i32
    return %arg0, %c0_i32 : i32, i32
  }
  func.func @transform_1(%arg0: i32) -> (i32, i32) {
    %add3A = arith.constant 128 : i32
    %add3A_0 = arith.addi %arg0, %add3A : i32
    %c0_i32 = arith.constant 0 : i32
    %c0_i32_1 = arith.constant 0 : i32
    return %add3A_0, %c0_i32 : i32, i32
  }
  func.func @transform_2(%arg0: i32) -> (i32, i32) {
    %c0_i32 = arith.constant 0 : i32
    %c0_i32_0 = arith.constant 0 : i32
    return %arg0, %c0_i32 : i32, i32
  }
  func.func @transform_3(%arg0: i32) -> (i32, i32) {
    %c0_i32 = arith.constant 0 : i32
    %c0_i32_0 = arith.constant 0 : i32
    %c0_i32_1 = arith.constant 0 : i32
    return %c0_i32, %c0_i32_0 : i32, i32
  }
  func.func @transform_4(%arg0: i32) -> (i32, i32) {
    %c0_i32 = arith.constant 0 : i32
    %c0_i32_0 = arith.constant 0 : i32
    %c0_i32_1 = arith.constant 0 : i32
    return %c0_i32, %c0_i32_0 : i32, i32
  }
  func.func @transform_5(%arg0: i32) -> (i32, i32) {
    %c0_i32 = arith.constant 0 : i32
    %c0_i32_0 = arith.constant 0 : i32
    %c0_i32_1 = arith.constant 0 : i32
    return %c0_i32, %c0_i32_0 : i32, i32
  }
  func.func @transform_7(%arg0: i32) -> (i32, i32) {
    %add3A = arith.constant 128 : i32
    %add3A_0 = arith.addi %arg0, %add3A : i32
    %c0_i32 = arith.constant 0 : i32
    %c0_i32_1 = arith.constant 0 : i32
    return %add3A_0, %c0_i32 : i32, i32
  }
  func.func @transform_8(%arg0: i32) -> (i32, i32) {
    %c0_i32 = arith.constant 0 : i32
    %c0_i32_0 = arith.constant 0 : i32
    return %arg0, %c0_i32 : i32, i32
  }
  func.func @transform_9(%arg0: i32) -> (i32, i32) {
    %c0_i32 = arith.constant 0 : i32
    %c0_i32_0 = arith.constant 0 : i32
    return %arg0, %c0_i32 : i32, i32
  }
}

module attributes {stable_mosaic.version = 14 : i64} {
  func.func @_node_pre_body(%arg0: i32, %arg1: memref<400x128xf32, #tpu.memory_space<vmem>>, %arg2: memref<400x128xf32, #tpu.memory_space<vmem>>, %arg3: memref<400x128xf32, #tpu.memory_space<vmem>>, %arg4: memref<400x128xf32, #tpu.memory_space<vmem>>, %arg5: memref<400x128xf32, #tpu.memory_space<vmem>>, %arg6: memref<400x128xf32, #tpu.memory_space<vmem>>, %arg7: memref<8x128xf32, #tpu.memory_space<vmem>>) attributes {dimension_semantics = [#tpu.dimension_semantics<arbitrary>], iteration_bounds = array<i64: 25>, scalar_prefetch = 0 : i64, scratch_operands = 0 : i64, tpu.core_type = #tpu.core_type<tc>, window_params = [{transform_indices = @transform_0, window_bounds = array<i64: 400, 128>}, {transform_indices = @transform_1, window_bounds = array<i64: 400, 128>}, {transform_indices = @transform_2, window_bounds = array<i64: 400, 128>}, {transform_indices = @transform_3, window_bounds = array<i64: 400, 128>}, {transform_indices = @transform_4, window_bounds = array<i64: 400, 128>}, {transform_indices = @transform_5, window_bounds = array<i64: 400, 128>}, {pipeline_mode = #tpu.pipeline_mode<synchronous>, transform_indices = @transform_6, window_bounds = array<i64: 8, 128>}]} {
    %get3A = arith.constant 0 : index
    %get3A_0 = arith.constant 0 : index
    %get3A_1 = vector.load %arg1[%get3A, %get3A_0] : memref<400x128xf32, #tpu.memory_space<vmem>>, vector<400x128xf32>
    %get3A_2 = arith.constant 0 : index
    %get3A_3 = arith.constant 0 : index
    %get3A_4 = vector.load %arg2[%get3A_2, %get3A_3] : memref<400x128xf32, #tpu.memory_space<vmem>>, vector<400x128xf32>
    %get3A_5 = arith.constant 0 : index
    %get3A_6 = arith.constant 0 : index
    %get3A_7 = vector.load %arg3[%get3A_5, %get3A_6] : memref<400x128xf32, #tpu.memory_space<vmem>>, vector<400x128xf32>
    %add3A = arith.addf %get3A_4, %get3A_7 : vector<400x128xf32>
    %get3A_8 = arith.constant 0 : index
    %get3A_9 = arith.constant 0 : index
    %get3A_10 = vector.load %arg4[%get3A_8, %get3A_9] : memref<400x128xf32, #tpu.memory_space<vmem>>, vector<400x128xf32>
    %get3A_11 = arith.constant 0 : index
    %get3A_12 = arith.constant 0 : index
    %get3A_13 = vector.load %arg5[%get3A_11, %get3A_12] : memref<400x128xf32, #tpu.memory_space<vmem>>, vector<400x128xf32>
    %add3A_14 = arith.addf %get3A_10, %get3A_13 : vector<400x128xf32>
    %add3A_15 = arith.constant 9.99999997E-7 : f32
    %add3A_16 = vector.broadcast %add3A_15 : f32 to vector<400x128xf32>
    %add3A_17 = arith.addf %add3A_14, %add3A_16 : vector<400x128xf32>
    %div3A = arith.divf %add3A, %add3A_17 : vector<400x128xf32>
    %add3A_18 = arith.addf %get3A_1, %div3A : vector<400x128xf32>
    %swap3A = arith.constant 0 : index
    %swap3A_19 = arith.constant 0 : index
    %swap3A_20 = vector.load %arg6[%swap3A, %swap3A_19] : memref<400x128xf32, #tpu.memory_space<vmem>>, vector<400x128xf32>
    tpu.vector_store %arg6[%swap3A, %swap3A_19], %add3A_18 {strides = array<i32>} : memref<400x128xf32, #tpu.memory_space<vmem>>, vector<400x128xf32>,
    %reduce_sum3A = arith.constant dense<0.000000e+00> : vector<128xf32>
    %reduce_sum3A_21 = vector.multi_reduction <add>, %add3A_18, %reduce_sum3A [0] : vector<400x128xf32> to vector<128xf32>
    %mul3A = arith.mulf %add3A_18, %add3A_18 : vector<400x128xf32>
    %reduce_sum3A_22 = arith.constant dense<0.000000e+00> : vector<128xf32>
    %reduce_sum3A_23 = vector.multi_reduction <add>, %mul3A, %reduce_sum3A_22 [0] : vector<400x128xf32> to vector<128xf32>
    %broadcast_in_dim3A = vector.shape_cast %reduce_sum3A_21 : vector<128xf32> to vector<1x128xf32>
    %broadcast_in_dim3A_24 = vector.shape_cast %reduce_sum3A_23 : vector<128xf32> to vector<1x128xf32>
    %broadcast_in_dim3A_25 = arith.constant 0.000000e+00 : f32
    %broadcast_in_dim3A_26 = vector.broadcast %broadcast_in_dim3A_25 : f32 to vector<6x128xf32>
    %concatenate3A = tpu.concatenate %broadcast_in_dim3A, %broadcast_in_dim3A_24, %broadcast_in_dim3A_26 in 0 : vector<1x128xf32>, vector<1x128xf32>, vector<6x128xf32> -> vector<8x128xf32>
    %eq3A = arith.constant 0 : i32
    %eq3A_27 = arith.cmpi eq, %arg0, %eq3A : i32
    %convert_element_type3A = arith.extui %eq3A_27 : i1 to i32
    %cond3A = arith.constant 0 : i32
    %cond3A_28 = arith.cmpi ne, %convert_element_type3A, %cond3A : i32
    scf.if %cond3A_28 {
      %swap3A_33 = arith.constant 0 : index
      %swap3A_34 = arith.constant 0 : index
      %swap3A_35 = vector.load %arg7[%swap3A_33, %swap3A_34] : memref<8x128xf32, #tpu.memory_space<vmem>>, vector<8x128xf32>
      tpu.vector_store %arg7[%swap3A_33, %swap3A_34], %concatenate3A {strides = array<i32>} : memref<8x128xf32, #tpu.memory_space<vmem>>, vector<8x128xf32>,
    } else {
    }
    %gt3A = arith.constant 0 : i32
    %gt3A_29 = arith.cmpi sgt, %arg0, %gt3A : i32
    %convert_element_type3A_30 = arith.extui %gt3A_29 : i1 to i32
    %cond3A_31 = arith.constant 0 : i32
    %cond3A_32 = arith.cmpi ne, %convert_element_type3A_30, %cond3A_31 : i32
    scf.if %cond3A_32 {
      %get3A_33 = arith.constant 0 : index
      %get3A_34 = arith.constant 0 : index
      %get3A_35 = vector.load %arg7[%get3A_33, %get3A_34] : memref<8x128xf32, #tpu.memory_space<vmem>>, vector<8x128xf32>
      %add3A_36 = arith.addf %get3A_35, %concatenate3A : vector<8x128xf32>
      %swap3A_37 = arith.constant 0 : index
      %swap3A_38 = arith.constant 0 : index
      %swap3A_39 = vector.load %arg7[%swap3A_37, %swap3A_38] : memref<8x128xf32, #tpu.memory_space<vmem>>, vector<8x128xf32>
      tpu.vector_store %arg7[%swap3A_37, %swap3A_38], %add3A_36 {strides = array<i32>} : memref<8x128xf32, #tpu.memory_space<vmem>>, vector<8x128xf32>,
    } else {
    }
    return
  }
  func.func @transform_0(%arg0: i32) -> (i32, i32) {
    %c0_i32 = arith.constant 0 : i32
    %c0_i32_0 = arith.constant 0 : i32
    return %arg0, %c0_i32 : i32, i32
  }
  func.func @transform_1(%arg0: i32) -> (i32, i32) {
    %c0_i32 = arith.constant 0 : i32
    %c0_i32_0 = arith.constant 0 : i32
    return %arg0, %c0_i32 : i32, i32
  }
  func.func @transform_2(%arg0: i32) -> (i32, i32) {
    %c0_i32 = arith.constant 0 : i32
    %c0_i32_0 = arith.constant 0 : i32
    return %arg0, %c0_i32 : i32, i32
  }
  func.func @transform_3(%arg0: i32) -> (i32, i32) {
    %c0_i32 = arith.constant 0 : i32
    %c0_i32_0 = arith.constant 0 : i32
    return %arg0, %c0_i32 : i32, i32
  }
  func.func @transform_4(%arg0: i32) -> (i32, i32) {
    %c0_i32 = arith.constant 0 : i32
    %c0_i32_0 = arith.constant 0 : i32
    return %arg0, %c0_i32 : i32, i32
  }
  func.func @transform_5(%arg0: i32) -> (i32, i32) {
    %c0_i32 = arith.constant 0 : i32
    %c0_i32_0 = arith.constant 0 : i32
    return %arg0, %c0_i32 : i32, i32
  }
  func.func @transform_6(%arg0: i32) -> (i32, i32) {
    %c0_i32 = arith.constant 0 : i32
    %c0_i32_0 = arith.constant 0 : i32
    %c0_i32_1 = arith.constant 0 : i32
    return %c0_i32, %c0_i32_0 : i32, i32
  }
}

module attributes {stable_mosaic.version = 14 : i64} {
  func.func @_node_fin_body(%arg0: i32, %arg1: memref<400x128xf32, #tpu.memory_space<vmem>>, %arg2: memref<400x128xf32, #tpu.memory_space<vmem>>, %arg3: memref<8x128xf32, #tpu.memory_space<vmem>>, %arg4: memref<8x128xf32, #tpu.memory_space<vmem>>, %arg5: memref<400x128xf32, #tpu.memory_space<vmem>>) attributes {dimension_semantics = [#tpu.dimension_semantics<arbitrary>], iteration_bounds = array<i64: 25>, scalar_prefetch = 0 : i64, scratch_operands = 0 : i64, tpu.core_type = #tpu.core_type<tc>, window_params = [{transform_indices = @transform_0, window_bounds = array<i64: 400, 128>}, {transform_indices = @transform_1, window_bounds = array<i64: 400, 128>}, {pipeline_mode = #tpu.pipeline_mode<synchronous>, transform_indices = @transform_2, window_bounds = array<i64: 8, 128>}, {pipeline_mode = #tpu.pipeline_mode<synchronous>, transform_indices = @transform_3, window_bounds = array<i64: 8, 128>}, {transform_indices = @transform_4, window_bounds = array<i64: 400, 128>}]} {
    %get3A = arith.constant 0 : index
    %get3A_0 = arith.constant 0 : index
    %get3A_1 = vector.load %arg3[%get3A, %get3A_0] : memref<8x128xf32, #tpu.memory_space<vmem>>, vector<8x128xf32>
    %slice3A = vector.extract_strided_slice %get3A_1 {offsets = [0, 0], sizes = [1, 128], strides = [1, 1]} : vector<8x128xf32> to vector<1x128xf32>
    %squeeze3A = vector.shape_cast %slice3A : vector<1x128xf32> to vector<128xf32>
    %div3A = arith.constant 1.000000e+04 : f32
    %div3A_2 = vector.broadcast %div3A : f32 to vector<128xf32>
    %div3A_3 = arith.divf %squeeze3A, %div3A_2 : vector<128xf32>
    %slice3A_4 = vector.extract_strided_slice %get3A_1 {offsets = [1, 0], sizes = [1, 128], strides = [1, 1]} : vector<8x128xf32> to vector<1x128xf32>
    %squeeze3A_5 = vector.shape_cast %slice3A_4 : vector<1x128xf32> to vector<128xf32>
    %div3A_6 = arith.constant 1.000000e+04 : f32
    %div3A_7 = vector.broadcast %div3A_6 : f32 to vector<128xf32>
    %div3A_8 = arith.divf %squeeze3A_5, %div3A_7 : vector<128xf32>
    %mul3A = arith.mulf %div3A_3, %div3A_3 : vector<128xf32>
    %sub3A = arith.subf %div3A_8, %mul3A : vector<128xf32>
    %add3A = arith.constant 9.99999974E-6 : f32
    %add3A_9 = vector.broadcast %add3A : f32 to vector<128xf32>
    %add3A_10 = arith.addf %sub3A, %add3A_9 : vector<128xf32>
    %rsqrt3A = math.rsqrt %add3A_10 : vector<128xf32>
    %get3A_11 = arith.constant 0 : index
    %get3A_12 = arith.constant 0 : index
    %get3A_13 = vector.load %arg2[%get3A_11, %get3A_12] : memref<400x128xf32, #tpu.memory_space<vmem>>, vector<400x128xf32>
    %broadcast_in_dim3A = vector.shape_cast %div3A_3 : vector<128xf32> to vector<1x128xf32>
    %sub3A_14 = vector.broadcast %broadcast_in_dim3A : vector<1x128xf32> to vector<400x128xf32>
    %sub3A_15 = arith.subf %get3A_13, %sub3A_14 : vector<400x128xf32>
    %broadcast_in_dim3A_16 = vector.shape_cast %rsqrt3A : vector<128xf32> to vector<1x128xf32>
    %mul3A_17 = vector.broadcast %broadcast_in_dim3A_16 : vector<1x128xf32> to vector<400x128xf32>
    %mul3A_18 = arith.mulf %sub3A_15, %mul3A_17 : vector<400x128xf32>
    %get3A_19 = arith.constant 0 : index
    %get3A_20 = arith.constant 0 : index
    %get3A_21 = vector.load %arg4[%get3A_19, %get3A_20] : memref<8x128xf32, #tpu.memory_space<vmem>>, vector<1x128xf32>
    %get3A_22 = vector.shape_cast %get3A_21 : vector<1x128xf32> to vector<128xf32>
    %broadcast_in_dim3A_23 = vector.shape_cast %get3A_22 : vector<128xf32> to vector<1x128xf32>
    %mul3A_24 = vector.broadcast %broadcast_in_dim3A_23 : vector<1x128xf32> to vector<400x128xf32>
    %mul3A_25 = arith.mulf %mul3A_18, %mul3A_24 : vector<400x128xf32>
    %get3A_26 = arith.constant 1 : index
    %get3A_27 = arith.constant 0 : index
    %get3A_28 = vector.load %arg4[%get3A_26, %get3A_27] : memref<8x128xf32, #tpu.memory_space<vmem>>, vector<1x128xf32>
    %get3A_29 = vector.shape_cast %get3A_28 : vector<1x128xf32> to vector<128xf32>
    %broadcast_in_dim3A_30 = vector.shape_cast %get3A_29 : vector<128xf32> to vector<1x128xf32>
    %add3A_31 = vector.broadcast %broadcast_in_dim3A_30 : vector<1x128xf32> to vector<400x128xf32>
    %add3A_32 = arith.addf %mul3A_25, %add3A_31 : vector<400x128xf32>
    %get3A_33 = arith.constant 0 : index
    %get3A_34 = arith.constant 0 : index
    %get3A_35 = vector.load %arg1[%get3A_33, %get3A_34] : memref<400x128xf32, #tpu.memory_space<vmem>>, vector<400x128xf32>
    %logistic3A = arith.negf %add3A_32 : vector<400x128xf32>
    %logistic3A_36 = math.exp %logistic3A : vector<400x128xf32>
    %logistic3A_37 = arith.constant 1.000000e+00 : f32
    %logistic3A_38 = vector.broadcast %logistic3A_37 : f32 to vector<400x128xf32>
    %logistic3A_39 = arith.addf %logistic3A_38, %logistic3A_36 : vector<400x128xf32>
    %logistic3A_40 = arith.divf %logistic3A_38, %logistic3A_39 : vector<400x128xf32>
    %mul3A_41 = arith.mulf %add3A_32, %logistic3A_40 : vector<400x128xf32>
    %add3A_42 = arith.addf %get3A_35, %mul3A_41 : vector<400x128xf32>
    %swap3A = arith.constant 0 : index
    %swap3A_43 = arith.constant 0 : index
    %swap3A_44 = vector.load %arg5[%swap3A, %swap3A_43] : memref<400x128xf32, #tpu.memory_space<vmem>>, vector<400x128xf32>
    tpu.vector_store %arg5[%swap3A, %swap3A_43], %add3A_42 {strides = array<i32>} : memref<400x128xf32, #tpu.memory_space<vmem>>, vector<400x128xf32>,
    return
  }
  func.func @transform_0(%arg0: i32) -> (i32, i32) {
    %c0_i32 = arith.constant 0 : i32
    %c0_i32_0 = arith.constant 0 : i32
    return %arg0, %c0_i32 : i32, i32
  }
  func.func @transform_1(%arg0: i32) -> (i32, i32) {
    %c0_i32 = arith.constant 0 : i32
    %c0_i32_0 = arith.constant 0 : i32
    return %arg0, %c0_i32 : i32, i32
  }
  func.func @transform_2(%arg0: i32) -> (i32, i32) {
    %c0_i32 = arith.constant 0 : i32
    %c0_i32_0 = arith.constant 0 : i32
    %c0_i32_1 = arith.constant 0 : i32
    return %c0_i32, %c0_i32_0 : i32, i32
  }
  func.func @transform_3(%arg0: i32) -> (i32, i32) {
    %c0_i32 = arith.constant 0 : i32
    %c0_i32_0 = arith.constant 0 : i32
    %c0_i32_1 = arith.constant 0 : i32
    return %c0_i32, %c0_i32_0 : i32, i32
  }
  func.func @transform_4(%arg0: i32) -> (i32, i32) {
    %c0_i32 = arith.constant 0 : i32
    %c0_i32_0 = arith.constant 0 : i32
    return %arg0, %c0_i32 : i32, i32
  }
}

</mosaic_0001>

<sc_bundles>
// kernel: kernel.13.cloned.1.call-start
scs
__scs_entry_jumppad:
0x0: {  	(pc) =	sbr.rel $0x88, $3  }
0x1: {  	(tag) =	ssettag $0x0;
	lr =	simm.s32 $0x1  }
0x2: {  	[smem:$0x3F94] =	sst lr;
	_ =	strace $0xD0000000  }
0x3: {  	_ = 	snop  }
0x4: {  	_ = 	snop  }
0x5: {  	_ = 	snop  }
0x6: {  	_ = 	snop  }
0x7: {  	_ = 	snop  }
__scs_overlays_trampoline_lowered:
0x8: {  	[smem:$0x3FA3] =	sst s0  }
0x9: {  	[smem:$0x3FA4] =	sst s1  }
0xa: {  	[smem:$0x3FA5] =	sst s2  }
0xb: {  	[smem:$0x3FA6] =	sst s3  }
0xc: {  	[smem:$0x3FA7] =	sst s4  }
0xd: {  	[smem:$0x3FA8] =	sst s5  }
0xe: {  	[smem:$0x3FA9] =	sst s6  }
0xf: {  	[smem:$0x3FAA] =	sst s7  }
0x10: {  	[smem:$0x3FAB] =	sst s8  }
0x11: {  	[smem:$0x3FAC] =	sst s9;
	s0 =	simm.s32 @!p0 $0x0  }
0x12: {  	s1 =	sld [smem:$0x3F92];
	s0 =	simm.s32 @p0 $0x1  }
0x13: {  	[smem:$0x3FAD] =	sst s0;
	s0 =	simm.s32 @!p1 $0x0  }
0x14: {  	s2 =	sld [smem:$0x3F91];
	s0 =	simm.s32 @p1 $0x1  }
0x15: {  	[smem:$0x3FAE] =	sst s0;
	s0 =	simm.s32 @!p2 $0x0  }
0x16: {  	s3 =	sld [smem:$0x3FDB];
	s0 =	simm.s32 @p2 $0x1  }
0x17: {  	s4 =	simm.s32 $0x1BF5;
	[smem:$0x3FB0] =	sst s0  }
0x18: {  	s0 =	sld [smem:$0x3F93];
	_ =	swait.ge [sflag:s4], $0x0  }
0x19: {  	s7 =	sld [smem:$0x3F94]  }
0x1a: {  	s8 =	sadd.s32 $0xFFFFE003, lr  }
0x1b: {  	s9 =	sadd.s32 $0xFFFFFEF7, lr;
	s5 =	simm.s32 $0xFFFFFFFF;
	p2 =	slt.u32 s8, $0xFFFFF086  }
0x1c: {  	p1 =	slt.u32 s9, $0xF7A;
	s5 =	simm.s32 @!p2 $0x0  }
0x1d: {  	s5 =	simm.s32 @p1 $0x1;
	p0 =	seq.s32 s7, s2  }
0x1e: {  	s7 =	smul.u32 @!p0 $0xF7A, s2;
	p2 =	seq.s32 @!p0 s5, $0x0  }
0x1f: {  	s9 =	smul.u32 $0xF7A, s1;
	s8 =	simm.s32 @!p0 $0x1BF5;
	p2 =	por !p2, p0  }
0x20: {  	[sflag:s8] =	ssyncset.s32 @!p0 $0xFFFFF086;
	s6 =	sadd.s32 @!p0 s3, s7;
	s7 =	simm.s32 @!p0 $0x108  }
0x21: {  	s3 =	sadd.s32 s3, s9;
	s6 =	sadd.s32 @!p0 $0x88, s6;
	s7 =	simm.s32 @p2 $0x1082  }
0x22: {  	[simem:s7], [sflag:s8] =	dma.local @!p0 [hbm:s6], $0xF7A  }
0x23: {  	s9 =	sor.u32 $0xD0000000, s2;
	s6 =	simm.s32 $0x108;
	_ =	swait.ge @!p0 [sflag:s8], $0x0  }
0x24: {  	s3 =	sadd.s32 $0x88, s3;
	s6 =	simm.s32 @!p1 $0x1082;
	[sflag:s4] =	ssyncset.s32 $0xFFFFF086  }
0x25: {  	[simem:s6], [sflag:s4] =	dma.local [hbm:s3], $0xF7A  }
0x26: {  	[smem:$0x3F94] =	sst s1;
	(tag) =	ssettag s2;
	_ =	strace s9  }
0x27: {  	s1 =	sld [smem:$0x3FA4]  }
0x28: {  	s2 =	sld [smem:$0x3FA5]  }
0x29: {  	s4 =	sld [smem:$0x3FA7]  }
0x2a: {  	p0 =	seq.s32 s5, $0x0;
	s5 =	sld [smem:$0x3FA8]  }
0x2b: {  	s6 =	sld [smem:$0x3FA9]  }
0x2c: {  	s7 =	sld [smem:$0x3FAA]  }
0x2d: {  	s3 =	simm.s32 $0x108;
	s8 =	sld [smem:$0x3FAB]  }
0x2e: {  	s3 =	simm.s32 @!p0 $0x1082;
	s9 =	sld [smem:$0x3FAC]  }
0x2f: {  	lr =	sadd.s32 s0, s3;
	s0 =	sld [smem:$0x3FA3]  }
0x30: {  	s3 =	sld [smem:$0x3FA6]  }
0x31: {  	[smem:$0x3FAF] =	sst s10  }
0x32: {  	s10 =	sld [smem:$0x3FAD];
	_ =	sdelay $0x3  }
0x33: {  	p0 =	seq.s32 s10, $0x1;
	s10 =	sld [smem:$0x3FAF];
	_ =	sdelay $0x3  }
0x34: {  	[smem:$0x3FAF] =	sst s10  }
0x35: {  	s10 =	sld [smem:$0x3FAE];
	_ =	sdelay $0x3  }
0x36: {  	p1 =	seq.s32 s10, $0x1;
	s10 =	sld [smem:$0x3FAF];
	_ =	sdelay $0x3  }
0x37: {  	[smem:$0x3FAF] =	sst s10  }
0x38: {  	s10 =	sld [smem:$0x3FB0]  }
0x39: {  	_ = 	snop;
	(pc) =	sbr.ind lr, $3  }
0x3a: {  	_ = 	snop  }
0x3b: {  	_ = 	snop  }
0x3c: {  	p2 =	seq.s32 s10, $0x1;
	s10 =	sld [smem:$0x3FAF]  }
0x3d: {  	_ =	shalt  }
0x3e: {  	_ =	shalt  }
0x3f: {  	_ =	shalt  }
0x40: {  	_ =	shalt  }
0x41: {  	_ =	shalt  }
0x42: {  	_ =	shalt  }
0x43: {  	_ =	shalt  }
0x44: {  	_ =	shalt  }
0x45: {  	_ =	shalt  }
0x46: {  	_ =	shalt  }
0x47: {  	_ =	shalt  }
0x48: {  	_ =	shalt  }
0x49: {  	_ =	shalt  }
0x4a: {  	_ =	shalt  }
0x4b: {  	_ =	shalt  }
0x4c: {  	_ =	shalt  }
0x4d: {  	_ =	shalt  }
0x4e: {  	_ =	shalt  }
0x4f: {  	_ =	shalt  }
0x50: {  	_ =	shalt  }
0x51: {  	_ =	shalt  }
0x52: {  	_ =	shalt  }
0x53: {  	_ =	shalt  }
0x54: {  	_ =	shalt  }
0x55: {  	_ =	shalt  }
0x56: {  	_ =	shalt  }
0x57: {  	_ =	shalt  }
0x58: {  	_ =	shalt  }
0x59: {  	_ =	shalt  }
0x5a: {  	_ =	shalt  }
0x5b: {  	_ =	shalt  }
0x5c: {  	_ =	shalt  }
0x5d: {  	_ =	shalt  }
0x5e: {  	_ =	shalt  }
0x5f: {  	_ =	shalt  }
0x60: {  	_ =	shalt  }
0x61: {  	_ =	shalt  }
0x62: {  	_ =	shalt  }
0x63: {  	_ =	shalt  }
0x64: {  	_ =	shalt  }
0x65: {  	_ =	shalt  }
0x66: {  	_ =	shalt  }
0x67: {  	_ =	shalt  }
0x68: {  	_ =	shalt  }
0x69: {  	_ =	shalt  }
0x6a: {  	_ =	shalt  }
0x6b: {  	_ =	shalt  }
0x6c: {  	_ =	shalt  }
0x6d: {  	_ =	shalt  }
0x6e: {  	_ =	shalt  }
0x6f: {  	_ =	shalt  }
0x70: {  	_ =	shalt  }
0x71: {  	_ =	shalt  }
0x72: {  	_ =	shalt  }
0x73: {  	_ =	shalt  }
0x74: {  	_ =	shalt  }
0x75: {  	_ =	shalt  }
0x76: {  	_ =	shalt  }
0x77: {  	_ =	shalt  }
0x78: {  	_ =	shalt  }
0x79: {  	_ =	shalt  }
0x7a: {  	_ =	shalt  }
0x7b: {  	_ =	shalt  }
0x7c: {  	_ =	shalt  }
0x7d: {  	_ =	shalt  }
0x7e: {  	_ =	shalt  }
0x7f: {  	_ =	shalt  }
0x80: {  	_ =	shalt  }
0x81: {  	_ =	shalt  }
0x82: {  	_ =	shalt  }
0x83: {  	_ =	shalt  }
0x84: {  	_ =	shalt  }
0x85: {  	_ =	shalt  }
0x86: {  	_ =	shalt  }
0x87: {  	_ =	shalt  }
.Lfunc_end0:
.L_simem_size_0:
called_computation_lowered:
.L_overlay_start_0:
0x88: {  	s2 =	sld [smem:$0x3FD9]  }
0x89: {  	s3 =	sld [smem:$0x3FFE];
	_ =	sdelay $0x1  }
0x8a: {  	s1 =	srdreg.scid  }
0x8b: {  	s0 =	sand.u32 $0x1, s1  }
0x8c: {  	s15 =	sshll.u32 s0, $0xA;
	s2 =	sadd.s32 s3, s2  }
0x8d: {  	s2 =	sadd.s32 s2, s15  }
0x8e: {  	[smem:$0x3FBB] =	sst s2  }
0x8f: {  	_ = 	snop  }
0x90: {  	s2 =	sld [smem:$0x3FD0];
	_ =	sdelay $0x2  }
0x91: {  	s16 =	simm.s32 $0xB;
	s4 =	simm.s32 $0x10  }
0x92: {  	[smem:s4], [sflag:s16] =	dma.local [hbm:s2], $0x1  }
0x93: {  	_ =	swait.eq [sflag:s16], $0x1  }
0x94: {  	[sflag:s16] =	ssyncset.done $0x0  }
0x95: {  	[sflag:s16] =	ssyncadd.s32 $0xFFFFFFFF  }
0x96: {  	s17 =	sld [smem:$0x11];
	(tm) =	ssettm $0x1  }
0x97: {  	s18 =	sld [smem:$0x3FFB];
	_ =	sdelay $0x3  }
0x98: {  	_ =	strace s18  }
0x99: {  	s2 =	sld [smem:$0x3FFC];
	_ =	sdelay $0x3  }
0x9a: {  	_ =	strace s2  }
0x9b: {  	s2 =	sld [smem:$0x3FFD];
	_ =	sdelay $0x3  }
0x9c: {  	_ =	strace s2  }
0x9d: {  	_ =	strace $0x8FFFFFFF  }
0x9e: {  	s19 =	sld [smem:$0x3FDB];
	_ =	sdelay $0x1  }
0x9f: {  	s20 =	simm.s32 $_scs_section_size  }
0xa0: {  	s5 =	simm.s32 $_size__tile_overlayer_lowered;
	s6 =	simm.s32 $_tile_overlayer_lowered  }
0xa1: {  	s7 =	simm.s32 $0x1BFF;
	s21 =	sshll.u32 s6, $0x1;
	s4 =	sadd.s32 s20, s19  }
0xa2: {  	s22 =	simm.s32 $0x0;
	s5 =	sshll.u32 s5, $0x1;
	s6 =	sadd.s32 s21, s4  }
0xa3: {  	[timem:s22], [sflag:s7] =	dma.local [hbm:s6], s5  }
0xa4: {  	_ =	swait.ge [sflag:s7], s5  }
0xa5: {  	s5 =	ssub.s32 $0x0, s5;
	[sflag:s7] =	ssyncset.done $0x0  }
0xa6: {  	[sflag:s7] =	ssyncadd.s32 s5;
	_ =	sdelay $0x1  }
0xa7: {  	s23 =	simm.s32 $0x1B8B  }
0xa8: {  	_ =	swait.ge [sflag:s23], $0x1  }
0xa9: {  	[sflag:s23] =	ssyncset.done $0x0  }
0xaa: {  	[sflag:s23] =	ssyncadd.s32 $0xFFFFFFFF  }
0xab: {  	s5 =	sld [smem:$0x0]  }
0xac: {  	s6 =	sand.u32 $0xFFFFFFFE, s1  }
0xad: {  	p0 =	sne.s32 s1, s6  }
0xae: {  	s6 =	sshll.u32 @p0 s6, $0xE  }
0xaf: {  	s6 =	sadd.s32 @p0 $0x11B8D, s6;
	s7 =	sshll.u32 @p0 s5, $0x11  }
0xb0: {  	s6 =	sor.u32 @p0 s7, s6  }
0xb1: {  	[sflag:s6] =	ssyncadd.remote.s32 @p0 $0x1;
	_ =	sdelay $0x1  }
0xb2: {  	s6 =	simm.s32 @p0 $0x1B8D  }
0xb3: {  	_ =	swait.eq @p0 [sflag:s6], $0x1  }
0xb4: {  	[sflag:s6] =	ssyncadd.s32 @p0 $0xFFFFFFFF  }
0xb5: {  	s7 =	sshll.u32 @!p0 s1, $0xE  }
0xb6: {  	s7 =	sor.u32 @!p0 $0x4000, s7;
	s6 =	simm.s32 @!p0 $0x1B8D  }
0xb7: {  	s5 =	sshll.u32 @!p0 s5, $0x11;
	s7 =	sadd.s32 @!p0 $0x11B8D, s7;
	_ =	swait.eq @!p0 [sflag:s6], $0x1  }
0xb8: {  	s5 =	sor.u32 @!p0 s5, s7;
	[sflag:s6] =	ssyncadd.s32 @!p0 $0xFFFFFFFF  }
0xb9: {  	s25 =	simm.s32 $0x1B8E;
	s24 =	sld [smem:$0x3FFE];
	[sflag:s5] =	ssyncadd.remote.s32 @!p0 $0x1  }
0xba: {  	s26 =	simm.s32 $execute0_lowered;
	[smem:$0x3FD2] =	sst s25  }
0xbb: {  	s6 =	sshll.u32 s26, $0x1;
	_ =	strace $0x80000049;
	[dreg:$0x1] =	wrdreg $0xFFFFFFFF  }
0xbc: {  	s28 =	simm.s32 $_size_execute0_lowered;
	s4 =	sadd.s32 s4, s6;
	[dreg:$0x0] =	wrdreg $0x0  }
0xbd: {  	s6 =	sshll.u32 s28, $0x1;
	[dreg:$0x2] =	wrdreg s4  }
0xbe: {  	[dreg:$0x3] =	wrdreg s6  }
0xbf: {  	[dreg:$0x4] =	wrdreg $0xC0  }
0xc0: {  	_ =	task [dreg:s22], $0x5FFFF  }
0xc1: {  	[dreg:$0x1] =	wrdreg $0xFFFFFFFF  }
0xc2: {  	[dreg:$0x0] =	wrdreg $0x60  }
0xc3: {  	[dreg:$0x2] =	wrdreg s24  }
0xc4: {  	[dreg:$0x3] =	wrdreg s17  }
0xc5: {  	[dreg:$0x4] =	wrdreg $0x9  }
0xc6: {  	_ =	task.clear_ibuf [dreg:s22], $0x5FFFF;
	_ =	strace $0x90000049  }
0xc7: {  	s29 =	simm.s32 $0x9;
	_ =	strace $0x8000004B  }
0xc8: {  	_ =	swait.ge [sflag:s29], $0x1  }
0xc9: {  	[sflag:s29] =	ssyncadd.s32 $0xFFFFFFFF  }
0xca: {  	_ =	strace $0x9000004B  }
0xcb: {  	_ =	sfence  }
0xcc: {  	s30 =	sld [smem:$0x0];
	_ =	sdelay $0x2  }
0xcd: {  	s31 =	sshll.u32 s1, $0xD;
	s1 =	sshrl.u32 s1, $0x2  }
0xce: {  	s4 =	sand.u32 $0x4000, s31;
	s1 =	sadd.s32 s1, s30  }
0xcf: {  	s0 =	sor.u32 s4, s0;
	s1 =	sshll.u32 s1, $0x11  }
0xd0: {  	s0 =	sor.u32 s1, s0  }
0xd1: {  	s0 =	sadd.s32 $0x8F2B, s0  }
0xd2: {  	[sflag:s0] =	ssyncadd.remote.s32 $0x1  }
0xd3: {  	_ =	sfence.sel $0xFFFF  }
0xd4: {  	[dreg:$0x0] =	wrdreg $0xFFFFFFFF;
	(pc) =	sbr.abs _section_cstart, $3  }
0xd5: {  	[dreg:$0x1] =	wrdreg $0xFFFFFFFF  }
0xd6: {  	_ =	task.clear_ibuf [dreg:s22], $0x2FFFF;
	_ =	strace $0x9FFFFFFF  }
0xd7: {  	(tm) =	ssettm $0x7FFFFFFF  }
tec
execute0_lowered:
.L_overlay_start_1:
0x0: {  	(tag) =	ssettag $0x1  }
0x1: {  	s5 =	rddreg [dreg:$0x0]  }
0x2: {  	s7 =	rddreg [dreg:$0x1];
	s2 =	simm.s32 $0x0;
	s1 =	stileid.u32  }
0x3: {  	s3 =	srdreg.scid;
	s16 =	simm.s32 $0x80;
	s17 =	simm.s32 $0x180  }
0x4: {  	s18 =	simm.s32 $0x2A00;
	s19 =	simm.s32 $0x7A00;
	s20 =	simm.s32 $0x1  }
0x5: {  	s21 =	simm.s32 $0x2;
	s22 =	simm.s32 $0x3;
	[smem:$0x7FF] =	sst s2  }
0x6: {  	s6 =	sand.u32 $0x1, s3;
	s8 =	smul.u32 $0x2800, s1;
	s3 =	sadd.s32 $0x18A00, s5  }
0x7: {  	s4 =	sadd.s32 $0x3FC00, s5;
	s10 =	sadd.s32 $0x4E00, s5;
	s11 =	smul.u32 $0x28000, s1  }
0x8: {  	s23 =	sadd.s32 $0xEC00, s5;
	s9 =	smul.u32 $0x1400, s6;
	s12 =	ssub.s32 $0x2, s6  }
0x9: {  	_ =	strace $0x8000004A;
	s28 =	smul.u32 $0x14000, s6;
	s13 =	sshrl.u32 s12, $0x1  }
0xa: {  	s15 =	sadd.s32 s11, s5;
	s7 =	sadd.s32 s11, s7;
	s11 =	simm.s32 $0x5  }
0xb: {  	s8 =	sadd.s32 s9, s8;
	s24 =	ssub.s32 s12, s13;
	s29 =	sadd.s32 s28, s15  }
0xc: {  	s30 =	sadd.s32 s28, s7;
	s12 =	simm.s32 $0x100;
	s13 =	simm.s32 $0x50  }
0xd: {  	s15 =	simm.s32 $0x5200;
	s14 =	sor.u32 $0x50, s8;
	s5 =	smax.u32 s24, $0x1  }
0xe: {  	s31 =	sshrl.u32 s8, $0x3;
	s7 =	sadd.s32 $0x52B300, s29;
	s8 =	sadd.s32 $0x500, s30  }
0xf: {  	s24 =	simm.s32 $0x0;
	s25 =	sshrl.u32 s14, $0x3;
	s9 =	sadd.s32 s31, s23  }
0x10: {  	s14 =	simm.s32 $0x200;
	s26 =	sadd.s32 s25, s23;
	s6 =	sadd.s32 s25, s10  }
0x11: {  	s10 =	sadd.s32 s31, s10;
	s23 =	simm.s32 $0x4;
	[dreg:$0x3] =	wrdreg s26  }
.LBB2_1:
0x12: {  	s25 =	sadd.s32 $0x0, s10  }
0x13: {  	[tilespmem:s2], [sflag:$0x5] =	stream.linear.gather [hbm4b:s25+s2], $0x50, $0x38;
	[tilespmem:$0xA200] =	vst v63  }
0x14: {  	_ =	swait.ge [sflag:s11], $0x50  }
0x15: {  	[sflag:s11] =	ssyncset.done $0x0  }
0x16: {  	s31 =	sadd.s32 $0x0, s9;
	[sflag:s11] =	ssyncadd.s32 $0xFFFFFFB0  }
0x17: {  	[tilespmem:s12], [sflag:$0x5] =	stream.linear.gather [hbm4b:s31+s2], $0x50, $0x38;
	[tilespmem:$0xA200] =	vst v63  }
0x18: {  	_ =	swait.ge [sflag:s11], $0x50  }
0x19: {  	[sflag:s11] =	ssyncset.done $0x0  }
0x1a: {  	[sflag:s11] =	ssyncadd.s32 $0xFFFFFFB0  }
0x1b: {  	[tilespmem:s14], [sflag:$0x1] =	stream.indirect.gather [hbm4b:s3+s13], $0x80, s2, s13, $0xb8;
	[tilespmem:$0xA200] =	vst v63  }
0x1c: {  	_ = 	snop  }
0x1d: {  	[tilespmem:s15], [sflag:$0x2] =	stream.indirect.gather [hbm4b:s4+s13], $0x80, s12, s13, $0xb8;
	[tilespmem:$0xA200] =	vst v63  }
0x1e: {  	s0 =	sadd.s32 $0x0, s6  }
0x1f: {  	[tilespmem:s16], [sflag:$0x5] =	stream.linear.gather [hbm4b:s0+s2], $0x50, $0x38;
	[tilespmem:$0xA200] =	vst v63  }
0x20: {  	_ =	swait.ge [sflag:s11], $0x50  }
0x21: {  	s26 =	rddreg [dreg:$0x3];
	[sflag:s11] =	ssyncset.done $0x0  }
0x22: {  	[sflag:s11] =	ssyncadd.s32 $0xFFFFFFB0;
	s25 =	sadd.s32 $0x0, s26  }
0x23: {  	[tilespmem:s17], [sflag:$0x5] =	stream.linear.gather [hbm4b:s25+s2], $0x50, $0x38;
	[tilespmem:$0xA200] =	vst v63  }
0x24: {  	_ =	swait.ge [sflag:s11], $0x50  }
0x25: {  	[sflag:s11] =	ssyncset.done $0x0  }
0x26: {  	[sflag:s11] =	ssyncadd.s32 $0xFFFFFFB0  }
0x27: {  	[tilespmem:s18], [sflag:$0x3] =	stream.indirect.gather [hbm4b:s3+s13], $0x80, s16, s13, $0xb8;
	[tilespmem:$0xA200] =	vst v63  }
0x28: {  	_ = 	snop  }
0x29: {  	[tilespmem:s19], [sflag:$0x4] =	stream.indirect.gather [hbm4b:s4+s13], $0x80, s17, s13, $0xb8;
	[tilespmem:$0xA200] =	vst v63  }
0x2a: {  	_ =	swait.ge [sflag:s20], $0x2800  }
0x2b: {  	[sflag:s20] =	ssyncset.done $0x0  }
0x2c: {  	s29 =	sadd.s32 $0xFFFFFB00, s7;
	[sflag:s20] =	ssyncadd.s32 $0xFFFFD800  }
0x2d: {  	[hbm4b:s29+s2] =	stream.linear.scatter [tilespmem:s14], [sflag:$0x5], $0x2800, $0x38;
	[tilespmem:$0xA200] =	vst v63  }
0x2e: {  	_ =	swait.ge [sflag:s11], $0x2800  }
0x2f: {  	[sflag:s11] =	ssyncset.done $0x0  }
0x30: {  	[sflag:s11] =	ssyncadd.s32 $0xFFFFD800  }
0x31: {  	_ =	swait.ge [sflag:s21], $0x2800  }
0x32: {  	[sflag:s21] =	ssyncset.done $0x0  }
0x33: {  	s31 =	sadd.s32 $0xFFFFFB00, s8;
	[sflag:s21] =	ssyncadd.s32 $0xFFFFD800  }
0x34: {  	[hbm4b:s31+s2] =	stream.linear.scatter [tilespmem:s15], [sflag:$0x5], $0x2800, $0x38;
	[tilespmem:$0xA200] =	vst v63  }
0x35: {  	_ =	swait.ge [sflag:s11], $0x2800  }
0x36: {  	[sflag:s11] =	ssyncset.done $0x0  }
0x37: {  	[sflag:s11] =	ssyncadd.s32 $0xFFFFD800  }
0x38: {  	_ =	swait.ge [sflag:s22], $0x2800  }
0x39: {  	[sflag:s22] =	ssyncset.done $0x0  }
0x3a: {  	[sflag:s22] =	ssyncadd.s32 $0xFFFFD800  }
0x3b: {  	[hbm4b:s7+s2] =	stream.linear.scatter [tilespmem:s18], [sflag:$0x5], $0x2800, $0x38;
	[tilespmem:$0xA200] =	vst v63  }
0x3c: {  	_ =	swait.ge [sflag:s11], $0x2800  }
0x3d: {  	[sflag:s11] =	ssyncset.done $0x0  }
0x3e: {  	[sflag:s11] =	ssyncadd.s32 $0xFFFFD800  }
0x3f: {  	_ =	swait.ge [sflag:s23], $0x2800  }
0x40: {  	[sflag:s23] =	ssyncset.done $0x0  }
0x41: {  	[sflag:s23] =	ssyncadd.s32 $0xFFFFD800  }
0x42: {  	[hbm4b:s8+s2] =	stream.linear.scatter [tilespmem:s19], [sflag:$0x5], $0x2800, $0x38;
	[tilespmem:$0xA200] =	vst v63  }
0x43: {  	s28 =	simm.s32 $0x14;
	s30 =	simm.s32 $0x28;
	_ =	swait.ge [sflag:s11], $0x2800  }
0x44: {  	s26 =	sadd.s32 $0xA00, s7;
	s25 =	sadd.s32 $0xA00, s8;
	[sflag:s11] =	ssyncset.done $0x0  }
.LBB2_2:
0x45: {  	s31 =	sadd.s32 s28, s10;
	[sflag:s11] =	ssyncadd.s32 $0xFFFFD800  }
0x46: {  	[tilespmem:s2], [sflag:$0x5] =	stream.linear.gather [hbm4b:s31+s2], $0x50, $0x38;
	[tilespmem:$0xA200] =	vst v63  }
0x47: {  	_ =	swait.ge [sflag:s11], $0x50  }
0x48: {  	s0 =	smov.u32 s30;
	s29 =	sadd.s32 $0x14, s30;
	[sflag:s11] =	ssyncset.done $0x0  }
0x49: {  	p0 =	sne.s32 s30, $0x26C;
	s30 =	sadd.s32 s28, s9;
	[sflag:s11] =	ssyncadd.s32 $0xFFFFFFB0  }
0x4a: {  	[tilespmem:s12], [sflag:$0x5] =	stream.linear.gather [hbm4b:s30+s2], $0x50, $0x38;
	[tilespmem:$0xA200] =	vst v63  }
0x4b: {  	_ =	swait.ge [sflag:s11], $0x50  }
0x4c: {  	[sflag:s11] =	ssyncset.done $0x0  }
0x4d: {  	[sflag:s11] =	ssyncadd.s32 $0xFFFFFFB0  }
0x4e: {  	[tilespmem:s14], [sflag:$0x1] =	stream.indirect.gather [hbm4b:s3+s13], $0x80, s2, s13, $0xb8;
	[tilespmem:$0xA200] =	vst v63  }
0x4f: {  	_ = 	snop  }
0x50: {  	[tilespmem:s15], [sflag:$0x2] =	stream.indirect.gather [hbm4b:s4+s13], $0x80, s12, s13, $0xb8;
	[tilespmem:$0xA200] =	vst v63  }
0x51: {  	s30 =	sadd.s32 s28, s6  }
0x52: {  	[tilespmem:s16], [sflag:$0x5] =	stream.linear.gather [hbm4b:s30+s2], $0x50, $0x38;
	[tilespmem:$0xA200] =	vst v63  }
0x53: {  	_ =	swait.ge [sflag:s11], $0x50  }
0x54: {  	s30 =	rddreg [dreg:$0x3];
	[sflag:s11] =	ssyncset.done $0x0  }
0x55: {  	[sflag:s11] =	ssyncadd.s32 $0xFFFFFFB0;
	s30 =	sadd.s32 s28, s30  }
0x56: {  	[tilespmem:s17], [sflag:$0x5] =	stream.linear.gather [hbm4b:s30+s2], $0x50, $0x38;
	[tilespmem:$0xA200] =	vst v63  }
0x57: {  	_ =	swait.ge [sflag:s11], $0x50  }
0x58: {  	[sflag:s11] =	ssyncset.done $0x0  }
0x59: {  	[sflag:s11] =	ssyncadd.s32 $0xFFFFFFB0  }
0x5a: {  	[tilespmem:s18], [sflag:$0x3] =	stream.indirect.gather [hbm4b:s3+s13], $0x80, s16, s13, $0xb8;
	[tilespmem:$0xA200] =	vst v63  }
0x5b: {  	_ = 	snop  }
0x5c: {  	[tilespmem:s19], [sflag:$0x4] =	stream.indirect.gather [hbm4b:s4+s13], $0x80, s17, s13, $0xb8;
	[tilespmem:$0xA200] =	vst v63  }
0x5d: {  	_ =	swait.ge [sflag:s20], $0x2800  }
0x5e: {  	[sflag:s20] =	ssyncset.done $0x0  }
0x5f: {  	s31 =	sadd.s32 $0xFFFFFB00, s26;
	[sflag:s20] =	ssyncadd.s32 $0xFFFFD800  }
0x60: {  	[hbm4b:s31+s2] =	stream.linear.scatter [tilespmem:s14], [sflag:$0x5], $0x2800, $0x38;
	[tilespmem:$0xA200] =	vst v63  }
0x61: {  	_ =	swait.ge [sflag:s11], $0x2800  }
0x62: {  	[sflag:s11] =	ssyncset.done $0x0  }
0x63: {  	[sflag:s11] =	ssyncadd.s32 $0xFFFFD800  }
0x64: {  	_ =	swait.ge [sflag:s21], $0x2800  }
0x65: {  	[sflag:s21] =	ssyncset.done $0x0  }
0x66: {  	s31 =	sadd.s32 $0xFFFFFB00, s25;
	[sflag:s21] =	ssyncadd.s32 $0xFFFFD800  }
0x67: {  	[hbm4b:s31+s2] =	stream.linear.scatter [tilespmem:s15], [sflag:$0x5], $0x2800, $0x38;
	[tilespmem:$0xA200] =	vst v63  }
0x68: {  	_ =	swait.ge [sflag:s11], $0x2800  }
0x69: {  	[sflag:s11] =	ssyncset.done $0x0  }
0x6a: {  	[sflag:s11] =	ssyncadd.s32 $0xFFFFD800  }
0x6b: {  	_ =	swait.ge [sflag:s22], $0x2800  }
0x6c: {  	[sflag:s22] =	ssyncset.done $0x0  }
0x6d: {  	[sflag:s22] =	ssyncadd.s32 $0xFFFFD800  }
0x6e: {  	[hbm4b:s26+s2] =	stream.linear.scatter [tilespmem:s18], [sflag:$0x5], $0x2800, $0x38;
	[tilespmem:$0xA200] =	vst v63  }
0x6f: {  	_ =	swait.ge [sflag:s11], $0x2800  }
0x70: {  	[sflag:s11] =	ssyncset.done $0x0  }
0x71: {  	[sflag:s11] =	ssyncadd.s32 $0xFFFFD800  }
0x72: {  	_ =	swait.ge [sflag:s23], $0x2800  }
.Ltmp0:
0x73: {  	[sflag:s23] =	ssyncset.done $0x0;
	(pc) =	sbr.rel @p0 .LBB2_2-.Ltmp0, $4  }
0x74: {  	[sflag:s23] =	ssyncadd.s32 $0xFFFFD800  }
0x75: {  	[hbm4b:s25+s2] =	stream.linear.scatter [tilespmem:s19], [sflag:$0x5], $0x2800, $0x38;
	[tilespmem:$0xA200] =	vst v63  }
0x76: {  	s28 =	smov.u32 s0;
	s30 =	smov.u32 s29;
	_ =	swait.ge [sflag:s11], $0x2800  }
0x77: {  	s26 =	sadd.s32 $0xA00, s26;
	s25 =	sadd.s32 $0xA00, s25;
	[sflag:s11] =	ssyncset.done $0x0  }
0x78: {  	s0 =	sadd.s32 s28, s10;
	[sflag:s11] =	ssyncadd.s32 $0xFFFFD800  }
0x79: {  	[tilespmem:s2], [sflag:$0x5] =	stream.linear.gather [hbm4b:s0+s2], $0x50, $0x38;
	[tilespmem:$0xA200] =	vst v63  }
0x7a: {  	_ =	swait.ge [sflag:s11], $0x50  }
0x7b: {  	[sflag:s11] =	ssyncset.done $0x0  }
0x7c: {  	s30 =	sadd.s32 s28, s9;
	[sflag:s11] =	ssyncadd.s32 $0xFFFFFFB0  }
0x7d: {  	[tilespmem:s12], [sflag:$0x5] =	stream.linear.gather [hbm4b:s30+s2], $0x50, $0x38;
	[tilespmem:$0xA200] =	vst v63  }
0x7e: {  	_ =	swait.ge [sflag:s11], $0x50  }
0x7f: {  	[sflag:s11] =	ssyncset.done $0x0  }
0x80: {  	[sflag:s11] =	ssyncadd.s32 $0xFFFFFFB0  }
0x81: {  	[tilespmem:s14], [sflag:$0x1] =	stream.indirect.gather [hbm4b:s3+s13], $0x80, s2, s13, $0xb8;
	[tilespmem:$0xA200] =	vst v63  }
0x82: {  	_ = 	snop  }
0x83: {  	[tilespmem:s15], [sflag:$0x2] =	stream.indirect.gather [hbm4b:s4+s13], $0x80, s12, s13, $0xb8;
	[tilespmem:$0xA200] =	vst v63  }
0x84: {  	s31 =	sadd.s32 s28, s6  }
0x85: {  	[tilespmem:s16], [sflag:$0x5] =	stream.linear.gather [hbm4b:s31+s2], $0x50, $0x38;
	[tilespmem:$0xA200] =	vst v63  }
0x86: {  	_ =	swait.ge [sflag:s11], $0x50  }
0x87: {  	s29 =	rddreg [dreg:$0x3];
	[sflag:s11] =	ssyncset.done $0x0  }
0x88: {  	[sflag:s11] =	ssyncadd.s32 $0xFFFFFFB0;
	s0 =	sadd.s32 s28, s29  }
0x89: {  	[tilespmem:s17], [sflag:$0x5] =	stream.linear.gather [hbm4b:s0+s2], $0x50, $0x38;
	[tilespmem:$0xA200] =	vst v63  }
0x8a: {  	_ =	swait.ge [sflag:s11], $0x50  }
0x8b: {  	[sflag:s11] =	ssyncset.done $0x0  }
0x8c: {  	[sflag:s11] =	ssyncadd.s32 $0xFFFFFFB0  }
0x8d: {  	[tilespmem:s18], [sflag:$0x3] =	stream.indirect.gather [hbm4b:s3+s13], $0x80, s16, s13, $0xb8;
	[tilespmem:$0xA200] =	vst v63  }
0x8e: {  	_ = 	snop  }
0x8f: {  	[tilespmem:s19], [sflag:$0x4] =	stream.indirect.gather [hbm4b:s4+s13], $0x80, s17, s13, $0xb8;
	[tilespmem:$0xA200] =	vst v63  }
0x90: {  	_ =	swait.ge [sflag:s20], $0x2800  }
0x91: {  	[sflag:s20] =	ssyncset.done $0x0  }
0x92: {  	s30 =	sadd.s32 $0xFFFFFB00, s26;
	[sflag:s20] =	ssyncadd.s32 $0xFFFFD800  }
0x93: {  	[hbm4b:s30+s2] =	stream.linear.scatter [tilespmem:s14], [sflag:$0x5], $0x2800, $0x38;
	[tilespmem:$0xA200] =	vst v63  }
0x94: {  	_ =	swait.ge [sflag:s11], $0x2800  }
0x95: {  	[sflag:s11] =	ssyncset.done $0x0  }
0x96: {  	[sflag:s11] =	ssyncadd.s32 $0xFFFFD800  }
0x97: {  	_ =	swait.ge [sflag:s21], $0x2800  }
0x98: {  	[sflag:s21] =	ssyncset.done $0x0  }
0x99: {  	s31 =	sadd.s32 $0xFFFFFB00, s25;
	[sflag:s21] =	ssyncadd.s32 $0xFFFFD800  }
0x9a: {  	[hbm4b:s31+s2] =	stream.linear.scatter [tilespmem:s15], [sflag:$0x5], $0x2800, $0x38;
	[tilespmem:$0xA200] =	vst v63  }
0x9b: {  	_ =	swait.ge [sflag:s11], $0x2800  }
0x9c: {  	[sflag:s11] =	ssyncset.done $0x0  }
0x9d: {  	[sflag:s11] =	ssyncadd.s32 $0xFFFFD800  }
0x9e: {  	_ =	swait.ge [sflag:s22], $0x2800  }
0x9f: {  	[sflag:s22] =	ssyncset.done $0x0  }
0xa0: {  	[sflag:s22] =	ssyncadd.s32 $0xFFFFD800  }
0xa1: {  	[hbm4b:s26+s2] =	stream.linear.scatter [tilespmem:s18], [sflag:$0x5], $0x2800, $0x38;
	[tilespmem:$0xA200] =	vst v63  }
0xa2: {  	_ =	swait.ge [sflag:s11], $0x2800  }
0xa3: {  	[sflag:s11] =	ssyncset.done $0x0  }
0xa4: {  	[sflag:s11] =	ssyncadd.s32 $0xFFFFD800  }
0xa5: {  	s24 =	sadd.s32 $0x1, s24;
	_ =	swait.ge [sflag:s23], $0x2800  }
0xa6: {  	p0 =	sne.s32 s24, s5;
	[sflag:s23] =	ssyncset.done $0x0  }
.Ltmp1:
0xa7: {  	[sflag:s23] =	ssyncadd.s32 $0xFFFFD800;
	(pc) =	sbr.rel @p0 .LBB2_1-.Ltmp1, $4  }
0xa8: {  	[hbm4b:s25+s2] =	stream.linear.scatter [tilespmem:s19], [sflag:$0x5], $0x2800, $0x38;
	[tilespmem:$0xA200] =	vst v63  }
0xa9: {  	_ =	swait.ge [sflag:s11], $0x2800  }
0xaa: {  	[sflag:s11] =	ssyncset.done $0x0  }
0xab: {  	[sflag:s11] =	ssyncadd.s32 $0xFFFFD800  }
0xac: {  	_ =	sfence.sel $0x180000  }
0xad: {  	[bflag:$0x0] =	sbarrier.arrive $0xFFFF  }
0xae: {  	_ =	strace $0x9000004A  }
0xaf: {  	[bflag:$0x2] =	sbarrier.arrive $0xFFFF  }
0xb0: {  	p0 =	sne.s32 s1, $0x0;
	s0 =	rddreg [dreg:$0x2]  }
0xb1: {  	s0 =	sadd.s32 @!p0 $0x100000, s0  }
0xb2: {  	[sflag:s0] =	ssyncadd.tile.s32 @!p0 $0x1;
	_ =	shalt  }
.Lfunc_end2:
_tile_overlayer_lowered:
.L_overlay_start_2:
0xb3: {  	(tag) =	ssettag $0x2  }
0xb4: {  	s0 =	rddreg [dreg:$0x0];
	s2 =	stileid.u32  }
0xb5: {  	s1 =	rddreg [dreg:$0x1];
	p0 =	sne.s32 s2, $0x0  }
0xb6: {  	s3 =	rddreg [dreg:$0x2];
	[bflag:$0x3] =	sbarrier.arrive $0xFFFF;
	s2 =	simm.s32 @!p0 $0x1C05  }
0xb7: {  	[timem:s3], [sflag:s2] =	dma.local @!p0 [hbm:s0], s1  }
0xb8: {  	s0 =	simm.s32 @!p0 $0x5  }
0xb9: {  	_ =	swait.ge @!p0 [sflag:s0], s1  }
0xba: {  	s1 =	ssub.s32 @!p0 $0x0, s1;
	[sflag:s0] =	ssyncset.done @!p0 $0x0  }
0xbb: {  	[sflag:s0] =	ssyncadd.s32 @!p0 s1  }
0xbc: {  	[bflag:$0x3] =	sbarrier.arrive $0xFFFF  }
0xbd: {  	_ =	shalt  }

// kernel: kernel.16.cloned.1.call-start
scs
__scs_entry_jumppad:
0x0: {  	(pc) =	sbr.rel $0x88, $3  }
0x1: {  	(tag) =	ssettag $0x0;
	lr =	simm.s32 $0x1  }
0x2: {  	[smem:$0x3F94] =	sst lr;
	_ =	strace $0xD0000000  }
0x3: {  	_ = 	snop  }
0x4: {  	_ = 	snop  }
0x5: {  	_ = 	snop  }
0x6: {  	_ = 	snop  }
0x7: {  	_ = 	snop  }
__scs_overlays_trampoline_lowered:
0x8: {  	[smem:$0x3FA3] =	sst s0  }
0x9: {  	[smem:$0x3FA4] =	sst s1  }
0xa: {  	[smem:$0x3FA5] =	sst s2  }
0xb: {  	[smem:$0x3FA6] =	sst s3  }
0xc: {  	[smem:$0x3FA7] =	sst s4  }
0xd: {  	[smem:$0x3FA8] =	sst s5  }
0xe: {  	[smem:$0x3FA9] =	sst s6  }
0xf: {  	[smem:$0x3FAA] =	sst s7  }
0x10: {  	[smem:$0x3FAB] =	sst s8  }
0x11: {  	[smem:$0x3FAC] =	sst s9;
	s0 =	simm.s32 @!p0 $0x0  }
0x12: {  	s1 =	sld [smem:$0x3F92];
	s0 =	simm.s32 @p0 $0x1  }
0x13: {  	[smem:$0x3FAD] =	sst s0;
	s0 =	simm.s32 @!p1 $0x0  }
0x14: {  	s2 =	sld [smem:$0x3F91];
	s0 =	simm.s32 @p1 $0x1  }
0x15: {  	[smem:$0x3FAE] =	sst s0;
	s0 =	simm.s32 @!p2 $0x0  }
0x16: {  	s3 =	sld [smem:$0x3FDB];
	s0 =	simm.s32 @p2 $0x1  }
0x17: {  	s4 =	simm.s32 $0x1BF5;
	[smem:$0x3FB0] =	sst s0  }
0x18: {  	s0 =	sld [smem:$0x3F93];
	_ =	swait.ge [sflag:s4], $0x0  }
0x19: {  	s7 =	sld [smem:$0x3F94]  }
0x1a: {  	s8 =	sadd.s32 $0xFFFFE003, lr  }
0x1b: {  	s9 =	sadd.s32 $0xFFFFFEF7, lr;
	s5 =	simm.s32 $0xFFFFFFFF;
	p2 =	slt.u32 s8, $0xFFFFF086  }
0x1c: {  	p1 =	slt.u32 s9, $0xF7A;
	s5 =	simm.s32 @!p2 $0x0  }
0x1d: {  	s5 =	simm.s32 @p1 $0x1;
	p0 =	seq.s32 s7, s2  }
0x1e: {  	s7 =	smul.u32 @!p0 $0xF7A, s2;
	p2 =	seq.s32 @!p0 s5, $0x0  }
0x1f: {  	s9 =	smul.u32 $0xF7A, s1;
	s8 =	simm.s32 @!p0 $0x1BF5;
	p2 =	por !p2, p0  }
0x20: {  	[sflag:s8] =	ssyncset.s32 @!p0 $0xFFFFF086;
	s6 =	sadd.s32 @!p0 s3, s7;
	s7 =	simm.s32 @!p0 $0x108  }
0x21: {  	s3 =	sadd.s32 s3, s9;
	s6 =	sadd.s32 @!p0 $0x88, s6;
	s7 =	simm.s32 @p2 $0x1082  }
0x22: {  	[simem:s7], [sflag:s8] =	dma.local @!p0 [hbm:s6], $0xF7A  }
0x23: {  	s9 =	sor.u32 $0xD0000000, s2;
	s6 =	simm.s32 $0x108;
	_ =	swait.ge @!p0 [sflag:s8], $0x0  }
0x24: {  	s3 =	sadd.s32 $0x88, s3;
	s6 =	simm.s32 @!p1 $0x1082;
	[sflag:s4] =	ssyncset.s32 $0xFFFFF086  }
0x25: {  	[simem:s6], [sflag:s4] =	dma.local [hbm:s3], $0xF7A  }
0x26: {  	[smem:$0x3F94] =	sst s1;
	(tag) =	ssettag s2;
	_ =	strace s9  }
0x27: {  	s1 =	sld [smem:$0x3FA4]  }
0x28: {  	s2 =	sld [smem:$0x3FA5]  }
0x29: {  	s4 =	sld [smem:$0x3FA7]  }
0x2a: {  	p0 =	seq.s32 s5, $0x0;
	s5 =	sld [smem:$0x3FA8]  }
0x2b: {  	s6 =	sld [smem:$0x3FA9]  }
0x2c: {  	s7 =	sld [smem:$0x3FAA]  }
0x2d: {  	s3 =	simm.s32 $0x108;
	s8 =	sld [smem:$0x3FAB]  }
0x2e: {  	s3 =	simm.s32 @!p0 $0x1082;
	s9 =	sld [smem:$0x3FAC]  }
0x2f: {  	lr =	sadd.s32 s0, s3;
	s0 =	sld [smem:$0x3FA3]  }
0x30: {  	s3 =	sld [smem:$0x3FA6]  }
0x31: {  	[smem:$0x3FAF] =	sst s10  }
0x32: {  	s10 =	sld [smem:$0x3FAD];
	_ =	sdelay $0x3  }
0x33: {  	p0 =	seq.s32 s10, $0x1;
	s10 =	sld [smem:$0x3FAF];
	_ =	sdelay $0x3  }
0x34: {  	[smem:$0x3FAF] =	sst s10  }
0x35: {  	s10 =	sld [smem:$0x3FAE];
	_ =	sdelay $0x3  }
0x36: {  	p1 =	seq.s32 s10, $0x1;
	s10 =	sld [smem:$0x3FAF];
	_ =	sdelay $0x3  }
0x37: {  	[smem:$0x3FAF] =	sst s10  }
0x38: {  	s10 =	sld [smem:$0x3FB0]  }
0x39: {  	_ = 	snop;
	(pc) =	sbr.ind lr, $3  }
0x3a: {  	_ = 	snop  }
0x3b: {  	_ = 	snop  }
0x3c: {  	p2 =	seq.s32 s10, $0x1;
	s10 =	sld [smem:$0x3FAF]  }
0x3d: {  	_ =	shalt  }
0x3e: {  	_ =	shalt  }
0x3f: {  	_ =	shalt  }
0x40: {  	_ =	shalt  }
0x41: {  	_ =	shalt  }
0x42: {  	_ =	shalt  }
0x43: {  	_ =	shalt  }
0x44: {  	_ =	shalt  }
0x45: {  	_ =	shalt  }
0x46: {  	_ =	shalt  }
0x47: {  	_ =	shalt  }
0x48: {  	_ =	shalt  }
0x49: {  	_ =	shalt  }
0x4a: {  	_ =	shalt  }
0x4b: {  	_ =	shalt  }
0x4c: {  	_ =	shalt  }
0x4d: {  	_ =	shalt  }
0x4e: {  	_ =	shalt  }
0x4f: {  	_ =	shalt  }
0x50: {  	_ =	shalt  }
0x51: {  	_ =	shalt  }
0x52: {  	_ =	shalt  }
0x53: {  	_ =	shalt  }
0x54: {  	_ =	shalt  }
0x55: {  	_ =	shalt  }
0x56: {  	_ =	shalt  }
0x57: {  	_ =	shalt  }
0x58: {  	_ =	shalt  }
0x59: {  	_ =	shalt  }
0x5a: {  	_ =	shalt  }
0x5b: {  	_ =	shalt  }
0x5c: {  	_ =	shalt  }
0x5d: {  	_ =	shalt  }
0x5e: {  	_ =	shalt  }
0x5f: {  	_ =	shalt  }
0x60: {  	_ =	shalt  }
0x61: {  	_ =	shalt  }
0x62: {  	_ =	shalt  }
0x63: {  	_ =	shalt  }
0x64: {  	_ =	shalt  }
0x65: {  	_ =	shalt  }
0x66: {  	_ =	shalt  }
0x67: {  	_ =	shalt  }
0x68: {  	_ =	shalt  }
0x69: {  	_ =	shalt  }
0x6a: {  	_ =	shalt  }
0x6b: {  	_ =	shalt  }
0x6c: {  	_ =	shalt  }
0x6d: {  	_ =	shalt  }
0x6e: {  	_ =	shalt  }
0x6f: {  	_ =	shalt  }
0x70: {  	_ =	shalt  }
0x71: {  	_ =	shalt  }
0x72: {  	_ =	shalt  }
0x73: {  	_ =	shalt  }
0x74: {  	_ =	shalt  }
0x75: {  	_ =	shalt  }
0x76: {  	_ =	shalt  }
0x77: {  	_ =	shalt  }
0x78: {  	_ =	shalt  }
0x79: {  	_ =	shalt  }
0x7a: {  	_ =	shalt  }
0x7b: {  	_ =	shalt  }
0x7c: {  	_ =	shalt  }
0x7d: {  	_ =	shalt  }
0x7e: {  	_ =	shalt  }
0x7f: {  	_ =	shalt  }
0x80: {  	_ =	shalt  }
0x81: {  	_ =	shalt  }
0x82: {  	_ =	shalt  }
0x83: {  	_ =	shalt  }
0x84: {  	_ =	shalt  }
0x85: {  	_ =	shalt  }
0x86: {  	_ =	shalt  }
0x87: {  	_ =	shalt  }
.Lfunc_end0:
.L_simem_size_0:
called_computation.1_lowered:
.L_overlay_start_0:
0x88: {  	s2 =	sld [smem:$0x3FD9]  }
0x89: {  	s3 =	sld [smem:$0x3FFE];
	_ =	sdelay $0x1  }
0x8a: {  	s1 =	srdreg.scid  }
0x8b: {  	s0 =	sand.u32 $0x1, s1  }
0x8c: {  	s16 =	sshll.u32 s0, $0xA;
	s2 =	sadd.s32 s3, s2  }
0x8d: {  	s2 =	sadd.s32 s2, s16  }
0x8e: {  	[smem:$0x3FBB] =	sst s2  }
0x8f: {  	_ = 	snop  }
0x90: {  	(tm) =	ssettm $0x1  }
0x91: {  	s17 =	sld [smem:$0x3FFB];
	_ =	sdelay $0x3  }
0x92: {  	_ =	strace s17  }
0x93: {  	s2 =	sld [smem:$0x3FFC];
	_ =	sdelay $0x3  }
0x94: {  	_ =	strace s2  }
0x95: {  	s2 =	sld [smem:$0x3FFD];
	_ =	sdelay $0x3  }
0x96: {  	_ =	strace s2  }
0x97: {  	_ =	strace $0x8FFFFFFF  }
0x98: {  	s18 =	sld [smem:$0x3FDB];
	_ =	sdelay $0x1  }
0x99: {  	s19 =	simm.s32 $_scs_section_size  }
0x9a: {  	s4 =	simm.s32 $_size__tile_overlayer_lowered;
	s5 =	simm.s32 $_tile_overlayer_lowered  }
0x9b: {  	s22 =	simm.s32 $0x1BFF;
	s21 =	sshll.u32 s5, $0x1;
	s2 =	sadd.s32 s19, s18  }
0x9c: {  	s6 =	simm.s32 $0x0;
	s20 =	sshll.u32 s4, $0x1;
	s4 =	sadd.s32 s21, s2  }
0x9d: {  	[timem:s6], [sflag:s22] =	dma.local [hbm:s4], s20  }
0x9e: {  	_ =	swait.ge [sflag:s22], s20  }
0x9f: {  	s3 =	ssub.s32 $0x0, s20;
	[sflag:s22] =	ssyncset.done $0x0  }
0xa0: {  	[sflag:s22] =	ssyncadd.s32 s3;
	_ =	sdelay $0x1  }
0xa1: {  	s23 =	simm.s32 $0x1B8B  }
0xa2: {  	_ =	swait.ge [sflag:s23], $0x1  }
0xa3: {  	[sflag:s23] =	ssyncset.done $0x0  }
0xa4: {  	s25 =	simm.s32 $0x1B8E;
	s24 =	sld [smem:$0x3FFE];
	[sflag:s23] =	ssyncadd.s32 $0xFFFFFFFF  }
0xa5: {  	s26 =	simm.s32 $execute0_lowered;
	[smem:$0x3FD2] =	sst s25  }
0xa6: {  	s4 =	sshll.u32 s26, $0x1;
	_ =	strace $0x80000046;
	[dreg:$0x1] =	wrdreg $0xFFFFFFFF  }
0xa7: {  	s28 =	simm.s32 $_size_execute0_lowered;
	s2 =	sadd.s32 s2, s4;
	[dreg:$0x0] =	wrdreg $0x0  }
0xa8: {  	s4 =	sshll.u32 s28, $0x1;
	[dreg:$0x2] =	wrdreg s2  }
0xa9: {  	[dreg:$0x3] =	wrdreg s4  }
0xaa: {  	[dreg:$0x4] =	wrdreg $0xC0  }
0xab: {  	_ =	task [dreg:s6], $0x5FFFF  }
0xac: {  	[dreg:$0x1] =	wrdreg $0xFFFFFFFF  }
0xad: {  	[dreg:$0x0] =	wrdreg $0x60  }
0xae: {  	[dreg:$0x2] =	wrdreg s24  }
0xaf: {  	[dreg:$0x3] =	wrdreg $0xA  }
0xb0: {  	_ =	task.clear_ibuf [dreg:s6], $0x4FFFF;
	_ =	strace $0x90000046  }
0xb1: {  	s29 =	simm.s32 $0xA;
	_ =	strace $0x80000048  }
0xb2: {  	_ =	swait.ge [sflag:s29], $0x1  }
0xb3: {  	[sflag:s29] =	ssyncadd.s32 $0xFFFFFFFF  }
0xb4: {  	_ =	strace $0x90000048  }
0xb5: {  	_ =	sfence  }
0xb6: {  	s30 =	sld [smem:$0x0];
	_ =	sdelay $0x2  }
0xb7: {  	s31 =	sshll.u32 s1, $0xD;
	s1 =	sshrl.u32 s1, $0x2  }
0xb8: {  	s3 =	sand.u32 $0x4000, s31;
	s1 =	sadd.s32 s1, s30  }
0xb9: {  	s0 =	sor.u32 s3, s0;
	s1 =	sshll.u32 s1, $0x11  }
0xba: {  	s0 =	sor.u32 s1, s0  }
0xbb: {  	s0 =	sadd.s32 $0x8F2B, s0  }
0xbc: {  	[sflag:s0] =	ssyncadd.remote.s32 $0x1  }
0xbd: {  	_ =	sfence.sel $0xFFFF  }
0xbe: {  	[dreg:$0x0] =	wrdreg $0xFFFFFFFF;
	(pc) =	sbr.abs _section_cstart, $3  }
0xbf: {  	[dreg:$0x1] =	wrdreg $0xFFFFFFFF  }
0xc0: {  	_ =	task.clear_ibuf [dreg:s6], $0x2FFFF;
	_ =	strace $0x9FFFFFFF  }
0xc1: {  	(tm) =	ssettm $0x7FFFFFFF  }
tec
execute0_lowered:
.L_overlay_start_1:
0x0: {  	(tag) =	ssettag $0x1  }
0x1: {  	s0 =	rddreg [dreg:$0x0];
	s2 =	simm.s32 $0x0;
	s1 =	srdreg.scid  }
0x2: {  	s15 =	stileid.u32;
	s16 =	simm.s32 $0x100;
	s17 =	simm.s32 $0x50  }
0x3: {  	s18 =	simm.s32 $0x200;
	s19 =	simm.s32 $0x5200;
	s20 =	simm.s32 $0x80  }
0x4: {  	s21 =	simm.s32 $0x180;
	s22 =	simm.s32 $0x2A00;
	s28 =	simm.s32 $0x4  }
0x5: {  	s29 =	simm.s32 $0x0;
	[smem:$0x7FF] =	sst s2;
	s1 =	sand.u32 $0x1, s1  }
0x6: {  	s3 =	sshll.u32 s15, $0x1;
	s4 =	sadd.s32 $0x3FC00, s0;
	s8 =	smul.u32 $0x2620, s15  }
0x7: {  	s14 =	sadd.s32 $0x4E00, s0;
	s11 =	sadd.s32 $0x2C8E00, s0;
	s15 =	smul.u32 $0x26200, s15  }
0x8: {  	s13 =	sadd.s32 $0xEC00, s0;
	_ =	strace $0x80000047;
	s10 =	smul.u32 $0x1310, s1  }
0x9: {  	s5 =	sor.u32 s1, s3;
	s7 =	ssub.s32 $0x2, s1;
	s1 =	smul.u32 $0x13100, s1  }
0xa: {  	s3 =	sadd.s32 $0x18A00, s0;
	s0 =	sadd.s32 $0x66E00, s0;
	s6 =	smul.u32 $0x1310, s5  }
0xb: {  	s5 =	smul.u32 $0x98800, s5;
	s9 =	sshrl.u32 s7, $0x1;
	s26 =	sadd.s32 s15, s11  }
0xc: {  	s9 =	ssub.s32 s7, s9;
	s12 =	sadd.s32 s10, s8;
	s6 =	sshrl.u32 s6, $0x3  }
0xd: {  	s5 =	sshrl.u32 s5, $0x3;
	s10 =	sadd.s32 $0x28050, s12;
	s9 =	smax.u32 s9, $0x1  }
0xe: {  	s30 =	sadd.s32 $0x28000, s12;
	s6 =	sadd.s32 $0x5258, s6;
	s5 =	sadd.s32 $0x12C00, s5  }
0xf: {  	s25 =	sshrl.u32 s10, $0x3;
	s31 =	sshrl.u32 s30, $0x3;
	s23 =	sadd.s32 s14, s6  }
0x10: {  	s6 =	sadd.s32 s13, s6;
	s24 =	sadd.s32 s11, s5;
	s8 =	sadd.s32 s0, s5  }
0x11: {  	s10 =	sadd.s32 s25, s13;
	s0 =	sadd.s32 s15, s0;
	[dreg:$0x3] =	wrdreg s23  }
0x12: {  	s5 =	sadd.s32 s1, s26;
	s13 =	sadd.s32 s31, s13;
	[dreg:$0x4] =	wrdreg s6  }
0x13: {  	s15 =	simm.s32 $0x5;
	s26 =	simm.s32 $0x3;
	[dreg:$0x5] =	wrdreg s24  }
0x14: {  	[dreg:$0x2] =	wrdreg s10;
	s10 =	sadd.s32 s25, s14;
	s0 =	sadd.s32 s1, s0  }
0x15: {  	s11 =	sadd.s32 $0x500, s5;
	s14 =	sadd.s32 s31, s14;
	s23 =	simm.s32 $0x7A00  }
0x16: {  	s24 =	simm.s32 $0x1;
	s25 =	simm.s32 $0x2;
	s12 =	sadd.s32 $0x500, s0  }
.LBB2_1:
0x17: {  	s0 =	sadd.s32 $0x0, s14  }
0x18: {  	[tilespmem:s2], [sflag:$0x5] =	stream.linear.gather [hbm4b:s0+s2], $0x50, $0x38;
	[tilespmem:$0xA200] =	vst v63  }
0x19: {  	_ =	swait.ge [sflag:s15], $0x50  }
0x1a: {  	[sflag:s15] =	ssyncset.done $0x0  }
0x1b: {  	s7 =	sadd.s32 $0x0, s13;
	[sflag:s15] =	ssyncadd.s32 $0xFFFFFFB0  }
0x1c: {  	[tilespmem:s16], [sflag:$0x5] =	stream.linear.gather [hbm4b:s7+s2], $0x50, $0x38;
	[tilespmem:$0xA200] =	vst v63  }
0x1d: {  	_ =	swait.ge [sflag:s15], $0x50  }
0x1e: {  	[sflag:s15] =	ssyncset.done $0x0  }
0x1f: {  	[sflag:s15] =	ssyncadd.s32 $0xFFFFFFB0  }
0x20: {  	[tilespmem:s18], [sflag:$0x1] =	stream.indirect.gather [hbm4b:s3+s17], $0x80, s2, s17, $0xb8;
	[tilespmem:$0xA200] =	vst v63  }
0x21: {  	_ = 	snop  }
0x22: {  	[tilespmem:s19], [sflag:$0x2] =	stream.indirect.gather [hbm4b:s4+s17], $0x80, s16, s17, $0xb8;
	[tilespmem:$0xA200] =	vst v63  }
0x23: {  	s1 =	sadd.s32 $0x0, s10  }
0x24: {  	[tilespmem:s20], [sflag:$0x5] =	stream.linear.gather [hbm4b:s1+s2], $0x50, $0x38;
	[tilespmem:$0xA200] =	vst v63  }
0x25: {  	_ =	swait.ge [sflag:s15], $0x50  }
0x26: {  	s5 =	rddreg [dreg:$0x2];
	[sflag:s15] =	ssyncset.done $0x0  }
0x27: {  	[sflag:s15] =	ssyncadd.s32 $0xFFFFFFB0;
	s0 =	sadd.s32 $0x0, s5  }
0x28: {  	[tilespmem:s21], [sflag:$0x5] =	stream.linear.gather [hbm4b:s0+s2], $0x50, $0x38;
	[tilespmem:$0xA200] =	vst v63  }
0x29: {  	_ =	swait.ge [sflag:s15], $0x50  }
0x2a: {  	[sflag:s15] =	ssyncset.done $0x0  }
0x2b: {  	[sflag:s15] =	ssyncadd.s32 $0xFFFFFFB0  }
0x2c: {  	[tilespmem:s22], [sflag:$0x3] =	stream.indirect.gather [hbm4b:s3+s17], $0x80, s20, s17, $0xb8;
	[tilespmem:$0xA200] =	vst v63  }
0x2d: {  	_ = 	snop  }
0x2e: {  	[tilespmem:s23], [sflag:$0x4] =	stream.indirect.gather [hbm4b:s4+s17], $0x80, s21, s17, $0xb8;
	[tilespmem:$0xA200] =	vst v63  }
0x2f: {  	_ =	swait.ge [sflag:s24], $0x2800  }
0x30: {  	[sflag:s24] =	ssyncset.done $0x0  }
0x31: {  	s6 =	sadd.s32 $0xFFFFFB00, s11;
	[sflag:s24] =	ssyncadd.s32 $0xFFFFD800  }
0x32: {  	[hbm4b:s6+s2] =	stream.linear.scatter [tilespmem:s18], [sflag:$0x5], $0x2800, $0x38;
	[tilespmem:$0xA200] =	vst v63  }
0x33: {  	_ =	swait.ge [sflag:s15], $0x2800  }
0x34: {  	[sflag:s15] =	ssyncset.done $0x0  }
0x35: {  	[sflag:s15] =	ssyncadd.s32 $0xFFFFD800  }
0x36: {  	_ =	swait.ge [sflag:s25], $0x2800  }
0x37: {  	[sflag:s25] =	ssyncset.done $0x0  }
0x38: {  	s7 =	sadd.s32 $0xFFFFFB00, s12;
	[sflag:s25] =	ssyncadd.s32 $0xFFFFD800  }
0x39: {  	[hbm4b:s7+s2] =	stream.linear.scatter [tilespmem:s19], [sflag:$0x5], $0x2800, $0x38;
	[tilespmem:$0xA200] =	vst v63  }
0x3a: {  	_ =	swait.ge [sflag:s15], $0x2800  }
0x3b: {  	[sflag:s15] =	ssyncset.done $0x0  }
0x3c: {  	[sflag:s15] =	ssyncadd.s32 $0xFFFFD800  }
0x3d: {  	_ =	swait.ge [sflag:s26], $0x2800  }
0x3e: {  	[sflag:s26] =	ssyncset.done $0x0  }
0x3f: {  	[sflag:s26] =	ssyncadd.s32 $0xFFFFD800  }
0x40: {  	[hbm4b:s11+s2] =	stream.linear.scatter [tilespmem:s22], [sflag:$0x5], $0x2800, $0x38;
	[tilespmem:$0xA200] =	vst v63  }
0x41: {  	_ =	swait.ge [sflag:s15], $0x2800  }
0x42: {  	[sflag:s15] =	ssyncset.done $0x0  }
0x43: {  	[sflag:s15] =	ssyncadd.s32 $0xFFFFD800  }
0x44: {  	_ =	swait.ge [sflag:s28], $0x2800  }
0x45: {  	[sflag:s28] =	ssyncset.done $0x0  }
0x46: {  	[sflag:s28] =	ssyncadd.s32 $0xFFFFD800  }
0x47: {  	[hbm4b:s12+s2] =	stream.linear.scatter [tilespmem:s23], [sflag:$0x5], $0x2800, $0x38;
	[tilespmem:$0xA200] =	vst v63  }
0x48: {  	s31 =	sadd.s32 $0xA00, s11;
	s30 =	sadd.s32 $0xA00, s12;
	_ =	swait.ge [sflag:s15], $0x2800  }
0x49: {  	s1 =	simm.s32 $0x28;
	s0 =	simm.s32 $0x14;
	[sflag:s15] =	ssyncset.done $0x0  }
.LBB2_2:
0x4a: {  	s6 =	sadd.s32 s0, s14;
	[sflag:s15] =	ssyncadd.s32 $0xFFFFD800  }
0x4b: {  	[tilespmem:s2], [sflag:$0x5] =	stream.linear.gather [hbm4b:s6+s2], $0x50, $0x38;
	[tilespmem:$0xA200] =	vst v63  }
0x4c: {  	_ =	swait.ge [sflag:s15], $0x50  }
0x4d: {  	[sflag:s15] =	ssyncset.done $0x0  }
0x4e: {  	s6 =	sadd.s32 s0, s13;
	[sflag:s15] =	ssyncadd.s32 $0xFFFFFFB0  }
0x4f: {  	[tilespmem:s16], [sflag:$0x5] =	stream.linear.gather [hbm4b:s6+s2], $0x50, $0x38;
	[tilespmem:$0xA200] =	vst v63  }
0x50: {  	_ =	swait.ge [sflag:s15], $0x50  }
0x51: {  	[sflag:s15] =	ssyncset.done $0x0  }
0x52: {  	[sflag:s15] =	ssyncadd.s32 $0xFFFFFFB0  }
0x53: {  	[tilespmem:s18], [sflag:$0x1] =	stream.indirect.gather [hbm4b:s3+s17], $0x80, s2, s17, $0xb8;
	[tilespmem:$0xA200] =	vst v63  }
0x54: {  	_ = 	snop  }
0x55: {  	[tilespmem:s19], [sflag:$0x2] =	stream.indirect.gather [hbm4b:s4+s17], $0x80, s16, s17, $0xb8;
	[tilespmem:$0xA200] =	vst v63  }
0x56: {  	s6 =	sadd.s32 s0, s10  }
0x57: {  	[tilespmem:s20], [sflag:$0x5] =	stream.linear.gather [hbm4b:s6+s2], $0x50, $0x38;
	[tilespmem:$0xA200] =	vst v63  }
0x58: {  	s7 =	smov.u32 s1;
	_ =	swait.ge [sflag:s15], $0x50  }
0x59: {  	s5 =	sadd.s32 $0x14, s1;
	s6 =	rddreg [dreg:$0x2];
	[sflag:s15] =	ssyncset.done $0x0  }
0x5a: {  	p0 =	sne.s32 s1, $0x244;
	[sflag:s15] =	ssyncadd.s32 $0xFFFFFFB0;
	s1 =	sadd.s32 s0, s6  }
0x5b: {  	[tilespmem:s21], [sflag:$0x5] =	stream.linear.gather [hbm4b:s1+s2], $0x50, $0x38;
	[tilespmem:$0xA200] =	vst v63  }
0x5c: {  	_ =	swait.ge [sflag:s15], $0x50  }
0x5d: {  	[sflag:s15] =	ssyncset.done $0x0  }
0x5e: {  	[sflag:s15] =	ssyncadd.s32 $0xFFFFFFB0  }
0x5f: {  	[tilespmem:s22], [sflag:$0x3] =	stream.indirect.gather [hbm4b:s3+s17], $0x80, s20, s17, $0xb8;
	[tilespmem:$0xA200] =	vst v63  }
0x60: {  	_ = 	snop  }
0x61: {  	[tilespmem:s23], [sflag:$0x4] =	stream.indirect.gather [hbm4b:s4+s17], $0x80, s21, s17, $0xb8;
	[tilespmem:$0xA200] =	vst v63  }
0x62: {  	_ =	swait.ge [sflag:s24], $0x2800  }
0x63: {  	[sflag:s24] =	ssyncset.done $0x0  }
0x64: {  	s6 =	sadd.s32 $0xFFFFFB00, s31;
	[sflag:s24] =	ssyncadd.s32 $0xFFFFD800  }
0x65: {  	[hbm4b:s6+s2] =	stream.linear.scatter [tilespmem:s18], [sflag:$0x5], $0x2800, $0x38;
	[tilespmem:$0xA200] =	vst v63  }
0x66: {  	_ =	swait.ge [sflag:s15], $0x2800  }
0x67: {  	[sflag:s15] =	ssyncset.done $0x0  }
0x68: {  	[sflag:s15] =	ssyncadd.s32 $0xFFFFD800  }
0x69: {  	_ =	swait.ge [sflag:s25], $0x2800  }
0x6a: {  	[sflag:s25] =	ssyncset.done $0x0  }
0x6b: {  	s0 =	smov.u32 s7;
	s7 =	sadd.s32 $0xFFFFFB00, s30;
	[sflag:s25] =	ssyncadd.s32 $0xFFFFD800  }
0x6c: {  	[hbm4b:s7+s2] =	stream.linear.scatter [tilespmem:s19], [sflag:$0x5], $0x2800, $0x38;
	[tilespmem:$0xA200] =	vst v63  }
0x6d: {  	_ =	swait.ge [sflag:s15], $0x2800  }
0x6e: {  	[sflag:s15] =	ssyncset.done $0x0  }
0x6f: {  	[sflag:s15] =	ssyncadd.s32 $0xFFFFD800  }
0x70: {  	_ =	swait.ge [sflag:s26], $0x2800  }
0x71: {  	[sflag:s26] =	ssyncset.done $0x0  }
0x72: {  	[sflag:s26] =	ssyncadd.s32 $0xFFFFD800  }
0x73: {  	[hbm4b:s31+s2] =	stream.linear.scatter [tilespmem:s22], [sflag:$0x5], $0x2800, $0x38;
	[tilespmem:$0xA200] =	vst v63  }
0x74: {  	_ =	swait.ge [sflag:s15], $0x2800  }
0x75: {  	[sflag:s15] =	ssyncset.done $0x0  }
0x76: {  	[sflag:s15] =	ssyncadd.s32 $0xFFFFD800  }
0x77: {  	_ =	swait.ge [sflag:s28], $0x2800  }
.Ltmp0:
0x78: {  	[sflag:s28] =	ssyncset.done $0x0;
	(pc) =	sbr.rel @p0 .LBB2_2-.Ltmp0, $4  }
0x79: {  	[sflag:s28] =	ssyncadd.s32 $0xFFFFD800  }
0x7a: {  	[hbm4b:s30+s2] =	stream.linear.scatter [tilespmem:s23], [sflag:$0x5], $0x2800, $0x38;
	[tilespmem:$0xA200] =	vst v63  }
0x7b: {  	s1 =	smov.u32 s5;
	_ =	swait.ge [sflag:s15], $0x2800  }
0x7c: {  	s31 =	sadd.s32 $0xA00, s31;
	s30 =	sadd.s32 $0xA00, s30;
	[sflag:s15] =	ssyncset.done $0x0  }
0x7d: {  	s1 =	sadd.s32 s0, s14;
	[sflag:s15] =	ssyncadd.s32 $0xFFFFD800  }
0x7e: {  	[tilespmem:s2], [sflag:$0x5] =	stream.linear.gather [hbm4b:s1+s2], $0x50, $0x38;
	[tilespmem:$0xA200] =	vst v63  }
0x7f: {  	_ =	swait.ge [sflag:s15], $0x50  }
0x80: {  	[sflag:s15] =	ssyncset.done $0x0  }
0x81: {  	s5 =	sadd.s32 s0, s13;
	[sflag:s15] =	ssyncadd.s32 $0xFFFFFFB0  }
0x82: {  	[tilespmem:s16], [sflag:$0x5] =	stream.linear.gather [hbm4b:s5+s2], $0x50, $0x38;
	[tilespmem:$0xA200] =	vst v63  }
0x83: {  	_ =	swait.ge [sflag:s15], $0x50  }
0x84: {  	[sflag:s15] =	ssyncset.done $0x0  }
0x85: {  	[sflag:s15] =	ssyncadd.s32 $0xFFFFFFB0  }
0x86: {  	[tilespmem:s18], [sflag:$0x1] =	stream.indirect.gather [hbm4b:s3+s17], $0x80, s2, s17, $0xb8;
	[tilespmem:$0xA200] =	vst v63  }
0x87: {  	_ = 	snop  }
0x88: {  	[tilespmem:s19], [sflag:$0x2] =	stream.indirect.gather [hbm4b:s4+s17], $0x80, s16, s17, $0xb8;
	[tilespmem:$0xA200] =	vst v63  }
0x89: {  	s6 =	sadd.s32 s0, s10  }
0x8a: {  	[tilespmem:s20], [sflag:$0x5] =	stream.linear.gather [hbm4b:s6+s2], $0x50, $0x38;
	[tilespmem:$0xA200] =	vst v63  }
0x8b: {  	_ =	swait.ge [sflag:s15], $0x50  }
0x8c: {  	s7 =	rddreg [dreg:$0x2];
	[sflag:s15] =	ssyncset.done $0x0  }
0x8d: {  	s1 =	sadd.s32 s0, s7;
	[sflag:s15] =	ssyncadd.s32 $0xFFFFFFB0  }
0x8e: {  	[tilespmem:s21], [sflag:$0x5] =	stream.linear.gather [hbm4b:s1+s2], $0x50, $0x38;
	[tilespmem:$0xA200] =	vst v63  }
0x8f: {  	_ =	swait.ge [sflag:s15], $0x50  }
0x90: {  	[sflag:s15] =	ssyncset.done $0x0  }
0x91: {  	[sflag:s15] =	ssyncadd.s32 $0xFFFFFFB0  }
0x92: {  	[tilespmem:s22], [sflag:$0x3] =	stream.indirect.gather [hbm4b:s3+s17], $0x80, s20, s17, $0xb8;
	[tilespmem:$0xA200] =	vst v63  }
0x93: {  	_ = 	snop  }
0x94: {  	[tilespmem:s23], [sflag:$0x4] =	stream.indirect.gather [hbm4b:s4+s17], $0x80, s21, s17, $0xb8;
	[tilespmem:$0xA200] =	vst v63  }
0x95: {  	_ =	swait.ge [sflag:s24], $0x2800  }
0x96: {  	[sflag:s24] =	ssyncset.done $0x0  }
0x97: {  	s5 =	sadd.s32 $0xFFFFFB00, s31;
	[sflag:s24] =	ssyncadd.s32 $0xFFFFD800  }
0x98: {  	[hbm4b:s5+s2] =	stream.linear.scatter [tilespmem:s18], [sflag:$0x5], $0x2800, $0x38;
	[tilespmem:$0xA200] =	vst v63  }
0x99: {  	_ =	swait.ge [sflag:s15], $0x2800  }
0x9a: {  	[sflag:s15] =	ssyncset.done $0x0  }
0x9b: {  	[sflag:s15] =	ssyncadd.s32 $0xFFFFD800  }
0x9c: {  	_ =	swait.ge [sflag:s25], $0x2800  }
0x9d: {  	[sflag:s25] =	ssyncset.done $0x0  }
0x9e: {  	s6 =	sadd.s32 $0xFFFFFB00, s30;
	[sflag:s25] =	ssyncadd.s32 $0xFFFFD800  }
0x9f: {  	[hbm4b:s6+s2] =	stream.linear.scatter [tilespmem:s19], [sflag:$0x5], $0x2800, $0x38;
	[tilespmem:$0xA200] =	vst v63  }
0xa0: {  	_ =	swait.ge [sflag:s15], $0x2800  }
0xa1: {  	[sflag:s15] =	ssyncset.done $0x0  }
0xa2: {  	[sflag:s15] =	ssyncadd.s32 $0xFFFFD800  }
0xa3: {  	_ =	swait.ge [sflag:s26], $0x2800  }
0xa4: {  	[sflag:s26] =	ssyncset.done $0x0  }
0xa5: {  	[sflag:s26] =	ssyncadd.s32 $0xFFFFD800  }
0xa6: {  	[hbm4b:s31+s2] =	stream.linear.scatter [tilespmem:s22], [sflag:$0x5], $0x2800, $0x38;
	[tilespmem:$0xA200] =	vst v63  }
0xa7: {  	_ =	swait.ge [sflag:s15], $0x2800  }
0xa8: {  	[sflag:s15] =	ssyncset.done $0x0  }
0xa9: {  	[sflag:s15] =	ssyncadd.s32 $0xFFFFD800  }
0xaa: {  	_ =	swait.ge [sflag:s28], $0x2800  }
0xab: {  	[sflag:s28] =	ssyncset.done $0x0  }
0xac: {  	[sflag:s28] =	ssyncadd.s32 $0xFFFFD800  }
0xad: {  	[hbm4b:s30+s2] =	stream.linear.scatter [tilespmem:s23], [sflag:$0x5], $0x2800, $0x38;
	[tilespmem:$0xA200] =	vst v63  }
0xae: {  	_ =	swait.ge [sflag:s15], $0x2800  }
0xaf: {  	[sflag:s15] =	ssyncset.done $0x0  }
0xb0: {  	s7 =	rddreg [dreg:$0x3];
	[sflag:s15] =	ssyncadd.s32 $0xFFFFD800  }
0xb1: {  	[tilespmem:s2], [sflag:$0x5] =	stream.linear.gather [hbm4b:s7+s2], $0x50, $0x38;
	[tilespmem:$0xA200] =	vst v63  }
0xb2: {  	_ =	swait.ge [sflag:s15], $0x50  }
0xb3: {  	[sflag:s15] =	ssyncset.done $0x0  }
0xb4: {  	s30 =	rddreg [dreg:$0x4];
	[sflag:s15] =	ssyncadd.s32 $0xFFFFFFB0  }
0xb5: {  	[tilespmem:s16], [sflag:$0x5] =	stream.linear.gather [hbm4b:s30+s2], $0x50, $0x38;
	[tilespmem:$0xA200] =	vst v63  }
0xb6: {  	_ =	swait.ge [sflag:s15], $0x50  }
0xb7: {  	[sflag:s15] =	ssyncset.done $0x0  }
0xb8: {  	[sflag:s15] =	ssyncadd.s32 $0xFFFFFFB0  }
0xb9: {  	[tilespmem:s18], [sflag:$0x1] =	stream.indirect.gather [hbm4b:s3+s17], $0x80, s2, s17, $0xb8;
	[tilespmem:$0xA200] =	vst v63  }
0xba: {  	_ = 	snop  }
0xbb: {  	[tilespmem:s19], [sflag:$0x2] =	stream.indirect.gather [hbm4b:s4+s17], $0x80, s16, s17, $0xb8;
	[tilespmem:$0xA200] =	vst v63  }
0xbc: {  	_ =	swait.ge [sflag:s24], $0x2800  }
0xbd: {  	[sflag:s24] =	ssyncset.done $0x0  }
0xbe: {  	s31 =	rddreg [dreg:$0x5];
	[sflag:s24] =	ssyncadd.s32 $0xFFFFD800  }
0xbf: {  	[hbm4b:s31+s2] =	stream.linear.scatter [tilespmem:s18], [sflag:$0x5], $0x2800, $0x38;
	[tilespmem:$0xA200] =	vst v63  }
0xc0: {  	_ =	swait.ge [sflag:s15], $0x2800  }
0xc1: {  	[sflag:s15] =	ssyncset.done $0x0  }
0xc2: {  	[sflag:s15] =	ssyncadd.s32 $0xFFFFD800  }
0xc3: {  	s29 =	sadd.s32 $0x1, s29;
	_ =	swait.ge [sflag:s25], $0x2800  }
0xc4: {  	p0 =	sne.s32 s29, s9;
	[sflag:s25] =	ssyncset.done $0x0  }
.Ltmp1:
0xc5: {  	[sflag:s25] =	ssyncadd.s32 $0xFFFFD800;
	(pc) =	sbr.rel @p0 .LBB2_1-.Ltmp1, $4  }
0xc6: {  	[hbm4b:s8+s2] =	stream.linear.scatter [tilespmem:s19], [sflag:$0x5], $0x2800, $0x38;
	[tilespmem:$0xA200] =	vst v63  }
0xc7: {  	_ =	swait.ge [sflag:s15], $0x2800  }
0xc8: {  	[sflag:s15] =	ssyncset.done $0x0  }
0xc9: {  	[sflag:s15] =	ssyncadd.s32 $0xFFFFD800  }
0xca: {  	_ =	sfence.sel $0x180000  }
0xcb: {  	[bflag:$0x0] =	sbarrier.arrive $0xFFFF  }
0xcc: {  	_ =	strace $0x90000047  }
0xcd: {  	s0 =	stileid.u32;
	[bflag:$0x2] =	sbarrier.arrive $0xFFFF  }
0xce: {  	p0 =	sne.s32 s0, $0x0;
	s0 =	rddreg [dreg:$0x1]  }
0xcf: {  	s0 =	sadd.s32 @!p0 $0x100000, s0  }
0xd0: {  	[sflag:s0] =	ssyncadd.tile.s32 @!p0 $0x1;
	_ =	shalt  }
.Lfunc_end2:
_tile_overlayer_lowered:
.L_overlay_start_2:
0xd1: {  	(tag) =	ssettag $0x2  }
0xd2: {  	s0 =	rddreg [dreg:$0x0];
	s2 =	stileid.u32  }
0xd3: {  	s1 =	rddreg [dreg:$0x1];
	p0 =	sne.s32 s2, $0x0  }
0xd4: {  	s3 =	rddreg [dreg:$0x2];
	[bflag:$0x3] =	sbarrier.arrive $0xFFFF;
	s2 =	simm.s32 @!p0 $0x1C05  }
0xd5: {  	[timem:s3], [sflag:s2] =	dma.local @!p0 [hbm:s0], s1  }
0xd6: {  	s0 =	simm.s32 @!p0 $0x5  }
0xd7: {  	_ =	swait.ge @!p0 [sflag:s0], s1  }
0xd8: {  	s1 =	ssub.s32 @!p0 $0x0, s1;
	[sflag:s0] =	ssyncset.done @!p0 $0x0  }
0xd9: {  	[sflag:s0] =	ssyncadd.s32 @!p0 s1  }
0xda: {  	[bflag:$0x3] =	sbarrier.arrive $0xFFFF  }
0xdb: {  	_ =	shalt  }

// kernel: kernel.19.cloned.1.call-start
scs
__scs_entry_jumppad:
0x0: {  	(pc) =	sbr.rel $0x88, $3  }
0x1: {  	(tag) =	ssettag $0x0;
	lr =	simm.s32 $0x1  }
0x2: {  	[smem:$0x3F94] =	sst lr;
	_ =	strace $0xD0000000  }
0x3: {  	_ = 	snop  }
0x4: {  	_ = 	snop  }
0x5: {  	_ = 	snop  }
0x6: {  	_ = 	snop  }
0x7: {  	_ = 	snop  }
__scs_overlays_trampoline_lowered:
0x8: {  	[smem:$0x3FA3] =	sst s0  }
0x9: {  	[smem:$0x3FA4] =	sst s1  }
0xa: {  	[smem:$0x3FA5] =	sst s2  }
0xb: {  	[smem:$0x3FA6] =	sst s3  }
0xc: {  	[smem:$0x3FA7] =	sst s4  }
0xd: {  	[smem:$0x3FA8] =	sst s5  }
0xe: {  	[smem:$0x3FA9] =	sst s6  }
0xf: {  	[smem:$0x3FAA] =	sst s7  }
0x10: {  	[smem:$0x3FAB] =	sst s8  }
0x11: {  	[smem:$0x3FAC] =	sst s9;
	s0 =	simm.s32 @!p0 $0x0  }
0x12: {  	s1 =	sld [smem:$0x3F92];
	s0 =	simm.s32 @p0 $0x1  }
0x13: {  	[smem:$0x3FAD] =	sst s0;
	s0 =	simm.s32 @!p1 $0x0  }
0x14: {  	s2 =	sld [smem:$0x3F91];
	s0 =	simm.s32 @p1 $0x1  }
0x15: {  	[smem:$0x3FAE] =	sst s0;
	s0 =	simm.s32 @!p2 $0x0  }
0x16: {  	s3 =	sld [smem:$0x3FDB];
	s0 =	simm.s32 @p2 $0x1  }
0x17: {  	s4 =	simm.s32 $0x1BF5;
	[smem:$0x3FB0] =	sst s0  }
0x18: {  	s0 =	sld [smem:$0x3F93];
	_ =	swait.ge [sflag:s4], $0x0  }
0x19: {  	s7 =	sld [smem:$0x3F94]  }
0x1a: {  	s8 =	sadd.s32 $0xFFFFE003, lr  }
0x1b: {  	s9 =	sadd.s32 $0xFFFFFEF7, lr;
	s5 =	simm.s32 $0xFFFFFFFF;
	p2 =	slt.u32 s8, $0xFFFFF086  }
0x1c: {  	p1 =	slt.u32 s9, $0xF7A;
	s5 =	simm.s32 @!p2 $0x0  }
0x1d: {  	s5 =	simm.s32 @p1 $0x1;
	p0 =	seq.s32 s7, s2  }
0x1e: {  	s7 =	smul.u32 @!p0 $0xF7A, s2;
	p2 =	seq.s32 @!p0 s5, $0x0  }
0x1f: {  	s9 =	smul.u32 $0xF7A, s1;
	s8 =	simm.s32 @!p0 $0x1BF5;
	p2 =	por !p2, p0  }
0x20: {  	[sflag:s8] =	ssyncset.s32 @!p0 $0xFFFFF086;
	s6 =	sadd.s32 @!p0 s3, s7;
	s7 =	simm.s32 @!p0 $0x108  }
0x21: {  	s3 =	sadd.s32 s3, s9;
	s6 =	sadd.s32 @!p0 $0x88, s6;
	s7 =	simm.s32 @p2 $0x1082  }
0x22: {  	[simem:s7], [sflag:s8] =	dma.local @!p0 [hbm:s6], $0xF7A  }
0x23: {  	s9 =	sor.u32 $0xD0000000, s2;
	s6 =	simm.s32 $0x108;
	_ =	swait.ge @!p0 [sflag:s8], $0x0  }
0x24: {  	s3 =	sadd.s32 $0x88, s3;
	s6 =	simm.s32 @!p1 $0x1082;
	[sflag:s4] =	ssyncset.s32 $0xFFFFF086  }
0x25: {  	[simem:s6], [sflag:s4] =	dma.local [hbm:s3], $0xF7A  }
0x26: {  	[smem:$0x3F94] =	sst s1;
	(tag) =	ssettag s2;
	_ =	strace s9  }
0x27: {  	s1 =	sld [smem:$0x3FA4]  }
0x28: {  	s2 =	sld [smem:$0x3FA5]  }
0x29: {  	s4 =	sld [smem:$0x3FA7]  }
0x2a: {  	p0 =	seq.s32 s5, $0x0;
	s5 =	sld [smem:$0x3FA8]  }
0x2b: {  	s6 =	sld [smem:$0x3FA9]  }
0x2c: {  	s7 =	sld [smem:$0x3FAA]  }
0x2d: {  	s3 =	simm.s32 $0x108;
	s8 =	sld [smem:$0x3FAB]  }
0x2e: {  	s3 =	simm.s32 @!p0 $0x1082;
	s9 =	sld [smem:$0x3FAC]  }
0x2f: {  	lr =	sadd.s32 s0, s3;
	s0 =	sld [smem:$0x3FA3]  }
0x30: {  	s3 =	sld [smem:$0x3FA6]  }
0x31: {  	[smem:$0x3FAF] =	sst s10  }
0x32: {  	s10 =	sld [smem:$0x3FAD];
	_ =	sdelay $0x3  }
0x33: {  	p0 =	seq.s32 s10, $0x1;
	s10 =	sld [smem:$0x3FAF];
	_ =	sdelay $0x3  }
0x34: {  	[smem:$0x3FAF] =	sst s10  }
0x35: {  	s10 =	sld [smem:$0x3FAE];
	_ =	sdelay $0x3  }
0x36: {  	p1 =	seq.s32 s10, $0x1;
	s10 =	sld [smem:$0x3FAF];
	_ =	sdelay $0x3  }
0x37: {  	[smem:$0x3FAF] =	sst s10  }
0x38: {  	s10 =	sld [smem:$0x3FB0]  }
0x39: {  	_ = 	snop;
	(pc) =	sbr.ind lr, $3  }
0x3a: {  	_ = 	snop  }
0x3b: {  	_ = 	snop  }
0x3c: {  	p2 =	seq.s32 s10, $0x1;
	s10 =	sld [smem:$0x3FAF]  }
0x3d: {  	_ =	shalt  }
0x3e: {  	_ =	shalt  }
0x3f: {  	_ =	shalt  }
0x40: {  	_ =	shalt  }
0x41: {  	_ =	shalt  }
0x42: {  	_ =	shalt  }
0x43: {  	_ =	shalt  }
0x44: {  	_ =	shalt  }
0x45: {  	_ =	shalt  }
0x46: {  	_ =	shalt  }
0x47: {  	_ =	shalt  }
0x48: {  	_ =	shalt  }
0x49: {  	_ =	shalt  }
0x4a: {  	_ =	shalt  }
0x4b: {  	_ =	shalt  }
0x4c: {  	_ =	shalt  }
0x4d: {  	_ =	shalt  }
0x4e: {  	_ =	shalt  }
0x4f: {  	_ =	shalt  }
0x50: {  	_ =	shalt  }
0x51: {  	_ =	shalt  }
0x52: {  	_ =	shalt  }
0x53: {  	_ =	shalt  }
0x54: {  	_ =	shalt  }
0x55: {  	_ =	shalt  }
0x56: {  	_ =	shalt  }
0x57: {  	_ =	shalt  }
0x58: {  	_ =	shalt  }
0x59: {  	_ =	shalt  }
0x5a: {  	_ =	shalt  }
0x5b: {  	_ =	shalt  }
0x5c: {  	_ =	shalt  }
0x5d: {  	_ =	shalt  }
0x5e: {  	_ =	shalt  }
0x5f: {  	_ =	shalt  }
0x60: {  	_ =	shalt  }
0x61: {  	_ =	shalt  }
0x62: {  	_ =	shalt  }
0x63: {  	_ =	shalt  }
0x64: {  	_ =	shalt  }
0x65: {  	_ =	shalt  }
0x66: {  	_ =	shalt  }
0x67: {  	_ =	shalt  }
0x68: {  	_ =	shalt  }
0x69: {  	_ =	shalt  }
0x6a: {  	_ =	shalt  }
0x6b: {  	_ =	shalt  }
0x6c: {  	_ =	shalt  }
0x6d: {  	_ =	shalt  }
0x6e: {  	_ =	shalt  }
0x6f: {  	_ =	shalt  }
0x70: {  	_ =	shalt  }
0x71: {  	_ =	shalt  }
0x72: {  	_ =	shalt  }
0x73: {  	_ =	shalt  }
0x74: {  	_ =	shalt  }
0x75: {  	_ =	shalt  }
0x76: {  	_ =	shalt  }
0x77: {  	_ =	shalt  }
0x78: {  	_ =	shalt  }
0x79: {  	_ =	shalt  }
0x7a: {  	_ =	shalt  }
0x7b: {  	_ =	shalt  }
0x7c: {  	_ =	shalt  }
0x7d: {  	_ =	shalt  }
0x7e: {  	_ =	shalt  }
0x7f: {  	_ =	shalt  }
0x80: {  	_ =	shalt  }
0x81: {  	_ =	shalt  }
0x82: {  	_ =	shalt  }
0x83: {  	_ =	shalt  }
0x84: {  	_ =	shalt  }
0x85: {  	_ =	shalt  }
0x86: {  	_ =	shalt  }
0x87: {  	_ =	shalt  }
.Lfunc_end0:
.L_simem_size_0:
called_computation.2_lowered:
.L_overlay_start_0:
0x88: {  	s2 =	sld [smem:$0x3FD9]  }
0x89: {  	s3 =	sld [smem:$0x3FFE];
	_ =	sdelay $0x1  }
0x8a: {  	s1 =	srdreg.scid  }
0x8b: {  	s0 =	sand.u32 $0x1, s1  }
0x8c: {  	s16 =	sshll.u32 s0, $0xA;
	s2 =	sadd.s32 s3, s2  }
0x8d: {  	s2 =	sadd.s32 s2, s16  }
0x8e: {  	[smem:$0x3FBB] =	sst s2  }
0x8f: {  	_ = 	snop  }
0x90: {  	(tm) =	ssettm $0x1  }
0x91: {  	s17 =	sld [smem:$0x3FFB];
	_ =	sdelay $0x3  }
0x92: {  	_ =	strace s17  }
0x93: {  	s2 =	sld [smem:$0x3FFC];
	_ =	sdelay $0x3  }
0x94: {  	_ =	strace s2  }
0x95: {  	s2 =	sld [smem:$0x3FFD];
	_ =	sdelay $0x3  }
0x96: {  	_ =	strace s2  }
0x97: {  	_ =	strace $0x8FFFFFFF  }
0x98: {  	s18 =	sld [smem:$0x3FDB];
	_ =	sdelay $0x1  }
0x99: {  	s19 =	simm.s32 $_scs_section_size  }
0x9a: {  	s4 =	simm.s32 $_size__tile_overlayer_lowered;
	s5 =	simm.s32 $_tile_overlayer_lowered  }
0x9b: {  	s22 =	simm.s32 $0x1BFF;
	s21 =	sshll.u32 s5, $0x1;
	s2 =	sadd.s32 s19, s18  }
0x9c: {  	s6 =	simm.s32 $0x0;
	s20 =	sshll.u32 s4, $0x1;
	s4 =	sadd.s32 s21, s2  }
0x9d: {  	[timem:s6], [sflag:s22] =	dma.local [hbm:s4], s20  }
0x9e: {  	_ =	swait.ge [sflag:s22], s20  }
0x9f: {  	s3 =	ssub.s32 $0x0, s20;
	[sflag:s22] =	ssyncset.done $0x0  }
0xa0: {  	[sflag:s22] =	ssyncadd.s32 s3;
	_ =	sdelay $0x1  }
0xa1: {  	s23 =	simm.s32 $0x1B8B  }
0xa2: {  	_ =	swait.ge [sflag:s23], $0x1  }
0xa3: {  	[sflag:s23] =	ssyncset.done $0x0  }
0xa4: {  	s25 =	simm.s32 $0x1B8E;
	s24 =	sld [smem:$0x3FFE];
	[sflag:s23] =	ssyncadd.s32 $0xFFFFFFFF  }
0xa5: {  	s26 =	simm.s32 $execute0_lowered;
	[smem:$0x3FD2] =	sst s25  }
0xa6: {  	s4 =	sshll.u32 s26, $0x1;
	_ =	strace $0x8000004C;
	[dreg:$0x1] =	wrdreg $0xFFFFFFFF  }
0xa7: {  	s28 =	simm.s32 $_size_execute0_lowered;
	s2 =	sadd.s32 s2, s4;
	[dreg:$0x0] =	wrdreg $0x0  }
0xa8: {  	s4 =	sshll.u32 s28, $0x1;
	[dreg:$0x2] =	wrdreg s2  }
0xa9: {  	[dreg:$0x3] =	wrdreg s4  }
0xaa: {  	[dreg:$0x4] =	wrdreg $0xC0  }
0xab: {  	_ =	task [dreg:s6], $0x5FFFF  }
0xac: {  	[dreg:$0x1] =	wrdreg $0xFFFFFFFF  }
0xad: {  	[dreg:$0x0] =	wrdreg $0x60  }
0xae: {  	[dreg:$0x2] =	wrdreg s24  }
0xaf: {  	[dreg:$0x3] =	wrdreg $0x0  }
0xb0: {  	[dreg:$0x4] =	wrdreg $0x9  }
0xb1: {  	_ =	task.clear_ibuf [dreg:s6], $0x5FFFF;
	_ =	strace $0x9000004C  }
0xb2: {  	s29 =	simm.s32 $0x9;
	_ =	strace $0x8000004E  }
0xb3: {  	_ =	swait.ge [sflag:s29], $0x1  }
0xb4: {  	[sflag:s29] =	ssyncadd.s32 $0xFFFFFFFF  }
0xb5: {  	_ =	strace $0x9000004E  }
0xb6: {  	_ =	sfence  }
0xb7: {  	s30 =	sld [smem:$0x0];
	_ =	sdelay $0x2  }
0xb8: {  	s31 =	sshll.u32 s1, $0xD;
	s1 =	sshrl.u32 s1, $0x2  }
0xb9: {  	s3 =	sand.u32 $0x4000, s31;
	s1 =	sadd.s32 s1, s30  }
0xba: {  	s0 =	sor.u32 s3, s0;
	s1 =	sshll.u32 s1, $0x11  }
0xbb: {  	s0 =	sor.u32 s1, s0  }
0xbc: {  	s0 =	sadd.s32 $0x8F2B, s0  }
0xbd: {  	[sflag:s0] =	ssyncadd.remote.s32 $0x1  }
0xbe: {  	_ =	sfence.sel $0xFFFF  }
0xbf: {  	[dreg:$0x0] =	wrdreg $0xFFFFFFFF;
	(pc) =	sbr.abs _section_cstart, $3  }
0xc0: {  	[dreg:$0x1] =	wrdreg $0xFFFFFFFF  }
0xc1: {  	_ =	task.clear_ibuf [dreg:s6], $0x2FFFF;
	_ =	strace $0x9FFFFFFF  }
0xc2: {  	(tm) =	ssettm $0x7FFFFFFF  }
0xc3: {  	_ =	shalt  }
tec
execute0_lowered:
.L_overlay_start_1:
0x0: {  	(tag) =	ssettag $0x1  }
0x1: {  	s9 =	rddreg [dreg:$0x0]  }
0x2: {  	s2 =	rddreg [dreg:$0x1];
	s1 =	stileid.u32  }
0x3: {  	s0 =	rddreg [dreg:$0x2];
	s3 =	simm.s32 $0x0;
	s6 =	srdreg.scid  }
0x4: {  	s14 =	simm.s32 $0x14000;
	s15 =	simm.s32 $0x1;
	s4 =	smul.u32 $0x28000, s1  }
0x5: {  	s17 =	simm.s32 $0x14980;
	s18 =	simm.s32 $0x140;
	s5 =	smul.u32 $0x500, s1  }
0x6: {  	s19 =	simm.s32 $0x0;
	[smem:$0x7FF] =	sst s3;
	s7 =	smul.u32 $0x2800, s1  }
0x7: {  	s16 =	sand.u32 $0x1, s6;
	s8 =	smul.u32 $0x50000, s1;
	p1 =	seq.s32 s1, $0xF  }
0x8: {  	_ =	strace $0x8000004D;
	s6 =	ssub.s32 $0x2, s16;
	p0 =	sne.s32 s16, $0x0  }
0x9: {  	s16 =	simm.s32 $0x14800;
	s13 =	sadd.s32 s4, s9;
	s12 =	sadd.s32 s5, s9  }
.Ltmp0:
0xa: {  	s30 =	sshrl.u32 s6, $0x1;
	s10 =	sadd.s32 s7, s9;
	(pc) =	sbr.rel .LBB2_1-.Ltmp0, $4  }
0xb: {  	s31 =	sshrl.u32 s8, $0x2;
	s7 =	sadd.s32 $0x12C000, s2;
	s11 =	ssub.s32 s6, s30  }
0xc: {  	s4 =	sadd.s32 s31, s2;
	s5 =	sadd.s32 $0x52AE00, s10;
	s6 =	sadd.s32 $0x550600, s9  }
0xd: {  	s8 =	sadd.s32 $0x552000, s10;
	s9 =	sadd.s32 $0x577800, s9;
	s12 =	sadd.s32 $0xEC00, s12  }
0xe: {  	v0 =	vimm.f32 $0.0e+00;
	s10 =	smax.u32 s11, $0x1;
	s11 =	sadd.s32 $0xC8D200, s13;
	s13 =	sadd.s32 $0xA0D200, s13  }
.LBB2_9:
0xf: {  	s24 =	sadd.s32 s24, s12;
	[sflag:s15] =	ssyncadd.s32 $0xFFFF6000  }
0x10: {  	[tilespmem:s16], [sflag:$0x1] =	stream.linear.gather [hbm4b:s24+s3], $0x140, $0x38;
	[tilespmem:$0x1E980] =	vst v63  }
0x11: {  	_ =	swait.ge [sflag:s15], $0x140  }
0x12: {  	[sflag:s15] =	ssyncset.done $0x0  }
0x13: {  	[sflag:s15] =	ssyncadd.s32 $0xFFFFFEC0  }
0x14: {  	[tilespmem:s17], [sflag:$0x1] =	stream.linear.gather [hbm4b:s23+s3], $0xA000, $0x38;
	[tilespmem:$0x1E980] =	vst v63  }
0x15: {  	_ =	swait.ge [sflag:s15], $0xA000  }
0x16: {  	[sflag:s15] =	ssyncset.done $0x0  }
0x17: {  	[sflag:s15] =	ssyncadd.s32 $0xFFFF6000  }
0x18: {  	[spmem:s2] =	stream.indirect.scatter.add.f32 [tilespmem:s17], [sflag:$0x1], $0x80, s16, s18, $0xb8;
	[tilespmem:$0x1E980] =	vst v63  }
0x19: {  	_ =	swait.ge [sflag:s15], $0xA000  }
0x1a: {  	[sflag:s15] =	ssyncset.done $0x0  }
0x1b: {  	[sflag:s15] =	ssyncadd.s32 $0xFFFF6000  }
0x1c: {  	s23 =	simm.s32 @p1 $0x1FC1;
	[bflag:$0x0] =	sbarrier.arrive $0xFFFF  }
0x1d: {  	[hbm:s6], [sflag:s23] =	dma.local @p1 [spmem:s22], $0x1900  }
0x1e: {  	s22 =	simm.s32 @p1 $0x1  }
0x1f: {  	_ =	swait.ge @p1 [sflag:s22], $0x1900  }
0x20: {  	[sflag:s22] =	ssyncset.done @p1 $0x0  }
0x21: {  	[sflag:s22] =	ssyncadd.s32 @p1 $0xFFFFE700  }
0x22: {  	[hbm:s5], [sflag:s21] =	dma.local @!p1 [spmem:s20], $0x2800  }
0x23: {  	s20 =	simm.s32 @!p1 $0x1  }
0x24: {  	_ =	swait.ge @!p1 [sflag:s20], $0x2800  }
0x25: {  	[sflag:s20] =	ssyncset.done @!p1 $0x0  }
0x26: {  	[sflag:s20] =	ssyncadd.s32 @!p1 $0xFFFFD800  }
.LBB2_10:
0x27: {  	s19 =	sadd.s32 $0x1, s19  }
0x28: {  	p2 =	sne.s32 s19, s10  }
.Ltmp1:
0x29: {  	_ = 	snop;
	(pc) =	sbr.rel @!p2 .LBB2_11-.Ltmp1, $1  }
0x2a: {  	_ =	sdelay $0x3  }
.LBB2_1:
0x2b: {  	[tilespmem:$0x14000] =	vst v0  }
0x2c: {  	[tilespmem:$0x14010] =	vst v0  }
0x2d: {  	[tilespmem:$0x14020] =	vst v0  }
0x2e: {  	[tilespmem:$0x14030] =	vst v0  }
0x2f: {  	[tilespmem:$0x14040] =	vst v0  }
0x30: {  	[tilespmem:$0x14050] =	vst v0  }
0x31: {  	[tilespmem:$0x14060] =	vst v0  }
0x32: {  	[tilespmem:$0x14070] =	vst v0  }
0x33: {  	[tilespmem:$0x14080] =	vst v0  }
0x34: {  	[tilespmem:$0x14090] =	vst v0  }
0x35: {  	[tilespmem:$0x140A0] =	vst v0  }
0x36: {  	[tilespmem:$0x140B0] =	vst v0  }
0x37: {  	[tilespmem:$0x140C0] =	vst v0  }
0x38: {  	[tilespmem:$0x140D0] =	vst v0  }
0x39: {  	[tilespmem:$0x140E0] =	vst v0  }
0x3a: {  	[tilespmem:$0x140F0] =	vst v0  }
0x3b: {  	[tilespmem:$0x14100] =	vst v0  }
0x3c: {  	[tilespmem:$0x14110] =	vst v0  }
0x3d: {  	[tilespmem:$0x14120] =	vst v0  }
0x3e: {  	[tilespmem:$0x14130] =	vst v0  }
0x3f: {  	[tilespmem:$0x14140] =	vst v0  }
0x40: {  	[tilespmem:$0x14150] =	vst v0  }
0x41: {  	[tilespmem:$0x14160] =	vst v0  }
0x42: {  	[tilespmem:$0x14170] =	vst v0  }
0x43: {  	[tilespmem:$0x14180] =	vst v0  }
0x44: {  	[tilespmem:$0x14190] =	vst v0  }
0x45: {  	[tilespmem:$0x141A0] =	vst v0  }
0x46: {  	[tilespmem:$0x141B0] =	vst v0  }
0x47: {  	[tilespmem:$0x141C0] =	vst v0  }
0x48: {  	[tilespmem:$0x141D0] =	vst v0  }
0x49: {  	[tilespmem:$0x141E0] =	vst v0  }
0x4a: {  	[tilespmem:$0x141F0] =	vst v0  }
0x4b: {  	[tilespmem:$0x14200] =	vst v0  }
0x4c: {  	[tilespmem:$0x14210] =	vst v0  }
0x4d: {  	[tilespmem:$0x14220] =	vst v0  }
0x4e: {  	[tilespmem:$0x14230] =	vst v0  }
0x4f: {  	[tilespmem:$0x14240] =	vst v0  }
0x50: {  	[tilespmem:$0x14250] =	vst v0  }
0x51: {  	[tilespmem:$0x14260] =	vst v0  }
0x52: {  	[tilespmem:$0x14270] =	vst v0  }
0x53: {  	[tilespmem:$0x14280] =	vst v0  }
0x54: {  	[tilespmem:$0x14290] =	vst v0  }
0x55: {  	[tilespmem:$0x142A0] =	vst v0  }
0x56: {  	[tilespmem:$0x142B0] =	vst v0  }
0x57: {  	[tilespmem:$0x142C0] =	vst v0  }
0x58: {  	[tilespmem:$0x142D0] =	vst v0  }
0x59: {  	[tilespmem:$0x142E0] =	vst v0  }
0x5a: {  	[tilespmem:$0x142F0] =	vst v0  }
0x5b: {  	[tilespmem:$0x14300] =	vst v0  }
0x5c: {  	[tilespmem:$0x14310] =	vst v0  }
0x5d: {  	[tilespmem:$0x14320] =	vst v0  }
0x5e: {  	[tilespmem:$0x14330] =	vst v0  }
0x5f: {  	[tilespmem:$0x14340] =	vst v0  }
0x60: {  	[tilespmem:$0x14350] =	vst v0  }
0x61: {  	[tilespmem:$0x14360] =	vst v0  }
0x62: {  	[tilespmem:$0x14370] =	vst v0  }
0x63: {  	[tilespmem:$0x14380] =	vst v0  }
0x64: {  	[tilespmem:$0x14390] =	vst v0  }
0x65: {  	[tilespmem:$0x143A0] =	vst v0  }
0x66: {  	[tilespmem:$0x143B0] =	vst v0  }
0x67: {  	[tilespmem:$0x143C0] =	vst v0  }
0x68: {  	[tilespmem:$0x143D0] =	vst v0  }
0x69: {  	[tilespmem:$0x143E0] =	vst v0  }
0x6a: {  	[tilespmem:$0x143F0] =	vst v0  }
0x6b: {  	[tilespmem:$0x14400] =	vst v0  }
0x6c: {  	[tilespmem:$0x14410] =	vst v0  }
0x6d: {  	[tilespmem:$0x14420] =	vst v0  }
0x6e: {  	[tilespmem:$0x14430] =	vst v0  }
0x6f: {  	[tilespmem:$0x14440] =	vst v0  }
0x70: {  	[tilespmem:$0x14450] =	vst v0  }
0x71: {  	[tilespmem:$0x14460] =	vst v0  }
0x72: {  	[tilespmem:$0x14470] =	vst v0  }
0x73: {  	[tilespmem:$0x14480] =	vst v0  }
0x74: {  	[tilespmem:$0x14490] =	vst v0  }
0x75: {  	[tilespmem:$0x144A0] =	vst v0  }
0x76: {  	[tilespmem:$0x144B0] =	vst v0  }
0x77: {  	[tilespmem:$0x144C0] =	vst v0  }
0x78: {  	[tilespmem:$0x144D0] =	vst v0  }
0x79: {  	[tilespmem:$0x144E0] =	vst v0  }
0x7a: {  	[tilespmem:$0x144F0] =	vst v0  }
0x7b: {  	[tilespmem:$0x14500] =	vst v0  }
0x7c: {  	[tilespmem:$0x14510] =	vst v0  }
0x7d: {  	[tilespmem:$0x14520] =	vst v0  }
0x7e: {  	[tilespmem:$0x14530] =	vst v0  }
0x7f: {  	[tilespmem:$0x14540] =	vst v0  }
0x80: {  	[tilespmem:$0x14550] =	vst v0  }
0x81: {  	[tilespmem:$0x14560] =	vst v0  }
0x82: {  	[tilespmem:$0x14570] =	vst v0  }
0x83: {  	[tilespmem:$0x14580] =	vst v0  }
0x84: {  	[tilespmem:$0x14590] =	vst v0  }
0x85: {  	[tilespmem:$0x145A0] =	vst v0  }
0x86: {  	[tilespmem:$0x145B0] =	vst v0  }
0x87: {  	[tilespmem:$0x145C0] =	vst v0  }
0x88: {  	[tilespmem:$0x145D0] =	vst v0  }
0x89: {  	[tilespmem:$0x145E0] =	vst v0  }
0x8a: {  	[tilespmem:$0x145F0] =	vst v0  }
0x8b: {  	[tilespmem:$0x14600] =	vst v0  }
0x8c: {  	[tilespmem:$0x14610] =	vst v0  }
0x8d: {  	[tilespmem:$0x14620] =	vst v0  }
0x8e: {  	[tilespmem:$0x14630] =	vst v0  }
0x8f: {  	[tilespmem:$0x14640] =	vst v0  }
0x90: {  	[tilespmem:$0x14650] =	vst v0  }
0x91: {  	[tilespmem:$0x14660] =	vst v0  }
0x92: {  	[tilespmem:$0x14670] =	vst v0  }
0x93: {  	[tilespmem:$0x14680] =	vst v0  }
0x94: {  	[tilespmem:$0x14690] =	vst v0  }
0x95: {  	[tilespmem:$0x146A0] =	vst v0  }
0x96: {  	[tilespmem:$0x146B0] =	vst v0  }
0x97: {  	[tilespmem:$0x146C0] =	vst v0  }
0x98: {  	[tilespmem:$0x146D0] =	vst v0  }
0x99: {  	[tilespmem:$0x146E0] =	vst v0  }
0x9a: {  	[tilespmem:$0x146F0] =	vst v0  }
0x9b: {  	[tilespmem:$0x14700] =	vst v0  }
0x9c: {  	[tilespmem:$0x14710] =	vst v0  }
0x9d: {  	[tilespmem:$0x14720] =	vst v0  }
0x9e: {  	[tilespmem:$0x14730] =	vst v0  }
0x9f: {  	[tilespmem:$0x14740] =	vst v0  }
0xa0: {  	[tilespmem:$0x14750] =	vst v0  }
0xa1: {  	[tilespmem:$0x14760] =	vst v0  }
0xa2: {  	[tilespmem:$0x14770] =	vst v0  }
0xa3: {  	[tilespmem:$0x14780] =	vst v0  }
0xa4: {  	[tilespmem:$0x14790] =	vst v0  }
0xa5: {  	[tilespmem:$0x147A0] =	vst v0  }
0xa6: {  	[tilespmem:$0x147B0] =	vst v0  }
0xa7: {  	[tilespmem:$0x147C0] =	vst v0  }
0xa8: {  	[tilespmem:$0x147D0] =	vst v0  }
0xa9: {  	[tilespmem:$0x147E0] =	vst v0  }
0xaa: {  	[tilespmem:$0x147F0] =	vst v0;
	s20 =	sadd.s32 $0x0, s4  }
0xab: {  	[spmem:s20] =	stream.linear.scatter [tilespmem:s14], [sflag:$0x1], $0x800, $0x38;
	[tilespmem:$0x1E980] =	vst v63  }
0xac: {  	s20 =	simm.s32 $0x2000;
	_ =	swait.ge [sflag:s15], $0x800  }
.LBB2_2:
0xad: {  	s21 =	sshra.s32 s20, $0x2;
	[sflag:s15] =	ssyncset.done $0x0;
	p2 =	sne.s32 s20, $0x4E000  }
.Ltmp2:
0xae: {  	s21 =	sadd.s32 s21, s4;
	[sflag:s15] =	ssyncadd.s32 $0xFFFFF800;
	(pc) =	sbr.rel @p2 .LBB2_2-.Ltmp2, $3  }
0xaf: {  	[spmem:s21] =	stream.linear.scatter [tilespmem:s14], [sflag:$0x1], $0x800, $0x38;
	[tilespmem:$0x1E980] =	vst v63  }
0xb0: {  	s20 =	sadd.s32 $0x2000, s20;
	_ =	sdelay $0x1  }
0xb1: {  	_ =	swait.ge [sflag:s15], $0x800  }
.Ltmp3:
0xb2: {  	(pc) =	sbr.rel @p0 .LBB2_7-.Ltmp3, $4  }
0xb3: {  	[sflag:s15] =	ssyncset.done $0x0  }
0xb4: {  	[sflag:s15] =	ssyncadd.s32 $0xFFFFF800  }
0xb5: {  	s21 =	sshll.u32 @!p1 s1, $0x6;
	s22 =	sshrl.u32 @p1 s7, $0x3;
	[bflag:$0x0] =	sbarrier.arrive $0xFFFF  }
0xb6: {  	s20 =	sshrl.u32 @!p1 s4, $0x3;
	s23 =	sadd.s32 $0x0, s12;
	s21 =	sor.u32 @!p1 $0x1C01, s21  }
0xb7: {  	[tilespmem:s16], [sflag:$0x1] =	stream.linear.gather [hbm4b:s23+s3], $0x140, $0x38;
	[tilespmem:$0x1E980] =	vst v63  }
0xb8: {  	_ =	swait.ge [sflag:s15], $0x140  }
0xb9: {  	[sflag:s15] =	ssyncset.done $0x0  }
0xba: {  	[sflag:s15] =	ssyncadd.s32 $0xFFFFFEC0  }
0xbb: {  	[tilespmem:s17], [sflag:$0x1] =	stream.linear.gather [hbm4b:s13+s3], $0xA000, $0x38;
	[tilespmem:$0x1E980] =	vst v63  }
0xbc: {  	_ =	swait.ge [sflag:s15], $0xA000  }
0xbd: {  	[sflag:s15] =	ssyncset.done $0x0  }
0xbe: {  	[sflag:s15] =	ssyncadd.s32 $0xFFFF6000  }
0xbf: {  	[spmem:s2] =	stream.indirect.scatter.add.f32 [tilespmem:s17], [sflag:$0x1], $0x80, s16, s18, $0xb8;
	[tilespmem:$0x1E980] =	vst v63  }
0xc0: {  	s24 =	simm.s32 $0x28;
	_ =	swait.ge [sflag:s15], $0xA000  }
0xc1: {  	s25 =	simm.s32 $0x50;
	s23 =	sadd.s32 $0x1400, s13;
	[sflag:s15] =	ssyncset.done $0x0  }
.LBB2_5:
0xc2: {  	s26 =	sadd.s32 s24, s12  }
0xc3: {  	[sflag:s15] =	ssyncadd.s32 $0xFFFF6000;
	s24 =	smov.u32 s25;
	s28 =	sadd.s32 $0x28, s25  }
0xc4: {  	[tilespmem:s16], [sflag:$0x1] =	stream.linear.gather [hbm4b:s26+s3], $0x140, $0x38;
	[tilespmem:$0x1E980] =	vst v63  }
0xc5: {  	p2 =	sne.s32 s25, $0x4D8;
	_ =	swait.ge [sflag:s15], $0x140  }
0xc6: {  	[sflag:s15] =	ssyncset.done $0x0  }
0xc7: {  	[sflag:s15] =	ssyncadd.s32 $0xFFFFFEC0  }
0xc8: {  	[tilespmem:s17], [sflag:$0x1] =	stream.linear.gather [hbm4b:s23+s3], $0xA000, $0x38;
	[tilespmem:$0x1E980] =	vst v63  }
0xc9: {  	_ =	swait.ge [sflag:s15], $0xA000  }
.Ltmp4:
0xca: {  	[sflag:s15] =	ssyncset.done $0x0;
	(pc) =	sbr.rel @p2 .LBB2_5-.Ltmp4, $4  }
0xcb: {  	[sflag:s15] =	ssyncadd.s32 $0xFFFF6000  }
0xcc: {  	[spmem:s2] =	stream.indirect.scatter.add.f32 [tilespmem:s17], [sflag:$0x1], $0x80, s16, s18, $0xb8;
	[tilespmem:$0x1E980] =	vst v63  }
0xcd: {  	_ =	swait.ge [sflag:s15], $0xA000  }
0xce: {  	s25 =	smov.u32 s28;
	s23 =	sadd.s32 $0x1400, s23;
	[sflag:s15] =	ssyncset.done $0x0  }
0xcf: {  	s24 =	sadd.s32 s24, s12;
	[sflag:s15] =	ssyncadd.s32 $0xFFFF6000  }
0xd0: {  	[tilespmem:s16], [sflag:$0x1] =	stream.linear.gather [hbm4b:s24+s3], $0x140, $0x38;
	[tilespmem:$0x1E980] =	vst v63  }
0xd1: {  	_ =	swait.ge [sflag:s15], $0x140  }
0xd2: {  	[sflag:s15] =	ssyncset.done $0x0  }
0xd3: {  	[sflag:s15] =	ssyncadd.s32 $0xFFFFFEC0  }
0xd4: {  	[tilespmem:s17], [sflag:$0x1] =	stream.linear.gather [hbm4b:s23+s3], $0xA000, $0x38;
	[tilespmem:$0x1E980] =	vst v63  }
0xd5: {  	_ =	swait.ge [sflag:s15], $0xA000  }
0xd6: {  	[sflag:s15] =	ssyncset.done $0x0  }
0xd7: {  	[sflag:s15] =	ssyncadd.s32 $0xFFFF6000  }
0xd8: {  	[spmem:s2] =	stream.indirect.scatter.add.f32 [tilespmem:s17], [sflag:$0x1], $0x80, s16, s18, $0xb8;
	[tilespmem:$0x1E980] =	vst v63  }
0xd9: {  	_ =	swait.ge [sflag:s15], $0xA000  }
0xda: {  	[sflag:s15] =	ssyncset.done $0x0  }
0xdb: {  	[sflag:s15] =	ssyncadd.s32 $0xFFFF6000  }
0xdc: {  	s23 =	simm.s32 @p1 $0x1FC1;
	[bflag:$0x0] =	sbarrier.arrive $0xFFFF  }
0xdd: {  	[hbm:s9], [sflag:s23] =	dma.local @p1 [spmem:s22], $0x1900  }
0xde: {  	s22 =	simm.s32 @p1 $0x1  }
0xdf: {  	_ =	swait.ge @p1 [sflag:s22], $0x1900  }
0xe0: {  	[sflag:s22] =	ssyncset.done @p1 $0x0  }
0xe1: {  	[sflag:s22] =	ssyncadd.s32 @p1 $0xFFFFE700  }
0xe2: {  	[hbm:s8], [sflag:s21] =	dma.local @!p1 [spmem:s20], $0x2800  }
.Ltmp5:
0xe3: {  	_ = 	snop;
	(pc) =	sbr.rel .LBB2_10-.Ltmp5, $4  }
0xe4: {  	s20 =	simm.s32 @!p1 $0x1  }
0xe5: {  	_ =	swait.ge @!p1 [sflag:s20], $0x2800  }
0xe6: {  	[sflag:s20] =	ssyncset.done @!p1 $0x0  }
0xe7: {  	[sflag:s20] =	ssyncadd.s32 @!p1 $0xFFFFD800  }
.LBB2_7:
0xe8: {  	[tilespmem:s16], [sflag:$0x1] =	stream.linear.gather [hbm4b:s23+s3], $0x140, $0x38;
	[tilespmem:$0x1E980] =	vst v63  }
0xe9: {  	_ =	swait.ge [sflag:s15], $0x140  }
0xea: {  	[sflag:s15] =	ssyncset.done $0x0  }
0xeb: {  	[sflag:s15] =	ssyncadd.s32 $0xFFFFFEC0  }
0xec: {  	[tilespmem:s17], [sflag:$0x1] =	stream.linear.gather [hbm4b:s11+s3], $0xA000, $0x38;
	[tilespmem:$0x1E980] =	vst v63  }
0xed: {  	_ =	swait.ge [sflag:s15], $0xA000  }
0xee: {  	[sflag:s15] =	ssyncset.done $0x0  }
0xef: {  	[sflag:s15] =	ssyncadd.s32 $0xFFFF6000  }
0xf0: {  	[spmem:s2] =	stream.indirect.scatter.add.f32 [tilespmem:s17], [sflag:$0x1], $0x80, s16, s18, $0xb8;
	[tilespmem:$0x1E980] =	vst v63  }
0xf1: {  	s24 =	simm.s32 $0x28;
	_ =	swait.ge [sflag:s15], $0xA000  }
0xf2: {  	s25 =	simm.s32 $0x50;
	s23 =	sadd.s32 $0x1400, s11;
	[sflag:s15] =	ssyncset.done $0x0  }
.LBB2_8:
0xf3: {  	s26 =	sadd.s32 s24, s12  }
0xf4: {  	[sflag:s15] =	ssyncadd.s32 $0xFFFF6000;
	s24 =	smov.u32 s25;
	s28 =	sadd.s32 $0x28, s25  }
0xf5: {  	[tilespmem:s16], [sflag:$0x1] =	stream.linear.gather [hbm4b:s26+s3], $0x140, $0x38;
	[tilespmem:$0x1E980] =	vst v63  }
0xf6: {  	p2 =	sne.s32 s25, $0x4D8;
	_ =	swait.ge [sflag:s15], $0x140  }
0xf7: {  	[sflag:s15] =	ssyncset.done $0x0  }
0xf8: {  	[sflag:s15] =	ssyncadd.s32 $0xFFFFFEC0  }
0xf9: {  	[tilespmem:s17], [sflag:$0x1] =	stream.linear.gather [hbm4b:s23+s3], $0xA000, $0x38;
	[tilespmem:$0x1E980] =	vst v63  }
0xfa: {  	_ =	swait.ge [sflag:s15], $0xA000  }
.Ltmp6:
0xfb: {  	[sflag:s15] =	ssyncset.done $0x0;
	(pc) =	sbr.rel @p2 .LBB2_8-.Ltmp6, $4  }
0xfc: {  	[sflag:s15] =	ssyncadd.s32 $0xFFFF6000  }
0xfd: {  	[spmem:s2] =	stream.indirect.scatter.add.f32 [tilespmem:s17], [sflag:$0x1], $0x80, s16, s18, $0xb8;
	[tilespmem:$0x1E980] =	vst v63  }
0xfe: {  	_ =	swait.ge [sflag:s15], $0xA000  }
0xff: {  	s25 =	smov.u32 s28;
	s23 =	sadd.s32 $0x1400, s23;
	[sflag:s15] =	ssyncset.done $0x0  }
.Ltmp7:
0x100: {  	_ = 	snop;
	(pc) =	sbr.rel .LBB2_9-.Ltmp7, $1  }
0x101: {  	_ =	sdelay $0x3  }
.LBB2_11:
0x102: {  	_ =	sfence.sel $0x180000  }
0x103: {  	[bflag:$0x0] =	sbarrier.arrive $0xFFFF  }
0x104: {  	p0 =	sne.s32 s1, $0x0;
	_ =	strace $0x9000004D  }
0x105: {  	s0 =	sadd.s32 @!p0 $0x100000, s0;
	[bflag:$0x2] =	sbarrier.arrive $0xFFFF  }
0x106: {  	[sflag:s0] =	ssyncadd.tile.s32 @!p0 $0x1;
	_ =	shalt  }
.Lfunc_end2:
_tile_overlayer_lowered:
.L_overlay_start_2:
0x107: {  	(tag) =	ssettag $0x2  }
0x108: {  	s0 =	rddreg [dreg:$0x0];
	s2 =	stileid.u32  }
0x109: {  	s1 =	rddreg [dreg:$0x1];
	p0 =	sne.s32 s2, $0x0  }
0x10a: {  	s3 =	rddreg [dreg:$0x2];
	[bflag:$0x3] =	sbarrier.arrive $0xFFFF;
	s2 =	simm.s32 @!p0 $0x1C01  }
0x10b: {  	[timem:s3], [sflag:s2] =	dma.local @!p0 [hbm:s0], s1  }
0x10c: {  	s0 =	simm.s32 @!p0 $0x1  }
0x10d: {  	_ =	swait.ge @!p0 [sflag:s0], s1  }
0x10e: {  	s1 =	ssub.s32 @!p0 $0x0, s1;
	[sflag:s0] =	ssyncset.done @!p0 $0x0  }
0x10f: {  	[sflag:s0] =	ssyncadd.s32 @!p0 s1  }
0x110: {  	[bflag:$0x3] =	sbarrier.arrive $0xFFFF  }
0x111: {  	_ =	shalt  }

// kernel: kernel.22.cloned.1.call-start
scs
__scs_entry_jumppad:
0x0: {  	(pc) =	sbr.rel $0x88, $3  }
0x1: {  	(tag) =	ssettag $0x0;
	lr =	simm.s32 $0x1  }
0x2: {  	[smem:$0x3F94] =	sst lr;
	_ =	strace $0xD0000000  }
0x3: {  	_ = 	snop  }
0x4: {  	_ = 	snop  }
0x5: {  	_ = 	snop  }
0x6: {  	_ = 	snop  }
0x7: {  	_ = 	snop  }
__scs_overlays_trampoline_lowered:
0x8: {  	[smem:$0x3FA3] =	sst s0  }
0x9: {  	[smem:$0x3FA4] =	sst s1  }
0xa: {  	[smem:$0x3FA5] =	sst s2  }
0xb: {  	[smem:$0x3FA6] =	sst s3  }
0xc: {  	[smem:$0x3FA7] =	sst s4  }
0xd: {  	[smem:$0x3FA8] =	sst s5  }
0xe: {  	[smem:$0x3FA9] =	sst s6  }
0xf: {  	[smem:$0x3FAA] =	sst s7  }
0x10: {  	[smem:$0x3FAB] =	sst s8  }
0x11: {  	[smem:$0x3FAC] =	sst s9;
	s0 =	simm.s32 @!p0 $0x0  }
0x12: {  	s1 =	sld [smem:$0x3F92];
	s0 =	simm.s32 @p0 $0x1  }
0x13: {  	[smem:$0x3FAD] =	sst s0;
	s0 =	simm.s32 @!p1 $0x0  }
0x14: {  	s2 =	sld [smem:$0x3F91];
	s0 =	simm.s32 @p1 $0x1  }
0x15: {  	[smem:$0x3FAE] =	sst s0;
	s0 =	simm.s32 @!p2 $0x0  }
0x16: {  	s3 =	sld [smem:$0x3FDB];
	s0 =	simm.s32 @p2 $0x1  }
0x17: {  	s4 =	simm.s32 $0x1BF5;
	[smem:$0x3FB0] =	sst s0  }
0x18: {  	s0 =	sld [smem:$0x3F93];
	_ =	swait.ge [sflag:s4], $0x0  }
0x19: {  	s7 =	sld [smem:$0x3F94]  }
0x1a: {  	s8 =	sadd.s32 $0xFFFFE003, lr  }
0x1b: {  	s9 =	sadd.s32 $0xFFFFFEF7, lr;
	s5 =	simm.s32 $0xFFFFFFFF;
	p2 =	slt.u32 s8, $0xFFFFF086  }
0x1c: {  	p1 =	slt.u32 s9, $0xF7A;
	s5 =	simm.s32 @!p2 $0x0  }
0x1d: {  	s5 =	simm.s32 @p1 $0x1;
	p0 =	seq.s32 s7, s2  }
0x1e: {  	s7 =	smul.u32 @!p0 $0xF7A, s2;
	p2 =	seq.s32 @!p0 s5, $0x0  }
0x1f: {  	s9 =	smul.u32 $0xF7A, s1;
	s8 =	simm.s32 @!p0 $0x1BF5;
	p2 =	por !p2, p0  }
0x20: {  	[sflag:s8] =	ssyncset.s32 @!p0 $0xFFFFF086;
	s6 =	sadd.s32 @!p0 s3, s7;
	s7 =	simm.s32 @!p0 $0x108  }
0x21: {  	s3 =	sadd.s32 s3, s9;
	s6 =	sadd.s32 @!p0 $0x88, s6;
	s7 =	simm.s32 @p2 $0x1082  }
0x22: {  	[simem:s7], [sflag:s8] =	dma.local @!p0 [hbm:s6], $0xF7A  }
0x23: {  	s9 =	sor.u32 $0xD0000000, s2;
	s6 =	simm.s32 $0x108;
	_ =	swait.ge @!p0 [sflag:s8], $0x0  }
0x24: {  	s3 =	sadd.s32 $0x88, s3;
	s6 =	simm.s32 @!p1 $0x1082;
	[sflag:s4] =	ssyncset.s32 $0xFFFFF086  }
0x25: {  	[simem:s6], [sflag:s4] =	dma.local [hbm:s3], $0xF7A  }
0x26: {  	[smem:$0x3F94] =	sst s1;
	(tag) =	ssettag s2;
	_ =	strace s9  }
0x27: {  	s1 =	sld [smem:$0x3FA4]  }
0x28: {  	s2 =	sld [smem:$0x3FA5]  }
0x29: {  	s4 =	sld [smem:$0x3FA7]  }
0x2a: {  	p0 =	seq.s32 s5, $0x0;
	s5 =	sld [smem:$0x3FA8]  }
0x2b: {  	s6 =	sld [smem:$0x3FA9]  }
0x2c: {  	s7 =	sld [smem:$0x3FAA]  }
0x2d: {  	s3 =	simm.s32 $0x108;
	s8 =	sld [smem:$0x3FAB]  }
0x2e: {  	s3 =	simm.s32 @!p0 $0x1082;
	s9 =	sld [smem:$0x3FAC]  }
0x2f: {  	lr =	sadd.s32 s0, s3;
	s0 =	sld [smem:$0x3FA3]  }
0x30: {  	s3 =	sld [smem:$0x3FA6]  }
0x31: {  	[smem:$0x3FAF] =	sst s10  }
0x32: {  	s10 =	sld [smem:$0x3FAD];
	_ =	sdelay $0x3  }
0x33: {  	p0 =	seq.s32 s10, $0x1;
	s10 =	sld [smem:$0x3FAF];
	_ =	sdelay $0x3  }
0x34: {  	[smem:$0x3FAF] =	sst s10  }
0x35: {  	s10 =	sld [smem:$0x3FAE];
	_ =	sdelay $0x3  }
0x36: {  	p1 =	seq.s32 s10, $0x1;
	s10 =	sld [smem:$0x3FAF];
	_ =	sdelay $0x3  }
0x37: {  	[smem:$0x3FAF] =	sst s10  }
0x38: {  	s10 =	sld [smem:$0x3FB0]  }
0x39: {  	_ = 	snop;
	(pc) =	sbr.ind lr, $3  }
0x3a: {  	_ = 	snop  }
0x3b: {  	_ = 	snop  }
0x3c: {  	p2 =	seq.s32 s10, $0x1;
	s10 =	sld [smem:$0x3FAF]  }
0x3d: {  	_ =	shalt  }
0x3e: {  	_ =	shalt  }
0x3f: {  	_ =	shalt  }
0x40: {  	_ =	shalt  }
0x41: {  	_ =	shalt  }
0x42: {  	_ =	shalt  }
0x43: {  	_ =	shalt  }
0x44: {  	_ =	shalt  }
0x45: {  	_ =	shalt  }
0x46: {  	_ =	shalt  }
0x47: {  	_ =	shalt  }
0x48: {  	_ =	shalt  }
0x49: {  	_ =	shalt  }
0x4a: {  	_ =	shalt  }
0x4b: {  	_ =	shalt  }
0x4c: {  	_ =	shalt  }
0x4d: {  	_ =	shalt  }
0x4e: {  	_ =	shalt  }
0x4f: {  	_ =	shalt  }
0x50: {  	_ =	shalt  }
0x51: {  	_ =	shalt  }
0x52: {  	_ =	shalt  }
0x53: {  	_ =	shalt  }
0x54: {  	_ =	shalt  }
0x55: {  	_ =	shalt  }
0x56: {  	_ =	shalt  }
0x57: {  	_ =	shalt  }
0x58: {  	_ =	shalt  }
0x59: {  	_ =	shalt  }
0x5a: {  	_ =	shalt  }
0x5b: {  	_ =	shalt  }
0x5c: {  	_ =	shalt  }
0x5d: {  	_ =	shalt  }
0x5e: {  	_ =	shalt  }
0x5f: {  	_ =	shalt  }
0x60: {  	_ =	shalt  }
0x61: {  	_ =	shalt  }
0x62: {  	_ =	shalt  }
0x63: {  	_ =	shalt  }
0x64: {  	_ =	shalt  }
0x65: {  	_ =	shalt  }
0x66: {  	_ =	shalt  }
0x67: {  	_ =	shalt  }
0x68: {  	_ =	shalt  }
0x69: {  	_ =	shalt  }
0x6a: {  	_ =	shalt  }
0x6b: {  	_ =	shalt  }
0x6c: {  	_ =	shalt  }
0x6d: {  	_ =	shalt  }
0x6e: {  	_ =	shalt  }
0x6f: {  	_ =	shalt  }
0x70: {  	_ =	shalt  }
0x71: {  	_ =	shalt  }
0x72: {  	_ =	shalt  }
0x73: {  	_ =	shalt  }
0x74: {  	_ =	shalt  }
0x75: {  	_ =	shalt  }
0x76: {  	_ =	shalt  }
0x77: {  	_ =	shalt  }
0x78: {  	_ =	shalt  }
0x79: {  	_ =	shalt  }
0x7a: {  	_ =	shalt  }
0x7b: {  	_ =	shalt  }
0x7c: {  	_ =	shalt  }
0x7d: {  	_ =	shalt  }
0x7e: {  	_ =	shalt  }
0x7f: {  	_ =	shalt  }
0x80: {  	_ =	shalt  }
0x81: {  	_ =	shalt  }
0x82: {  	_ =	shalt  }
0x83: {  	_ =	shalt  }
0x84: {  	_ =	shalt  }
0x85: {  	_ =	shalt  }
0x86: {  	_ =	shalt  }
0x87: {  	_ =	shalt  }
.Lfunc_end0:
.L_simem_size_0:
called_computation.3_lowered:
.L_overlay_start_0:
0x88: {  	s2 =	sld [smem:$0x3FD9]  }
0x89: {  	s3 =	sld [smem:$0x3FFE];
	_ =	sdelay $0x1  }
0x8a: {  	s1 =	srdreg.scid  }
0x8b: {  	s0 =	sand.u32 $0x1, s1  }
0x8c: {  	s17 =	sshll.u32 s0, $0xA;
	s2 =	sadd.s32 s3, s2  }
0x8d: {  	s2 =	sadd.s32 s2, s17  }
0x8e: {  	[smem:$0x3FBB] =	sst s2  }
0x8f: {  	_ = 	snop  }
0x90: {  	(tm) =	ssettm $0x1  }
0x91: {  	s18 =	sld [smem:$0x3FFB];
	_ =	sdelay $0x3  }
0x92: {  	_ =	strace s18  }
0x93: {  	s2 =	sld [smem:$0x3FFC];
	_ =	sdelay $0x3  }
0x94: {  	_ =	strace s2  }
0x95: {  	s2 =	sld [smem:$0x3FFD];
	_ =	sdelay $0x3  }
0x96: {  	_ =	strace s2  }
0x97: {  	_ =	strace $0x8FFFFFFF  }
0x98: {  	s19 =	sld [smem:$0x3FDB];
	_ =	sdelay $0x1  }
0x99: {  	s20 =	simm.s32 $_scs_section_size  }
0x9a: {  	s4 =	simm.s32 $_size__tile_overlayer_lowered;
	s5 =	simm.s32 $_tile_overlayer_lowered  }
0x9b: {  	s6 =	simm.s32 $0x1BFF;
	s21 =	sshll.u32 s5, $0x1;
	s3 =	sadd.s32 s20, s19  }
0x9c: {  	s22 =	simm.s32 $0x0;
	s4 =	sshll.u32 s4, $0x1;
	s5 =	sadd.s32 s21, s3  }
0x9d: {  	[timem:s22], [sflag:s6] =	dma.local [hbm:s5], s4  }
0x9e: {  	_ =	swait.ge [sflag:s6], s4  }
0x9f: {  	s4 =	ssub.s32 $0x0, s4;
	[sflag:s6] =	ssyncset.done $0x0  }
0xa0: {  	[sflag:s6] =	ssyncadd.s32 s4;
	_ =	sdelay $0x1  }
0xa1: {  	s23 =	simm.s32 $0x1B8B  }
0xa2: {  	_ =	swait.ge [sflag:s23], $0x1  }
0xa3: {  	[sflag:s23] =	ssyncset.done $0x0  }
0xa4: {  	[sflag:s23] =	ssyncadd.s32 $0xFFFFFFFF  }
0xa5: {  	s4 =	sld [smem:$0x0]  }
0xa6: {  	s5 =	sand.u32 $0xFFFFFFFE, s1  }
0xa7: {  	p0 =	sne.s32 s1, s5  }
0xa8: {  	s5 =	sshll.u32 @p0 s5, $0xE  }
0xa9: {  	s5 =	sadd.s32 @p0 $0x11B8D, s5;
	s6 =	sshll.u32 @p0 s4, $0x11  }
0xaa: {  	s5 =	sor.u32 @p0 s6, s5  }
0xab: {  	[sflag:s5] =	ssyncadd.remote.s32 @p0 $0x1;
	_ =	sdelay $0x1  }
0xac: {  	s5 =	simm.s32 @p0 $0x1B8D  }
0xad: {  	_ =	swait.eq @p0 [sflag:s5], $0x1  }
0xae: {  	[sflag:s5] =	ssyncadd.s32 @p0 $0xFFFFFFFF  }
0xaf: {  	s6 =	sshll.u32 @!p0 s1, $0xE  }
0xb0: {  	s6 =	sor.u32 @!p0 $0x4000, s6;
	s5 =	simm.s32 @!p0 $0x1B8D  }
0xb1: {  	s4 =	sshll.u32 @!p0 s4, $0x11;
	s6 =	sadd.s32 @!p0 $0x11B8D, s6;
	_ =	swait.eq @!p0 [sflag:s5], $0x1  }
0xb2: {  	s4 =	sor.u32 @!p0 s4, s6;
	[sflag:s5] =	ssyncadd.s32 @!p0 $0xFFFFFFFF  }
0xb3: {  	s25 =	simm.s32 $0x1B8E;
	s24 =	sld [smem:$0x3FFE];
	[sflag:s4] =	ssyncadd.remote.s32 @!p0 $0x1  }
0xb4: {  	s26 =	simm.s32 $execute0_lowered;
	[smem:$0x3FD2] =	sst s25  }
0xb5: {  	s5 =	sshll.u32 s26, $0x1;
	_ =	strace $0x8000004F;
	[dreg:$0x1] =	wrdreg $0xFFFFFFFF  }
0xb6: {  	s28 =	simm.s32 $_size_execute0_lowered;
	s3 =	sadd.s32 s3, s5;
	[dreg:$0x0] =	wrdreg $0x0  }
0xb7: {  	s5 =	sshll.u32 s28, $0x1;
	[dreg:$0x2] =	wrdreg s3  }
0xb8: {  	[dreg:$0x3] =	wrdreg s5  }
0xb9: {  	[dreg:$0x4] =	wrdreg $0xC0  }
0xba: {  	_ =	task [dreg:s22], $0x5FFFF  }
0xbb: {  	[dreg:$0x1] =	wrdreg $0xFFFFFFFF  }
0xbc: {  	[dreg:$0x0] =	wrdreg $0x60  }
0xbd: {  	[dreg:$0x2] =	wrdreg s24  }
0xbe: {  	[dreg:$0x3] =	wrdreg $0x0  }
0xbf: {  	[dreg:$0x4] =	wrdreg $0xA  }
0xc0: {  	_ =	task.clear_ibuf [dreg:s22], $0x5FFFF;
	_ =	strace $0x9000004F  }
0xc1: {  	s29 =	simm.s32 $0xA;
	_ =	strace $0x80000051  }
0xc2: {  	_ =	swait.ge [sflag:s29], $0x1  }
0xc3: {  	[sflag:s29] =	ssyncadd.s32 $0xFFFFFFFF  }
0xc4: {  	_ =	strace $0x90000051  }
0xc5: {  	_ =	sfence  }
0xc6: {  	s30 =	sld [smem:$0x0];
	_ =	sdelay $0x2  }
0xc7: {  	s31 =	sshll.u32 s1, $0xD;
	s1 =	sshrl.u32 s1, $0x2  }
0xc8: {  	s4 =	sand.u32 $0x4000, s31;
	s1 =	sadd.s32 s1, s30  }
0xc9: {  	s0 =	sor.u32 s4, s0;
	s1 =	sshll.u32 s1, $0x11  }
0xca: {  	s0 =	sor.u32 s1, s0  }
0xcb: {  	s0 =	sadd.s32 $0x8F2B, s0  }
0xcc: {  	[sflag:s0] =	ssyncadd.remote.s32 $0x1  }
0xcd: {  	_ =	sfence.sel $0xFFFF  }
0xce: {  	[dreg:$0x0] =	wrdreg $0xFFFFFFFF;
	(pc) =	sbr.abs _section_cstart, $3  }
0xcf: {  	[dreg:$0x1] =	wrdreg $0xFFFFFFFF  }
0xd0: {  	_ =	task.clear_ibuf [dreg:s22], $0x2FFFF;
	_ =	strace $0x9FFFFFFF  }
0xd1: {  	(tm) =	ssettm $0x7FFFFFFF  }
tec
execute0_lowered:
.L_overlay_start_1:
0x0: {  	(tag) =	ssettag $0x1  }
0x1: {  	s9 =	rddreg [dreg:$0x0]  }
0x2: {  	s2 =	rddreg [dreg:$0x1]  }
0x3: {  	s0 =	rddreg [dreg:$0x2]  }
0x4: {  	s3 =	simm.s32 $0x0;
	s1 =	stileid.u32;
	s5 =	srdreg.scid  }
0x5: {  	s14 =	simm.s32 $0x14000;
	s15 =	simm.s32 $0x1;
	s4 =	smul.u32 $0x26200, s1  }
0x6: {  	s17 =	simm.s32 $0x14900;
	s18 =	simm.s32 $0xA0;
	s6 =	smul.u32 $0x2800, s1  }
0x7: {  	s19 =	simm.s32 $0x0;
	[smem:$0x7FF] =	sst s3;
	s30 =	smul.u32 $0x4C4, s1  }
0x8: {  	s16 =	sand.u32 $0x1, s5;
	s7 =	smul.u32 $0x50000, s1;
	p1 =	seq.s32 s1, $0xF  }
0x9: {  	_ =	strace $0x80000050;
	s5 =	ssub.s32 $0x2, s16;
	p0 =	sne.s32 s16, $0x0  }
0xa: {  	s16 =	simm.s32 $0x14800;
	s13 =	sadd.s32 s4, s9;
	s8 =	sadd.s32 s6, s9  }
.Ltmp0:
0xb: {  	s31 =	sshrl.u32 s5, $0x1;
	s12 =	sadd.s32 s30, s9;
	(pc) =	sbr.rel .LBB2_1-.Ltmp0, $4  }
0xc: {  	s7 =	sshrl.u32 s7, $0x2;
	s6 =	sadd.s32 $0x59EA00, s9;
	s9 =	sadd.s32 $0x5C5C00, s9  }
0xd: {  	s10 =	ssub.s32 s5, s31;
	s4 =	sadd.s32 $0x579200, s8;
	s5 =	sadd.s32 $0x12C000, s2  }
0xe: {  	s7 =	sadd.s32 s7, s2;
	s8 =	sadd.s32 $0x5A0400, s8;
	s11 =	sadd.s32 $0xF0D200, s13  }
0xf: {  	v0 =	vimm.f32 $0.0e+00;
	s12 =	sadd.s32 $0x13C00, s12;
	s13 =	sadd.s32 $0x18A00, s13;
	s10 =	smax.u32 s10, $0x1  }
.LBB2_9:
0x10: {  	s24 =	sadd.s32 s24, s12;
	[sflag:s15] =	ssyncadd.s32 $0xFFFFB000  }
0x11: {  	[tilespmem:s16], [sflag:$0x1] =	stream.linear.gather [hbm4b:s24+s3], $0xA0, $0x38;
	[tilespmem:$0x19900] =	vst v63  }
0x12: {  	_ =	swait.ge [sflag:s15], $0xA0  }
0x13: {  	[sflag:s15] =	ssyncset.done $0x0  }
0x14: {  	[sflag:s15] =	ssyncadd.s32 $0xFFFFFF60  }
0x15: {  	[tilespmem:s17], [sflag:$0x1] =	stream.linear.gather [hbm4b:s23+s3], $0x5000, $0x38;
	[tilespmem:$0x19900] =	vst v63  }
0x16: {  	_ =	swait.ge [sflag:s15], $0x5000  }
0x17: {  	[sflag:s15] =	ssyncset.done $0x0  }
0x18: {  	[sflag:s15] =	ssyncadd.s32 $0xFFFFB000  }
0x19: {  	[spmem:s2] =	stream.indirect.scatter.add.f32 [tilespmem:s17], [sflag:$0x1], $0x80, s16, s18, $0xb8;
	[tilespmem:$0x19900] =	vst v63  }
0x1a: {  	_ =	swait.ge [sflag:s15], $0x5000  }
0x1b: {  	[sflag:s15] =	ssyncset.done $0x0  }
0x1c: {  	[sflag:s15] =	ssyncadd.s32 $0xFFFFB000  }
0x1d: {  	s23 =	simm.s32 @p1 $0x1FC1;
	[bflag:$0x0] =	sbarrier.arrive $0xFFFF  }
0x1e: {  	[hbm:s6], [sflag:s23] =	dma.local @p1 [spmem:s22], $0x1900  }
0x1f: {  	s22 =	simm.s32 @p1 $0x1  }
0x20: {  	_ =	swait.ge @p1 [sflag:s22], $0x1900  }
0x21: {  	[sflag:s22] =	ssyncset.done @p1 $0x0  }
0x22: {  	[sflag:s22] =	ssyncadd.s32 @p1 $0xFFFFE700  }
0x23: {  	[hbm:s4], [sflag:s21] =	dma.local @!p1 [spmem:s20], $0x2800  }
0x24: {  	s20 =	simm.s32 @!p1 $0x1  }
0x25: {  	_ =	swait.ge @!p1 [sflag:s20], $0x2800  }
0x26: {  	[sflag:s20] =	ssyncset.done @!p1 $0x0  }
0x27: {  	[sflag:s20] =	ssyncadd.s32 @!p1 $0xFFFFD800  }
.LBB2_10:
0x28: {  	s19 =	sadd.s32 $0x1, s19  }
0x29: {  	p2 =	sne.s32 s19, s10  }
.Ltmp1:
0x2a: {  	_ = 	snop;
	(pc) =	sbr.rel @!p2 .LBB2_11-.Ltmp1, $1  }
0x2b: {  	_ =	sdelay $0x3  }
.LBB2_1:
0x2c: {  	[tilespmem:$0x14000] =	vst v0  }
0x2d: {  	[tilespmem:$0x14010] =	vst v0  }
0x2e: {  	[tilespmem:$0x14020] =	vst v0  }
0x2f: {  	[tilespmem:$0x14030] =	vst v0  }
0x30: {  	[tilespmem:$0x14040] =	vst v0  }
0x31: {  	[tilespmem:$0x14050] =	vst v0  }
0x32: {  	[tilespmem:$0x14060] =	vst v0  }
0x33: {  	[tilespmem:$0x14070] =	vst v0  }
0x34: {  	[tilespmem:$0x14080] =	vst v0  }
0x35: {  	[tilespmem:$0x14090] =	vst v0  }
0x36: {  	[tilespmem:$0x140A0] =	vst v0  }
0x37: {  	[tilespmem:$0x140B0] =	vst v0  }
0x38: {  	[tilespmem:$0x140C0] =	vst v0  }
0x39: {  	[tilespmem:$0x140D0] =	vst v0  }
0x3a: {  	[tilespmem:$0x140E0] =	vst v0  }
0x3b: {  	[tilespmem:$0x140F0] =	vst v0  }
0x3c: {  	[tilespmem:$0x14100] =	vst v0  }
0x3d: {  	[tilespmem:$0x14110] =	vst v0  }
0x3e: {  	[tilespmem:$0x14120] =	vst v0  }
0x3f: {  	[tilespmem:$0x14130] =	vst v0  }
0x40: {  	[tilespmem:$0x14140] =	vst v0  }
0x41: {  	[tilespmem:$0x14150] =	vst v0  }
0x42: {  	[tilespmem:$0x14160] =	vst v0  }
0x43: {  	[tilespmem:$0x14170] =	vst v0  }
0x44: {  	[tilespmem:$0x14180] =	vst v0  }
0x45: {  	[tilespmem:$0x14190] =	vst v0  }
0x46: {  	[tilespmem:$0x141A0] =	vst v0  }
0x47: {  	[tilespmem:$0x141B0] =	vst v0  }
0x48: {  	[tilespmem:$0x141C0] =	vst v0  }
0x49: {  	[tilespmem:$0x141D0] =	vst v0  }
0x4a: {  	[tilespmem:$0x141E0] =	vst v0  }
0x4b: {  	[tilespmem:$0x141F0] =	vst v0  }
0x4c: {  	[tilespmem:$0x14200] =	vst v0  }
0x4d: {  	[tilespmem:$0x14210] =	vst v0  }
0x4e: {  	[tilespmem:$0x14220] =	vst v0  }
0x4f: {  	[tilespmem:$0x14230] =	vst v0  }
0x50: {  	[tilespmem:$0x14240] =	vst v0  }
0x51: {  	[tilespmem:$0x14250] =	vst v0  }
0x52: {  	[tilespmem:$0x14260] =	vst v0  }
0x53: {  	[tilespmem:$0x14270] =	vst v0  }
0x54: {  	[tilespmem:$0x14280] =	vst v0  }
0x55: {  	[tilespmem:$0x14290] =	vst v0  }
0x56: {  	[tilespmem:$0x142A0] =	vst v0  }
0x57: {  	[tilespmem:$0x142B0] =	vst v0  }
0x58: {  	[tilespmem:$0x142C0] =	vst v0  }
0x59: {  	[tilespmem:$0x142D0] =	vst v0  }
0x5a: {  	[tilespmem:$0x142E0] =	vst v0  }
0x5b: {  	[tilespmem:$0x142F0] =	vst v0  }
0x5c: {  	[tilespmem:$0x14300] =	vst v0  }
0x5d: {  	[tilespmem:$0x14310] =	vst v0  }
0x5e: {  	[tilespmem:$0x14320] =	vst v0  }
0x5f: {  	[tilespmem:$0x14330] =	vst v0  }
0x60: {  	[tilespmem:$0x14340] =	vst v0  }
0x61: {  	[tilespmem:$0x14350] =	vst v0  }
0x62: {  	[tilespmem:$0x14360] =	vst v0  }
0x63: {  	[tilespmem:$0x14370] =	vst v0  }
0x64: {  	[tilespmem:$0x14380] =	vst v0  }
0x65: {  	[tilespmem:$0x14390] =	vst v0  }
0x66: {  	[tilespmem:$0x143A0] =	vst v0  }
0x67: {  	[tilespmem:$0x143B0] =	vst v0  }
0x68: {  	[tilespmem:$0x143C0] =	vst v0  }
0x69: {  	[tilespmem:$0x143D0] =	vst v0  }
0x6a: {  	[tilespmem:$0x143E0] =	vst v0  }
0x6b: {  	[tilespmem:$0x143F0] =	vst v0  }
0x6c: {  	[tilespmem:$0x14400] =	vst v0  }
0x6d: {  	[tilespmem:$0x14410] =	vst v0  }
0x6e: {  	[tilespmem:$0x14420] =	vst v0  }
0x6f: {  	[tilespmem:$0x14430] =	vst v0  }
0x70: {  	[tilespmem:$0x14440] =	vst v0  }
0x71: {  	[tilespmem:$0x14450] =	vst v0  }
0x72: {  	[tilespmem:$0x14460] =	vst v0  }
0x73: {  	[tilespmem:$0x14470] =	vst v0  }
0x74: {  	[tilespmem:$0x14480] =	vst v0  }
0x75: {  	[tilespmem:$0x14490] =	vst v0  }
0x76: {  	[tilespmem:$0x144A0] =	vst v0  }
0x77: {  	[tilespmem:$0x144B0] =	vst v0  }
0x78: {  	[tilespmem:$0x144C0] =	vst v0  }
0x79: {  	[tilespmem:$0x144D0] =	vst v0  }
0x7a: {  	[tilespmem:$0x144E0] =	vst v0  }
0x7b: {  	[tilespmem:$0x144F0] =	vst v0  }
0x7c: {  	[tilespmem:$0x14500] =	vst v0  }
0x7d: {  	[tilespmem:$0x14510] =	vst v0  }
0x7e: {  	[tilespmem:$0x14520] =	vst v0  }
0x7f: {  	[tilespmem:$0x14530] =	vst v0  }
0x80: {  	[tilespmem:$0x14540] =	vst v0  }
0x81: {  	[tilespmem:$0x14550] =	vst v0  }
0x82: {  	[tilespmem:$0x14560] =	vst v0  }
0x83: {  	[tilespmem:$0x14570] =	vst v0  }
0x84: {  	[tilespmem:$0x14580] =	vst v0  }
0x85: {  	[tilespmem:$0x14590] =	vst v0  }
0x86: {  	[tilespmem:$0x145A0] =	vst v0  }
0x87: {  	[tilespmem:$0x145B0] =	vst v0  }
0x88: {  	[tilespmem:$0x145C0] =	vst v0  }
0x89: {  	[tilespmem:$0x145D0] =	vst v0  }
0x8a: {  	[tilespmem:$0x145E0] =	vst v0  }
0x8b: {  	[tilespmem:$0x145F0] =	vst v0  }
0x8c: {  	[tilespmem:$0x14600] =	vst v0  }
0x8d: {  	[tilespmem:$0x14610] =	vst v0  }
0x8e: {  	[tilespmem:$0x14620] =	vst v0  }
0x8f: {  	[tilespmem:$0x14630] =	vst v0  }
0x90: {  	[tilespmem:$0x14640] =	vst v0  }
0x91: {  	[tilespmem:$0x14650] =	vst v0  }
0x92: {  	[tilespmem:$0x14660] =	vst v0  }
0x93: {  	[tilespmem:$0x14670] =	vst v0  }
0x94: {  	[tilespmem:$0x14680] =	vst v0  }
0x95: {  	[tilespmem:$0x14690] =	vst v0  }
0x96: {  	[tilespmem:$0x146A0] =	vst v0  }
0x97: {  	[tilespmem:$0x146B0] =	vst v0  }
0x98: {  	[tilespmem:$0x146C0] =	vst v0  }
0x99: {  	[tilespmem:$0x146D0] =	vst v0  }
0x9a: {  	[tilespmem:$0x146E0] =	vst v0  }
0x9b: {  	[tilespmem:$0x146F0] =	vst v0  }
0x9c: {  	[tilespmem:$0x14700] =	vst v0  }
0x9d: {  	[tilespmem:$0x14710] =	vst v0  }
0x9e: {  	[tilespmem:$0x14720] =	vst v0  }
0x9f: {  	[tilespmem:$0x14730] =	vst v0  }
0xa0: {  	[tilespmem:$0x14740] =	vst v0  }
0xa1: {  	[tilespmem:$0x14750] =	vst v0  }
0xa2: {  	[tilespmem:$0x14760] =	vst v0  }
0xa3: {  	[tilespmem:$0x14770] =	vst v0  }
0xa4: {  	[tilespmem:$0x14780] =	vst v0  }
0xa5: {  	[tilespmem:$0x14790] =	vst v0  }
0xa6: {  	[tilespmem:$0x147A0] =	vst v0  }
0xa7: {  	[tilespmem:$0x147B0] =	vst v0  }
0xa8: {  	[tilespmem:$0x147C0] =	vst v0  }
0xa9: {  	[tilespmem:$0x147D0] =	vst v0  }
0xaa: {  	[tilespmem:$0x147E0] =	vst v0  }
0xab: {  	[tilespmem:$0x147F0] =	vst v0;
	s20 =	sadd.s32 $0x0, s7  }
0xac: {  	[spmem:s20] =	stream.linear.scatter [tilespmem:s14], [sflag:$0x1], $0x800, $0x38;
	[tilespmem:$0x19900] =	vst v63  }
0xad: {  	s20 =	simm.s32 $0x2000;
	_ =	swait.ge [sflag:s15], $0x800  }
.LBB2_2:
0xae: {  	s21 =	sshra.s32 s20, $0x2;
	[sflag:s15] =	ssyncset.done $0x0;
	p2 =	sne.s32 s20, $0x4E000  }
.Ltmp2:
0xaf: {  	s21 =	sadd.s32 s21, s7;
	[sflag:s15] =	ssyncadd.s32 $0xFFFFF800;
	(pc) =	sbr.rel @p2 .LBB2_2-.Ltmp2, $3  }
0xb0: {  	[spmem:s21] =	stream.linear.scatter [tilespmem:s14], [sflag:$0x1], $0x800, $0x38;
	[tilespmem:$0x19900] =	vst v63  }
0xb1: {  	s20 =	sadd.s32 $0x2000, s20;
	_ =	sdelay $0x1  }
0xb2: {  	_ =	swait.ge [sflag:s15], $0x800  }
.Ltmp3:
0xb3: {  	(pc) =	sbr.rel @p0 .LBB2_7-.Ltmp3, $4  }
0xb4: {  	[sflag:s15] =	ssyncset.done $0x0  }
0xb5: {  	[sflag:s15] =	ssyncadd.s32 $0xFFFFF800  }
0xb6: {  	s21 =	sshll.u32 @!p1 s1, $0x6;
	s22 =	sshrl.u32 @p1 s5, $0x3;
	[bflag:$0x0] =	sbarrier.arrive $0xFFFF  }
0xb7: {  	s20 =	sshrl.u32 @!p1 s7, $0x3;
	s23 =	sadd.s32 $0x0, s12;
	s21 =	sor.u32 @!p1 $0x1C01, s21  }
0xb8: {  	[tilespmem:s16], [sflag:$0x1] =	stream.linear.gather [hbm4b:s23+s3], $0xA0, $0x38;
	[tilespmem:$0x19900] =	vst v63  }
0xb9: {  	_ =	swait.ge [sflag:s15], $0xA0  }
0xba: {  	[sflag:s15] =	ssyncset.done $0x0  }
0xbb: {  	[sflag:s15] =	ssyncadd.s32 $0xFFFFFF60  }
0xbc: {  	[tilespmem:s17], [sflag:$0x1] =	stream.linear.gather [hbm4b:s13+s3], $0x5000, $0x38;
	[tilespmem:$0x19900] =	vst v63  }
0xbd: {  	_ =	swait.ge [sflag:s15], $0x5000  }
0xbe: {  	[sflag:s15] =	ssyncset.done $0x0  }
0xbf: {  	[sflag:s15] =	ssyncadd.s32 $0xFFFFB000  }
0xc0: {  	[spmem:s2] =	stream.indirect.scatter.add.f32 [tilespmem:s17], [sflag:$0x1], $0x80, s16, s18, $0xb8;
	[tilespmem:$0x19900] =	vst v63  }
0xc1: {  	s24 =	simm.s32 $0x14;
	_ =	swait.ge [sflag:s15], $0x5000  }
0xc2: {  	s25 =	simm.s32 $0x28;
	s23 =	sadd.s32 $0xA00, s13;
	[sflag:s15] =	ssyncset.done $0x0  }
.LBB2_5:
0xc3: {  	s26 =	sadd.s32 s24, s12  }
0xc4: {  	[sflag:s15] =	ssyncadd.s32 $0xFFFFB000;
	s24 =	smov.u32 s25;
	s28 =	sadd.s32 $0x14, s25  }
0xc5: {  	[tilespmem:s16], [sflag:$0x1] =	stream.linear.gather [hbm4b:s26+s3], $0xA0, $0x38;
	[tilespmem:$0x19900] =	vst v63  }
0xc6: {  	p2 =	sne.s32 s25, $0x4B0;
	_ =	swait.ge [sflag:s15], $0xA0  }
0xc7: {  	[sflag:s15] =	ssyncset.done $0x0  }
0xc8: {  	[sflag:s15] =	ssyncadd.s32 $0xFFFFFF60  }
0xc9: {  	[tilespmem:s17], [sflag:$0x1] =	stream.linear.gather [hbm4b:s23+s3], $0x5000, $0x38;
	[tilespmem:$0x19900] =	vst v63  }
0xca: {  	_ =	swait.ge [sflag:s15], $0x5000  }
.Ltmp4:
0xcb: {  	[sflag:s15] =	ssyncset.done $0x0;
	(pc) =	sbr.rel @p2 .LBB2_5-.Ltmp4, $4  }
0xcc: {  	[sflag:s15] =	ssyncadd.s32 $0xFFFFB000  }
0xcd: {  	[spmem:s2] =	stream.indirect.scatter.add.f32 [tilespmem:s17], [sflag:$0x1], $0x80, s16, s18, $0xb8;
	[tilespmem:$0x19900] =	vst v63  }
0xce: {  	_ =	swait.ge [sflag:s15], $0x5000  }
0xcf: {  	s25 =	smov.u32 s28;
	s23 =	sadd.s32 $0xA00, s23;
	[sflag:s15] =	ssyncset.done $0x0  }
0xd0: {  	s24 =	sadd.s32 s24, s12;
	[sflag:s15] =	ssyncadd.s32 $0xFFFFB000  }
0xd1: {  	[tilespmem:s16], [sflag:$0x1] =	stream.linear.gather [hbm4b:s24+s3], $0xA0, $0x38;
	[tilespmem:$0x19900] =	vst v63  }
0xd2: {  	_ =	swait.ge [sflag:s15], $0xA0  }
0xd3: {  	[sflag:s15] =	ssyncset.done $0x0  }
0xd4: {  	[sflag:s15] =	ssyncadd.s32 $0xFFFFFF60  }
0xd5: {  	[tilespmem:s17], [sflag:$0x1] =	stream.linear.gather [hbm4b:s23+s3], $0x5000, $0x38;
	[tilespmem:$0x19900] =	vst v63  }
0xd6: {  	_ =	swait.ge [sflag:s15], $0x5000  }
0xd7: {  	[sflag:s15] =	ssyncset.done $0x0  }
0xd8: {  	[sflag:s15] =	ssyncadd.s32 $0xFFFFB000  }
0xd9: {  	[spmem:s2] =	stream.indirect.scatter.add.f32 [tilespmem:s17], [sflag:$0x1], $0x80, s16, s18, $0xb8;
	[tilespmem:$0x19900] =	vst v63  }
0xda: {  	_ =	swait.ge [sflag:s15], $0x5000  }
0xdb: {  	[sflag:s15] =	ssyncset.done $0x0  }
0xdc: {  	[sflag:s15] =	ssyncadd.s32 $0xFFFFB000  }
0xdd: {  	s23 =	simm.s32 @p1 $0x1FC1;
	[bflag:$0x0] =	sbarrier.arrive $0xFFFF  }
0xde: {  	[hbm:s9], [sflag:s23] =	dma.local @p1 [spmem:s22], $0x1900  }
0xdf: {  	s22 =	simm.s32 @p1 $0x1  }
0xe0: {  	_ =	swait.ge @p1 [sflag:s22], $0x1900  }
0xe1: {  	[sflag:s22] =	ssyncset.done @p1 $0x0  }
0xe2: {  	[sflag:s22] =	ssyncadd.s32 @p1 $0xFFFFE700  }
0xe3: {  	[hbm:s8], [sflag:s21] =	dma.local @!p1 [spmem:s20], $0x2800  }
.Ltmp5:
0xe4: {  	_ = 	snop;
	(pc) =	sbr.rel .LBB2_10-.Ltmp5, $4  }
0xe5: {  	s20 =	simm.s32 @!p1 $0x1  }
0xe6: {  	_ =	swait.ge @!p1 [sflag:s20], $0x2800  }
0xe7: {  	[sflag:s20] =	ssyncset.done @!p1 $0x0  }
0xe8: {  	[sflag:s20] =	ssyncadd.s32 @!p1 $0xFFFFD800  }
.LBB2_7:
0xe9: {  	[tilespmem:s16], [sflag:$0x1] =	stream.linear.gather [hbm4b:s23+s3], $0xA0, $0x38;
	[tilespmem:$0x19900] =	vst v63  }
0xea: {  	_ =	swait.ge [sflag:s15], $0xA0  }
0xeb: {  	[sflag:s15] =	ssyncset.done $0x0  }
0xec: {  	[sflag:s15] =	ssyncadd.s32 $0xFFFFFF60  }
0xed: {  	[tilespmem:s17], [sflag:$0x1] =	stream.linear.gather [hbm4b:s11+s3], $0x5000, $0x38;
	[tilespmem:$0x19900] =	vst v63  }
0xee: {  	_ =	swait.ge [sflag:s15], $0x5000  }
0xef: {  	[sflag:s15] =	ssyncset.done $0x0  }
0xf0: {  	[sflag:s15] =	ssyncadd.s32 $0xFFFFB000  }
0xf1: {  	[spmem:s2] =	stream.indirect.scatter.add.f32 [tilespmem:s17], [sflag:$0x1], $0x80, s16, s18, $0xb8;
	[tilespmem:$0x19900] =	vst v63  }
0xf2: {  	s24 =	simm.s32 $0x14;
	_ =	swait.ge [sflag:s15], $0x5000  }
0xf3: {  	s25 =	simm.s32 $0x28;
	s23 =	sadd.s32 $0xA00, s11;
	[sflag:s15] =	ssyncset.done $0x0  }
.LBB2_8:
0xf4: {  	s26 =	sadd.s32 s24, s12  }
0xf5: {  	[sflag:s15] =	ssyncadd.s32 $0xFFFFB000;
	s24 =	smov.u32 s25;
	s28 =	sadd.s32 $0x14, s25  }
0xf6: {  	[tilespmem:s16], [sflag:$0x1] =	stream.linear.gather [hbm4b:s26+s3], $0xA0, $0x38;
	[tilespmem:$0x19900] =	vst v63  }
0xf7: {  	p2 =	sne.s32 s25, $0x4B0;
	_ =	swait.ge [sflag:s15], $0xA0  }
0xf8: {  	[sflag:s15] =	ssyncset.done $0x0  }
0xf9: {  	[sflag:s15] =	ssyncadd.s32 $0xFFFFFF60  }
0xfa: {  	[tilespmem:s17], [sflag:$0x1] =	stream.linear.gather [hbm4b:s23+s3], $0x5000, $0x38;
	[tilespmem:$0x19900] =	vst v63  }
0xfb: {  	_ =	swait.ge [sflag:s15], $0x5000  }
.Ltmp6:
0xfc: {  	[sflag:s15] =	ssyncset.done $0x0;
	(pc) =	sbr.rel @p2 .LBB2_8-.Ltmp6, $4  }
0xfd: {  	[sflag:s15] =	ssyncadd.s32 $0xFFFFB000  }
0xfe: {  	[spmem:s2] =	stream.indirect.scatter.add.f32 [tilespmem:s17], [sflag:$0x1], $0x80, s16, s18, $0xb8;
	[tilespmem:$0x19900] =	vst v63  }
0xff: {  	_ =	swait.ge [sflag:s15], $0x5000  }
0x100: {  	s25 =	smov.u32 s28;
	s23 =	sadd.s32 $0xA00, s23;
	[sflag:s15] =	ssyncset.done $0x0  }
.Ltmp7:
0x101: {  	_ = 	snop;
	(pc) =	sbr.rel .LBB2_9-.Ltmp7, $1  }
0x102: {  	_ =	sdelay $0x3  }
.LBB2_11:
0x103: {  	_ =	sfence.sel $0x180000  }
0x104: {  	[bflag:$0x0] =	sbarrier.arrive $0xFFFF  }
0x105: {  	p0 =	sne.s32 s1, $0x0;
	_ =	strace $0x90000050  }
0x106: {  	s0 =	sadd.s32 @!p0 $0x100000, s0;
	[bflag:$0x2] =	sbarrier.arrive $0xFFFF  }
0x107: {  	[sflag:s0] =	ssyncadd.tile.s32 @!p0 $0x1;
	_ =	shalt  }
.Lfunc_end2:
_tile_overlayer_lowered:
.L_overlay_start_2:
0x108: {  	(tag) =	ssettag $0x2  }
0x109: {  	s0 =	rddreg [dreg:$0x0];
	s2 =	stileid.u32  }
0x10a: {  	s1 =	rddreg [dreg:$0x1];
	p0 =	sne.s32 s2, $0x0  }
0x10b: {  	s3 =	rddreg [dreg:$0x2];
	[bflag:$0x3] =	sbarrier.arrive $0xFFFF;
	s2 =	simm.s32 @!p0 $0x1C01  }
0x10c: {  	[timem:s3], [sflag:s2] =	dma.local @!p0 [hbm:s0], s1  }
0x10d: {  	s0 =	simm.s32 @!p0 $0x1  }
0x10e: {  	_ =	swait.ge @!p0 [sflag:s0], s1  }
0x10f: {  	s1 =	ssub.s32 @!p0 $0x0, s1;
	[sflag:s0] =	ssyncset.done @!p0 $0x0  }
0x110: {  	[sflag:s0] =	ssyncadd.s32 @!p0 s1  }
0x111: {  	[bflag:$0x3] =	sbarrier.arrive $0xFFFF  }
0x112: {  	_ =	shalt  }

</sc_bundles>
